<compile_context>
chip_gen: v7x
topology: tpu7x:2x2x1
jax: 0.10.2.dev20260603
libtpu: 0.0.44.dev20260713+nightly
codegen_flags: <defaults>
</compile_context>

<pallas_src>
import functools

import jax
import jax.numpy as jnp
from jax import lax
from jax.experimental import pallas as pl
from jax.experimental.pallas import tpu as pltpu
from jax.experimental.pallas import tpu_sc as plsc

N = 10000
E = 320000
D = 128
H = 5000

NC = 2
NS = 16
NW = NC * NS

EPW = E // NW
SEG_CAP = 3072
HOFF = 10240
HBINS = 2 * HOFF
ACC_DUMMY = 5119

CHUNK = 128
NSEG = SEG_CAP // CHUNK
NT = 2 * NSEG
NBUF = 2
NI = NT // NBUF
ACC_H = 5120
ACC_PT = ACC_H // NS
YST = 5120
YPT = YST // NS

_mesh = plsc.VectorSubcoreMesh(core_axis_name="c", subcore_axis_name="s")


@functools.partial(
    pl.kernel,
    out_type=(
        jax.ShapeDtypeStruct((NW, HBINS), jnp.float32),
        jax.ShapeDtypeStruct((NW, 4, SEG_CAP), jnp.int32),
        jax.ShapeDtypeStruct((NW, 4, SEG_CAP), jnp.int32),
        jax.ShapeDtypeStruct((NW, 16), jnp.int32),
    ),
    mesh=_mesh,
    scratch_types=[
        pltpu.VMEM((EPW,), jnp.int32),
        pltpu.VMEM((EPW,), jnp.int32),
        pltpu.VMEM((HBINS,), jnp.float32),
        [pltpu.VMEM((SEG_CAP,), jnp.int32)] * 4,
        [pltpu.VMEM((SEG_CAP,), jnp.int32)] * 4,
        pltpu.VMEM((16,), jnp.int32),
    ],
    compiler_params=pltpu.CompilerParams(needs_layout_passes=False),
)
def _route(src_hbm, dst_hbm, hist_out, sl_out, dl_out, cnt_out,
           src_v, dst_v, hist_v, sl_v, dl_v, cnt_v):
    cid = lax.axis_index("c")
    sid = lax.axis_index("s")
    wid = sid * NC + cid
    pltpu.sync_copy(src_hbm.at[pl.ds(wid * EPW, EPW)], src_v)
    pltpu.sync_copy(dst_hbm.at[pl.ds(wid * EPW, EPW)], dst_v)

    zeros = jnp.zeros((16,), jnp.float32)

    @pl.loop(0, HBINS // 16)
    def _(i):
        hist_v[pl.ds(i * 16, 16)] = zeros

    zi = jnp.zeros((16,), jnp.int32)
    dummy = jnp.full((16,), ACC_DUMMY, jnp.int32)

    @pl.loop(0, SEG_CAP // 16)
    def _(i):
        sl = pl.ds(i * 16, 16)
        for b in range(4):
            sl_v[b][sl] = zi
            dl_v[b][sl] = dummy

    ones = jnp.ones((16,), jnp.float32)
    hoff = jnp.full((16,), HOFF, jnp.int32)

    @pl.loop(0, EPW // 16, init_carry=(0, 0, 0, 0))
    def final_ptrs(i, ptrs):
        sl = pl.ds(i * 16, 16)
        s16 = src_v[sl]
        d16 = dst_v[sl]
        plsc.addupdate_scatter(hist_v, [s16], ones)
        plsc.addupdate_scatter(hist_v, [d16 + hoff], ones)
        sh = s16 >= H
        dh = d16 >= H
        srel = s16 - jnp.where(sh, H, 0)
        drel = d16 - jnp.where(dh, H, 0)
        new_ptrs = []
        for b in range(4):
            m = jnp.logical_and(sh == bool(b >> 1), dh == bool(b & 1))
            p = ptrs[b]
            pw = jnp.minimum(p, SEG_CAP - 16)
            plsc.store_compressed(sl_v[b].at[pl.ds(pw, 16)], srel, mask=m)
            plsc.store_compressed(dl_v[b].at[pl.ds(pw, 16)], drel, mask=m)
            new_ptrs.append(p + jnp.sum(m.astype(jnp.int32)))
        return tuple(new_ptrs)

    pltpu.sync_copy(hist_v, hist_out.at[wid])
    lanes = lax.iota(jnp.int32, 16)
    cnt = jnp.zeros((16,), jnp.int32)
    for b in range(4):
        cnt = jnp.where(lanes == b, jnp.minimum(final_ptrs[b], SEG_CAP), cnt)
    cnt_v[...] = cnt
    pltpu.sync_copy(cnt_v, cnt_out.at[wid])
    for b in range(4):
        pltpu.sync_copy(sl_v[b], sl_out.at[wid, b])
        pltpu.sync_copy(dl_v[b], dl_out.at[wid, b])


@functools.partial(
    pl.kernel,
    out_type=jax.ShapeDtypeStruct((NC, ACC_H, D), jnp.float32),
    mesh=_mesh,
    scratch_types=[
        pltpu.VMEM((NT, CHUNK), jnp.int32),
        pltpu.VMEM((NT, CHUNK), jnp.int32),
        [pltpu.VMEM((CHUNK, D), jnp.float32)] * NBUF,
        [pltpu.VMEM((16,), jnp.int32)] * 2,
        pltpu.VMEM_SHARED((YST, D), jnp.float32),
        pltpu.VMEM_SHARED((ACC_H, D), jnp.float32),
        pltpu.SemaphoreType.DMA,
        pltpu.SemaphoreType.DMA,
    ],
    compiler_params=pltpu.CompilerParams(needs_layout_passes=False),
)
def _aggregate(y_hbm, sl_hbm, dl_hbm, cnt_hbm, out_hbm,
               sseg, dseg, bufs, cnt_v, ybuf, acc, gsem, ssem):
    cid = lax.axis_index("c")
    sid = lax.axis_index("s")

    zeros = jnp.zeros((16,), jnp.float32)

    @pl.loop(0, CHUNK)
    def _(r):
        for j in range(D // 16):
            bufs[0][r, pl.ds(j * 16, 16)] = zeros

    base = sid * ACC_PT
    for z in range(ACC_PT // CHUNK):
        pltpu.sync_copy(bufs[0], acc.at[pl.ds(base + z * CHUNK, CHUNK)])
    pltpu.sync_copy(bufs[0].at[pl.ds(0, ACC_PT % CHUNK)],
                    acc.at[pl.ds(base + ACC_PT - ACC_PT % CHUNK, ACC_PT % CHUNK)])

    def _drain_scatter():
        pltpu.make_async_copy(bufs[0], acc.at[dseg.at[0]], ssem).wait()

    lanes = lax.iota(jnp.int32, 16)
    for k in range(2):
        pltpu.sync_copy(cnt_hbm.at[2 * sid + k], cnt_v[k])

    for q in range(2):
        pltpu.sync_copy(y_hbm.at[pl.ds(q * H + sid * YPT, YPT)],
                        ybuf.at[pl.ds(sid * YPT, YPT)])
        plsc.subcore_barrier()
        b = 2 * q + cid
        for k in range(2):
            pltpu.sync_copy(sl_hbm.at[2 * sid + k, b], sseg.at[pl.ds(k * NSEG, NSEG)])
            pltpu.sync_copy(dl_hbm.at[2 * sid + k, b], dseg.at[pl.ds(k * NSEG, NSEG)])

        c0 = jnp.sum(jnp.where(lanes == b, cnt_v[0][...], 0))
        c1 = jnp.sum(jnp.where(lanes == b, cnt_v[1][...], 0))
        t0 = (c0 + CHUNK - 1) // CHUNK
        t1 = (c1 + CHUNK - 1) // CHUNK
        tt = t0 + t1

        def _row_of(t):
            return jnp.where(t < t0, t, NSEG + t - t0)

        @pl.when(tt > 0)
        def _():
            pltpu.async_copy(ybuf.at[sseg.at[_row_of(0)]], bufs[0], gsem)

        @pl.loop(0, (tt + 1) // 2)
        def _(i):
            for bb in range(2):
                t = i * 2 + bb
                r = _row_of(t)

                @pl.when(t < tt)
                def _():
                    pltpu.make_async_copy(ybuf.at[sseg.at[r]], bufs[bb], gsem).wait()
                    pltpu.async_copy(bufs[bb], acc.at[dseg.at[r]], ssem, add=True)

                @pl.when(jnp.logical_and(t + 1 < tt, t > 0))
                def _():
                    _drain_scatter()

                @pl.when(t + 1 < tt)
                def _():
                    pltpu.async_copy(ybuf.at[sseg.at[_row_of(t + 1)]],
                                     bufs[1 - bb], gsem)

        @pl.when(tt >= 1)
        def _():
            _drain_scatter()

        @pl.when(tt >= 2)
        def _():
            _drain_scatter()

        plsc.subcore_barrier()

    for z in range(ACC_PT // CHUNK):
        rows = pl.ds(base + z * CHUNK, CHUNK)
        pltpu.sync_copy(acc.at[rows], out_hbm.at[cid, rows])
    tail = pl.ds(base + ACC_PT - ACC_PT % CHUNK, ACC_PT % CHUNK)
    pltpu.sync_copy(acc.at[tail], out_hbm.at[cid, tail])


BLK = 1000
GRID = N // BLK


def _scale_matmul_body(x_ref, hs_ref, w_ref, o_ref):
    deg = jnp.sum(hs_ref[...], axis=1)
    scale = lax.rsqrt(jnp.maximum(deg, 1.0))
    o_ref[...] = jnp.dot(x_ref[...] * scale[:, None], w_ref[...],
                         preferred_element_type=jnp.float32)


def _mid_body(a_ref, hd_ref, hs_ref, b_ref, w_ref, o_ref):
    din = jnp.sum(hd_ref[...], axis=1)
    si = lax.rsqrt(jnp.maximum(din, 1.0))
    h = jnp.maximum(a_ref[0] * si[:, None] + b_ref[...], 0.0)
    dout = jnp.sum(hs_ref[...], axis=1)
    so = lax.rsqrt(jnp.maximum(dout, 1.0))
    o_ref[...] = jnp.dot(h * so[:, None], w_ref[...],
                         preferred_element_type=jnp.float32)


def _final_body(a_ref, hd_ref, b_ref, o_ref):
    din = jnp.sum(hd_ref[...], axis=1)
    si = lax.rsqrt(jnp.maximum(din, 1.0))
    o_ref[...] = jnp.maximum(a_ref[0] * si[:, None] + b_ref[...], 0.0)


_row_spec = pl.BlockSpec((BLK, D), lambda i: (i, 0))
_acc_spec = pl.BlockSpec((1, BLK, D), lambda i: (i // (GRID // 2), i % (GRID // 2), 0))
_hist_spec = pl.BlockSpec((BLK, NW), lambda i: (i, 0))
_full_spec = pl.BlockSpec((D, D), lambda i: (0, 0))
_bias_spec = pl.BlockSpec((1, D), lambda i: (0, 0))
_out_shape = jax.ShapeDtypeStruct((N, D), jnp.float32)

_scale_matmul = pl.pallas_call(
    _scale_matmul_body,
    grid=(GRID,),
    in_specs=[_row_spec, _hist_spec, _full_spec],
    out_specs=_row_spec,
    out_shape=_out_shape,
)

_mid = pl.pallas_call(
    _mid_body,
    grid=(GRID,),
    in_specs=[_acc_spec, _hist_spec, _hist_spec, _bias_spec, _full_spec],
    out_specs=_row_spec,
    out_shape=_out_shape,
)

_final = pl.pallas_call(
    _final_body,
    grid=(GRID,),
    in_specs=[_acc_spec, _hist_spec, _bias_spec],
    out_specs=_row_spec,
    out_shape=_out_shape,
)


def kernel(x, edge_index, W1, b1, W2, b2):
    src = edge_index[0].astype(jnp.int32)
    dst = edge_index[1].astype(jnp.int32)

    hist, sl, dl, cnt = _route(src, dst)
    hist_src = hist[:, :N].T
    hist_dst = hist[:, HOFF:HOFF + N].T
    sl4 = sl.reshape(NW, 4, NSEG, CHUNK)
    dl4 = dl.reshape(NW, 4, NSEG, CHUNK)

    b1r = b1.reshape(1, D)
    b2r = b2.reshape(1, D)

    y1 = _scale_matmul(x, hist_src, W1)
    agg1 = _aggregate(jnp.pad(y1, ((0, YST + H - N), (0, 0))), sl4, dl4, cnt)
    y2 = _mid(agg1, hist_dst, hist_src, b1r, W2)
    agg2 = _aggregate(jnp.pad(y2, ((0, YST + H - N), (0, 0))), sl4, dl4, cnt)
    out = _final(agg2, hist_dst, b2r)
    return out

# --- scband reference (transcript-rebuilt; emitter-appended) ---
"""Pipeline reference for scband-gcn-2345052143894 (READ-ONLY COPY).

The authoritative reference and input builder live on the scoring server;
editing this copy changes nothing except your own understanding.
"""

import jax, jax.numpy as jnp
import numpy as np

N_NODES = 10000
N_EDGES = 320000
D_IN = 128
D_HID = 128
D_OUT = 128


def _graphconv(x, src, dst, W, b, n_nodes):
    # DGL GraphConv with norm='both':
    # rst = D_in^{-1/2} A D_out^{-1/2} X W + b
    deg_out = jnp.bincount(src, length=n_nodes).astype(jnp.float32)
    deg_in = jnp.bincount(dst, length=n_nodes).astype(jnp.float32)
    deg_out = jnp.clip(deg_out, 1.0)
    deg_in = jnp.clip(deg_in, 1.0)
    h = x * (deg_out ** -0.5)[:, None]
    m = jnp.take(h, src, axis=0)
    agg = jax.ops.segment_sum(m, dst, num_segments=n_nodes)
    agg = agg * (deg_in ** -0.5)[:, None]
    return agg @ W + b


def setup_inputs(seed: int = 0) -> dict:
    key = jax.random.key(seed)
    k1, k2, k3, k4, k5, k6 = jax.random.split(key, 6)
    x = jax.random.normal(k1, (N_NODES, D_IN), dtype=jnp.float32)
    edge_index = jax.random.randint(k2, (2, N_EDGES), 0, N_NODES, dtype=jnp.int64)
    # glorot-style init for weights, zeros for bias (as in dgl GraphConv)
    s1 = (6.0 / (D_IN + D_HID)) ** 0.5
    s2 = (6.0 / (D_HID + D_OUT)) ** 0.5
    W1 = jax.random.uniform(k3, (D_IN, D_HID), dtype=jnp.float32, minval=-s1, maxval=s1)
    b1 = jnp.zeros((D_HID,), dtype=jnp.float32)
    W2 = jax.random.uniform(k4, (D_HID, D_OUT), dtype=jnp.float32, minval=-s2, maxval=s2)
    b2 = jnp.zeros((D_OUT,), dtype=jnp.float32)
    return {"x": x, "edge_index": edge_index, "W1": W1, "b1": b1, "W2": W2, "b2": b2}


def reference(x, edge_index, W1, b1, W2, b2):
    src = edge_index[0]
    dst = edge_index[1]
    n_nodes = x.shape[0]
    h = _graphconv(x, src, dst, W1, b1, n_nodes)
    h = jax.nn.relu(h)
    h = _graphconv(h, src, dst, W2, b2, n_nodes)
    h = jax.nn.relu(h)
    return h

if __name__ == "__main__":
    import jax
    _d = setup_inputs()
    print(jax.jit(kernel)(*tuple(_d.values())))

</pallas_src>

<mosaic_0001>
#map = affine_map<(d0, d1) -> (0)>
#map1 = affine_map<(d0, d1) -> (0, 0)>
#map2 = affine_map<(d0, d1) -> (0, 0, 0)>
module attributes {stable_mosaic.version = 14 : i64} {
  func.func @_route(%arg0: i32, %arg1: i32, %arg2: memref<320000xi32, #tpu.memory_space<hbm>>, %arg3: memref<320000xi32, #tpu.memory_space<hbm>>, %arg4: memref<32x20480xf32, #tpu.memory_space<hbm>>, %arg5: memref<32x4x3072xi32, #tpu.memory_space<hbm>>, %arg6: memref<32x4x3072xi32, #tpu.memory_space<hbm>>, %arg7: memref<32x16xi32, #tpu.memory_space<hbm>>, %arg8: memref<10000xi32, #tpu.memory_space<vmem>>, %arg9: memref<10000xi32, #tpu.memory_space<vmem>>, %arg10: memref<20480xf32, #tpu.memory_space<vmem>>, %arg11: memref<3072xi32, #tpu.memory_space<vmem>>, %arg12: memref<3072xi32, #tpu.memory_space<vmem>>, %arg13: memref<3072xi32, #tpu.memory_space<vmem>>, %arg14: memref<3072xi32, #tpu.memory_space<vmem>>, %arg15: memref<3072xi32, #tpu.memory_space<vmem>>, %arg16: memref<3072xi32, #tpu.memory_space<vmem>>, %arg17: memref<3072xi32, #tpu.memory_space<vmem>>, %arg18: memref<3072xi32, #tpu.memory_space<vmem>>, %arg19: memref<16xi32, #tpu.memory_space<vmem>>) attributes {dimension_semantics = [#tpu.dimension_semantics<core_parallel>, #tpu.dimension_semantics<subcore_parallel>], iteration_bounds = array<i64: 2, 16>, scalar_prefetch = 0 : i64, scratch_operands = 12 : i64, tpu.core_type = #tpu.core_type<sc_vector_subcore>, window_params = [{transform_indices = #map}, {transform_indices = #map}, {transform_indices = #map1}, {transform_indices = #map2}, {transform_indices = #map2}, {transform_indices = #map1}]} {
    %mul3A = arith.constant 2 : i32
    %mul3A_0 = arith.muli %arg1, %mul3A : i32
    %add3A = arith.addi %mul3A_0, %arg0 : i32
    %mul3A_1 = arith.constant 10000 : i32
    %mul3A_2 = arith.muli %add3A, %mul3A_1 : i32
    "tpu.region"() ({
      %run_scoped3A_68 = tpu.sem_alloc : memref<!tpu.dma_semaphore, #tpu.memory_space<semaphore_mem>>
      %dma_start3A = tpu.memref_slice %arg2[%mul3A_2] : memref<320000xi32, #tpu.memory_space<hbm>> -> memref<10000xi32, #tpu.memory_space<hbm>>
      %dma_start3A_69 = tpu.memref_slice %arg2[%mul3A_2] : memref<320000xi32, #tpu.memory_space<hbm>> -> memref<10000xi32, #tpu.memory_space<hbm>>
      tpu.enqueue_dma source(%dma_start3A_69 : memref<10000xi32, #tpu.memory_space<hbm>>) target(%arg8 : memref<10000xi32, #tpu.memory_space<vmem>>) target_semaphore(%run_scoped3A_68 : memref<!tpu.dma_semaphore, #tpu.memory_space<semaphore_mem>>)
      %dma_wait3A = tpu.memref_slice %arg2[%mul3A_2] : memref<320000xi32, #tpu.memory_space<hbm>> -> memref<10000xi32, #tpu.memory_space<hbm>>
      %dma_wait3A_70 = tpu.memref_slice %arg2[%mul3A_2] : memref<320000xi32, #tpu.memory_space<hbm>> -> memref<10000xi32, #tpu.memory_space<hbm>>
      tpu.wait_dma2 semaphore(%run_scoped3A_68 : memref<!tpu.dma_semaphore, #tpu.memory_space<semaphore_mem>>) src(%dma_wait3A_70 : memref<10000xi32, #tpu.memory_space<hbm>>) dst(%arg8 : memref<10000xi32, #tpu.memory_space<vmem>>)
      tpu.yield
    }) : () -> ()
    %mul3A_3 = arith.constant 10000 : i32
    %mul3A_4 = arith.muli %add3A, %mul3A_3 : i32
    "tpu.region"() ({
      %run_scoped3A_68 = tpu.sem_alloc : memref<!tpu.dma_semaphore, #tpu.memory_space<semaphore_mem>>
      %dma_start3A = tpu.memref_slice %arg3[%mul3A_4] : memref<320000xi32, #tpu.memory_space<hbm>> -> memref<10000xi32, #tpu.memory_space<hbm>>
      %dma_start3A_69 = tpu.memref_slice %arg3[%mul3A_4] : memref<320000xi32, #tpu.memory_space<hbm>> -> memref<10000xi32, #tpu.memory_space<hbm>>
      tpu.enqueue_dma source(%dma_start3A_69 : memref<10000xi32, #tpu.memory_space<hbm>>) target(%arg9 : memref<10000xi32, #tpu.memory_space<vmem>>) target_semaphore(%run_scoped3A_68 : memref<!tpu.dma_semaphore, #tpu.memory_space<semaphore_mem>>)
      %dma_wait3A = tpu.memref_slice %arg3[%mul3A_4] : memref<320000xi32, #tpu.memory_space<hbm>> -> memref<10000xi32, #tpu.memory_space<hbm>>
      %dma_wait3A_70 = tpu.memref_slice %arg3[%mul3A_4] : memref<320000xi32, #tpu.memory_space<hbm>> -> memref<10000xi32, #tpu.memory_space<hbm>>
      tpu.wait_dma2 semaphore(%run_scoped3A_68 : memref<!tpu.dma_semaphore, #tpu.memory_space<semaphore_mem>>) src(%dma_wait3A_70 : memref<10000xi32, #tpu.memory_space<hbm>>) dst(%arg9 : memref<10000xi32, #tpu.memory_space<vmem>>)
      tpu.yield
    }) : () -> ()
    %broadcast_in_dim3A = arith.constant 0.000000e+00 : f32
    %broadcast_in_dim3A_5 = vector.broadcast %broadcast_in_dim3A : f32 to vector<16xf32>
    %scan3A = arith.constant 0 : i32
    %scan3A_6 = arith.constant 1280 : i32
    %scan3A_7 = arith.addi %scan3A, %scan3A_6 : i32
    %scan3A_8 = arith.constant 1 : i32
    scf.for %scan3A_68 = %scan3A to %scan3A_7 step %scan3A_8  : i32 {
      %mul3A_69 = arith.constant 1 : i32
      %mul3A_70 = arith.muli %scan3A_68, %mul3A_69 : i32
      %add3A_71 = arith.constant 0 : i32
      %add3A_72 = arith.addi %add3A_71, %mul3A_70 : i32
      %mul3A_73 = arith.constant 16 : i32
      %mul3A_74 = arith.muli %add3A_72, %mul3A_73 : i32
      %swap3A_75 = arith.index_cast %mul3A_74 : i32 to index
      %swap3A_76 = tpu.vector_load %arg10[%swap3A_75] {strides = array<i32>} : memref<20480xf32, #tpu.memory_space<vmem>>, vector<16xf32>,
      tpu.vector_store %arg10[%swap3A_75], %broadcast_in_dim3A_5 {strides = array<i32>} : memref<20480xf32, #tpu.memory_space<vmem>>, vector<16xf32>,
    }
    %scan3A_9 = arith.constant 1280 : i32
    %broadcast_in_dim3A_10 = arith.constant 0 : i32
    %broadcast_in_dim3A_11 = vector.broadcast %broadcast_in_dim3A_10 : i32 to vector<16xi32>
    %broadcast_in_dim3A_12 = arith.constant 5119 : i32
    %broadcast_in_dim3A_13 = vector.broadcast %broadcast_in_dim3A_12 : i32 to vector<16xi32>
    %scan3A_14 = arith.constant 0 : i32
    %scan3A_15 = arith.constant 192 : i32
    %scan3A_16 = arith.addi %scan3A_14, %scan3A_15 : i32
    %scan3A_17 = arith.constant 1 : i32
    scf.for %scan3A_68 = %scan3A_14 to %scan3A_16 step %scan3A_17  : i32 {
      %mul3A_69 = arith.constant 1 : i32
      %mul3A_70 = arith.muli %scan3A_68, %mul3A_69 : i32
      %add3A_71 = arith.constant 0 : i32
      %add3A_72 = arith.addi %add3A_71, %mul3A_70 : i32
      %mul3A_73 = arith.constant 16 : i32
      %mul3A_74 = arith.muli %add3A_72, %mul3A_73 : i32
      %swap3A_75 = arith.index_cast %mul3A_74 : i32 to index
      %swap3A_76 = tpu.vector_load %arg11[%swap3A_75] {strides = array<i32>} : memref<3072xi32, #tpu.memory_space<vmem>>, vector<16xi32>,
      tpu.vector_store %arg11[%swap3A_75], %broadcast_in_dim3A_11 {strides = array<i32>} : memref<3072xi32, #tpu.memory_space<vmem>>, vector<16xi32>,
      %swap3A_77 = arith.index_cast %mul3A_74 : i32 to index
      %swap3A_78 = tpu.vector_load %arg15[%swap3A_77] {strides = array<i32>} : memref<3072xi32, #tpu.memory_space<vmem>>, vector<16xi32>,
      tpu.vector_store %arg15[%swap3A_77], %broadcast_in_dim3A_13 {strides = array<i32>} : memref<3072xi32, #tpu.memory_space<vmem>>, vector<16xi32>,
      %swap3A_79 = arith.index_cast %mul3A_74 : i32 to index
      %swap3A_80 = tpu.vector_load %arg12[%swap3A_79] {strides = array<i32>} : memref<3072xi32, #tpu.memory_space<vmem>>, vector<16xi32>,
      tpu.vector_store %arg12[%swap3A_79], %broadcast_in_dim3A_11 {strides = array<i32>} : memref<3072xi32, #tpu.memory_space<vmem>>, vector<16xi32>,
      %swap3A_81 = arith.index_cast %mul3A_74 : i32 to index
      %swap3A_82 = tpu.vector_load %arg16[%swap3A_81] {strides = array<i32>} : memref<3072xi32, #tpu.memory_space<vmem>>, vector<16xi32>,
      tpu.vector_store %arg16[%swap3A_81], %broadcast_in_dim3A_13 {strides = array<i32>} : memref<3072xi32, #tpu.memory_space<vmem>>, vector<16xi32>,
      %swap3A_83 = arith.index_cast %mul3A_74 : i32 to index
      %swap3A_84 = tpu.vector_load %arg13[%swap3A_83] {strides = array<i32>} : memref<3072xi32, #tpu.memory_space<vmem>>, vector<16xi32>,
      tpu.vector_store %arg13[%swap3A_83], %broadcast_in_dim3A_11 {strides = array<i32>} : memref<3072xi32, #tpu.memory_space<vmem>>, vector<16xi32>,
      %swap3A_85 = arith.index_cast %mul3A_74 : i32 to index
      %swap3A_86 = tpu.vector_load %arg17[%swap3A_85] {strides = array<i32>} : memref<3072xi32, #tpu.memory_space<vmem>>, vector<16xi32>,
      tpu.vector_store %arg17[%swap3A_85], %broadcast_in_dim3A_13 {strides = array<i32>} : memref<3072xi32, #tpu.memory_space<vmem>>, vector<16xi32>,
      %swap3A_87 = arith.index_cast %mul3A_74 : i32 to index
      %swap3A_88 = tpu.vector_load %arg14[%swap3A_87] {strides = array<i32>} : memref<3072xi32, #tpu.memory_space<vmem>>, vector<16xi32>,
      tpu.vector_store %arg14[%swap3A_87], %broadcast_in_dim3A_11 {strides = array<i32>} : memref<3072xi32, #tpu.memory_space<vmem>>, vector<16xi32>,
      %swap3A_89 = arith.index_cast %mul3A_74 : i32 to index
      %swap3A_90 = tpu.vector_load %arg18[%swap3A_89] {strides = array<i32>} : memref<3072xi32, #tpu.memory_space<vmem>>, vector<16xi32>,
      tpu.vector_store %arg18[%swap3A_89], %broadcast_in_dim3A_13 {strides = array<i32>} : memref<3072xi32, #tpu.memory_space<vmem>>, vector<16xi32>,
    }
    %scan3A_18 = arith.constant 192 : i32
    %broadcast_in_dim3A_19 = arith.constant 1.000000e+00 : f32
    %broadcast_in_dim3A_20 = vector.broadcast %broadcast_in_dim3A_19 : f32 to vector<16xf32>
    %broadcast_in_dim3A_21 = arith.constant 10240 : i32
    %broadcast_in_dim3A_22 = vector.broadcast %broadcast_in_dim3A_21 : i32 to vector<16xi32>
    %scan3A_23 = arith.constant 0 : i32
    %scan3A_24 = arith.constant 0 : i32
    %scan3A_25 = arith.constant 0 : i32
    %scan3A_26 = arith.constant 0 : i32
    %scan3A_27 = arith.constant 0 : i32
    %scan3A_28 = arith.constant 625 : i32
    %scan3A_29 = arith.addi %scan3A_27, %scan3A_28 : i32
    %scan3A_30 = arith.constant 1 : i32
    %scan3A_31:4 = scf.for %scan3A_68 = %scan3A_27 to %scan3A_29 step %scan3A_30 iter_args(%scan3A_69 = %scan3A_23, %scan3A_70 = %scan3A_24, %scan3A_71 = %scan3A_25, %scan3A_72 = %scan3A_26) -> (i32, i32, i32, i32)  : i32 {
      %mul3A_73 = arith.constant 1 : i32
      %mul3A_74 = arith.muli %scan3A_68, %mul3A_73 : i32
      %add3A_75 = arith.constant 0 : i32
      %add3A_76 = arith.addi %add3A_75, %mul3A_74 : i32
      %mul3A_77 = arith.constant 16 : i32
      %mul3A_78 = arith.muli %add3A_76, %mul3A_77 : i32
      %get3A = arith.index_cast %mul3A_78 : i32 to index
      %get3A_79 = tpu.vector_load %arg8[%get3A] {strides = array<i32>} : memref<10000xi32, #tpu.memory_space<vmem>>, vector<16xi32>,
      %get3A_80 = arith.index_cast %mul3A_78 : i32 to index
      %get3A_81 = tpu.vector_load %arg9[%get3A_80] {strides = array<i32>} : memref<10000xi32, #tpu.memory_space<vmem>>, vector<16xi32>,
      tpu.vector_store_idx %arg10[%get3A_79], %broadcast_in_dim3A_20 {add = true} : memref<20480xf32, #tpu.memory_space<vmem>>[vector<16xi32>], vector<16xf32>,
      %add3A_82 = arith.addi %get3A_81, %broadcast_in_dim3A_22 : vector<16xi32>
      tpu.vector_store_idx %arg10[%add3A_82], %broadcast_in_dim3A_20 {add = true} : memref<20480xf32, #tpu.memory_space<vmem>>[vector<16xi32>], vector<16xf32>,
      %ge3A = arith.constant 5000 : i32
      %ge3A_83 = vector.broadcast %ge3A : i32 to vector<16xi32>
      %ge3A_84 = arith.cmpi sge, %get3A_79, %ge3A_83 : vector<16xi32>
      %ge3A_85 = arith.constant 5000 : i32
      %ge3A_86 = vector.broadcast %ge3A_85 : i32 to vector<16xi32>
      %ge3A_87 = arith.cmpi sge, %get3A_81, %ge3A_86 : vector<16xi32>
      %jit3A = arith.constant 5000 : i32
      %jit3A_88 = arith.constant 0 : i32
      %broadcast_in_dim3A_89 = vector.broadcast %jit3A : i32 to vector<16xi32>
      %broadcast_in_dim3A_90 = vector.broadcast %jit3A_88 : i32 to vector<16xi32>
      %select_n3A_91 = arith.select %ge3A_84, %broadcast_in_dim3A_89, %broadcast_in_dim3A_90 : vector<16xi1>, vector<16xi32>
      %sub3A = arith.subi %get3A_79, %select_n3A_91 : vector<16xi32>
      %jit3A_92 = arith.constant 5000 : i32
      %jit3A_93 = arith.constant 0 : i32
      %broadcast_in_dim3A_94 = vector.broadcast %jit3A_92 : i32 to vector<16xi32>
      %broadcast_in_dim3A_95 = vector.broadcast %jit3A_93 : i32 to vector<16xi32>
      %select_n3A_96 = arith.select %ge3A_87, %broadcast_in_dim3A_94, %broadcast_in_dim3A_95 : vector<16xi1>, vector<16xi32>
      %sub3A_97 = arith.subi %get3A_81, %select_n3A_96 : vector<16xi32>
      %eq3A_98 = arith.constant false
      %eq3A_99 = vector.broadcast %eq3A_98 : i1 to vector<16xi1>
      %eq3A_100 = vector.broadcast %eq3A_99 : vector<16xi1> to vector<16xi1>
      %eq3A_101 = arith.xori %ge3A_84, %eq3A_100 : vector<16xi1>
      %eq3A_102 = arith.constant dense<true> : vector<16xi1>
      %eq3A_103 = arith.xori %eq3A_101, %eq3A_102 : vector<16xi1>
      %eq3A_104 = arith.constant false
      %eq3A_105 = vector.broadcast %eq3A_104 : i1 to vector<16xi1>
      %eq3A_106 = vector.broadcast %eq3A_105 : vector<16xi1> to vector<16xi1>
      %eq3A_107 = arith.xori %ge3A_87, %eq3A_106 : vector<16xi1>
      %eq3A_108 = arith.constant dense<true> : vector<16xi1>
      %eq3A_109 = arith.xori %eq3A_107, %eq3A_108 : vector<16xi1>
      %and3A = arith.andi %eq3A_103, %eq3A_109 : vector<16xi1>
      %min3A_110 = arith.constant 3056 : i32
      %min3A_111 = arith.minsi %scan3A_69, %min3A_110 : i32
      %swap3A_112 = arith.index_cast %min3A_111 : i32 to index
      %swap3A_113 = tpu.vector_load %arg11[%swap3A_112] masked %and3A {strides = array<i32>} : memref<3072xi32, #tpu.memory_space<vmem>>, vector<16xi32>, vector<16xi1>
      tpu.vector_store %arg11[%swap3A_112], %sub3A masked %and3A {strides = array<i32>} : memref<3072xi32, #tpu.memory_space<vmem>>, vector<16xi32>, vector<16xi1>
      %swap3A_114 = arith.index_cast %min3A_111 : i32 to index
      %swap3A_115 = tpu.vector_load %arg15[%swap3A_114] masked %and3A {strides = array<i32>} : memref<3072xi32, #tpu.memory_space<vmem>>, vector<16xi32>, vector<16xi1>
      tpu.vector_store %arg15[%swap3A_114], %sub3A_97 masked %and3A {strides = array<i32>} : memref<3072xi32, #tpu.memory_space<vmem>>, vector<16xi32>, vector<16xi1>
      %convert_element_type3A = arith.extui %and3A : vector<16xi1> to vector<16xi32>
      %reduce_sum3A = arith.constant true
      %reduce_sum3A_116 = vector.broadcast %reduce_sum3A : i1 to vector<16xi1>
      %reduce_sum3A_117 = tpu.scan <sum>, %convert_element_type3A masked %reduce_sum3A_116 : vector<16xi32>, vector<16xi1> -> vector<16xi32>
      %reduce_sum3A_118 = vector.extract %reduce_sum3A_117[15] : i32 from vector<16xi32>
      %add3A_119 = arith.addi %scan3A_69, %reduce_sum3A_118 : i32
      %eq3A_120 = arith.constant false
      %eq3A_121 = vector.broadcast %eq3A_120 : i1 to vector<16xi1>
      %eq3A_122 = vector.broadcast %eq3A_121 : vector<16xi1> to vector<16xi1>
      %eq3A_123 = arith.xori %ge3A_84, %eq3A_122 : vector<16xi1>
      %eq3A_124 = arith.constant dense<true> : vector<16xi1>
      %eq3A_125 = arith.xori %eq3A_123, %eq3A_124 : vector<16xi1>
      %eq3A_126 = arith.constant true
      %eq3A_127 = vector.broadcast %eq3A_126 : i1 to vector<16xi1>
      %eq3A_128 = vector.broadcast %eq3A_127 : vector<16xi1> to vector<16xi1>
      %eq3A_129 = arith.xori %ge3A_87, %eq3A_128 : vector<16xi1>
      %eq3A_130 = arith.constant dense<true> : vector<16xi1>
      %eq3A_131 = arith.xori %eq3A_129, %eq3A_130 : vector<16xi1>
      %and3A_132 = arith.andi %eq3A_125, %eq3A_131 : vector<16xi1>
      %min3A_133 = arith.constant 3056 : i32
      %min3A_134 = arith.minsi %scan3A_70, %min3A_133 : i32
      %swap3A_135 = arith.index_cast %min3A_134 : i32 to index
      %swap3A_136 = tpu.vector_load %arg12[%swap3A_135] masked %and3A_132 {strides = array<i32>} : memref<3072xi32, #tpu.memory_space<vmem>>, vector<16xi32>, vector<16xi1>
      tpu.vector_store %arg12[%swap3A_135], %sub3A masked %and3A_132 {strides = array<i32>} : memref<3072xi32, #tpu.memory_space<vmem>>, vector<16xi32>, vector<16xi1>
      %swap3A_137 = arith.index_cast %min3A_134 : i32 to index
      %swap3A_138 = tpu.vector_load %arg16[%swap3A_137] masked %and3A_132 {strides = array<i32>} : memref<3072xi32, #tpu.memory_space<vmem>>, vector<16xi32>, vector<16xi1>
      tpu.vector_store %arg16[%swap3A_137], %sub3A_97 masked %and3A_132 {strides = array<i32>} : memref<3072xi32, #tpu.memory_space<vmem>>, vector<16xi32>, vector<16xi1>
      %convert_element_type3A_139 = arith.extui %and3A_132 : vector<16xi1> to vector<16xi32>
      %reduce_sum3A_140 = arith.constant true
      %reduce_sum3A_141 = vector.broadcast %reduce_sum3A_140 : i1 to vector<16xi1>
      %reduce_sum3A_142 = tpu.scan <sum>, %convert_element_type3A_139 masked %reduce_sum3A_141 : vector<16xi32>, vector<16xi1> -> vector<16xi32>
      %reduce_sum3A_143 = vector.extract %reduce_sum3A_142[15] : i32 from vector<16xi32>
      %add3A_144 = arith.addi %scan3A_70, %reduce_sum3A_143 : i32
      %eq3A_145 = arith.constant true
      %eq3A_146 = vector.broadcast %eq3A_145 : i1 to vector<16xi1>
      %eq3A_147 = vector.broadcast %eq3A_146 : vector<16xi1> to vector<16xi1>
      %eq3A_148 = arith.xori %ge3A_84, %eq3A_147 : vector<16xi1>
      %eq3A_149 = arith.constant dense<true> : vector<16xi1>
      %eq3A_150 = arith.xori %eq3A_148, %eq3A_149 : vector<16xi1>
      %eq3A_151 = arith.constant false
      %eq3A_152 = vector.broadcast %eq3A_151 : i1 to vector<16xi1>
      %eq3A_153 = vector.broadcast %eq3A_152 : vector<16xi1> to vector<16xi1>
      %eq3A_154 = arith.xori %ge3A_87, %eq3A_153 : vector<16xi1>
      %eq3A_155 = arith.constant dense<true> : vector<16xi1>
      %eq3A_156 = arith.xori %eq3A_154, %eq3A_155 : vector<16xi1>
      %and3A_157 = arith.andi %eq3A_150, %eq3A_156 : vector<16xi1>
      %min3A_158 = arith.constant 3056 : i32
      %min3A_159 = arith.minsi %scan3A_71, %min3A_158 : i32
      %swap3A_160 = arith.index_cast %min3A_159 : i32 to index
      %swap3A_161 = tpu.vector_load %arg13[%swap3A_160] masked %and3A_157 {strides = array<i32>} : memref<3072xi32, #tpu.memory_space<vmem>>, vector<16xi32>, vector<16xi1>
      tpu.vector_store %arg13[%swap3A_160], %sub3A masked %and3A_157 {strides = array<i32>} : memref<3072xi32, #tpu.memory_space<vmem>>, vector<16xi32>, vector<16xi1>
      %swap3A_162 = arith.index_cast %min3A_159 : i32 to index
      %swap3A_163 = tpu.vector_load %arg17[%swap3A_162] masked %and3A_157 {strides = array<i32>} : memref<3072xi32, #tpu.memory_space<vmem>>, vector<16xi32>, vector<16xi1>
      tpu.vector_store %arg17[%swap3A_162], %sub3A_97 masked %and3A_157 {strides = array<i32>} : memref<3072xi32, #tpu.memory_space<vmem>>, vector<16xi32>, vector<16xi1>
      %convert_element_type3A_164 = arith.extui %and3A_157 : vector<16xi1> to vector<16xi32>
      %reduce_sum3A_165 = arith.constant true
      %reduce_sum3A_166 = vector.broadcast %reduce_sum3A_165 : i1 to vector<16xi1>
      %reduce_sum3A_167 = tpu.scan <sum>, %convert_element_type3A_164 masked %reduce_sum3A_166 : vector<16xi32>, vector<16xi1> -> vector<16xi32>
      %reduce_sum3A_168 = vector.extract %reduce_sum3A_167[15] : i32 from vector<16xi32>
      %add3A_169 = arith.addi %scan3A_71, %reduce_sum3A_168 : i32
      %eq3A_170 = arith.constant true
      %eq3A_171 = vector.broadcast %eq3A_170 : i1 to vector<16xi1>
      %eq3A_172 = vector.broadcast %eq3A_171 : vector<16xi1> to vector<16xi1>
      %eq3A_173 = arith.xori %ge3A_84, %eq3A_172 : vector<16xi1>
      %eq3A_174 = arith.constant dense<true> : vector<16xi1>
      %eq3A_175 = arith.xori %eq3A_173, %eq3A_174 : vector<16xi1>
      %eq3A_176 = arith.constant true
      %eq3A_177 = vector.broadcast %eq3A_176 : i1 to vector<16xi1>
      %eq3A_178 = vector.broadcast %eq3A_177 : vector<16xi1> to vector<16xi1>
      %eq3A_179 = arith.xori %ge3A_87, %eq3A_178 : vector<16xi1>
      %eq3A_180 = arith.constant dense<true> : vector<16xi1>
      %eq3A_181 = arith.xori %eq3A_179, %eq3A_180 : vector<16xi1>
      %and3A_182 = arith.andi %eq3A_175, %eq3A_181 : vector<16xi1>
      %min3A_183 = arith.constant 3056 : i32
      %min3A_184 = arith.minsi %scan3A_72, %min3A_183 : i32
      %swap3A_185 = arith.index_cast %min3A_184 : i32 to index
      %swap3A_186 = tpu.vector_load %arg14[%swap3A_185] masked %and3A_182 {strides = array<i32>} : memref<3072xi32, #tpu.memory_space<vmem>>, vector<16xi32>, vector<16xi1>
      tpu.vector_store %arg14[%swap3A_185], %sub3A masked %and3A_182 {strides = array<i32>} : memref<3072xi32, #tpu.memory_space<vmem>>, vector<16xi32>, vector<16xi1>
      %swap3A_187 = arith.index_cast %min3A_184 : i32 to index
      %swap3A_188 = tpu.vector_load %arg18[%swap3A_187] masked %and3A_182 {strides = array<i32>} : memref<3072xi32, #tpu.memory_space<vmem>>, vector<16xi32>, vector<16xi1>
      tpu.vector_store %arg18[%swap3A_187], %sub3A_97 masked %and3A_182 {strides = array<i32>} : memref<3072xi32, #tpu.memory_space<vmem>>, vector<16xi32>, vector<16xi1>
      %convert_element_type3A_189 = arith.extui %and3A_182 : vector<16xi1> to vector<16xi32>
      %reduce_sum3A_190 = arith.constant true
      %reduce_sum3A_191 = vector.broadcast %reduce_sum3A_190 : i1 to vector<16xi1>
      %reduce_sum3A_192 = tpu.scan <sum>, %convert_element_type3A_189 masked %reduce_sum3A_191 : vector<16xi32>, vector<16xi1> -> vector<16xi32>
      %reduce_sum3A_193 = vector.extract %reduce_sum3A_192[15] : i32 from vector<16xi32>
      %add3A_194 = arith.addi %scan3A_72, %reduce_sum3A_193 : i32
      scf.yield %add3A_119, %add3A_144, %add3A_169, %add3A_194 : i32, i32, i32, i32
    }
    %scan3A_32 = arith.constant 625 : i32
    "tpu.region"() ({
      %run_scoped3A_68 = tpu.sem_alloc : memref<!tpu.dma_semaphore, #tpu.memory_space<semaphore_mem>>
      %dma_start3A = arith.constant 0 : i32
      %dma_start3A_69 = tpu.memref_slice %arg4[%add3A, %dma_start3A] : memref<32x20480xf32, #tpu.memory_space<hbm>> -> memref<1x20480xf32, #tpu.memory_space<hbm>>
      %dma_start3A_70 = tpu.memref_squeeze %dma_start3A_69 : memref<1x20480xf32, #tpu.memory_space<hbm>> -> memref<20480xf32, #tpu.memory_space<hbm>>
      %dma_start3A_71 = arith.constant 0 : i32
      %dma_start3A_72 = tpu.memref_slice %arg4[%add3A, %dma_start3A_71] : memref<32x20480xf32, #tpu.memory_space<hbm>> -> memref<1x20480xf32, #tpu.memory_space<hbm>>
      %dma_start3A_73 = tpu.memref_squeeze %dma_start3A_72 : memref<1x20480xf32, #tpu.memory_space<hbm>> -> memref<20480xf32, #tpu.memory_space<hbm>>
      tpu.enqueue_dma source(%arg10 : memref<20480xf32, #tpu.memory_space<vmem>>) target(%dma_start3A_73 : memref<20480xf32, #tpu.memory_space<hbm>>) target_semaphore(%run_scoped3A_68 : memref<!tpu.dma_semaphore, #tpu.memory_space<semaphore_mem>>)
      %dma_wait3A = arith.constant 0 : i32
      %dma_wait3A_74 = tpu.memref_slice %arg4[%add3A, %dma_wait3A] : memref<32x20480xf32, #tpu.memory_space<hbm>> -> memref<1x20480xf32, #tpu.memory_space<hbm>>
      %dma_wait3A_75 = tpu.memref_squeeze %dma_wait3A_74 : memref<1x20480xf32, #tpu.memory_space<hbm>> -> memref<20480xf32, #tpu.memory_space<hbm>>
      %dma_wait3A_76 = arith.constant 0 : i32
      %dma_wait3A_77 = tpu.memref_slice %arg4[%add3A, %dma_wait3A_76] : memref<32x20480xf32, #tpu.memory_space<hbm>> -> memref<1x20480xf32, #tpu.memory_space<hbm>>
      %dma_wait3A_78 = tpu.memref_squeeze %dma_wait3A_77 : memref<1x20480xf32, #tpu.memory_space<hbm>> -> memref<20480xf32, #tpu.memory_space<hbm>>
      tpu.wait_dma2 semaphore(%run_scoped3A_68 : memref<!tpu.dma_semaphore, #tpu.memory_space<semaphore_mem>>) src(%arg10 : memref<20480xf32, #tpu.memory_space<vmem>>) dst(%dma_wait3A_78 : memref<20480xf32, #tpu.memory_space<hbm>>)
      tpu.yield
    }) : () -> ()
    %iota3A = tpu.iota {dimensions = array<i32: 0>} : vector<16xi32>
    %broadcast_in_dim3A_33 = arith.constant 0 : i32
    %broadcast_in_dim3A_34 = vector.broadcast %broadcast_in_dim3A_33 : i32 to vector<16xi32>
    %eq3A = arith.constant 0 : i32
    %eq3A_35 = vector.broadcast %eq3A : i32 to vector<16xi32>
    %eq3A_36 = arith.cmpi eq, %iota3A, %eq3A_35 : vector<16xi32>
    %min3A = arith.constant 3072 : i32
    %min3A_37 = arith.minsi %scan3A_31#0, %min3A : i32
    %broadcast_in_dim3A_38 = vector.broadcast %min3A_37 : i32 to vector<16xi32>
    %select_n3A = arith.select %eq3A_36, %broadcast_in_dim3A_38, %broadcast_in_dim3A_34 : vector<16xi1>, vector<16xi32>
    %eq3A_39 = arith.constant 1 : i32
    %eq3A_40 = vector.broadcast %eq3A_39 : i32 to vector<16xi32>
    %eq3A_41 = arith.cmpi eq, %iota3A, %eq3A_40 : vector<16xi32>
    %min3A_42 = arith.constant 3072 : i32
    %min3A_43 = arith.minsi %scan3A_31#1, %min3A_42 : i32
    %broadcast_in_dim3A_44 = vector.broadcast %min3A_43 : i32 to vector<16xi32>
    %select_n3A_45 = arith.select %eq3A_41, %broadcast_in_dim3A_44, %select_n3A : vector<16xi1>, vector<16xi32>
    %eq3A_46 = arith.constant 2 : i32
    %eq3A_47 = vector.broadcast %eq3A_46 : i32 to vector<16xi32>
    %eq3A_48 = arith.cmpi eq, %iota3A, %eq3A_47 : vector<16xi32>
    %min3A_49 = arith.constant 3072 : i32
    %min3A_50 = arith.minsi %scan3A_31#2, %min3A_49 : i32
    %broadcast_in_dim3A_51 = vector.broadcast %min3A_50 : i32 to vector<16xi32>
    %select_n3A_52 = arith.select %eq3A_48, %broadcast_in_dim3A_51, %select_n3A_45 : vector<16xi1>, vector<16xi32>
    %eq3A_53 = arith.constant 3 : i32
    %eq3A_54 = vector.broadcast %eq3A_53 : i32 to vector<16xi32>
    %eq3A_55 = arith.cmpi eq, %iota3A, %eq3A_54 : vector<16xi32>
    %min3A_56 = arith.constant 3072 : i32
    %min3A_57 = arith.minsi %scan3A_31#3, %min3A_56 : i32
    %broadcast_in_dim3A_58 = vector.broadcast %min3A_57 : i32 to vector<16xi32>
    %select_n3A_59 = arith.select %eq3A_55, %broadcast_in_dim3A_58, %select_n3A_52 : vector<16xi1>, vector<16xi32>
    %swap3A = arith.constant 0 : index
    %swap3A_60 = tpu.vector_load %arg19[%swap3A] {strides = array<i32>} : memref<16xi32, #tpu.memory_space<vmem>>, vector<16xi32>,
    tpu.vector_store %arg19[%swap3A], %select_n3A_59 {strides = array<i32>} : memref<16xi32, #tpu.memory_space<vmem>>, vector<16xi32>,
    "tpu.region"() ({
      %run_scoped3A_68 = tpu.sem_alloc : memref<!tpu.dma_semaphore, #tpu.memory_space<semaphore_mem>>
      %dma_start3A = arith.constant 0 : i32
      %dma_start3A_69 = tpu.memref_slice %arg7[%add3A, %dma_start3A] : memref<32x16xi32, #tpu.memory_space<hbm>> -> memref<1x16xi32, #tpu.memory_space<hbm>>
      %dma_start3A_70 = tpu.memref_squeeze %dma_start3A_69 : memref<1x16xi32, #tpu.memory_space<hbm>> -> memref<16xi32, #tpu.memory_space<hbm>>
      %dma_start3A_71 = arith.constant 0 : i32
      %dma_start3A_72 = tpu.memref_slice %arg7[%add3A, %dma_start3A_71] : memref<32x16xi32, #tpu.memory_space<hbm>> -> memref<1x16xi32, #tpu.memory_space<hbm>>
      %dma_start3A_73 = tpu.memref_squeeze %dma_start3A_72 : memref<1x16xi32, #tpu.memory_space<hbm>> -> memref<16xi32, #tpu.memory_space<hbm>>
      tpu.enqueue_dma source(%arg19 : memref<16xi32, #tpu.memory_space<vmem>>) target(%dma_start3A_73 : memref<16xi32, #tpu.memory_space<hbm>>) target_semaphore(%run_scoped3A_68 : memref<!tpu.dma_semaphore, #tpu.memory_space<semaphore_mem>>)
      %dma_wait3A = arith.constant 0 : i32
      %dma_wait3A_74 = tpu.memref_slice %arg7[%add3A, %dma_wait3A] : memref<32x16xi32, #tpu.memory_space<hbm>> -> memref<1x16xi32, #tpu.memory_space<hbm>>
      %dma_wait3A_75 = tpu.memref_squeeze %dma_wait3A_74 : memref<1x16xi32, #tpu.memory_space<hbm>> -> memref<16xi32, #tpu.memory_space<hbm>>
      %dma_wait3A_76 = arith.constant 0 : i32
      %dma_wait3A_77 = tpu.memref_slice %arg7[%add3A, %dma_wait3A_76] : memref<32x16xi32, #tpu.memory_space<hbm>> -> memref<1x16xi32, #tpu.memory_space<hbm>>
      %dma_wait3A_78 = tpu.memref_squeeze %dma_wait3A_77 : memref<1x16xi32, #tpu.memory_space<hbm>> -> memref<16xi32, #tpu.memory_space<hbm>>
      tpu.wait_dma2 semaphore(%run_scoped3A_68 : memref<!tpu.dma_semaphore, #tpu.memory_space<semaphore_mem>>) src(%arg19 : memref<16xi32, #tpu.memory_space<vmem>>) dst(%dma_wait3A_78 : memref<16xi32, #tpu.memory_space<hbm>>)
      tpu.yield
    }) : () -> ()
    %run_scoped3A = arith.constant 0 : i32
    "tpu.region"() ({
      %run_scoped3A_68 = tpu.sem_alloc : memref<!tpu.dma_semaphore, #tpu.memory_space<semaphore_mem>>
      %dma_start3A = arith.constant 0 : i32
      %dma_start3A_69 = tpu.memref_slice %arg5[%add3A, %run_scoped3A, %dma_start3A] : memref<32x4x3072xi32, #tpu.memory_space<hbm>> -> memref<1x1x3072xi32, #tpu.memory_space<hbm>>
      %dma_start3A_70 = tpu.memref_squeeze %dma_start3A_69 : memref<1x1x3072xi32, #tpu.memory_space<hbm>> -> memref<3072xi32, #tpu.memory_space<hbm>>
      %dma_start3A_71 = arith.constant 0 : i32
      %dma_start3A_72 = tpu.memref_slice %arg5[%add3A, %run_scoped3A, %dma_start3A_71] : memref<32x4x3072xi32, #tpu.memory_space<hbm>> -> memref<1x1x3072xi32, #tpu.memory_space<hbm>>
      %dma_start3A_73 = tpu.memref_squeeze %dma_start3A_72 : memref<1x1x3072xi32, #tpu.memory_space<hbm>> -> memref<3072xi32, #tpu.memory_space<hbm>>
      tpu.enqueue_dma source(%arg11 : memref<3072xi32, #tpu.memory_space<vmem>>) target(%dma_start3A_73 : memref<3072xi32, #tpu.memory_space<hbm>>) target_semaphore(%run_scoped3A_68 : memref<!tpu.dma_semaphore, #tpu.memory_space<semaphore_mem>>)
      %dma_wait3A = arith.constant 0 : i32
      %dma_wait3A_74 = tpu.memref_slice %arg5[%add3A, %run_scoped3A, %dma_wait3A] : memref<32x4x3072xi32, #tpu.memory_space<hbm>> -> memref<1x1x3072xi32, #tpu.memory_space<hbm>>
      %dma_wait3A_75 = tpu.memref_squeeze %dma_wait3A_74 : memref<1x1x3072xi32, #tpu.memory_space<hbm>> -> memref<3072xi32, #tpu.memory_space<hbm>>
      %dma_wait3A_76 = arith.constant 0 : i32
      %dma_wait3A_77 = tpu.memref_slice %arg5[%add3A, %run_scoped3A, %dma_wait3A_76] : memref<32x4x3072xi32, #tpu.memory_space<hbm>> -> memref<1x1x3072xi32, #tpu.memory_space<hbm>>
      %dma_wait3A_78 = tpu.memref_squeeze %dma_wait3A_77 : memref<1x1x3072xi32, #tpu.memory_space<hbm>> -> memref<3072xi32, #tpu.memory_space<hbm>>
      tpu.wait_dma2 semaphore(%run_scoped3A_68 : memref<!tpu.dma_semaphore, #tpu.memory_space<semaphore_mem>>) src(%arg11 : memref<3072xi32, #tpu.memory_space<vmem>>) dst(%dma_wait3A_78 : memref<3072xi32, #tpu.memory_space<hbm>>)
      tpu.yield
    }) : () -> ()
    %run_scoped3A_61 = arith.constant 0 : i32
    "tpu.region"() ({
      %run_scoped3A_68 = tpu.sem_alloc : memref<!tpu.dma_semaphore, #tpu.memory_space<semaphore_mem>>
      %dma_start3A = arith.constant 0 : i32
      %dma_start3A_69 = tpu.memref_slice %arg6[%add3A, %run_scoped3A_61, %dma_start3A] : memref<32x4x3072xi32, #tpu.memory_space<hbm>> -> memref<1x1x3072xi32, #tpu.memory_space<hbm>>
      %dma_start3A_70 = tpu.memref_squeeze %dma_start3A_69 : memref<1x1x3072xi32, #tpu.memory_space<hbm>> -> memref<3072xi32, #tpu.memory_space<hbm>>
      %dma_start3A_71 = arith.constant 0 : i32
      %dma_start3A_72 = tpu.memref_slice %arg6[%add3A, %run_scoped3A_61, %dma_start3A_71] : memref<32x4x3072xi32, #tpu.memory_space<hbm>> -> memref<1x1x3072xi32, #tpu.memory_space<hbm>>
      %dma_start3A_73 = tpu.memref_squeeze %dma_start3A_72 : memref<1x1x3072xi32, #tpu.memory_space<hbm>> -> memref<3072xi32, #tpu.memory_space<hbm>>
      tpu.enqueue_dma source(%arg15 : memref<3072xi32, #tpu.memory_space<vmem>>) target(%dma_start3A_73 : memref<3072xi32, #tpu.memory_space<hbm>>) target_semaphore(%run_scoped3A_68 : memref<!tpu.dma_semaphore, #tpu.memory_space<semaphore_mem>>)
      %dma_wait3A = arith.constant 0 : i32
      %dma_wait3A_74 = tpu.memref_slice %arg6[%add3A, %run_scoped3A_61, %dma_wait3A] : memref<32x4x3072xi32, #tpu.memory_space<hbm>> -> memref<1x1x3072xi32, #tpu.memory_space<hbm>>
      %dma_wait3A_75 = tpu.memref_squeeze %dma_wait3A_74 : memref<1x1x3072xi32, #tpu.memory_space<hbm>> -> memref<3072xi32, #tpu.memory_space<hbm>>
      %dma_wait3A_76 = arith.constant 0 : i32
      %dma_wait3A_77 = tpu.memref_slice %arg6[%add3A, %run_scoped3A_61, %dma_wait3A_76] : memref<32x4x3072xi32, #tpu.memory_space<hbm>> -> memref<1x1x3072xi32, #tpu.memory_space<hbm>>
      %dma_wait3A_78 = tpu.memref_squeeze %dma_wait3A_77 : memref<1x1x3072xi32, #tpu.memory_space<hbm>> -> memref<3072xi32, #tpu.memory_space<hbm>>
      tpu.wait_dma2 semaphore(%run_scoped3A_68 : memref<!tpu.dma_semaphore, #tpu.memory_space<semaphore_mem>>) src(%arg15 : memref<3072xi32, #tpu.memory_space<vmem>>) dst(%dma_wait3A_78 : memref<3072xi32, #tpu.memory_space<hbm>>)
      tpu.yield
    }) : () -> ()
    %run_scoped3A_62 = arith.constant 1 : i32
    "tpu.region"() ({
      %run_scoped3A_68 = tpu.sem_alloc : memref<!tpu.dma_semaphore, #tpu.memory_space<semaphore_mem>>
      %dma_start3A = arith.constant 0 : i32
      %dma_start3A_69 = tpu.memref_slice %arg5[%add3A, %run_scoped3A_62, %dma_start3A] : memref<32x4x3072xi32, #tpu.memory_space<hbm>> -> memref<1x1x3072xi32, #tpu.memory_space<hbm>>
      %dma_start3A_70 = tpu.memref_squeeze %dma_start3A_69 : memref<1x1x3072xi32, #tpu.memory_space<hbm>> -> memref<3072xi32, #tpu.memory_space<hbm>>
      %dma_start3A_71 = arith.constant 0 : i32
      %dma_start3A_72 = tpu.memref_slice %arg5[%add3A, %run_scoped3A_62, %dma_start3A_71] : memref<32x4x3072xi32, #tpu.memory_space<hbm>> -> memref<1x1x3072xi32, #tpu.memory_space<hbm>>
      %dma_start3A_73 = tpu.memref_squeeze %dma_start3A_72 : memref<1x1x3072xi32, #tpu.memory_space<hbm>> -> memref<3072xi32, #tpu.memory_space<hbm>>
      tpu.enqueue_dma source(%arg12 : memref<3072xi32, #tpu.memory_space<vmem>>) target(%dma_start3A_73 : memref<3072xi32, #tpu.memory_space<hbm>>) target_semaphore(%run_scoped3A_68 : memref<!tpu.dma_semaphore, #tpu.memory_space<semaphore_mem>>)
      %dma_wait3A = arith.constant 0 : i32
      %dma_wait3A_74 = tpu.memref_slice %arg5[%add3A, %run_scoped3A_62, %dma_wait3A] : memref<32x4x3072xi32, #tpu.memory_space<hbm>> -> memref<1x1x3072xi32, #tpu.memory_space<hbm>>
      %dma_wait3A_75 = tpu.memref_squeeze %dma_wait3A_74 : memref<1x1x3072xi32, #tpu.memory_space<hbm>> -> memref<3072xi32, #tpu.memory_space<hbm>>
      %dma_wait3A_76 = arith.constant 0 : i32
      %dma_wait3A_77 = tpu.memref_slice %arg5[%add3A, %run_scoped3A_62, %dma_wait3A_76] : memref<32x4x3072xi32, #tpu.memory_space<hbm>> -> memref<1x1x3072xi32, #tpu.memory_space<hbm>>
      %dma_wait3A_78 = tpu.memref_squeeze %dma_wait3A_77 : memref<1x1x3072xi32, #tpu.memory_space<hbm>> -> memref<3072xi32, #tpu.memory_space<hbm>>
      tpu.wait_dma2 semaphore(%run_scoped3A_68 : memref<!tpu.dma_semaphore, #tpu.memory_space<semaphore_mem>>) src(%arg12 : memref<3072xi32, #tpu.memory_space<vmem>>) dst(%dma_wait3A_78 : memref<3072xi32, #tpu.memory_space<hbm>>)
      tpu.yield
    }) : () -> ()
    %run_scoped3A_63 = arith.constant 1 : i32
    "tpu.region"() ({
      %run_scoped3A_68 = tpu.sem_alloc : memref<!tpu.dma_semaphore, #tpu.memory_space<semaphore_mem>>
      %dma_start3A = arith.constant 0 : i32
      %dma_start3A_69 = tpu.memref_slice %arg6[%add3A, %run_scoped3A_63, %dma_start3A] : memref<32x4x3072xi32, #tpu.memory_space<hbm>> -> memref<1x1x3072xi32, #tpu.memory_space<hbm>>
      %dma_start3A_70 = tpu.memref_squeeze %dma_start3A_69 : memref<1x1x3072xi32, #tpu.memory_space<hbm>> -> memref<3072xi32, #tpu.memory_space<hbm>>
      %dma_start3A_71 = arith.constant 0 : i32
      %dma_start3A_72 = tpu.memref_slice %arg6[%add3A, %run_scoped3A_63, %dma_start3A_71] : memref<32x4x3072xi32, #tpu.memory_space<hbm>> -> memref<1x1x3072xi32, #tpu.memory_space<hbm>>
      %dma_start3A_73 = tpu.memref_squeeze %dma_start3A_72 : memref<1x1x3072xi32, #tpu.memory_space<hbm>> -> memref<3072xi32, #tpu.memory_space<hbm>>
      tpu.enqueue_dma source(%arg16 : memref<3072xi32, #tpu.memory_space<vmem>>) target(%dma_start3A_73 : memref<3072xi32, #tpu.memory_space<hbm>>) target_semaphore(%run_scoped3A_68 : memref<!tpu.dma_semaphore, #tpu.memory_space<semaphore_mem>>)
      %dma_wait3A = arith.constant 0 : i32
      %dma_wait3A_74 = tpu.memref_slice %arg6[%add3A, %run_scoped3A_63, %dma_wait3A] : memref<32x4x3072xi32, #tpu.memory_space<hbm>> -> memref<1x1x3072xi32, #tpu.memory_space<hbm>>
      %dma_wait3A_75 = tpu.memref_squeeze %dma_wait3A_74 : memref<1x1x3072xi32, #tpu.memory_space<hbm>> -> memref<3072xi32, #tpu.memory_space<hbm>>
      %dma_wait3A_76 = arith.constant 0 : i32
      %dma_wait3A_77 = tpu.memref_slice %arg6[%add3A, %run_scoped3A_63, %dma_wait3A_76] : memref<32x4x3072xi32, #tpu.memory_space<hbm>> -> memref<1x1x3072xi32, #tpu.memory_space<hbm>>
      %dma_wait3A_78 = tpu.memref_squeeze %dma_wait3A_77 : memref<1x1x3072xi32, #tpu.memory_space<hbm>> -> memref<3072xi32, #tpu.memory_space<hbm>>
      tpu.wait_dma2 semaphore(%run_scoped3A_68 : memref<!tpu.dma_semaphore, #tpu.memory_space<semaphore_mem>>) src(%arg16 : memref<3072xi32, #tpu.memory_space<vmem>>) dst(%dma_wait3A_78 : memref<3072xi32, #tpu.memory_space<hbm>>)
      tpu.yield
    }) : () -> ()
    %run_scoped3A_64 = arith.constant 2 : i32
    "tpu.region"() ({
      %run_scoped3A_68 = tpu.sem_alloc : memref<!tpu.dma_semaphore, #tpu.memory_space<semaphore_mem>>
      %dma_start3A = arith.constant 0 : i32
      %dma_start3A_69 = tpu.memref_slice %arg5[%add3A, %run_scoped3A_64, %dma_start3A] : memref<32x4x3072xi32, #tpu.memory_space<hbm>> -> memref<1x1x3072xi32, #tpu.memory_space<hbm>>
      %dma_start3A_70 = tpu.memref_squeeze %dma_start3A_69 : memref<1x1x3072xi32, #tpu.memory_space<hbm>> -> memref<3072xi32, #tpu.memory_space<hbm>>
      %dma_start3A_71 = arith.constant 0 : i32
      %dma_start3A_72 = tpu.memref_slice %arg5[%add3A, %run_scoped3A_64, %dma_start3A_71] : memref<32x4x3072xi32, #tpu.memory_space<hbm>> -> memref<1x1x3072xi32, #tpu.memory_space<hbm>>
      %dma_start3A_73 = tpu.memref_squeeze %dma_start3A_72 : memref<1x1x3072xi32, #tpu.memory_space<hbm>> -> memref<3072xi32, #tpu.memory_space<hbm>>
      tpu.enqueue_dma source(%arg13 : memref<3072xi32, #tpu.memory_space<vmem>>) target(%dma_start3A_73 : memref<3072xi32, #tpu.memory_space<hbm>>) target_semaphore(%run_scoped3A_68 : memref<!tpu.dma_semaphore, #tpu.memory_space<semaphore_mem>>)
      %dma_wait3A = arith.constant 0 : i32
      %dma_wait3A_74 = tpu.memref_slice %arg5[%add3A, %run_scoped3A_64, %dma_wait3A] : memref<32x4x3072xi32, #tpu.memory_space<hbm>> -> memref<1x1x3072xi32, #tpu.memory_space<hbm>>
      %dma_wait3A_75 = tpu.memref_squeeze %dma_wait3A_74 : memref<1x1x3072xi32, #tpu.memory_space<hbm>> -> memref<3072xi32, #tpu.memory_space<hbm>>
      %dma_wait3A_76 = arith.constant 0 : i32
      %dma_wait3A_77 = tpu.memref_slice %arg5[%add3A, %run_scoped3A_64, %dma_wait3A_76] : memref<32x4x3072xi32, #tpu.memory_space<hbm>> -> memref<1x1x3072xi32, #tpu.memory_space<hbm>>
      %dma_wait3A_78 = tpu.memref_squeeze %dma_wait3A_77 : memref<1x1x3072xi32, #tpu.memory_space<hbm>> -> memref<3072xi32, #tpu.memory_space<hbm>>
      tpu.wait_dma2 semaphore(%run_scoped3A_68 : memref<!tpu.dma_semaphore, #tpu.memory_space<semaphore_mem>>) src(%arg13 : memref<3072xi32, #tpu.memory_space<vmem>>) dst(%dma_wait3A_78 : memref<3072xi32, #tpu.memory_space<hbm>>)
      tpu.yield
    }) : () -> ()
    %run_scoped3A_65 = arith.constant 2 : i32
    "tpu.region"() ({
      %run_scoped3A_68 = tpu.sem_alloc : memref<!tpu.dma_semaphore, #tpu.memory_space<semaphore_mem>>
      %dma_start3A = arith.constant 0 : i32
      %dma_start3A_69 = tpu.memref_slice %arg6[%add3A, %run_scoped3A_65, %dma_start3A] : memref<32x4x3072xi32, #tpu.memory_space<hbm>> -> memref<1x1x3072xi32, #tpu.memory_space<hbm>>
      %dma_start3A_70 = tpu.memref_squeeze %dma_start3A_69 : memref<1x1x3072xi32, #tpu.memory_space<hbm>> -> memref<3072xi32, #tpu.memory_space<hbm>>
      %dma_start3A_71 = arith.constant 0 : i32
      %dma_start3A_72 = tpu.memref_slice %arg6[%add3A, %run_scoped3A_65, %dma_start3A_71] : memref<32x4x3072xi32, #tpu.memory_space<hbm>> -> memref<1x1x3072xi32, #tpu.memory_space<hbm>>
      %dma_start3A_73 = tpu.memref_squeeze %dma_start3A_72 : memref<1x1x3072xi32, #tpu.memory_space<hbm>> -> memref<3072xi32, #tpu.memory_space<hbm>>
      tpu.enqueue_dma source(%arg17 : memref<3072xi32, #tpu.memory_space<vmem>>) target(%dma_start3A_73 : memref<3072xi32, #tpu.memory_space<hbm>>) target_semaphore(%run_scoped3A_68 : memref<!tpu.dma_semaphore, #tpu.memory_space<semaphore_mem>>)
      %dma_wait3A = arith.constant 0 : i32
      %dma_wait3A_74 = tpu.memref_slice %arg6[%add3A, %run_scoped3A_65, %dma_wait3A] : memref<32x4x3072xi32, #tpu.memory_space<hbm>> -> memref<1x1x3072xi32, #tpu.memory_space<hbm>>
      %dma_wait3A_75 = tpu.memref_squeeze %dma_wait3A_74 : memref<1x1x3072xi32, #tpu.memory_space<hbm>> -> memref<3072xi32, #tpu.memory_space<hbm>>
      %dma_wait3A_76 = arith.constant 0 : i32
      %dma_wait3A_77 = tpu.memref_slice %arg6[%add3A, %run_scoped3A_65, %dma_wait3A_76] : memref<32x4x3072xi32, #tpu.memory_space<hbm>> -> memref<1x1x3072xi32, #tpu.memory_space<hbm>>
      %dma_wait3A_78 = tpu.memref_squeeze %dma_wait3A_77 : memref<1x1x3072xi32, #tpu.memory_space<hbm>> -> memref<3072xi32, #tpu.memory_space<hbm>>
      tpu.wait_dma2 semaphore(%run_scoped3A_68 : memref<!tpu.dma_semaphore, #tpu.memory_space<semaphore_mem>>) src(%arg17 : memref<3072xi32, #tpu.memory_space<vmem>>) dst(%dma_wait3A_78 : memref<3072xi32, #tpu.memory_space<hbm>>)
      tpu.yield
    }) : () -> ()
    %run_scoped3A_66 = arith.constant 3 : i32
    "tpu.region"() ({
      %run_scoped3A_68 = tpu.sem_alloc : memref<!tpu.dma_semaphore, #tpu.memory_space<semaphore_mem>>
      %dma_start3A = arith.constant 0 : i32
      %dma_start3A_69 = tpu.memref_slice %arg5[%add3A, %run_scoped3A_66, %dma_start3A] : memref<32x4x3072xi32, #tpu.memory_space<hbm>> -> memref<1x1x3072xi32, #tpu.memory_space<hbm>>
      %dma_start3A_70 = tpu.memref_squeeze %dma_start3A_69 : memref<1x1x3072xi32, #tpu.memory_space<hbm>> -> memref<3072xi32, #tpu.memory_space<hbm>>
      %dma_start3A_71 = arith.constant 0 : i32
      %dma_start3A_72 = tpu.memref_slice %arg5[%add3A, %run_scoped3A_66, %dma_start3A_71] : memref<32x4x3072xi32, #tpu.memory_space<hbm>> -> memref<1x1x3072xi32, #tpu.memory_space<hbm>>
      %dma_start3A_73 = tpu.memref_squeeze %dma_start3A_72 : memref<1x1x3072xi32, #tpu.memory_space<hbm>> -> memref<3072xi32, #tpu.memory_space<hbm>>
      tpu.enqueue_dma source(%arg14 : memref<3072xi32, #tpu.memory_space<vmem>>) target(%dma_start3A_73 : memref<3072xi32, #tpu.memory_space<hbm>>) target_semaphore(%run_scoped3A_68 : memref<!tpu.dma_semaphore, #tpu.memory_space<semaphore_mem>>)
      %dma_wait3A = arith.constant 0 : i32
      %dma_wait3A_74 = tpu.memref_slice %arg5[%add3A, %run_scoped3A_66, %dma_wait3A] : memref<32x4x3072xi32, #tpu.memory_space<hbm>> -> memref<1x1x3072xi32, #tpu.memory_space<hbm>>
      %dma_wait3A_75 = tpu.memref_squeeze %dma_wait3A_74 : memref<1x1x3072xi32, #tpu.memory_space<hbm>> -> memref<3072xi32, #tpu.memory_space<hbm>>
      %dma_wait3A_76 = arith.constant 0 : i32
      %dma_wait3A_77 = tpu.memref_slice %arg5[%add3A, %run_scoped3A_66, %dma_wait3A_76] : memref<32x4x3072xi32, #tpu.memory_space<hbm>> -> memref<1x1x3072xi32, #tpu.memory_space<hbm>>
      %dma_wait3A_78 = tpu.memref_squeeze %dma_wait3A_77 : memref<1x1x3072xi32, #tpu.memory_space<hbm>> -> memref<3072xi32, #tpu.memory_space<hbm>>
      tpu.wait_dma2 semaphore(%run_scoped3A_68 : memref<!tpu.dma_semaphore, #tpu.memory_space<semaphore_mem>>) src(%arg14 : memref<3072xi32, #tpu.memory_space<vmem>>) dst(%dma_wait3A_78 : memref<3072xi32, #tpu.memory_space<hbm>>)
      tpu.yield
    }) : () -> ()
    %run_scoped3A_67 = arith.constant 3 : i32
    "tpu.region"() ({
      %run_scoped3A_68 = tpu.sem_alloc : memref<!tpu.dma_semaphore, #tpu.memory_space<semaphore_mem>>
      %dma_start3A = arith.constant 0 : i32
      %dma_start3A_69 = tpu.memref_slice %arg6[%add3A, %run_scoped3A_67, %dma_start3A] : memref<32x4x3072xi32, #tpu.memory_space<hbm>> -> memref<1x1x3072xi32, #tpu.memory_space<hbm>>
      %dma_start3A_70 = tpu.memref_squeeze %dma_start3A_69 : memref<1x1x3072xi32, #tpu.memory_space<hbm>> -> memref<3072xi32, #tpu.memory_space<hbm>>
      %dma_start3A_71 = arith.constant 0 : i32
      %dma_start3A_72 = tpu.memref_slice %arg6[%add3A, %run_scoped3A_67, %dma_start3A_71] : memref<32x4x3072xi32, #tpu.memory_space<hbm>> -> memref<1x1x3072xi32, #tpu.memory_space<hbm>>
      %dma_start3A_73 = tpu.memref_squeeze %dma_start3A_72 : memref<1x1x3072xi32, #tpu.memory_space<hbm>> -> memref<3072xi32, #tpu.memory_space<hbm>>
      tpu.enqueue_dma source(%arg18 : memref<3072xi32, #tpu.memory_space<vmem>>) target(%dma_start3A_73 : memref<3072xi32, #tpu.memory_space<hbm>>) target_semaphore(%run_scoped3A_68 : memref<!tpu.dma_semaphore, #tpu.memory_space<semaphore_mem>>)
      %dma_wait3A = arith.constant 0 : i32
      %dma_wait3A_74 = tpu.memref_slice %arg6[%add3A, %run_scoped3A_67, %dma_wait3A] : memref<32x4x3072xi32, #tpu.memory_space<hbm>> -> memref<1x1x3072xi32, #tpu.memory_space<hbm>>
      %dma_wait3A_75 = tpu.memref_squeeze %dma_wait3A_74 : memref<1x1x3072xi32, #tpu.memory_space<hbm>> -> memref<3072xi32, #tpu.memory_space<hbm>>
      %dma_wait3A_76 = arith.constant 0 : i32
      %dma_wait3A_77 = tpu.memref_slice %arg6[%add3A, %run_scoped3A_67, %dma_wait3A_76] : memref<32x4x3072xi32, #tpu.memory_space<hbm>> -> memref<1x1x3072xi32, #tpu.memory_space<hbm>>
      %dma_wait3A_78 = tpu.memref_squeeze %dma_wait3A_77 : memref<1x1x3072xi32, #tpu.memory_space<hbm>> -> memref<3072xi32, #tpu.memory_space<hbm>>
      tpu.wait_dma2 semaphore(%run_scoped3A_68 : memref<!tpu.dma_semaphore, #tpu.memory_space<semaphore_mem>>) src(%arg18 : memref<3072xi32, #tpu.memory_space<vmem>>) dst(%dma_wait3A_78 : memref<3072xi32, #tpu.memory_space<hbm>>)
      tpu.yield
    }) : () -> ()
    return
  }
}

#map = affine_map<(d0, d1) -> (0, 0)>
#map1 = affine_map<(d0, d1) -> (0, 0, 0, 0)>
#map2 = affine_map<(d0, d1) -> (0, 0, 0)>
module attributes {stable_mosaic.version = 14 : i64} {
  func.func @_aggregate(%arg0: i32, %arg1: i32, %arg2: memref<10120x128xf32, #tpu.memory_space<hbm>>, %arg3: memref<32x4x24x128xi32, #tpu.memory_space<hbm>>, %arg4: memref<32x4x24x128xi32, #tpu.memory_space<hbm>>, %arg5: memref<32x16xi32, #tpu.memory_space<hbm>>, %arg6: memref<2x5120x128xf32, #tpu.memory_space<hbm>>, %arg7: memref<48x128xi32, #tpu.memory_space<vmem>>, %arg8: memref<48x128xi32, #tpu.memory_space<vmem>>, %arg9: memref<128x128xf32, #tpu.memory_space<vmem>>, %arg10: memref<128x128xf32, #tpu.memory_space<vmem>>, %arg11: memref<16xi32, #tpu.memory_space<vmem>>, %arg12: memref<16xi32, #tpu.memory_space<vmem>>, %arg13: memref<5120x128xf32, #tpu.memory_space<vmem_shared>>, %arg14: memref<5120x128xf32, #tpu.memory_space<vmem_shared>>, %arg15: memref<!tpu.dma_semaphore, #tpu.memory_space<semaphore_mem>>, %arg16: memref<!tpu.dma_semaphore, #tpu.memory_space<semaphore_mem>>) attributes {dimension_semantics = [#tpu.dimension_semantics<core_parallel>, #tpu.dimension_semantics<subcore_parallel>], iteration_bounds = array<i64: 2, 16>, scalar_prefetch = 0 : i64, scratch_operands = 10 : i64, tpu.core_type = #tpu.core_type<sc_vector_subcore>, window_params = [{transform_indices = #map}, {transform_indices = #map1}, {transform_indices = #map1}, {transform_indices = #map}, {transform_indices = #map2}]} {
    %broadcast_in_dim3A = arith.constant 0.000000e+00 : f32
    %broadcast_in_dim3A_0 = vector.broadcast %broadcast_in_dim3A : f32 to vector<16xf32>
    %scan3A = arith.constant 0 : i32
    %scan3A_1 = arith.constant 128 : i32
    %scan3A_2 = arith.addi %scan3A, %scan3A_1 : i32
    %scan3A_3 = arith.constant 1 : i32
    scf.for %scan3A_342 = %scan3A to %scan3A_2 step %scan3A_3  : i32 {
      %mul3A_343 = arith.constant 1 : i32
      %mul3A_344 = arith.muli %scan3A_342, %mul3A_343 : i32
      %add3A_345 = arith.constant 0 : i32
      %add3A_346 = arith.addi %add3A_345, %mul3A_344 : i32
      %swap3A = arith.index_cast %add3A_346 : i32 to index
      %swap3A_347 = arith.constant 0 : index
      %swap3A_348 = tpu.vector_load %arg9[%swap3A, %swap3A_347] {strides = array<i32>} : memref<128x128xf32, #tpu.memory_space<vmem>>, vector<16xf32>,
      tpu.vector_store %arg9[%swap3A, %swap3A_347], %broadcast_in_dim3A_0 {strides = array<i32>} : memref<128x128xf32, #tpu.memory_space<vmem>>, vector<16xf32>,
      %swap3A_349 = arith.index_cast %add3A_346 : i32 to index
      %swap3A_350 = arith.constant 16 : index
      %swap3A_351 = tpu.vector_load %arg9[%swap3A_349, %swap3A_350] {strides = array<i32>} : memref<128x128xf32, #tpu.memory_space<vmem>>, vector<16xf32>,
      tpu.vector_store %arg9[%swap3A_349, %swap3A_350], %broadcast_in_dim3A_0 {strides = array<i32>} : memref<128x128xf32, #tpu.memory_space<vmem>>, vector<16xf32>,
      %swap3A_352 = arith.index_cast %add3A_346 : i32 to index
      %swap3A_353 = arith.constant 32 : index
      %swap3A_354 = tpu.vector_load %arg9[%swap3A_352, %swap3A_353] {strides = array<i32>} : memref<128x128xf32, #tpu.memory_space<vmem>>, vector<16xf32>,
      tpu.vector_store %arg9[%swap3A_352, %swap3A_353], %broadcast_in_dim3A_0 {strides = array<i32>} : memref<128x128xf32, #tpu.memory_space<vmem>>, vector<16xf32>,
      %swap3A_355 = arith.index_cast %add3A_346 : i32 to index
      %swap3A_356 = arith.constant 48 : index
      %swap3A_357 = tpu.vector_load %arg9[%swap3A_355, %swap3A_356] {strides = array<i32>} : memref<128x128xf32, #tpu.memory_space<vmem>>, vector<16xf32>,
      tpu.vector_store %arg9[%swap3A_355, %swap3A_356], %broadcast_in_dim3A_0 {strides = array<i32>} : memref<128x128xf32, #tpu.memory_space<vmem>>, vector<16xf32>,
      %swap3A_358 = arith.index_cast %add3A_346 : i32 to index
      %swap3A_359 = arith.constant 64 : index
      %swap3A_360 = tpu.vector_load %arg9[%swap3A_358, %swap3A_359] {strides = array<i32>} : memref<128x128xf32, #tpu.memory_space<vmem>>, vector<16xf32>,
      tpu.vector_store %arg9[%swap3A_358, %swap3A_359], %broadcast_in_dim3A_0 {strides = array<i32>} : memref<128x128xf32, #tpu.memory_space<vmem>>, vector<16xf32>,
      %swap3A_361 = arith.index_cast %add3A_346 : i32 to index
      %swap3A_362 = arith.constant 80 : index
      %swap3A_363 = tpu.vector_load %arg9[%swap3A_361, %swap3A_362] {strides = array<i32>} : memref<128x128xf32, #tpu.memory_space<vmem>>, vector<16xf32>,
      tpu.vector_store %arg9[%swap3A_361, %swap3A_362], %broadcast_in_dim3A_0 {strides = array<i32>} : memref<128x128xf32, #tpu.memory_space<vmem>>, vector<16xf32>,
      %swap3A_364 = arith.index_cast %add3A_346 : i32 to index
      %swap3A_365 = arith.constant 96 : index
      %swap3A_366 = tpu.vector_load %arg9[%swap3A_364, %swap3A_365] {strides = array<i32>} : memref<128x128xf32, #tpu.memory_space<vmem>>, vector<16xf32>,
      tpu.vector_store %arg9[%swap3A_364, %swap3A_365], %broadcast_in_dim3A_0 {strides = array<i32>} : memref<128x128xf32, #tpu.memory_space<vmem>>, vector<16xf32>,
      %swap3A_367 = arith.index_cast %add3A_346 : i32 to index
      %swap3A_368 = arith.constant 112 : index
      %swap3A_369 = tpu.vector_load %arg9[%swap3A_367, %swap3A_368] {strides = array<i32>} : memref<128x128xf32, #tpu.memory_space<vmem>>, vector<16xf32>,
      tpu.vector_store %arg9[%swap3A_367, %swap3A_368], %broadcast_in_dim3A_0 {strides = array<i32>} : memref<128x128xf32, #tpu.memory_space<vmem>>, vector<16xf32>,
    }
    %scan3A_4 = arith.constant 128 : i32
    %mul3A = arith.constant 320 : i32
    %mul3A_5 = arith.muli %arg1, %mul3A : i32
    %add3A = arith.constant 0 : i32
    %add3A_6 = arith.addi %mul3A_5, %add3A : i32
    "tpu.region"() ({
      %run_scoped3A = tpu.sem_alloc : memref<!tpu.dma_semaphore, #tpu.memory_space<semaphore_mem>>
      %dma_start3A = arith.constant 0 : i32
      %dma_start3A_342 = tpu.memref_slice %arg14[%add3A_6, %dma_start3A] : memref<5120x128xf32, #tpu.memory_space<vmem_shared>> -> memref<128x128xf32, #tpu.memory_space<vmem_shared>>
      %dma_start3A_343 = arith.constant 0 : i32
      %dma_start3A_344 = tpu.memref_slice %arg14[%add3A_6, %dma_start3A_343] : memref<5120x128xf32, #tpu.memory_space<vmem_shared>> -> memref<128x128xf32, #tpu.memory_space<vmem_shared>>
      tpu.enqueue_dma source(%arg9 : memref<128x128xf32, #tpu.memory_space<vmem>>) target(%dma_start3A_344 : memref<128x128xf32, #tpu.memory_space<vmem_shared>>) target_semaphore(%run_scoped3A : memref<!tpu.dma_semaphore, #tpu.memory_space<semaphore_mem>>)
      %dma_wait3A = arith.constant 0 : i32
      %dma_wait3A_345 = tpu.memref_slice %arg14[%add3A_6, %dma_wait3A] : memref<5120x128xf32, #tpu.memory_space<vmem_shared>> -> memref<128x128xf32, #tpu.memory_space<vmem_shared>>
      %dma_wait3A_346 = arith.constant 0 : i32
      %dma_wait3A_347 = tpu.memref_slice %arg14[%add3A_6, %dma_wait3A_346] : memref<5120x128xf32, #tpu.memory_space<vmem_shared>> -> memref<128x128xf32, #tpu.memory_space<vmem_shared>>
      tpu.wait_dma2 semaphore(%run_scoped3A : memref<!tpu.dma_semaphore, #tpu.memory_space<semaphore_mem>>) src(%arg9 : memref<128x128xf32, #tpu.memory_space<vmem>>) dst(%dma_wait3A_347 : memref<128x128xf32, #tpu.memory_space<vmem_shared>>)
      tpu.yield
    }) : () -> ()
    %add3A_7 = arith.constant 128 : i32
    %add3A_8 = arith.addi %mul3A_5, %add3A_7 : i32
    "tpu.region"() ({
      %run_scoped3A = tpu.sem_alloc : memref<!tpu.dma_semaphore, #tpu.memory_space<semaphore_mem>>
      %dma_start3A = arith.constant 0 : i32
      %dma_start3A_342 = tpu.memref_slice %arg14[%add3A_8, %dma_start3A] : memref<5120x128xf32, #tpu.memory_space<vmem_shared>> -> memref<128x128xf32, #tpu.memory_space<vmem_shared>>
      %dma_start3A_343 = arith.constant 0 : i32
      %dma_start3A_344 = tpu.memref_slice %arg14[%add3A_8, %dma_start3A_343] : memref<5120x128xf32, #tpu.memory_space<vmem_shared>> -> memref<128x128xf32, #tpu.memory_space<vmem_shared>>
      tpu.enqueue_dma source(%arg9 : memref<128x128xf32, #tpu.memory_space<vmem>>) target(%dma_start3A_344 : memref<128x128xf32, #tpu.memory_space<vmem_shared>>) target_semaphore(%run_scoped3A : memref<!tpu.dma_semaphore, #tpu.memory_space<semaphore_mem>>)
      %dma_wait3A = arith.constant 0 : i32
      %dma_wait3A_345 = tpu.memref_slice %arg14[%add3A_8, %dma_wait3A] : memref<5120x128xf32, #tpu.memory_space<vmem_shared>> -> memref<128x128xf32, #tpu.memory_space<vmem_shared>>
      %dma_wait3A_346 = arith.constant 0 : i32
      %dma_wait3A_347 = tpu.memref_slice %arg14[%add3A_8, %dma_wait3A_346] : memref<5120x128xf32, #tpu.memory_space<vmem_shared>> -> memref<128x128xf32, #tpu.memory_space<vmem_shared>>
      tpu.wait_dma2 semaphore(%run_scoped3A : memref<!tpu.dma_semaphore, #tpu.memory_space<semaphore_mem>>) src(%arg9 : memref<128x128xf32, #tpu.memory_space<vmem>>) dst(%dma_wait3A_347 : memref<128x128xf32, #tpu.memory_space<vmem_shared>>)
      tpu.yield
    }) : () -> ()
    %add3A_9 = arith.constant 320 : i32
    %add3A_10 = arith.addi %mul3A_5, %add3A_9 : i32
    %sub3A = arith.constant 64 : i32
    %sub3A_11 = arith.subi %add3A_10, %sub3A : i32
    "tpu.region"() ({
      %run_scoped3A = tpu.sem_alloc : memref<!tpu.dma_semaphore, #tpu.memory_space<semaphore_mem>>
      %dma_start3A = arith.constant 0 : i32
      %dma_start3A_342 = arith.constant 0 : i32
      %dma_start3A_343 = tpu.memref_slice %arg9[%dma_start3A, %dma_start3A_342] : memref<128x128xf32, #tpu.memory_space<vmem>> -> memref<64x128xf32, #tpu.memory_space<vmem>>
      %dma_start3A_344 = arith.constant 0 : i32
      %dma_start3A_345 = tpu.memref_slice %arg14[%sub3A_11, %dma_start3A_344] : memref<5120x128xf32, #tpu.memory_space<vmem_shared>> -> memref<64x128xf32, #tpu.memory_space<vmem_shared>>
      %dma_start3A_346 = arith.constant 0 : i32
      %dma_start3A_347 = tpu.memref_slice %arg14[%sub3A_11, %dma_start3A_346] : memref<5120x128xf32, #tpu.memory_space<vmem_shared>> -> memref<64x128xf32, #tpu.memory_space<vmem_shared>>
      %dma_start3A_348 = arith.constant 0 : i32
      %dma_start3A_349 = arith.constant 0 : i32
      %dma_start3A_350 = tpu.memref_slice %arg9[%dma_start3A_348, %dma_start3A_349] : memref<128x128xf32, #tpu.memory_space<vmem>> -> memref<64x128xf32, #tpu.memory_space<vmem>>
      tpu.enqueue_dma source(%dma_start3A_350 : memref<64x128xf32, #tpu.memory_space<vmem>>) target(%dma_start3A_347 : memref<64x128xf32, #tpu.memory_space<vmem_shared>>) target_semaphore(%run_scoped3A : memref<!tpu.dma_semaphore, #tpu.memory_space<semaphore_mem>>)
      %dma_wait3A = arith.constant 0 : i32
      %dma_wait3A_351 = arith.constant 0 : i32
      %dma_wait3A_352 = tpu.memref_slice %arg9[%dma_wait3A, %dma_wait3A_351] : memref<128x128xf32, #tpu.memory_space<vmem>> -> memref<64x128xf32, #tpu.memory_space<vmem>>
      %dma_wait3A_353 = arith.constant 0 : i32
      %dma_wait3A_354 = tpu.memref_slice %arg14[%sub3A_11, %dma_wait3A_353] : memref<5120x128xf32, #tpu.memory_space<vmem_shared>> -> memref<64x128xf32, #tpu.memory_space<vmem_shared>>
      %dma_wait3A_355 = arith.constant 0 : i32
      %dma_wait3A_356 = tpu.memref_slice %arg14[%sub3A_11, %dma_wait3A_355] : memref<5120x128xf32, #tpu.memory_space<vmem_shared>> -> memref<64x128xf32, #tpu.memory_space<vmem_shared>>
      %dma_wait3A_357 = arith.constant 0 : i32
      %dma_wait3A_358 = arith.constant 0 : i32
      %dma_wait3A_359 = tpu.memref_slice %arg9[%dma_wait3A_357, %dma_wait3A_358] : memref<128x128xf32, #tpu.memory_space<vmem>> -> memref<64x128xf32, #tpu.memory_space<vmem>>
      tpu.wait_dma2 semaphore(%run_scoped3A : memref<!tpu.dma_semaphore, #tpu.memory_space<semaphore_mem>>) src(%dma_wait3A_359 : memref<64x128xf32, #tpu.memory_space<vmem>>) dst(%dma_wait3A_356 : memref<64x128xf32, #tpu.memory_space<vmem_shared>>)
      tpu.yield
    }) : () -> ()
    %iota3A = tpu.iota {dimensions = array<i32: 0>} : vector<16xi32>
    %mul3A_12 = arith.constant 2 : i32
    %mul3A_13 = arith.muli %mul3A_12, %arg1 : i32
    %add3A_14 = arith.constant 0 : i32
    %add3A_15 = arith.addi %mul3A_13, %add3A_14 : i32
    "tpu.region"() ({
      %run_scoped3A = tpu.sem_alloc : memref<!tpu.dma_semaphore, #tpu.memory_space<semaphore_mem>>
      %dma_start3A = arith.constant 0 : i32
      %dma_start3A_342 = tpu.memref_slice %arg5[%add3A_15, %dma_start3A] : memref<32x16xi32, #tpu.memory_space<hbm>> -> memref<1x16xi32, #tpu.memory_space<hbm>>
      %dma_start3A_343 = tpu.memref_squeeze %dma_start3A_342 : memref<1x16xi32, #tpu.memory_space<hbm>> -> memref<16xi32, #tpu.memory_space<hbm>>
      %dma_start3A_344 = arith.constant 0 : i32
      %dma_start3A_345 = tpu.memref_slice %arg5[%add3A_15, %dma_start3A_344] : memref<32x16xi32, #tpu.memory_space<hbm>> -> memref<1x16xi32, #tpu.memory_space<hbm>>
      %dma_start3A_346 = tpu.memref_squeeze %dma_start3A_345 : memref<1x16xi32, #tpu.memory_space<hbm>> -> memref<16xi32, #tpu.memory_space<hbm>>
      tpu.enqueue_dma source(%dma_start3A_346 : memref<16xi32, #tpu.memory_space<hbm>>) target(%arg11 : memref<16xi32, #tpu.memory_space<vmem>>) target_semaphore(%run_scoped3A : memref<!tpu.dma_semaphore, #tpu.memory_space<semaphore_mem>>)
      %dma_wait3A = arith.constant 0 : i32
      %dma_wait3A_347 = tpu.memref_slice %arg5[%add3A_15, %dma_wait3A] : memref<32x16xi32, #tpu.memory_space<hbm>> -> memref<1x16xi32, #tpu.memory_space<hbm>>
      %dma_wait3A_348 = tpu.memref_squeeze %dma_wait3A_347 : memref<1x16xi32, #tpu.memory_space<hbm>> -> memref<16xi32, #tpu.memory_space<hbm>>
      %dma_wait3A_349 = arith.constant 0 : i32
      %dma_wait3A_350 = tpu.memref_slice %arg5[%add3A_15, %dma_wait3A_349] : memref<32x16xi32, #tpu.memory_space<hbm>> -> memref<1x16xi32, #tpu.memory_space<hbm>>
      %dma_wait3A_351 = tpu.memref_squeeze %dma_wait3A_350 : memref<1x16xi32, #tpu.memory_space<hbm>> -> memref<16xi32, #tpu.memory_space<hbm>>
      tpu.wait_dma2 semaphore(%run_scoped3A : memref<!tpu.dma_semaphore, #tpu.memory_space<semaphore_mem>>) src(%dma_wait3A_351 : memref<16xi32, #tpu.memory_space<hbm>>) dst(%arg11 : memref<16xi32, #tpu.memory_space<vmem>>)
      tpu.yield
    }) : () -> ()
    %mul3A_16 = arith.constant 2 : i32
    %mul3A_17 = arith.muli %mul3A_16, %arg1 : i32
    %add3A_18 = arith.constant 1 : i32
    %add3A_19 = arith.addi %mul3A_17, %add3A_18 : i32
    "tpu.region"() ({
      %run_scoped3A = tpu.sem_alloc : memref<!tpu.dma_semaphore, #tpu.memory_space<semaphore_mem>>
      %dma_start3A = arith.constant 0 : i32
      %dma_start3A_342 = tpu.memref_slice %arg5[%add3A_19, %dma_start3A] : memref<32x16xi32, #tpu.memory_space<hbm>> -> memref<1x16xi32, #tpu.memory_space<hbm>>
      %dma_start3A_343 = tpu.memref_squeeze %dma_start3A_342 : memref<1x16xi32, #tpu.memory_space<hbm>> -> memref<16xi32, #tpu.memory_space<hbm>>
      %dma_start3A_344 = arith.constant 0 : i32
      %dma_start3A_345 = tpu.memref_slice %arg5[%add3A_19, %dma_start3A_344] : memref<32x16xi32, #tpu.memory_space<hbm>> -> memref<1x16xi32, #tpu.memory_space<hbm>>
      %dma_start3A_346 = tpu.memref_squeeze %dma_start3A_345 : memref<1x16xi32, #tpu.memory_space<hbm>> -> memref<16xi32, #tpu.memory_space<hbm>>
      tpu.enqueue_dma source(%dma_start3A_346 : memref<16xi32, #tpu.memory_space<hbm>>) target(%arg12 : memref<16xi32, #tpu.memory_space<vmem>>) target_semaphore(%run_scoped3A : memref<!tpu.dma_semaphore, #tpu.memory_space<semaphore_mem>>)
      %dma_wait3A = arith.constant 0 : i32
      %dma_wait3A_347 = tpu.memref_slice %arg5[%add3A_19, %dma_wait3A] : memref<32x16xi32, #tpu.memory_space<hbm>> -> memref<1x16xi32, #tpu.memory_space<hbm>>
      %dma_wait3A_348 = tpu.memref_squeeze %dma_wait3A_347 : memref<1x16xi32, #tpu.memory_space<hbm>> -> memref<16xi32, #tpu.memory_space<hbm>>
      %dma_wait3A_349 = arith.constant 0 : i32
      %dma_wait3A_350 = tpu.memref_slice %arg5[%add3A_19, %dma_wait3A_349] : memref<32x16xi32, #tpu.memory_space<hbm>> -> memref<1x16xi32, #tpu.memory_space<hbm>>
      %dma_wait3A_351 = tpu.memref_squeeze %dma_wait3A_350 : memref<1x16xi32, #tpu.memory_space<hbm>> -> memref<16xi32, #tpu.memory_space<hbm>>
      tpu.wait_dma2 semaphore(%run_scoped3A : memref<!tpu.dma_semaphore, #tpu.memory_space<semaphore_mem>>) src(%dma_wait3A_351 : memref<16xi32, #tpu.memory_space<hbm>>) dst(%arg12 : memref<16xi32, #tpu.memory_space<vmem>>)
      tpu.yield
    }) : () -> ()
    %mul3A_20 = arith.constant 320 : i32
    %mul3A_21 = arith.muli %arg1, %mul3A_20 : i32
    %add3A_22 = arith.constant 0 : i32
    %add3A_23 = arith.addi %add3A_22, %mul3A_21 : i32
    %mul3A_24 = arith.constant 320 : i32
    %mul3A_25 = arith.muli %arg1, %mul3A_24 : i32
    "tpu.region"() ({
      %run_scoped3A = tpu.sem_alloc : memref<!tpu.dma_semaphore, #tpu.memory_space<semaphore_mem>>
      %dma_start3A = arith.constant 0 : i32
      %dma_start3A_342 = tpu.memref_slice %arg13[%mul3A_25, %dma_start3A] : memref<5120x128xf32, #tpu.memory_space<vmem_shared>> -> memref<320x128xf32, #tpu.memory_space<vmem_shared>>
      %dma_start3A_343 = arith.constant 0 : i32
      %dma_start3A_344 = tpu.memref_slice %arg2[%add3A_23, %dma_start3A_343] : memref<10120x128xf32, #tpu.memory_space<hbm>> -> memref<320x128xf32, #tpu.memory_space<hbm>>
      tpu.enqueue_dma source(%dma_start3A_344 : memref<320x128xf32, #tpu.memory_space<hbm>>) target(%dma_start3A_342 : memref<320x128xf32, #tpu.memory_space<vmem_shared>>) target_semaphore(%run_scoped3A : memref<!tpu.dma_semaphore, #tpu.memory_space<semaphore_mem>>)
      %dma_wait3A = arith.constant 0 : i32
      %dma_wait3A_345 = tpu.memref_slice %arg13[%mul3A_25, %dma_wait3A] : memref<5120x128xf32, #tpu.memory_space<vmem_shared>> -> memref<320x128xf32, #tpu.memory_space<vmem_shared>>
      %dma_wait3A_346 = arith.constant 0 : i32
      %dma_wait3A_347 = tpu.memref_slice %arg2[%add3A_23, %dma_wait3A_346] : memref<10120x128xf32, #tpu.memory_space<hbm>> -> memref<320x128xf32, #tpu.memory_space<hbm>>
      tpu.wait_dma2 semaphore(%run_scoped3A : memref<!tpu.dma_semaphore, #tpu.memory_space<semaphore_mem>>) src(%dma_wait3A_347 : memref<320x128xf32, #tpu.memory_space<hbm>>) dst(%dma_wait3A_345 : memref<320x128xf32, #tpu.memory_space<vmem_shared>>)
      tpu.yield
    }) : () -> ()
    %barrier3A = arith.constant 0 : index
    tpu.barrier barrier_id(%barrier3A)
    %add3A_26 = arith.constant 0 : i32
    %add3A_27 = arith.addi %add3A_26, %arg0 : i32
    %mul3A_28 = arith.constant 2 : i32
    %mul3A_29 = arith.muli %mul3A_28, %arg1 : i32
    %add3A_30 = arith.constant 0 : i32
    %add3A_31 = arith.addi %mul3A_29, %add3A_30 : i32
    "tpu.region"() ({
      %run_scoped3A = tpu.sem_alloc : memref<!tpu.dma_semaphore, #tpu.memory_space<semaphore_mem>>
      %dma_start3A = arith.constant 0 : i32
      %dma_start3A_342 = arith.constant 0 : i32
      %dma_start3A_343 = tpu.memref_slice %arg7[%dma_start3A, %dma_start3A_342] : memref<48x128xi32, #tpu.memory_space<vmem>> -> memref<24x128xi32, #tpu.memory_space<vmem>>
      %dma_start3A_344 = arith.constant 0 : i32
      %dma_start3A_345 = arith.constant 0 : i32
      %dma_start3A_346 = tpu.memref_slice %arg3[%add3A_31, %add3A_27, %dma_start3A_344, %dma_start3A_345] : memref<32x4x24x128xi32, #tpu.memory_space<hbm>> -> memref<1x1x24x128xi32, #tpu.memory_space<hbm>>
      %dma_start3A_347 = tpu.memref_squeeze %dma_start3A_346 : memref<1x1x24x128xi32, #tpu.memory_space<hbm>> -> memref<24x128xi32, #tpu.memory_space<hbm>>
      %dma_start3A_348 = arith.constant 0 : i32
      %dma_start3A_349 = arith.constant 0 : i32
      %dma_start3A_350 = tpu.memref_slice %arg7[%dma_start3A_348, %dma_start3A_349] : memref<48x128xi32, #tpu.memory_space<vmem>> -> memref<24x128xi32, #tpu.memory_space<vmem>>
      %dma_start3A_351 = arith.constant 0 : i32
      %dma_start3A_352 = arith.constant 0 : i32
      %dma_start3A_353 = tpu.memref_slice %arg3[%add3A_31, %add3A_27, %dma_start3A_351, %dma_start3A_352] : memref<32x4x24x128xi32, #tpu.memory_space<hbm>> -> memref<1x1x24x128xi32, #tpu.memory_space<hbm>>
      %dma_start3A_354 = tpu.memref_squeeze %dma_start3A_353 : memref<1x1x24x128xi32, #tpu.memory_space<hbm>> -> memref<24x128xi32, #tpu.memory_space<hbm>>
      tpu.enqueue_dma source(%dma_start3A_354 : memref<24x128xi32, #tpu.memory_space<hbm>>) target(%dma_start3A_350 : memref<24x128xi32, #tpu.memory_space<vmem>>) target_semaphore(%run_scoped3A : memref<!tpu.dma_semaphore, #tpu.memory_space<semaphore_mem>>)
      %dma_wait3A = arith.constant 0 : i32
      %dma_wait3A_355 = arith.constant 0 : i32
      %dma_wait3A_356 = tpu.memref_slice %arg7[%dma_wait3A, %dma_wait3A_355] : memref<48x128xi32, #tpu.memory_space<vmem>> -> memref<24x128xi32, #tpu.memory_space<vmem>>
      %dma_wait3A_357 = arith.constant 0 : i32
      %dma_wait3A_358 = arith.constant 0 : i32
      %dma_wait3A_359 = tpu.memref_slice %arg3[%add3A_31, %add3A_27, %dma_wait3A_357, %dma_wait3A_358] : memref<32x4x24x128xi32, #tpu.memory_space<hbm>> -> memref<1x1x24x128xi32, #tpu.memory_space<hbm>>
      %dma_wait3A_360 = tpu.memref_squeeze %dma_wait3A_359 : memref<1x1x24x128xi32, #tpu.memory_space<hbm>> -> memref<24x128xi32, #tpu.memory_space<hbm>>
      %dma_wait3A_361 = arith.constant 0 : i32
      %dma_wait3A_362 = arith.constant 0 : i32
      %dma_wait3A_363 = tpu.memref_slice %arg7[%dma_wait3A_361, %dma_wait3A_362] : memref<48x128xi32, #tpu.memory_space<vmem>> -> memref<24x128xi32, #tpu.memory_space<vmem>>
      %dma_wait3A_364 = arith.constant 0 : i32
      %dma_wait3A_365 = arith.constant 0 : i32
      %dma_wait3A_366 = tpu.memref_slice %arg3[%add3A_31, %add3A_27, %dma_wait3A_364, %dma_wait3A_365] : memref<32x4x24x128xi32, #tpu.memory_space<hbm>> -> memref<1x1x24x128xi32, #tpu.memory_space<hbm>>
      %dma_wait3A_367 = tpu.memref_squeeze %dma_wait3A_366 : memref<1x1x24x128xi32, #tpu.memory_space<hbm>> -> memref<24x128xi32, #tpu.memory_space<hbm>>
      tpu.wait_dma2 semaphore(%run_scoped3A : memref<!tpu.dma_semaphore, #tpu.memory_space<semaphore_mem>>) src(%dma_wait3A_367 : memref<24x128xi32, #tpu.memory_space<hbm>>) dst(%dma_wait3A_363 : memref<24x128xi32, #tpu.memory_space<vmem>>)
      tpu.yield
    }) : () -> ()
    %mul3A_32 = arith.constant 2 : i32
    %mul3A_33 = arith.muli %mul3A_32, %arg1 : i32
    %add3A_34 = arith.constant 0 : i32
    %add3A_35 = arith.addi %mul3A_33, %add3A_34 : i32
    "tpu.region"() ({
      %run_scoped3A = tpu.sem_alloc : memref<!tpu.dma_semaphore, #tpu.memory_space<semaphore_mem>>
      %dma_start3A = arith.constant 0 : i32
      %dma_start3A_342 = arith.constant 0 : i32
      %dma_start3A_343 = tpu.memref_slice %arg8[%dma_start3A, %dma_start3A_342] : memref<48x128xi32, #tpu.memory_space<vmem>> -> memref<24x128xi32, #tpu.memory_space<vmem>>
      %dma_start3A_344 = arith.constant 0 : i32
      %dma_start3A_345 = arith.constant 0 : i32
      %dma_start3A_346 = tpu.memref_slice %arg4[%add3A_35, %add3A_27, %dma_start3A_344, %dma_start3A_345] : memref<32x4x24x128xi32, #tpu.memory_space<hbm>> -> memref<1x1x24x128xi32, #tpu.memory_space<hbm>>
      %dma_start3A_347 = tpu.memref_squeeze %dma_start3A_346 : memref<1x1x24x128xi32, #tpu.memory_space<hbm>> -> memref<24x128xi32, #tpu.memory_space<hbm>>
      %dma_start3A_348 = arith.constant 0 : i32
      %dma_start3A_349 = arith.constant 0 : i32
      %dma_start3A_350 = tpu.memref_slice %arg8[%dma_start3A_348, %dma_start3A_349] : memref<48x128xi32, #tpu.memory_space<vmem>> -> memref<24x128xi32, #tpu.memory_space<vmem>>
      %dma_start3A_351 = arith.constant 0 : i32
      %dma_start3A_352 = arith.constant 0 : i32
      %dma_start3A_353 = tpu.memref_slice %arg4[%add3A_35, %add3A_27, %dma_start3A_351, %dma_start3A_352] : memref<32x4x24x128xi32, #tpu.memory_space<hbm>> -> memref<1x1x24x128xi32, #tpu.memory_space<hbm>>
      %dma_start3A_354 = tpu.memref_squeeze %dma_start3A_353 : memref<1x1x24x128xi32, #tpu.memory_space<hbm>> -> memref<24x128xi32, #tpu.memory_space<hbm>>
      tpu.enqueue_dma source(%dma_start3A_354 : memref<24x128xi32, #tpu.memory_space<hbm>>) target(%dma_start3A_350 : memref<24x128xi32, #tpu.memory_space<vmem>>) target_semaphore(%run_scoped3A : memref<!tpu.dma_semaphore, #tpu.memory_space<semaphore_mem>>)
      %dma_wait3A = arith.constant 0 : i32
      %dma_wait3A_355 = arith.constant 0 : i32
      %dma_wait3A_356 = tpu.memref_slice %arg8[%dma_wait3A, %dma_wait3A_355] : memref<48x128xi32, #tpu.memory_space<vmem>> -> memref<24x128xi32, #tpu.memory_space<vmem>>
      %dma_wait3A_357 = arith.constant 0 : i32
      %dma_wait3A_358 = arith.constant 0 : i32
      %dma_wait3A_359 = tpu.memref_slice %arg4[%add3A_35, %add3A_27, %dma_wait3A_357, %dma_wait3A_358] : memref<32x4x24x128xi32, #tpu.memory_space<hbm>> -> memref<1x1x24x128xi32, #tpu.memory_space<hbm>>
      %dma_wait3A_360 = tpu.memref_squeeze %dma_wait3A_359 : memref<1x1x24x128xi32, #tpu.memory_space<hbm>> -> memref<24x128xi32, #tpu.memory_space<hbm>>
      %dma_wait3A_361 = arith.constant 0 : i32
      %dma_wait3A_362 = arith.constant 0 : i32
      %dma_wait3A_363 = tpu.memref_slice %arg8[%dma_wait3A_361, %dma_wait3A_362] : memref<48x128xi32, #tpu.memory_space<vmem>> -> memref<24x128xi32, #tpu.memory_space<vmem>>
      %dma_wait3A_364 = arith.constant 0 : i32
      %dma_wait3A_365 = arith.constant 0 : i32
      %dma_wait3A_366 = tpu.memref_slice %arg4[%add3A_35, %add3A_27, %dma_wait3A_364, %dma_wait3A_365] : memref<32x4x24x128xi32, #tpu.memory_space<hbm>> -> memref<1x1x24x128xi32, #tpu.memory_space<hbm>>
      %dma_wait3A_367 = tpu.memref_squeeze %dma_wait3A_366 : memref<1x1x24x128xi32, #tpu.memory_space<hbm>> -> memref<24x128xi32, #tpu.memory_space<hbm>>
      tpu.wait_dma2 semaphore(%run_scoped3A : memref<!tpu.dma_semaphore, #tpu.memory_space<semaphore_mem>>) src(%dma_wait3A_367 : memref<24x128xi32, #tpu.memory_space<hbm>>) dst(%dma_wait3A_363 : memref<24x128xi32, #tpu.memory_space<vmem>>)
      tpu.yield
    }) : () -> ()
    %mul3A_36 = arith.constant 2 : i32
    %mul3A_37 = arith.muli %mul3A_36, %arg1 : i32
    %add3A_38 = arith.constant 1 : i32
    %add3A_39 = arith.addi %mul3A_37, %add3A_38 : i32
    "tpu.region"() ({
      %run_scoped3A = tpu.sem_alloc : memref<!tpu.dma_semaphore, #tpu.memory_space<semaphore_mem>>
      %dma_start3A = arith.constant 24 : i32
      %dma_start3A_342 = arith.constant 0 : i32
      %dma_start3A_343 = tpu.memref_slice %arg7[%dma_start3A, %dma_start3A_342] : memref<48x128xi32, #tpu.memory_space<vmem>> -> memref<24x128xi32, #tpu.memory_space<vmem>>
      %dma_start3A_344 = arith.constant 0 : i32
      %dma_start3A_345 = arith.constant 0 : i32
      %dma_start3A_346 = tpu.memref_slice %arg3[%add3A_39, %add3A_27, %dma_start3A_344, %dma_start3A_345] : memref<32x4x24x128xi32, #tpu.memory_space<hbm>> -> memref<1x1x24x128xi32, #tpu.memory_space<hbm>>
      %dma_start3A_347 = tpu.memref_squeeze %dma_start3A_346 : memref<1x1x24x128xi32, #tpu.memory_space<hbm>> -> memref<24x128xi32, #tpu.memory_space<hbm>>
      %dma_start3A_348 = arith.constant 24 : i32
      %dma_start3A_349 = arith.constant 0 : i32
      %dma_start3A_350 = tpu.memref_slice %arg7[%dma_start3A_348, %dma_start3A_349] : memref<48x128xi32, #tpu.memory_space<vmem>> -> memref<24x128xi32, #tpu.memory_space<vmem>>
      %dma_start3A_351 = arith.constant 0 : i32
      %dma_start3A_352 = arith.constant 0 : i32
      %dma_start3A_353 = tpu.memref_slice %arg3[%add3A_39, %add3A_27, %dma_start3A_351, %dma_start3A_352] : memref<32x4x24x128xi32, #tpu.memory_space<hbm>> -> memref<1x1x24x128xi32, #tpu.memory_space<hbm>>
      %dma_start3A_354 = tpu.memref_squeeze %dma_start3A_353 : memref<1x1x24x128xi32, #tpu.memory_space<hbm>> -> memref<24x128xi32, #tpu.memory_space<hbm>>
      tpu.enqueue_dma source(%dma_start3A_354 : memref<24x128xi32, #tpu.memory_space<hbm>>) target(%dma_start3A_350 : memref<24x128xi32, #tpu.memory_space<vmem>>) target_semaphore(%run_scoped3A : memref<!tpu.dma_semaphore, #tpu.memory_space<semaphore_mem>>)
      %dma_wait3A = arith.constant 24 : i32
      %dma_wait3A_355 = arith.constant 0 : i32
      %dma_wait3A_356 = tpu.memref_slice %arg7[%dma_wait3A, %dma_wait3A_355] : memref<48x128xi32, #tpu.memory_space<vmem>> -> memref<24x128xi32, #tpu.memory_space<vmem>>
      %dma_wait3A_357 = arith.constant 0 : i32
      %dma_wait3A_358 = arith.constant 0 : i32
      %dma_wait3A_359 = tpu.memref_slice %arg3[%add3A_39, %add3A_27, %dma_wait3A_357, %dma_wait3A_358] : memref<32x4x24x128xi32, #tpu.memory_space<hbm>> -> memref<1x1x24x128xi32, #tpu.memory_space<hbm>>
      %dma_wait3A_360 = tpu.memref_squeeze %dma_wait3A_359 : memref<1x1x24x128xi32, #tpu.memory_space<hbm>> -> memref<24x128xi32, #tpu.memory_space<hbm>>
      %dma_wait3A_361 = arith.constant 24 : i32
      %dma_wait3A_362 = arith.constant 0 : i32
      %dma_wait3A_363 = tpu.memref_slice %arg7[%dma_wait3A_361, %dma_wait3A_362] : memref<48x128xi32, #tpu.memory_space<vmem>> -> memref<24x128xi32, #tpu.memory_space<vmem>>
      %dma_wait3A_364 = arith.constant 0 : i32
      %dma_wait3A_365 = arith.constant 0 : i32
      %dma_wait3A_366 = tpu.memref_slice %arg3[%add3A_39, %add3A_27, %dma_wait3A_364, %dma_wait3A_365] : memref<32x4x24x128xi32, #tpu.memory_space<hbm>> -> memref<1x1x24x128xi32, #tpu.memory_space<hbm>>
      %dma_wait3A_367 = tpu.memref_squeeze %dma_wait3A_366 : memref<1x1x24x128xi32, #tpu.memory_space<hbm>> -> memref<24x128xi32, #tpu.memory_space<hbm>>
      tpu.wait_dma2 semaphore(%run_scoped3A : memref<!tpu.dma_semaphore, #tpu.memory_space<semaphore_mem>>) src(%dma_wait3A_367 : memref<24x128xi32, #tpu.memory_space<hbm>>) dst(%dma_wait3A_363 : memref<24x128xi32, #tpu.memory_space<vmem>>)
      tpu.yield
    }) : () -> ()
    %mul3A_40 = arith.constant 2 : i32
    %mul3A_41 = arith.muli %mul3A_40, %arg1 : i32
    %add3A_42 = arith.constant 1 : i32
    %add3A_43 = arith.addi %mul3A_41, %add3A_42 : i32
    "tpu.region"() ({
      %run_scoped3A = tpu.sem_alloc : memref<!tpu.dma_semaphore, #tpu.memory_space<semaphore_mem>>
      %dma_start3A = arith.constant 24 : i32
      %dma_start3A_342 = arith.constant 0 : i32
      %dma_start3A_343 = tpu.memref_slice %arg8[%dma_start3A, %dma_start3A_342] : memref<48x128xi32, #tpu.memory_space<vmem>> -> memref<24x128xi32, #tpu.memory_space<vmem>>
      %dma_start3A_344 = arith.constant 0 : i32
      %dma_start3A_345 = arith.constant 0 : i32
      %dma_start3A_346 = tpu.memref_slice %arg4[%add3A_43, %add3A_27, %dma_start3A_344, %dma_start3A_345] : memref<32x4x24x128xi32, #tpu.memory_space<hbm>> -> memref<1x1x24x128xi32, #tpu.memory_space<hbm>>
      %dma_start3A_347 = tpu.memref_squeeze %dma_start3A_346 : memref<1x1x24x128xi32, #tpu.memory_space<hbm>> -> memref<24x128xi32, #tpu.memory_space<hbm>>
      %dma_start3A_348 = arith.constant 24 : i32
      %dma_start3A_349 = arith.constant 0 : i32
      %dma_start3A_350 = tpu.memref_slice %arg8[%dma_start3A_348, %dma_start3A_349] : memref<48x128xi32, #tpu.memory_space<vmem>> -> memref<24x128xi32, #tpu.memory_space<vmem>>
      %dma_start3A_351 = arith.constant 0 : i32
      %dma_start3A_352 = arith.constant 0 : i32
      %dma_start3A_353 = tpu.memref_slice %arg4[%add3A_43, %add3A_27, %dma_start3A_351, %dma_start3A_352] : memref<32x4x24x128xi32, #tpu.memory_space<hbm>> -> memref<1x1x24x128xi32, #tpu.memory_space<hbm>>
      %dma_start3A_354 = tpu.memref_squeeze %dma_start3A_353 : memref<1x1x24x128xi32, #tpu.memory_space<hbm>> -> memref<24x128xi32, #tpu.memory_space<hbm>>
      tpu.enqueue_dma source(%dma_start3A_354 : memref<24x128xi32, #tpu.memory_space<hbm>>) target(%dma_start3A_350 : memref<24x128xi32, #tpu.memory_space<vmem>>) target_semaphore(%run_scoped3A : memref<!tpu.dma_semaphore, #tpu.memory_space<semaphore_mem>>)
      %dma_wait3A = arith.constant 24 : i32
      %dma_wait3A_355 = arith.constant 0 : i32
      %dma_wait3A_356 = tpu.memref_slice %arg8[%dma_wait3A, %dma_wait3A_355] : memref<48x128xi32, #tpu.memory_space<vmem>> -> memref<24x128xi32, #tpu.memory_space<vmem>>
      %dma_wait3A_357 = arith.constant 0 : i32
      %dma_wait3A_358 = arith.constant 0 : i32
      %dma_wait3A_359 = tpu.memref_slice %arg4[%add3A_43, %add3A_27, %dma_wait3A_357, %dma_wait3A_358] : memref<32x4x24x128xi32, #tpu.memory_space<hbm>> -> memref<1x1x24x128xi32, #tpu.memory_space<hbm>>
      %dma_wait3A_360 = tpu.memref_squeeze %dma_wait3A_359 : memref<1x1x24x128xi32, #tpu.memory_space<hbm>> -> memref<24x128xi32, #tpu.memory_space<hbm>>
      %dma_wait3A_361 = arith.constant 24 : i32
      %dma_wait3A_362 = arith.constant 0 : i32
      %dma_wait3A_363 = tpu.memref_slice %arg8[%dma_wait3A_361, %dma_wait3A_362] : memref<48x128xi32, #tpu.memory_space<vmem>> -> memref<24x128xi32, #tpu.memory_space<vmem>>
      %dma_wait3A_364 = arith.constant 0 : i32
      %dma_wait3A_365 = arith.constant 0 : i32
      %dma_wait3A_366 = tpu.memref_slice %arg4[%add3A_43, %add3A_27, %dma_wait3A_364, %dma_wait3A_365] : memref<32x4x24x128xi32, #tpu.memory_space<hbm>> -> memref<1x1x24x128xi32, #tpu.memory_space<hbm>>
      %dma_wait3A_367 = tpu.memref_squeeze %dma_wait3A_366 : memref<1x1x24x128xi32, #tpu.memory_space<hbm>> -> memref<24x128xi32, #tpu.memory_space<hbm>>
      tpu.wait_dma2 semaphore(%run_scoped3A : memref<!tpu.dma_semaphore, #tpu.memory_space<semaphore_mem>>) src(%dma_wait3A_367 : memref<24x128xi32, #tpu.memory_space<hbm>>) dst(%dma_wait3A_363 : memref<24x128xi32, #tpu.memory_space<vmem>>)
      tpu.yield
    }) : () -> ()
    %eq3A = vector.broadcast %add3A_27 : i32 to vector<16xi32>
    %eq3A_44 = arith.cmpi eq, %iota3A, %eq3A : vector<16xi32>
    %get3A = arith.constant 0 : index
    %get3A_45 = tpu.vector_load %arg11[%get3A] {strides = array<i32>} : memref<16xi32, #tpu.memory_space<vmem>>, vector<16xi32>,
    %jit3A = arith.constant 0 : i32
    %broadcast_in_dim3A_46 = vector.broadcast %jit3A : i32 to vector<16xi32>
    %select_n3A = arith.select %eq3A_44, %get3A_45, %broadcast_in_dim3A_46 : vector<16xi1>, vector<16xi32>
    %reduce_sum3A = arith.constant true
    %reduce_sum3A_47 = vector.broadcast %reduce_sum3A : i1 to vector<16xi1>
    %reduce_sum3A_48 = tpu.scan <sum>, %select_n3A masked %reduce_sum3A_47 : vector<16xi32>, vector<16xi1> -> vector<16xi32>
    %reduce_sum3A_49 = vector.extract %reduce_sum3A_48[15] : i32 from vector<16xi32>
    %eq3A_50 = vector.broadcast %add3A_27 : i32 to vector<16xi32>
    %eq3A_51 = arith.cmpi eq, %iota3A, %eq3A_50 : vector<16xi32>
    %get3A_52 = arith.constant 0 : index
    %get3A_53 = tpu.vector_load %arg12[%get3A_52] {strides = array<i32>} : memref<16xi32, #tpu.memory_space<vmem>>, vector<16xi32>,
    %jit3A_54 = arith.constant 0 : i32
    %broadcast_in_dim3A_55 = vector.broadcast %jit3A_54 : i32 to vector<16xi32>
    %select_n3A_56 = arith.select %eq3A_51, %get3A_53, %broadcast_in_dim3A_55 : vector<16xi1>, vector<16xi32>
    %reduce_sum3A_57 = arith.constant true
    %reduce_sum3A_58 = vector.broadcast %reduce_sum3A_57 : i1 to vector<16xi1>
    %reduce_sum3A_59 = tpu.scan <sum>, %select_n3A_56 masked %reduce_sum3A_58 : vector<16xi32>, vector<16xi1> -> vector<16xi32>
    %reduce_sum3A_60 = vector.extract %reduce_sum3A_59[15] : i32 from vector<16xi32>
    %add3A_61 = arith.constant 128 : i32
    %add3A_62 = arith.addi %reduce_sum3A_49, %add3A_61 : i32
    %sub3A_63 = arith.constant 1 : i32
    %sub3A_64 = arith.subi %add3A_62, %sub3A_63 : i32
    %jit3A_65 = arith.constant 128 : i32
    %div3A = arith.divsi %sub3A_64, %jit3A_65 : i32
    %sign3A = arith.constant 0 : i32
    %sign3A_66 = arith.cmpi sgt, %sub3A_64, %sign3A : i32
    %sign3A_67 = arith.extui %sign3A_66 : i1 to i32
    %sign3A_68 = arith.constant 0 : i32
    %sign3A_69 = arith.cmpi slt, %sub3A_64, %sign3A_68 : i32
    %sign3A_70 = arith.extui %sign3A_69 : i1 to i32
    %sign3A_71 = arith.subi %sign3A_67, %sign3A_70 : i32
    %sign3A_72 = arith.constant 0 : i32
    %sign3A_73 = arith.cmpi sgt, %jit3A_65, %sign3A_72 : i32
    %sign3A_74 = arith.extui %sign3A_73 : i1 to i32
    %sign3A_75 = arith.constant 0 : i32
    %sign3A_76 = arith.cmpi slt, %jit3A_65, %sign3A_75 : i32
    %sign3A_77 = arith.extui %sign3A_76 : i1 to i32
    %sign3A_78 = arith.subi %sign3A_74, %sign3A_77 : i32
    %ne3A = arith.cmpi ne, %sign3A_71, %sign3A_78 : i32
    %rem3A = arith.remsi %sub3A_64, %jit3A_65 : i32
    %ne3A_79 = arith.constant 0 : i32
    %ne3A_80 = arith.cmpi ne, %rem3A, %ne3A_79 : i32
    %and3A = arith.andi %ne3A, %ne3A_80 : i1
    %sub3A_81 = arith.constant 1 : i32
    %sub3A_82 = arith.subi %div3A, %sub3A_81 : i32
    %select_n3A_83 = arith.select %and3A, %sub3A_82, %div3A : i32
    %add3A_84 = arith.constant 128 : i32
    %add3A_85 = arith.addi %reduce_sum3A_60, %add3A_84 : i32
    %sub3A_86 = arith.constant 1 : i32
    %sub3A_87 = arith.subi %add3A_85, %sub3A_86 : i32
    %jit3A_88 = arith.constant 128 : i32
    %div3A_89 = arith.divsi %sub3A_87, %jit3A_88 : i32
    %sign3A_90 = arith.constant 0 : i32
    %sign3A_91 = arith.cmpi sgt, %sub3A_87, %sign3A_90 : i32
    %sign3A_92 = arith.extui %sign3A_91 : i1 to i32
    %sign3A_93 = arith.constant 0 : i32
    %sign3A_94 = arith.cmpi slt, %sub3A_87, %sign3A_93 : i32
    %sign3A_95 = arith.extui %sign3A_94 : i1 to i32
    %sign3A_96 = arith.subi %sign3A_92, %sign3A_95 : i32
    %sign3A_97 = arith.constant 0 : i32
    %sign3A_98 = arith.cmpi sgt, %jit3A_88, %sign3A_97 : i32
    %sign3A_99 = arith.extui %sign3A_98 : i1 to i32
    %sign3A_100 = arith.constant 0 : i32
    %sign3A_101 = arith.cmpi slt, %jit3A_88, %sign3A_100 : i32
    %sign3A_102 = arith.extui %sign3A_101 : i1 to i32
    %sign3A_103 = arith.subi %sign3A_99, %sign3A_102 : i32
    %ne3A_104 = arith.cmpi ne, %sign3A_96, %sign3A_103 : i32
    %rem3A_105 = arith.remsi %sub3A_87, %jit3A_88 : i32
    %ne3A_106 = arith.constant 0 : i32
    %ne3A_107 = arith.cmpi ne, %rem3A_105, %ne3A_106 : i32
    %and3A_108 = arith.andi %ne3A_104, %ne3A_107 : i1
    %sub3A_109 = arith.constant 1 : i32
    %sub3A_110 = arith.subi %div3A_89, %sub3A_109 : i32
    %select_n3A_111 = arith.select %and3A_108, %sub3A_110, %div3A_89 : i32
    %add3A_112 = arith.addi %select_n3A_83, %select_n3A_111 : i32
    %gt3A = arith.constant 0 : i32
    %gt3A_113 = arith.cmpi sgt, %add3A_112, %gt3A : i32
    %convert_element_type3A = arith.extui %gt3A_113 : i1 to i32
    %cond3A = arith.constant 0 : i32
    %cond3A_114 = arith.cmpi ne, %convert_element_type3A, %cond3A : i32
    scf.if %cond3A_114 {
      %gt3A_342 = arith.constant 0 : i32
      %gt3A_343 = arith.cmpi sgt, %select_n3A_83, %gt3A_342 : i32
      %sub3A_344 = arith.constant 24 : i32
      %sub3A_345 = arith.subi %sub3A_344, %select_n3A_83 : i32
      %jit3A_346 = arith.constant 0 : i32
      %select_n3A_347 = arith.select %gt3A_343, %jit3A_346, %sub3A_345 : i32
      %dma_start3A = arith.constant 0 : i32
      %dma_start3A_348 = tpu.memref_slice %arg7[%select_n3A_347, %dma_start3A] : memref<48x128xi32, #tpu.memory_space<vmem>> -> memref<1x128xi32, #tpu.memory_space<vmem>>
      %dma_start3A_349 = tpu.memref_squeeze %dma_start3A_348 : memref<1x128xi32, #tpu.memory_space<vmem>> -> memref<128xi32, #tpu.memory_space<vmem>>
      %dma_start3A_350 = arith.constant 0 : i32
      %dma_start3A_351 = arith.constant 0 : i32
      %dma_start3A_352 = tpu.memref_slice %arg13[%dma_start3A_350, %dma_start3A_351] : memref<5120x128xf32, #tpu.memory_space<vmem_shared>> -> memref<5120x128xf32, #tpu.memory_space<vmem_shared>>
      tpu.enqueue_indirect_dma source(%dma_start3A_352 : memref<5120x128xf32, #tpu.memory_space<vmem_shared>>) target(%arg9 : memref<128x128xf32, #tpu.memory_space<vmem>>) offsets(%dma_start3A_349 : memref<128xi32, #tpu.memory_space<vmem>>) semaphore(%arg15 : memref<!tpu.dma_semaphore, #tpu.memory_space<semaphore_mem>>)
    } else {
    }
    %add3A_115 = arith.constant 1 : i32
    %add3A_116 = arith.addi %add3A_112, %add3A_115 : i32
    %jit3A_117 = arith.constant 2 : i32
    %div3A_118 = arith.divsi %add3A_116, %jit3A_117 : i32
    %sign3A_119 = arith.constant 0 : i32
    %sign3A_120 = arith.cmpi sgt, %add3A_116, %sign3A_119 : i32
    %sign3A_121 = arith.extui %sign3A_120 : i1 to i32
    %sign3A_122 = arith.constant 0 : i32
    %sign3A_123 = arith.cmpi slt, %add3A_116, %sign3A_122 : i32
    %sign3A_124 = arith.extui %sign3A_123 : i1 to i32
    %sign3A_125 = arith.subi %sign3A_121, %sign3A_124 : i32
    %sign3A_126 = arith.constant 0 : i32
    %sign3A_127 = arith.cmpi sgt, %jit3A_117, %sign3A_126 : i32
    %sign3A_128 = arith.extui %sign3A_127 : i1 to i32
    %sign3A_129 = arith.constant 0 : i32
    %sign3A_130 = arith.cmpi slt, %jit3A_117, %sign3A_129 : i32
    %sign3A_131 = arith.extui %sign3A_130 : i1 to i32
    %sign3A_132 = arith.subi %sign3A_128, %sign3A_131 : i32
    %ne3A_133 = arith.cmpi ne, %sign3A_125, %sign3A_132 : i32
    %rem3A_134 = arith.remsi %add3A_116, %jit3A_117 : i32
    %ne3A_135 = arith.constant 0 : i32
    %ne3A_136 = arith.cmpi ne, %rem3A_134, %ne3A_135 : i32
    %and3A_137 = arith.andi %ne3A_133, %ne3A_136 : i1
    %sub3A_138 = arith.constant 1 : i32
    %sub3A_139 = arith.subi %div3A_118, %sub3A_138 : i32
    %select_n3A_140 = arith.select %and3A_137, %sub3A_139, %div3A_118 : i32
    %sub3A_141 = arith.constant 0 : i32
    %sub3A_142 = arith.subi %select_n3A_140, %sub3A_141 : i32
    %sub3A_143 = arith.constant 1 : i32
    %sub3A_144 = arith.constant 1 : i32
    %sub3A_145 = arith.subi %sub3A_143, %sub3A_144 : i32
    %add3A_146 = arith.addi %sub3A_142, %sub3A_145 : i32
    %div3A_147 = arith.constant 1 : i32
    %div3A_148 = arith.divsi %add3A_146, %div3A_147 : i32
    %while3A = arith.constant 1 : i32
    %while3A_149 = arith.constant 0 : i32
    %while3A_150 = arith.constant 0 : i32
    %while3A_151 = arith.subi %div3A_148, %while3A_150 : i32
    %while3A_152 = arith.addi %while3A_150, %while3A_151 : i32
    %while3A_153 = arith.constant 1 : i32
    %while3A_154 = arith.divsi %while3A_151, %while3A_153 : i32
    %while3A_155 = arith.muli %while3A_154, %while3A_153 : i32
    %while3A_156 = arith.addi %while3A_150, %while3A_155 : i32
    %while3A_157 = arith.constant 1 : i32
    scf.for %while3A_342 = %while3A_150 to %while3A_156 step %while3A_157  : i32 {
      %mul3A_343 = arith.muli %while3A_342, %while3A : i32
      %add3A_344 = arith.addi %while3A_149, %mul3A_343 : i32
      %mul3A_345 = arith.constant 2 : i32
      %mul3A_346 = arith.muli %add3A_344, %mul3A_345 : i32
      %add3A_347 = arith.constant 0 : i32
      %add3A_348 = arith.addi %mul3A_346, %add3A_347 : i32
      %lt3A = arith.cmpi slt, %add3A_348, %select_n3A_83 : i32
      %add3A_349 = arith.constant 24 : i32
      %add3A_350 = arith.addi %add3A_349, %add3A_348 : i32
      %sub3A_351 = arith.subi %add3A_350, %select_n3A_83 : i32
      %select_n3A_352 = arith.select %lt3A, %add3A_348, %sub3A_351 : i32
      %lt3A_353 = arith.cmpi slt, %add3A_348, %add3A_112 : i32
      %convert_element_type3A_354 = arith.extui %lt3A_353 : i1 to i32
      %cond3A_355 = arith.constant 0 : i32
      %cond3A_356 = arith.cmpi ne, %convert_element_type3A_354, %cond3A_355 : i32
      scf.if %cond3A_356 {
        %dma_wait3A = arith.constant 0 : i32
        %dma_wait3A_400 = tpu.memref_slice %arg7[%select_n3A_352, %dma_wait3A] : memref<48x128xi32, #tpu.memory_space<vmem>> -> memref<1x128xi32, #tpu.memory_space<vmem>>
        %dma_wait3A_401 = tpu.memref_squeeze %dma_wait3A_400 : memref<1x128xi32, #tpu.memory_space<vmem>> -> memref<128xi32, #tpu.memory_space<vmem>>
        %dma_wait3A_402 = arith.constant 0 : i32
        %dma_wait3A_403 = arith.constant 0 : i32
        %dma_wait3A_404 = tpu.memref_slice %arg13[%dma_wait3A_402, %dma_wait3A_403] : memref<5120x128xf32, #tpu.memory_space<vmem_shared>> -> memref<5120x128xf32, #tpu.memory_space<vmem_shared>>
        tpu.wait_indirect_dma semaphore(%arg15 : memref<!tpu.dma_semaphore, #tpu.memory_space<semaphore_mem>>) src(%dma_wait3A_404 : memref<5120x128xf32, #tpu.memory_space<vmem_shared>>) dst(%arg9 : memref<128x128xf32, #tpu.memory_space<vmem>>)
        %dma_start3A = arith.constant 0 : i32
        %dma_start3A_405 = tpu.memref_slice %arg8[%select_n3A_352, %dma_start3A] : memref<48x128xi32, #tpu.memory_space<vmem>> -> memref<1x128xi32, #tpu.memory_space<vmem>>
        %dma_start3A_406 = tpu.memref_squeeze %dma_start3A_405 : memref<1x128xi32, #tpu.memory_space<vmem>> -> memref<128xi32, #tpu.memory_space<vmem>>
        %dma_start3A_407 = arith.constant 0 : i32
        %dma_start3A_408 = arith.constant 0 : i32
        %dma_start3A_409 = tpu.memref_slice %arg14[%dma_start3A_407, %dma_start3A_408] : memref<5120x128xf32, #tpu.memory_space<vmem_shared>> -> memref<5120x128xf32, #tpu.memory_space<vmem_shared>>
        tpu.enqueue_indirect_dma source(%arg9 : memref<128x128xf32, #tpu.memory_space<vmem>>) target(%dma_start3A_409 : memref<5120x128xf32, #tpu.memory_space<vmem_shared>>) offsets(%dma_start3A_406 : memref<128xi32, #tpu.memory_space<vmem>>) semaphore(%arg16 : memref<!tpu.dma_semaphore, #tpu.memory_space<semaphore_mem>>) {add = true}
      } else {
      }
      %add3A_357 = arith.constant 1 : i32
      %add3A_358 = arith.addi %add3A_348, %add3A_357 : i32
      %lt3A_359 = arith.cmpi slt, %add3A_358, %add3A_112 : i32
      %gt3A_360 = arith.constant 0 : i32
      %gt3A_361 = arith.cmpi sgt, %add3A_348, %gt3A_360 : i32
      %and3A_362 = arith.andi %lt3A_359, %gt3A_361 : i1
      %convert_element_type3A_363 = arith.extui %and3A_362 : i1 to i32
      %cond3A_364 = arith.constant 0 : i32
      %cond3A_365 = arith.cmpi ne, %convert_element_type3A_363, %cond3A_364 : i32
      scf.if %cond3A_365 {
        %dma_wait3A = arith.constant 0 : i32
        %dma_wait3A_400 = arith.constant 0 : i32
        %dma_wait3A_401 = tpu.memref_slice %arg8[%dma_wait3A, %dma_wait3A_400] : memref<48x128xi32, #tpu.memory_space<vmem>> -> memref<1x128xi32, #tpu.memory_space<vmem>>
        %dma_wait3A_402 = tpu.memref_squeeze %dma_wait3A_401 : memref<1x128xi32, #tpu.memory_space<vmem>> -> memref<128xi32, #tpu.memory_space<vmem>>
        %dma_wait3A_403 = arith.constant 0 : i32
        %dma_wait3A_404 = arith.constant 0 : i32
        %dma_wait3A_405 = tpu.memref_slice %arg14[%dma_wait3A_403, %dma_wait3A_404] : memref<5120x128xf32, #tpu.memory_space<vmem_shared>> -> memref<5120x128xf32, #tpu.memory_space<vmem_shared>>
        tpu.wait_indirect_dma semaphore(%arg16 : memref<!tpu.dma_semaphore, #tpu.memory_space<semaphore_mem>>) src(%arg9 : memref<128x128xf32, #tpu.memory_space<vmem>>) dst(%dma_wait3A_405 : memref<5120x128xf32, #tpu.memory_space<vmem_shared>>)
      } else {
      }
      %add3A_366 = arith.constant 1 : i32
      %add3A_367 = arith.addi %add3A_348, %add3A_366 : i32
      %lt3A_368 = arith.cmpi slt, %add3A_367, %add3A_112 : i32
      %convert_element_type3A_369 = arith.extui %lt3A_368 : i1 to i32
      %cond3A_370 = arith.constant 0 : i32
      %cond3A_371 = arith.cmpi ne, %convert_element_type3A_369, %cond3A_370 : i32
      scf.if %cond3A_371 {
        %add3A_400 = arith.constant 1 : i32
        %add3A_401 = arith.addi %add3A_348, %add3A_400 : i32
        %lt3A_402 = arith.cmpi slt, %add3A_401, %select_n3A_83 : i32
        %add3A_403 = arith.constant 24 : i32
        %add3A_404 = arith.addi %add3A_403, %add3A_401 : i32
        %sub3A_405 = arith.subi %add3A_404, %select_n3A_83 : i32
        %select_n3A_406 = arith.select %lt3A_402, %add3A_401, %sub3A_405 : i32
        %dma_start3A = arith.constant 0 : i32
        %dma_start3A_407 = tpu.memref_slice %arg7[%select_n3A_406, %dma_start3A] : memref<48x128xi32, #tpu.memory_space<vmem>> -> memref<1x128xi32, #tpu.memory_space<vmem>>
        %dma_start3A_408 = tpu.memref_squeeze %dma_start3A_407 : memref<1x128xi32, #tpu.memory_space<vmem>> -> memref<128xi32, #tpu.memory_space<vmem>>
        %dma_start3A_409 = arith.constant 0 : i32
        %dma_start3A_410 = arith.constant 0 : i32
        %dma_start3A_411 = tpu.memref_slice %arg13[%dma_start3A_409, %dma_start3A_410] : memref<5120x128xf32, #tpu.memory_space<vmem_shared>> -> memref<5120x128xf32, #tpu.memory_space<vmem_shared>>
        tpu.enqueue_indirect_dma source(%dma_start3A_411 : memref<5120x128xf32, #tpu.memory_space<vmem_shared>>) target(%arg10 : memref<128x128xf32, #tpu.memory_space<vmem>>) offsets(%dma_start3A_408 : memref<128xi32, #tpu.memory_space<vmem>>) semaphore(%arg15 : memref<!tpu.dma_semaphore, #tpu.memory_space<semaphore_mem>>)
      } else {
      }
      %mul3A_372 = arith.constant 2 : i32
      %mul3A_373 = arith.muli %add3A_344, %mul3A_372 : i32
      %add3A_374 = arith.constant 1 : i32
      %add3A_375 = arith.addi %mul3A_373, %add3A_374 : i32
      %lt3A_376 = arith.cmpi slt, %add3A_375, %select_n3A_83 : i32
      %add3A_377 = arith.constant 24 : i32
      %add3A_378 = arith.addi %add3A_377, %add3A_375 : i32
      %sub3A_379 = arith.subi %add3A_378, %select_n3A_83 : i32
      %select_n3A_380 = arith.select %lt3A_376, %add3A_375, %sub3A_379 : i32
      %lt3A_381 = arith.cmpi slt, %add3A_375, %add3A_112 : i32
      %convert_element_type3A_382 = arith.extui %lt3A_381 : i1 to i32
      %cond3A_383 = arith.constant 0 : i32
      %cond3A_384 = arith.cmpi ne, %convert_element_type3A_382, %cond3A_383 : i32
      scf.if %cond3A_384 {
        %dma_wait3A = arith.constant 0 : i32
        %dma_wait3A_400 = tpu.memref_slice %arg7[%select_n3A_380, %dma_wait3A] : memref<48x128xi32, #tpu.memory_space<vmem>> -> memref<1x128xi32, #tpu.memory_space<vmem>>
        %dma_wait3A_401 = tpu.memref_squeeze %dma_wait3A_400 : memref<1x128xi32, #tpu.memory_space<vmem>> -> memref<128xi32, #tpu.memory_space<vmem>>
        %dma_wait3A_402 = arith.constant 0 : i32
        %dma_wait3A_403 = arith.constant 0 : i32
        %dma_wait3A_404 = tpu.memref_slice %arg13[%dma_wait3A_402, %dma_wait3A_403] : memref<5120x128xf32, #tpu.memory_space<vmem_shared>> -> memref<5120x128xf32, #tpu.memory_space<vmem_shared>>
        tpu.wait_indirect_dma semaphore(%arg15 : memref<!tpu.dma_semaphore, #tpu.memory_space<semaphore_mem>>) src(%dma_wait3A_404 : memref<5120x128xf32, #tpu.memory_space<vmem_shared>>) dst(%arg10 : memref<128x128xf32, #tpu.memory_space<vmem>>)
        %dma_start3A = arith.constant 0 : i32
        %dma_start3A_405 = tpu.memref_slice %arg8[%select_n3A_380, %dma_start3A] : memref<48x128xi32, #tpu.memory_space<vmem>> -> memref<1x128xi32, #tpu.memory_space<vmem>>
        %dma_start3A_406 = tpu.memref_squeeze %dma_start3A_405 : memref<1x128xi32, #tpu.memory_space<vmem>> -> memref<128xi32, #tpu.memory_space<vmem>>
        %dma_start3A_407 = arith.constant 0 : i32
        %dma_start3A_408 = arith.constant 0 : i32
        %dma_start3A_409 = tpu.memref_slice %arg14[%dma_start3A_407, %dma_start3A_408] : memref<5120x128xf32, #tpu.memory_space<vmem_shared>> -> memref<5120x128xf32, #tpu.memory_space<vmem_shared>>
        tpu.enqueue_indirect_dma source(%arg10 : memref<128x128xf32, #tpu.memory_space<vmem>>) target(%dma_start3A_409 : memref<5120x128xf32, #tpu.memory_space<vmem_shared>>) offsets(%dma_start3A_406 : memref<128xi32, #tpu.memory_space<vmem>>) semaphore(%arg16 : memref<!tpu.dma_semaphore, #tpu.memory_space<semaphore_mem>>) {add = true}
      } else {
      }
      %add3A_385 = arith.constant 1 : i32
      %add3A_386 = arith.addi %add3A_375, %add3A_385 : i32
      %lt3A_387 = arith.cmpi slt, %add3A_386, %add3A_112 : i32
      %gt3A_388 = arith.constant 0 : i32
      %gt3A_389 = arith.cmpi sgt, %add3A_375, %gt3A_388 : i32
      %and3A_390 = arith.andi %lt3A_387, %gt3A_389 : i1
      %convert_element_type3A_391 = arith.extui %and3A_390 : i1 to i32
      %cond3A_392 = arith.constant 0 : i32
      %cond3A_393 = arith.cmpi ne, %convert_element_type3A_391, %cond3A_392 : i32
      scf.if %cond3A_393 {
        %dma_wait3A = arith.constant 0 : i32
        %dma_wait3A_400 = arith.constant 0 : i32
        %dma_wait3A_401 = tpu.memref_slice %arg8[%dma_wait3A, %dma_wait3A_400] : memref<48x128xi32, #tpu.memory_space<vmem>> -> memref<1x128xi32, #tpu.memory_space<vmem>>
        %dma_wait3A_402 = tpu.memref_squeeze %dma_wait3A_401 : memref<1x128xi32, #tpu.memory_space<vmem>> -> memref<128xi32, #tpu.memory_space<vmem>>
        %dma_wait3A_403 = arith.constant 0 : i32
        %dma_wait3A_404 = arith.constant 0 : i32
        %dma_wait3A_405 = tpu.memref_slice %arg14[%dma_wait3A_403, %dma_wait3A_404] : memref<5120x128xf32, #tpu.memory_space<vmem_shared>> -> memref<5120x128xf32, #tpu.memory_space<vmem_shared>>
        tpu.wait_indirect_dma semaphore(%arg16 : memref<!tpu.dma_semaphore, #tpu.memory_space<semaphore_mem>>) src(%arg9 : memref<128x128xf32, #tpu.memory_space<vmem>>) dst(%dma_wait3A_405 : memref<5120x128xf32, #tpu.memory_space<vmem_shared>>)
      } else {
      }
      %add3A_394 = arith.constant 1 : i32
      %add3A_395 = arith.addi %add3A_375, %add3A_394 : i32
      %lt3A_396 = arith.cmpi slt, %add3A_395, %add3A_112 : i32
      %convert_element_type3A_397 = arith.extui %lt3A_396 : i1 to i32
      %cond3A_398 = arith.constant 0 : i32
      %cond3A_399 = arith.cmpi ne, %convert_element_type3A_397, %cond3A_398 : i32
      scf.if %cond3A_399 {
        %add3A_400 = arith.constant 1 : i32
        %add3A_401 = arith.addi %add3A_375, %add3A_400 : i32
        %lt3A_402 = arith.cmpi slt, %add3A_401, %select_n3A_83 : i32
        %add3A_403 = arith.constant 24 : i32
        %add3A_404 = arith.addi %add3A_403, %add3A_401 : i32
        %sub3A_405 = arith.subi %add3A_404, %select_n3A_83 : i32
        %select_n3A_406 = arith.select %lt3A_402, %add3A_401, %sub3A_405 : i32
        %dma_start3A = arith.constant 0 : i32
        %dma_start3A_407 = tpu.memref_slice %arg7[%select_n3A_406, %dma_start3A] : memref<48x128xi32, #tpu.memory_space<vmem>> -> memref<1x128xi32, #tpu.memory_space<vmem>>
        %dma_start3A_408 = tpu.memref_squeeze %dma_start3A_407 : memref<1x128xi32, #tpu.memory_space<vmem>> -> memref<128xi32, #tpu.memory_space<vmem>>
        %dma_start3A_409 = arith.constant 0 : i32
        %dma_start3A_410 = arith.constant 0 : i32
        %dma_start3A_411 = tpu.memref_slice %arg13[%dma_start3A_409, %dma_start3A_410] : memref<5120x128xf32, #tpu.memory_space<vmem_shared>> -> memref<5120x128xf32, #tpu.memory_space<vmem_shared>>
        tpu.enqueue_indirect_dma source(%dma_start3A_411 : memref<5120x128xf32, #tpu.memory_space<vmem_shared>>) target(%arg9 : memref<128x128xf32, #tpu.memory_space<vmem>>) offsets(%dma_start3A_408 : memref<128xi32, #tpu.memory_space<vmem>>) semaphore(%arg15 : memref<!tpu.dma_semaphore, #tpu.memory_space<semaphore_mem>>)
      } else {
      }
    }
    %while3A_158 = arith.constant 1 : i32
    scf.for %while3A_342 = %while3A_156 to %while3A_152 step %while3A_158  : i32 {
      %mul3A_343 = arith.muli %while3A_342, %while3A : i32
      %add3A_344 = arith.addi %while3A_149, %mul3A_343 : i32
      %mul3A_345 = arith.constant 2 : i32
      %mul3A_346 = arith.muli %add3A_344, %mul3A_345 : i32
      %add3A_347 = arith.constant 0 : i32
      %add3A_348 = arith.addi %mul3A_346, %add3A_347 : i32
      %lt3A = arith.cmpi slt, %add3A_348, %select_n3A_83 : i32
      %add3A_349 = arith.constant 24 : i32
      %add3A_350 = arith.addi %add3A_349, %add3A_348 : i32
      %sub3A_351 = arith.subi %add3A_350, %select_n3A_83 : i32
      %select_n3A_352 = arith.select %lt3A, %add3A_348, %sub3A_351 : i32
      %lt3A_353 = arith.cmpi slt, %add3A_348, %add3A_112 : i32
      %convert_element_type3A_354 = arith.extui %lt3A_353 : i1 to i32
      %cond3A_355 = arith.constant 0 : i32
      %cond3A_356 = arith.cmpi ne, %convert_element_type3A_354, %cond3A_355 : i32
      scf.if %cond3A_356 {
        %dma_wait3A = arith.constant 0 : i32
        %dma_wait3A_400 = tpu.memref_slice %arg7[%select_n3A_352, %dma_wait3A] : memref<48x128xi32, #tpu.memory_space<vmem>> -> memref<1x128xi32, #tpu.memory_space<vmem>>
        %dma_wait3A_401 = tpu.memref_squeeze %dma_wait3A_400 : memref<1x128xi32, #tpu.memory_space<vmem>> -> memref<128xi32, #tpu.memory_space<vmem>>
        %dma_wait3A_402 = arith.constant 0 : i32
        %dma_wait3A_403 = arith.constant 0 : i32
        %dma_wait3A_404 = tpu.memref_slice %arg13[%dma_wait3A_402, %dma_wait3A_403] : memref<5120x128xf32, #tpu.memory_space<vmem_shared>> -> memref<5120x128xf32, #tpu.memory_space<vmem_shared>>
        tpu.wait_indirect_dma semaphore(%arg15 : memref<!tpu.dma_semaphore, #tpu.memory_space<semaphore_mem>>) src(%dma_wait3A_404 : memref<5120x128xf32, #tpu.memory_space<vmem_shared>>) dst(%arg9 : memref<128x128xf32, #tpu.memory_space<vmem>>)
        %dma_start3A = arith.constant 0 : i32
        %dma_start3A_405 = tpu.memref_slice %arg8[%select_n3A_352, %dma_start3A] : memref<48x128xi32, #tpu.memory_space<vmem>> -> memref<1x128xi32, #tpu.memory_space<vmem>>
        %dma_start3A_406 = tpu.memref_squeeze %dma_start3A_405 : memref<1x128xi32, #tpu.memory_space<vmem>> -> memref<128xi32, #tpu.memory_space<vmem>>
        %dma_start3A_407 = arith.constant 0 : i32
        %dma_start3A_408 = arith.constant 0 : i32
        %dma_start3A_409 = tpu.memref_slice %arg14[%dma_start3A_407, %dma_start3A_408] : memref<5120x128xf32, #tpu.memory_space<vmem_shared>> -> memref<5120x128xf32, #tpu.memory_space<vmem_shared>>
        tpu.enqueue_indirect_dma source(%arg9 : memref<128x128xf32, #tpu.memory_space<vmem>>) target(%dma_start3A_409 : memref<5120x128xf32, #tpu.memory_space<vmem_shared>>) offsets(%dma_start3A_406 : memref<128xi32, #tpu.memory_space<vmem>>) semaphore(%arg16 : memref<!tpu.dma_semaphore, #tpu.memory_space<semaphore_mem>>) {add = true}
      } else {
      }
      %add3A_357 = arith.constant 1 : i32
      %add3A_358 = arith.addi %add3A_348, %add3A_357 : i32
      %lt3A_359 = arith.cmpi slt, %add3A_358, %add3A_112 : i32
      %gt3A_360 = arith.constant 0 : i32
      %gt3A_361 = arith.cmpi sgt, %add3A_348, %gt3A_360 : i32
      %and3A_362 = arith.andi %lt3A_359, %gt3A_361 : i1
      %convert_element_type3A_363 = arith.extui %and3A_362 : i1 to i32
      %cond3A_364 = arith.constant 0 : i32
      %cond3A_365 = arith.cmpi ne, %convert_element_type3A_363, %cond3A_364 : i32
      scf.if %cond3A_365 {
        %dma_wait3A = arith.constant 0 : i32
        %dma_wait3A_400 = arith.constant 0 : i32
        %dma_wait3A_401 = tpu.memref_slice %arg8[%dma_wait3A, %dma_wait3A_400] : memref<48x128xi32, #tpu.memory_space<vmem>> -> memref<1x128xi32, #tpu.memory_space<vmem>>
        %dma_wait3A_402 = tpu.memref_squeeze %dma_wait3A_401 : memref<1x128xi32, #tpu.memory_space<vmem>> -> memref<128xi32, #tpu.memory_space<vmem>>
        %dma_wait3A_403 = arith.constant 0 : i32
        %dma_wait3A_404 = arith.constant 0 : i32
        %dma_wait3A_405 = tpu.memref_slice %arg14[%dma_wait3A_403, %dma_wait3A_404] : memref<5120x128xf32, #tpu.memory_space<vmem_shared>> -> memref<5120x128xf32, #tpu.memory_space<vmem_shared>>
        tpu.wait_indirect_dma semaphore(%arg16 : memref<!tpu.dma_semaphore, #tpu.memory_space<semaphore_mem>>) src(%arg9 : memref<128x128xf32, #tpu.memory_space<vmem>>) dst(%dma_wait3A_405 : memref<5120x128xf32, #tpu.memory_space<vmem_shared>>)
      } else {
      }
      %add3A_366 = arith.constant 1 : i32
      %add3A_367 = arith.addi %add3A_348, %add3A_366 : i32
      %lt3A_368 = arith.cmpi slt, %add3A_367, %add3A_112 : i32
      %convert_element_type3A_369 = arith.extui %lt3A_368 : i1 to i32
      %cond3A_370 = arith.constant 0 : i32
      %cond3A_371 = arith.cmpi ne, %convert_element_type3A_369, %cond3A_370 : i32
      scf.if %cond3A_371 {
        %add3A_400 = arith.constant 1 : i32
        %add3A_401 = arith.addi %add3A_348, %add3A_400 : i32
        %lt3A_402 = arith.cmpi slt, %add3A_401, %select_n3A_83 : i32
        %add3A_403 = arith.constant 24 : i32
        %add3A_404 = arith.addi %add3A_403, %add3A_401 : i32
        %sub3A_405 = arith.subi %add3A_404, %select_n3A_83 : i32
        %select_n3A_406 = arith.select %lt3A_402, %add3A_401, %sub3A_405 : i32
        %dma_start3A = arith.constant 0 : i32
        %dma_start3A_407 = tpu.memref_slice %arg7[%select_n3A_406, %dma_start3A] : memref<48x128xi32, #tpu.memory_space<vmem>> -> memref<1x128xi32, #tpu.memory_space<vmem>>
        %dma_start3A_408 = tpu.memref_squeeze %dma_start3A_407 : memref<1x128xi32, #tpu.memory_space<vmem>> -> memref<128xi32, #tpu.memory_space<vmem>>
        %dma_start3A_409 = arith.constant 0 : i32
        %dma_start3A_410 = arith.constant 0 : i32
        %dma_start3A_411 = tpu.memref_slice %arg13[%dma_start3A_409, %dma_start3A_410] : memref<5120x128xf32, #tpu.memory_space<vmem_shared>> -> memref<5120x128xf32, #tpu.memory_space<vmem_shared>>
        tpu.enqueue_indirect_dma source(%dma_start3A_411 : memref<5120x128xf32, #tpu.memory_space<vmem_shared>>) target(%arg10 : memref<128x128xf32, #tpu.memory_space<vmem>>) offsets(%dma_start3A_408 : memref<128xi32, #tpu.memory_space<vmem>>) semaphore(%arg15 : memref<!tpu.dma_semaphore, #tpu.memory_space<semaphore_mem>>)
      } else {
      }
      %mul3A_372 = arith.constant 2 : i32
      %mul3A_373 = arith.muli %add3A_344, %mul3A_372 : i32
      %add3A_374 = arith.constant 1 : i32
      %add3A_375 = arith.addi %mul3A_373, %add3A_374 : i32
      %lt3A_376 = arith.cmpi slt, %add3A_375, %select_n3A_83 : i32
      %add3A_377 = arith.constant 24 : i32
      %add3A_378 = arith.addi %add3A_377, %add3A_375 : i32
      %sub3A_379 = arith.subi %add3A_378, %select_n3A_83 : i32
      %select_n3A_380 = arith.select %lt3A_376, %add3A_375, %sub3A_379 : i32
      %lt3A_381 = arith.cmpi slt, %add3A_375, %add3A_112 : i32
      %convert_element_type3A_382 = arith.extui %lt3A_381 : i1 to i32
      %cond3A_383 = arith.constant 0 : i32
      %cond3A_384 = arith.cmpi ne, %convert_element_type3A_382, %cond3A_383 : i32
      scf.if %cond3A_384 {
        %dma_wait3A = arith.constant 0 : i32
        %dma_wait3A_400 = tpu.memref_slice %arg7[%select_n3A_380, %dma_wait3A] : memref<48x128xi32, #tpu.memory_space<vmem>> -> memref<1x128xi32, #tpu.memory_space<vmem>>
        %dma_wait3A_401 = tpu.memref_squeeze %dma_wait3A_400 : memref<1x128xi32, #tpu.memory_space<vmem>> -> memref<128xi32, #tpu.memory_space<vmem>>
        %dma_wait3A_402 = arith.constant 0 : i32
        %dma_wait3A_403 = arith.constant 0 : i32
        %dma_wait3A_404 = tpu.memref_slice %arg13[%dma_wait3A_402, %dma_wait3A_403] : memref<5120x128xf32, #tpu.memory_space<vmem_shared>> -> memref<5120x128xf32, #tpu.memory_space<vmem_shared>>
        tpu.wait_indirect_dma semaphore(%arg15 : memref<!tpu.dma_semaphore, #tpu.memory_space<semaphore_mem>>) src(%dma_wait3A_404 : memref<5120x128xf32, #tpu.memory_space<vmem_shared>>) dst(%arg10 : memref<128x128xf32, #tpu.memory_space<vmem>>)
        %dma_start3A = arith.constant 0 : i32
        %dma_start3A_405 = tpu.memref_slice %arg8[%select_n3A_380, %dma_start3A] : memref<48x128xi32, #tpu.memory_space<vmem>> -> memref<1x128xi32, #tpu.memory_space<vmem>>
        %dma_start3A_406 = tpu.memref_squeeze %dma_start3A_405 : memref<1x128xi32, #tpu.memory_space<vmem>> -> memref<128xi32, #tpu.memory_space<vmem>>
        %dma_start3A_407 = arith.constant 0 : i32
        %dma_start3A_408 = arith.constant 0 : i32
        %dma_start3A_409 = tpu.memref_slice %arg14[%dma_start3A_407, %dma_start3A_408] : memref<5120x128xf32, #tpu.memory_space<vmem_shared>> -> memref<5120x128xf32, #tpu.memory_space<vmem_shared>>
        tpu.enqueue_indirect_dma source(%arg10 : memref<128x128xf32, #tpu.memory_space<vmem>>) target(%dma_start3A_409 : memref<5120x128xf32, #tpu.memory_space<vmem_shared>>) offsets(%dma_start3A_406 : memref<128xi32, #tpu.memory_space<vmem>>) semaphore(%arg16 : memref<!tpu.dma_semaphore, #tpu.memory_space<semaphore_mem>>) {add = true}
      } else {
      }
      %add3A_385 = arith.constant 1 : i32
      %add3A_386 = arith.addi %add3A_375, %add3A_385 : i32
      %lt3A_387 = arith.cmpi slt, %add3A_386, %add3A_112 : i32
      %gt3A_388 = arith.constant 0 : i32
      %gt3A_389 = arith.cmpi sgt, %add3A_375, %gt3A_388 : i32
      %and3A_390 = arith.andi %lt3A_387, %gt3A_389 : i1
      %convert_element_type3A_391 = arith.extui %and3A_390 : i1 to i32
      %cond3A_392 = arith.constant 0 : i32
      %cond3A_393 = arith.cmpi ne, %convert_element_type3A_391, %cond3A_392 : i32
      scf.if %cond3A_393 {
        %dma_wait3A = arith.constant 0 : i32
        %dma_wait3A_400 = arith.constant 0 : i32
        %dma_wait3A_401 = tpu.memref_slice %arg8[%dma_wait3A, %dma_wait3A_400] : memref<48x128xi32, #tpu.memory_space<vmem>> -> memref<1x128xi32, #tpu.memory_space<vmem>>
        %dma_wait3A_402 = tpu.memref_squeeze %dma_wait3A_401 : memref<1x128xi32, #tpu.memory_space<vmem>> -> memref<128xi32, #tpu.memory_space<vmem>>
        %dma_wait3A_403 = arith.constant 0 : i32
        %dma_wait3A_404 = arith.constant 0 : i32
        %dma_wait3A_405 = tpu.memref_slice %arg14[%dma_wait3A_403, %dma_wait3A_404] : memref<5120x128xf32, #tpu.memory_space<vmem_shared>> -> memref<5120x128xf32, #tpu.memory_space<vmem_shared>>
        tpu.wait_indirect_dma semaphore(%arg16 : memref<!tpu.dma_semaphore, #tpu.memory_space<semaphore_mem>>) src(%arg9 : memref<128x128xf32, #tpu.memory_space<vmem>>) dst(%dma_wait3A_405 : memref<5120x128xf32, #tpu.memory_space<vmem_shared>>)
      } else {
      }
      %add3A_394 = arith.constant 1 : i32
      %add3A_395 = arith.addi %add3A_375, %add3A_394 : i32
      %lt3A_396 = arith.cmpi slt, %add3A_395, %add3A_112 : i32
      %convert_element_type3A_397 = arith.extui %lt3A_396 : i1 to i32
      %cond3A_398 = arith.constant 0 : i32
      %cond3A_399 = arith.cmpi ne, %convert_element_type3A_397, %cond3A_398 : i32
      scf.if %cond3A_399 {
        %add3A_400 = arith.constant 1 : i32
        %add3A_401 = arith.addi %add3A_375, %add3A_400 : i32
        %lt3A_402 = arith.cmpi slt, %add3A_401, %select_n3A_83 : i32
        %add3A_403 = arith.constant 24 : i32
        %add3A_404 = arith.addi %add3A_403, %add3A_401 : i32
        %sub3A_405 = arith.subi %add3A_404, %select_n3A_83 : i32
        %select_n3A_406 = arith.select %lt3A_402, %add3A_401, %sub3A_405 : i32
        %dma_start3A = arith.constant 0 : i32
        %dma_start3A_407 = tpu.memref_slice %arg7[%select_n3A_406, %dma_start3A] : memref<48x128xi32, #tpu.memory_space<vmem>> -> memref<1x128xi32, #tpu.memory_space<vmem>>
        %dma_start3A_408 = tpu.memref_squeeze %dma_start3A_407 : memref<1x128xi32, #tpu.memory_space<vmem>> -> memref<128xi32, #tpu.memory_space<vmem>>
        %dma_start3A_409 = arith.constant 0 : i32
        %dma_start3A_410 = arith.constant 0 : i32
        %dma_start3A_411 = tpu.memref_slice %arg13[%dma_start3A_409, %dma_start3A_410] : memref<5120x128xf32, #tpu.memory_space<vmem_shared>> -> memref<5120x128xf32, #tpu.memory_space<vmem_shared>>
        tpu.enqueue_indirect_dma source(%dma_start3A_411 : memref<5120x128xf32, #tpu.memory_space<vmem_shared>>) target(%arg9 : memref<128x128xf32, #tpu.memory_space<vmem>>) offsets(%dma_start3A_408 : memref<128xi32, #tpu.memory_space<vmem>>) semaphore(%arg15 : memref<!tpu.dma_semaphore, #tpu.memory_space<semaphore_mem>>)
      } else {
      }
    }
    %ge3A = arith.constant 1 : i32
    %ge3A_159 = arith.cmpi sge, %add3A_112, %ge3A : i32
    %convert_element_type3A_160 = arith.extui %ge3A_159 : i1 to i32
    %cond3A_161 = arith.constant 0 : i32
    %cond3A_162 = arith.cmpi ne, %convert_element_type3A_160, %cond3A_161 : i32
    scf.if %cond3A_162 {
      %dma_wait3A = arith.constant 0 : i32
      %dma_wait3A_342 = arith.constant 0 : i32
      %dma_wait3A_343 = tpu.memref_slice %arg8[%dma_wait3A, %dma_wait3A_342] : memref<48x128xi32, #tpu.memory_space<vmem>> -> memref<1x128xi32, #tpu.memory_space<vmem>>
      %dma_wait3A_344 = tpu.memref_squeeze %dma_wait3A_343 : memref<1x128xi32, #tpu.memory_space<vmem>> -> memref<128xi32, #tpu.memory_space<vmem>>
      %dma_wait3A_345 = arith.constant 0 : i32
      %dma_wait3A_346 = arith.constant 0 : i32
      %dma_wait3A_347 = tpu.memref_slice %arg14[%dma_wait3A_345, %dma_wait3A_346] : memref<5120x128xf32, #tpu.memory_space<vmem_shared>> -> memref<5120x128xf32, #tpu.memory_space<vmem_shared>>
      tpu.wait_indirect_dma semaphore(%arg16 : memref<!tpu.dma_semaphore, #tpu.memory_space<semaphore_mem>>) src(%arg9 : memref<128x128xf32, #tpu.memory_space<vmem>>) dst(%dma_wait3A_347 : memref<5120x128xf32, #tpu.memory_space<vmem_shared>>)
    } else {
    }
    %ge3A_163 = arith.constant 2 : i32
    %ge3A_164 = arith.cmpi sge, %add3A_112, %ge3A_163 : i32
    %convert_element_type3A_165 = arith.extui %ge3A_164 : i1 to i32
    %cond3A_166 = arith.constant 0 : i32
    %cond3A_167 = arith.cmpi ne, %convert_element_type3A_165, %cond3A_166 : i32
    scf.if %cond3A_167 {
      %dma_wait3A = arith.constant 0 : i32
      %dma_wait3A_342 = arith.constant 0 : i32
      %dma_wait3A_343 = tpu.memref_slice %arg8[%dma_wait3A, %dma_wait3A_342] : memref<48x128xi32, #tpu.memory_space<vmem>> -> memref<1x128xi32, #tpu.memory_space<vmem>>
      %dma_wait3A_344 = tpu.memref_squeeze %dma_wait3A_343 : memref<1x128xi32, #tpu.memory_space<vmem>> -> memref<128xi32, #tpu.memory_space<vmem>>
      %dma_wait3A_345 = arith.constant 0 : i32
      %dma_wait3A_346 = arith.constant 0 : i32
      %dma_wait3A_347 = tpu.memref_slice %arg14[%dma_wait3A_345, %dma_wait3A_346] : memref<5120x128xf32, #tpu.memory_space<vmem_shared>> -> memref<5120x128xf32, #tpu.memory_space<vmem_shared>>
      tpu.wait_indirect_dma semaphore(%arg16 : memref<!tpu.dma_semaphore, #tpu.memory_space<semaphore_mem>>) src(%arg9 : memref<128x128xf32, #tpu.memory_space<vmem>>) dst(%dma_wait3A_347 : memref<5120x128xf32, #tpu.memory_space<vmem_shared>>)
    } else {
    }
    %barrier3A_168 = arith.constant 0 : index
    tpu.barrier barrier_id(%barrier3A_168)
    %mul3A_169 = arith.constant 320 : i32
    %mul3A_170 = arith.muli %arg1, %mul3A_169 : i32
    %add3A_171 = arith.constant 5000 : i32
    %add3A_172 = arith.addi %add3A_171, %mul3A_170 : i32
    %mul3A_173 = arith.constant 320 : i32
    %mul3A_174 = arith.muli %arg1, %mul3A_173 : i32
    "tpu.region"() ({
      %run_scoped3A = tpu.sem_alloc : memref<!tpu.dma_semaphore, #tpu.memory_space<semaphore_mem>>
      %dma_start3A = arith.constant 0 : i32
      %dma_start3A_342 = tpu.memref_slice %arg13[%mul3A_174, %dma_start3A] : memref<5120x128xf32, #tpu.memory_space<vmem_shared>> -> memref<320x128xf32, #tpu.memory_space<vmem_shared>>
      %dma_start3A_343 = arith.constant 0 : i32
      %dma_start3A_344 = tpu.memref_slice %arg2[%add3A_172, %dma_start3A_343] : memref<10120x128xf32, #tpu.memory_space<hbm>> -> memref<320x128xf32, #tpu.memory_space<hbm>>
      tpu.enqueue_dma source(%dma_start3A_344 : memref<320x128xf32, #tpu.memory_space<hbm>>) target(%dma_start3A_342 : memref<320x128xf32, #tpu.memory_space<vmem_shared>>) target_semaphore(%run_scoped3A : memref<!tpu.dma_semaphore, #tpu.memory_space<semaphore_mem>>)
      %dma_wait3A = arith.constant 0 : i32
      %dma_wait3A_345 = tpu.memref_slice %arg13[%mul3A_174, %dma_wait3A] : memref<5120x128xf32, #tpu.memory_space<vmem_shared>> -> memref<320x128xf32, #tpu.memory_space<vmem_shared>>
      %dma_wait3A_346 = arith.constant 0 : i32
      %dma_wait3A_347 = tpu.memref_slice %arg2[%add3A_172, %dma_wait3A_346] : memref<10120x128xf32, #tpu.memory_space<hbm>> -> memref<320x128xf32, #tpu.memory_space<hbm>>
      tpu.wait_dma2 semaphore(%run_scoped3A : memref<!tpu.dma_semaphore, #tpu.memory_space<semaphore_mem>>) src(%dma_wait3A_347 : memref<320x128xf32, #tpu.memory_space<hbm>>) dst(%dma_wait3A_345 : memref<320x128xf32, #tpu.memory_space<vmem_shared>>)
      tpu.yield
    }) : () -> ()
    %barrier3A_175 = arith.constant 0 : index
    tpu.barrier barrier_id(%barrier3A_175)
    %add3A_176 = arith.constant 2 : i32
    %add3A_177 = arith.addi %add3A_176, %arg0 : i32
    %mul3A_178 = arith.constant 2 : i32
    %mul3A_179 = arith.muli %mul3A_178, %arg1 : i32
    %add3A_180 = arith.constant 0 : i32
    %add3A_181 = arith.addi %mul3A_179, %add3A_180 : i32
    "tpu.region"() ({
      %run_scoped3A = tpu.sem_alloc : memref<!tpu.dma_semaphore, #tpu.memory_space<semaphore_mem>>
      %dma_start3A = arith.constant 0 : i32
      %dma_start3A_342 = arith.constant 0 : i32
      %dma_start3A_343 = tpu.memref_slice %arg7[%dma_start3A, %dma_start3A_342] : memref<48x128xi32, #tpu.memory_space<vmem>> -> memref<24x128xi32, #tpu.memory_space<vmem>>
      %dma_start3A_344 = arith.constant 0 : i32
      %dma_start3A_345 = arith.constant 0 : i32
      %dma_start3A_346 = tpu.memref_slice %arg3[%add3A_181, %add3A_177, %dma_start3A_344, %dma_start3A_345] : memref<32x4x24x128xi32, #tpu.memory_space<hbm>> -> memref<1x1x24x128xi32, #tpu.memory_space<hbm>>
      %dma_start3A_347 = tpu.memref_squeeze %dma_start3A_346 : memref<1x1x24x128xi32, #tpu.memory_space<hbm>> -> memref<24x128xi32, #tpu.memory_space<hbm>>
      %dma_start3A_348 = arith.constant 0 : i32
      %dma_start3A_349 = arith.constant 0 : i32
      %dma_start3A_350 = tpu.memref_slice %arg7[%dma_start3A_348, %dma_start3A_349] : memref<48x128xi32, #tpu.memory_space<vmem>> -> memref<24x128xi32, #tpu.memory_space<vmem>>
      %dma_start3A_351 = arith.constant 0 : i32
      %dma_start3A_352 = arith.constant 0 : i32
      %dma_start3A_353 = tpu.memref_slice %arg3[%add3A_181, %add3A_177, %dma_start3A_351, %dma_start3A_352] : memref<32x4x24x128xi32, #tpu.memory_space<hbm>> -> memref<1x1x24x128xi32, #tpu.memory_space<hbm>>
      %dma_start3A_354 = tpu.memref_squeeze %dma_start3A_353 : memref<1x1x24x128xi32, #tpu.memory_space<hbm>> -> memref<24x128xi32, #tpu.memory_space<hbm>>
      tpu.enqueue_dma source(%dma_start3A_354 : memref<24x128xi32, #tpu.memory_space<hbm>>) target(%dma_start3A_350 : memref<24x128xi32, #tpu.memory_space<vmem>>) target_semaphore(%run_scoped3A : memref<!tpu.dma_semaphore, #tpu.memory_space<semaphore_mem>>)
      %dma_wait3A = arith.constant 0 : i32
      %dma_wait3A_355 = arith.constant 0 : i32
      %dma_wait3A_356 = tpu.memref_slice %arg7[%dma_wait3A, %dma_wait3A_355] : memref<48x128xi32, #tpu.memory_space<vmem>> -> memref<24x128xi32, #tpu.memory_space<vmem>>
      %dma_wait3A_357 = arith.constant 0 : i32
      %dma_wait3A_358 = arith.constant 0 : i32
      %dma_wait3A_359 = tpu.memref_slice %arg3[%add3A_181, %add3A_177, %dma_wait3A_357, %dma_wait3A_358] : memref<32x4x24x128xi32, #tpu.memory_space<hbm>> -> memref<1x1x24x128xi32, #tpu.memory_space<hbm>>
      %dma_wait3A_360 = tpu.memref_squeeze %dma_wait3A_359 : memref<1x1x24x128xi32, #tpu.memory_space<hbm>> -> memref<24x128xi32, #tpu.memory_space<hbm>>
      %dma_wait3A_361 = arith.constant 0 : i32
      %dma_wait3A_362 = arith.constant 0 : i32
      %dma_wait3A_363 = tpu.memref_slice %arg7[%dma_wait3A_361, %dma_wait3A_362] : memref<48x128xi32, #tpu.memory_space<vmem>> -> memref<24x128xi32, #tpu.memory_space<vmem>>
      %dma_wait3A_364 = arith.constant 0 : i32
      %dma_wait3A_365 = arith.constant 0 : i32
      %dma_wait3A_366 = tpu.memref_slice %arg3[%add3A_181, %add3A_177, %dma_wait3A_364, %dma_wait3A_365] : memref<32x4x24x128xi32, #tpu.memory_space<hbm>> -> memref<1x1x24x128xi32, #tpu.memory_space<hbm>>
      %dma_wait3A_367 = tpu.memref_squeeze %dma_wait3A_366 : memref<1x1x24x128xi32, #tpu.memory_space<hbm>> -> memref<24x128xi32, #tpu.memory_space<hbm>>
      tpu.wait_dma2 semaphore(%run_scoped3A : memref<!tpu.dma_semaphore, #tpu.memory_space<semaphore_mem>>) src(%dma_wait3A_367 : memref<24x128xi32, #tpu.memory_space<hbm>>) dst(%dma_wait3A_363 : memref<24x128xi32, #tpu.memory_space<vmem>>)
      tpu.yield
    }) : () -> ()
    %mul3A_182 = arith.constant 2 : i32
    %mul3A_183 = arith.muli %mul3A_182, %arg1 : i32
    %add3A_184 = arith.constant 0 : i32
    %add3A_185 = arith.addi %mul3A_183, %add3A_184 : i32
    "tpu.region"() ({
      %run_scoped3A = tpu.sem_alloc : memref<!tpu.dma_semaphore, #tpu.memory_space<semaphore_mem>>
      %dma_start3A = arith.constant 0 : i32
      %dma_start3A_342 = arith.constant 0 : i32
      %dma_start3A_343 = tpu.memref_slice %arg8[%dma_start3A, %dma_start3A_342] : memref<48x128xi32, #tpu.memory_space<vmem>> -> memref<24x128xi32, #tpu.memory_space<vmem>>
      %dma_start3A_344 = arith.constant 0 : i32
      %dma_start3A_345 = arith.constant 0 : i32
      %dma_start3A_346 = tpu.memref_slice %arg4[%add3A_185, %add3A_177, %dma_start3A_344, %dma_start3A_345] : memref<32x4x24x128xi32, #tpu.memory_space<hbm>> -> memref<1x1x24x128xi32, #tpu.memory_space<hbm>>
      %dma_start3A_347 = tpu.memref_squeeze %dma_start3A_346 : memref<1x1x24x128xi32, #tpu.memory_space<hbm>> -> memref<24x128xi32, #tpu.memory_space<hbm>>
      %dma_start3A_348 = arith.constant 0 : i32
      %dma_start3A_349 = arith.constant 0 : i32
      %dma_start3A_350 = tpu.memref_slice %arg8[%dma_start3A_348, %dma_start3A_349] : memref<48x128xi32, #tpu.memory_space<vmem>> -> memref<24x128xi32, #tpu.memory_space<vmem>>
      %dma_start3A_351 = arith.constant 0 : i32
      %dma_start3A_352 = arith.constant 0 : i32
      %dma_start3A_353 = tpu.memref_slice %arg4[%add3A_185, %add3A_177, %dma_start3A_351, %dma_start3A_352] : memref<32x4x24x128xi32, #tpu.memory_space<hbm>> -> memref<1x1x24x128xi32, #tpu.memory_space<hbm>>
      %dma_start3A_354 = tpu.memref_squeeze %dma_start3A_353 : memref<1x1x24x128xi32, #tpu.memory_space<hbm>> -> memref<24x128xi32, #tpu.memory_space<hbm>>
      tpu.enqueue_dma source(%dma_start3A_354 : memref<24x128xi32, #tpu.memory_space<hbm>>) target(%dma_start3A_350 : memref<24x128xi32, #tpu.memory_space<vmem>>) target_semaphore(%run_scoped3A : memref<!tpu.dma_semaphore, #tpu.memory_space<semaphore_mem>>)
      %dma_wait3A = arith.constant 0 : i32
      %dma_wait3A_355 = arith.constant 0 : i32
      %dma_wait3A_356 = tpu.memref_slice %arg8[%dma_wait3A, %dma_wait3A_355] : memref<48x128xi32, #tpu.memory_space<vmem>> -> memref<24x128xi32, #tpu.memory_space<vmem>>
      %dma_wait3A_357 = arith.constant 0 : i32
      %dma_wait3A_358 = arith.constant 0 : i32
      %dma_wait3A_359 = tpu.memref_slice %arg4[%add3A_185, %add3A_177, %dma_wait3A_357, %dma_wait3A_358] : memref<32x4x24x128xi32, #tpu.memory_space<hbm>> -> memref<1x1x24x128xi32, #tpu.memory_space<hbm>>
      %dma_wait3A_360 = tpu.memref_squeeze %dma_wait3A_359 : memref<1x1x24x128xi32, #tpu.memory_space<hbm>> -> memref<24x128xi32, #tpu.memory_space<hbm>>
      %dma_wait3A_361 = arith.constant 0 : i32
      %dma_wait3A_362 = arith.constant 0 : i32
      %dma_wait3A_363 = tpu.memref_slice %arg8[%dma_wait3A_361, %dma_wait3A_362] : memref<48x128xi32, #tpu.memory_space<vmem>> -> memref<24x128xi32, #tpu.memory_space<vmem>>
      %dma_wait3A_364 = arith.constant 0 : i32
      %dma_wait3A_365 = arith.constant 0 : i32
      %dma_wait3A_366 = tpu.memref_slice %arg4[%add3A_185, %add3A_177, %dma_wait3A_364, %dma_wait3A_365] : memref<32x4x24x128xi32, #tpu.memory_space<hbm>> -> memref<1x1x24x128xi32, #tpu.memory_space<hbm>>
      %dma_wait3A_367 = tpu.memref_squeeze %dma_wait3A_366 : memref<1x1x24x128xi32, #tpu.memory_space<hbm>> -> memref<24x128xi32, #tpu.memory_space<hbm>>
      tpu.wait_dma2 semaphore(%run_scoped3A : memref<!tpu.dma_semaphore, #tpu.memory_space<semaphore_mem>>) src(%dma_wait3A_367 : memref<24x128xi32, #tpu.memory_space<hbm>>) dst(%dma_wait3A_363 : memref<24x128xi32, #tpu.memory_space<vmem>>)
      tpu.yield
    }) : () -> ()
    %mul3A_186 = arith.constant 2 : i32
    %mul3A_187 = arith.muli %mul3A_186, %arg1 : i32
    %add3A_188 = arith.constant 1 : i32
    %add3A_189 = arith.addi %mul3A_187, %add3A_188 : i32
    "tpu.region"() ({
      %run_scoped3A = tpu.sem_alloc : memref<!tpu.dma_semaphore, #tpu.memory_space<semaphore_mem>>
      %dma_start3A = arith.constant 24 : i32
      %dma_start3A_342 = arith.constant 0 : i32
      %dma_start3A_343 = tpu.memref_slice %arg7[%dma_start3A, %dma_start3A_342] : memref<48x128xi32, #tpu.memory_space<vmem>> -> memref<24x128xi32, #tpu.memory_space<vmem>>
      %dma_start3A_344 = arith.constant 0 : i32
      %dma_start3A_345 = arith.constant 0 : i32
      %dma_start3A_346 = tpu.memref_slice %arg3[%add3A_189, %add3A_177, %dma_start3A_344, %dma_start3A_345] : memref<32x4x24x128xi32, #tpu.memory_space<hbm>> -> memref<1x1x24x128xi32, #tpu.memory_space<hbm>>
      %dma_start3A_347 = tpu.memref_squeeze %dma_start3A_346 : memref<1x1x24x128xi32, #tpu.memory_space<hbm>> -> memref<24x128xi32, #tpu.memory_space<hbm>>
      %dma_start3A_348 = arith.constant 24 : i32
      %dma_start3A_349 = arith.constant 0 : i32
      %dma_start3A_350 = tpu.memref_slice %arg7[%dma_start3A_348, %dma_start3A_349] : memref<48x128xi32, #tpu.memory_space<vmem>> -> memref<24x128xi32, #tpu.memory_space<vmem>>
      %dma_start3A_351 = arith.constant 0 : i32
      %dma_start3A_352 = arith.constant 0 : i32
      %dma_start3A_353 = tpu.memref_slice %arg3[%add3A_189, %add3A_177, %dma_start3A_351, %dma_start3A_352] : memref<32x4x24x128xi32, #tpu.memory_space<hbm>> -> memref<1x1x24x128xi32, #tpu.memory_space<hbm>>
      %dma_start3A_354 = tpu.memref_squeeze %dma_start3A_353 : memref<1x1x24x128xi32, #tpu.memory_space<hbm>> -> memref<24x128xi32, #tpu.memory_space<hbm>>
      tpu.enqueue_dma source(%dma_start3A_354 : memref<24x128xi32, #tpu.memory_space<hbm>>) target(%dma_start3A_350 : memref<24x128xi32, #tpu.memory_space<vmem>>) target_semaphore(%run_scoped3A : memref<!tpu.dma_semaphore, #tpu.memory_space<semaphore_mem>>)
      %dma_wait3A = arith.constant 24 : i32
      %dma_wait3A_355 = arith.constant 0 : i32
      %dma_wait3A_356 = tpu.memref_slice %arg7[%dma_wait3A, %dma_wait3A_355] : memref<48x128xi32, #tpu.memory_space<vmem>> -> memref<24x128xi32, #tpu.memory_space<vmem>>
      %dma_wait3A_357 = arith.constant 0 : i32
      %dma_wait3A_358 = arith.constant 0 : i32
      %dma_wait3A_359 = tpu.memref_slice %arg3[%add3A_189, %add3A_177, %dma_wait3A_357, %dma_wait3A_358] : memref<32x4x24x128xi32, #tpu.memory_space<hbm>> -> memref<1x1x24x128xi32, #tpu.memory_space<hbm>>
      %dma_wait3A_360 = tpu.memref_squeeze %dma_wait3A_359 : memref<1x1x24x128xi32, #tpu.memory_space<hbm>> -> memref<24x128xi32, #tpu.memory_space<hbm>>
      %dma_wait3A_361 = arith.constant 24 : i32
      %dma_wait3A_362 = arith.constant 0 : i32
      %dma_wait3A_363 = tpu.memref_slice %arg7[%dma_wait3A_361, %dma_wait3A_362] : memref<48x128xi32, #tpu.memory_space<vmem>> -> memref<24x128xi32, #tpu.memory_space<vmem>>
      %dma_wait3A_364 = arith.constant 0 : i32
      %dma_wait3A_365 = arith.constant 0 : i32
      %dma_wait3A_366 = tpu.memref_slice %arg3[%add3A_189, %add3A_177, %dma_wait3A_364, %dma_wait3A_365] : memref<32x4x24x128xi32, #tpu.memory_space<hbm>> -> memref<1x1x24x128xi32, #tpu.memory_space<hbm>>
      %dma_wait3A_367 = tpu.memref_squeeze %dma_wait3A_366 : memref<1x1x24x128xi32, #tpu.memory_space<hbm>> -> memref<24x128xi32, #tpu.memory_space<hbm>>
      tpu.wait_dma2 semaphore(%run_scoped3A : memref<!tpu.dma_semaphore, #tpu.memory_space<semaphore_mem>>) src(%dma_wait3A_367 : memref<24x128xi32, #tpu.memory_space<hbm>>) dst(%dma_wait3A_363 : memref<24x128xi32, #tpu.memory_space<vmem>>)
      tpu.yield
    }) : () -> ()
    %mul3A_190 = arith.constant 2 : i32
    %mul3A_191 = arith.muli %mul3A_190, %arg1 : i32
    %add3A_192 = arith.constant 1 : i32
    %add3A_193 = arith.addi %mul3A_191, %add3A_192 : i32
    "tpu.region"() ({
      %run_scoped3A = tpu.sem_alloc : memref<!tpu.dma_semaphore, #tpu.memory_space<semaphore_mem>>
      %dma_start3A = arith.constant 24 : i32
      %dma_start3A_342 = arith.constant 0 : i32
      %dma_start3A_343 = tpu.memref_slice %arg8[%dma_start3A, %dma_start3A_342] : memref<48x128xi32, #tpu.memory_space<vmem>> -> memref<24x128xi32, #tpu.memory_space<vmem>>
      %dma_start3A_344 = arith.constant 0 : i32
      %dma_start3A_345 = arith.constant 0 : i32
      %dma_start3A_346 = tpu.memref_slice %arg4[%add3A_193, %add3A_177, %dma_start3A_344, %dma_start3A_345] : memref<32x4x24x128xi32, #tpu.memory_space<hbm>> -> memref<1x1x24x128xi32, #tpu.memory_space<hbm>>
      %dma_start3A_347 = tpu.memref_squeeze %dma_start3A_346 : memref<1x1x24x128xi32, #tpu.memory_space<hbm>> -> memref<24x128xi32, #tpu.memory_space<hbm>>
      %dma_start3A_348 = arith.constant 24 : i32
      %dma_start3A_349 = arith.constant 0 : i32
      %dma_start3A_350 = tpu.memref_slice %arg8[%dma_start3A_348, %dma_start3A_349] : memref<48x128xi32, #tpu.memory_space<vmem>> -> memref<24x128xi32, #tpu.memory_space<vmem>>
      %dma_start3A_351 = arith.constant 0 : i32
      %dma_start3A_352 = arith.constant 0 : i32
      %dma_start3A_353 = tpu.memref_slice %arg4[%add3A_193, %add3A_177, %dma_start3A_351, %dma_start3A_352] : memref<32x4x24x128xi32, #tpu.memory_space<hbm>> -> memref<1x1x24x128xi32, #tpu.memory_space<hbm>>
      %dma_start3A_354 = tpu.memref_squeeze %dma_start3A_353 : memref<1x1x24x128xi32, #tpu.memory_space<hbm>> -> memref<24x128xi32, #tpu.memory_space<hbm>>
      tpu.enqueue_dma source(%dma_start3A_354 : memref<24x128xi32, #tpu.memory_space<hbm>>) target(%dma_start3A_350 : memref<24x128xi32, #tpu.memory_space<vmem>>) target_semaphore(%run_scoped3A : memref<!tpu.dma_semaphore, #tpu.memory_space<semaphore_mem>>)
      %dma_wait3A = arith.constant 24 : i32
      %dma_wait3A_355 = arith.constant 0 : i32
      %dma_wait3A_356 = tpu.memref_slice %arg8[%dma_wait3A, %dma_wait3A_355] : memref<48x128xi32, #tpu.memory_space<vmem>> -> memref<24x128xi32, #tpu.memory_space<vmem>>
      %dma_wait3A_357 = arith.constant 0 : i32
      %dma_wait3A_358 = arith.constant 0 : i32
      %dma_wait3A_359 = tpu.memref_slice %arg4[%add3A_193, %add3A_177, %dma_wait3A_357, %dma_wait3A_358] : memref<32x4x24x128xi32, #tpu.memory_space<hbm>> -> memref<1x1x24x128xi32, #tpu.memory_space<hbm>>
      %dma_wait3A_360 = tpu.memref_squeeze %dma_wait3A_359 : memref<1x1x24x128xi32, #tpu.memory_space<hbm>> -> memref<24x128xi32, #tpu.memory_space<hbm>>
      %dma_wait3A_361 = arith.constant 24 : i32
      %dma_wait3A_362 = arith.constant 0 : i32
      %dma_wait3A_363 = tpu.memref_slice %arg8[%dma_wait3A_361, %dma_wait3A_362] : memref<48x128xi32, #tpu.memory_space<vmem>> -> memref<24x128xi32, #tpu.memory_space<vmem>>
      %dma_wait3A_364 = arith.constant 0 : i32
      %dma_wait3A_365 = arith.constant 0 : i32
      %dma_wait3A_366 = tpu.memref_slice %arg4[%add3A_193, %add3A_177, %dma_wait3A_364, %dma_wait3A_365] : memref<32x4x24x128xi32, #tpu.memory_space<hbm>> -> memref<1x1x24x128xi32, #tpu.memory_space<hbm>>
      %dma_wait3A_367 = tpu.memref_squeeze %dma_wait3A_366 : memref<1x1x24x128xi32, #tpu.memory_space<hbm>> -> memref<24x128xi32, #tpu.memory_space<hbm>>
      tpu.wait_dma2 semaphore(%run_scoped3A : memref<!tpu.dma_semaphore, #tpu.memory_space<semaphore_mem>>) src(%dma_wait3A_367 : memref<24x128xi32, #tpu.memory_space<hbm>>) dst(%dma_wait3A_363 : memref<24x128xi32, #tpu.memory_space<vmem>>)
      tpu.yield
    }) : () -> ()
    %eq3A_194 = vector.broadcast %add3A_177 : i32 to vector<16xi32>
    %eq3A_195 = arith.cmpi eq, %iota3A, %eq3A_194 : vector<16xi32>
    %get3A_196 = arith.constant 0 : index
    %get3A_197 = tpu.vector_load %arg11[%get3A_196] {strides = array<i32>} : memref<16xi32, #tpu.memory_space<vmem>>, vector<16xi32>,
    %jit3A_198 = arith.constant 0 : i32
    %broadcast_in_dim3A_199 = vector.broadcast %jit3A_198 : i32 to vector<16xi32>
    %select_n3A_200 = arith.select %eq3A_195, %get3A_197, %broadcast_in_dim3A_199 : vector<16xi1>, vector<16xi32>
    %reduce_sum3A_201 = arith.constant true
    %reduce_sum3A_202 = vector.broadcast %reduce_sum3A_201 : i1 to vector<16xi1>
    %reduce_sum3A_203 = tpu.scan <sum>, %select_n3A_200 masked %reduce_sum3A_202 : vector<16xi32>, vector<16xi1> -> vector<16xi32>
    %reduce_sum3A_204 = vector.extract %reduce_sum3A_203[15] : i32 from vector<16xi32>
    %eq3A_205 = vector.broadcast %add3A_177 : i32 to vector<16xi32>
    %eq3A_206 = arith.cmpi eq, %iota3A, %eq3A_205 : vector<16xi32>
    %get3A_207 = arith.constant 0 : index
    %get3A_208 = tpu.vector_load %arg12[%get3A_207] {strides = array<i32>} : memref<16xi32, #tpu.memory_space<vmem>>, vector<16xi32>,
    %jit3A_209 = arith.constant 0 : i32
    %broadcast_in_dim3A_210 = vector.broadcast %jit3A_209 : i32 to vector<16xi32>
    %select_n3A_211 = arith.select %eq3A_206, %get3A_208, %broadcast_in_dim3A_210 : vector<16xi1>, vector<16xi32>
    %reduce_sum3A_212 = arith.constant true
    %reduce_sum3A_213 = vector.broadcast %reduce_sum3A_212 : i1 to vector<16xi1>
    %reduce_sum3A_214 = tpu.scan <sum>, %select_n3A_211 masked %reduce_sum3A_213 : vector<16xi32>, vector<16xi1> -> vector<16xi32>
    %reduce_sum3A_215 = vector.extract %reduce_sum3A_214[15] : i32 from vector<16xi32>
    %add3A_216 = arith.constant 128 : i32
    %add3A_217 = arith.addi %reduce_sum3A_204, %add3A_216 : i32
    %sub3A_218 = arith.constant 1 : i32
    %sub3A_219 = arith.subi %add3A_217, %sub3A_218 : i32
    %jit3A_220 = arith.constant 128 : i32
    %div3A_221 = arith.divsi %sub3A_219, %jit3A_220 : i32
    %sign3A_222 = arith.constant 0 : i32
    %sign3A_223 = arith.cmpi sgt, %sub3A_219, %sign3A_222 : i32
    %sign3A_224 = arith.extui %sign3A_223 : i1 to i32
    %sign3A_225 = arith.constant 0 : i32
    %sign3A_226 = arith.cmpi slt, %sub3A_219, %sign3A_225 : i32
    %sign3A_227 = arith.extui %sign3A_226 : i1 to i32
    %sign3A_228 = arith.subi %sign3A_224, %sign3A_227 : i32
    %sign3A_229 = arith.constant 0 : i32
    %sign3A_230 = arith.cmpi sgt, %jit3A_220, %sign3A_229 : i32
    %sign3A_231 = arith.extui %sign3A_230 : i1 to i32
    %sign3A_232 = arith.constant 0 : i32
    %sign3A_233 = arith.cmpi slt, %jit3A_220, %sign3A_232 : i32
    %sign3A_234 = arith.extui %sign3A_233 : i1 to i32
    %sign3A_235 = arith.subi %sign3A_231, %sign3A_234 : i32
    %ne3A_236 = arith.cmpi ne, %sign3A_228, %sign3A_235 : i32
    %rem3A_237 = arith.remsi %sub3A_219, %jit3A_220 : i32
    %ne3A_238 = arith.constant 0 : i32
    %ne3A_239 = arith.cmpi ne, %rem3A_237, %ne3A_238 : i32
    %and3A_240 = arith.andi %ne3A_236, %ne3A_239 : i1
    %sub3A_241 = arith.constant 1 : i32
    %sub3A_242 = arith.subi %div3A_221, %sub3A_241 : i32
    %select_n3A_243 = arith.select %and3A_240, %sub3A_242, %div3A_221 : i32
    %add3A_244 = arith.constant 128 : i32
    %add3A_245 = arith.addi %reduce_sum3A_215, %add3A_244 : i32
    %sub3A_246 = arith.constant 1 : i32
    %sub3A_247 = arith.subi %add3A_245, %sub3A_246 : i32
    %jit3A_248 = arith.constant 128 : i32
    %div3A_249 = arith.divsi %sub3A_247, %jit3A_248 : i32
    %sign3A_250 = arith.constant 0 : i32
    %sign3A_251 = arith.cmpi sgt, %sub3A_247, %sign3A_250 : i32
    %sign3A_252 = arith.extui %sign3A_251 : i1 to i32
    %sign3A_253 = arith.constant 0 : i32
    %sign3A_254 = arith.cmpi slt, %sub3A_247, %sign3A_253 : i32
    %sign3A_255 = arith.extui %sign3A_254 : i1 to i32
    %sign3A_256 = arith.subi %sign3A_252, %sign3A_255 : i32
    %sign3A_257 = arith.constant 0 : i32
    %sign3A_258 = arith.cmpi sgt, %jit3A_248, %sign3A_257 : i32
    %sign3A_259 = arith.extui %sign3A_258 : i1 to i32
    %sign3A_260 = arith.constant 0 : i32
    %sign3A_261 = arith.cmpi slt, %jit3A_248, %sign3A_260 : i32
    %sign3A_262 = arith.extui %sign3A_261 : i1 to i32
    %sign3A_263 = arith.subi %sign3A_259, %sign3A_262 : i32
    %ne3A_264 = arith.cmpi ne, %sign3A_256, %sign3A_263 : i32
    %rem3A_265 = arith.remsi %sub3A_247, %jit3A_248 : i32
    %ne3A_266 = arith.constant 0 : i32
    %ne3A_267 = arith.cmpi ne, %rem3A_265, %ne3A_266 : i32
    %and3A_268 = arith.andi %ne3A_264, %ne3A_267 : i1
    %sub3A_269 = arith.constant 1 : i32
    %sub3A_270 = arith.subi %div3A_249, %sub3A_269 : i32
    %select_n3A_271 = arith.select %and3A_268, %sub3A_270, %div3A_249 : i32
    %add3A_272 = arith.addi %select_n3A_243, %select_n3A_271 : i32
    %gt3A_273 = arith.constant 0 : i32
    %gt3A_274 = arith.cmpi sgt, %add3A_272, %gt3A_273 : i32
    %convert_element_type3A_275 = arith.extui %gt3A_274 : i1 to i32
    %cond3A_276 = arith.constant 0 : i32
    %cond3A_277 = arith.cmpi ne, %convert_element_type3A_275, %cond3A_276 : i32
    scf.if %cond3A_277 {
      %gt3A_342 = arith.constant 0 : i32
      %gt3A_343 = arith.cmpi sgt, %select_n3A_243, %gt3A_342 : i32
      %sub3A_344 = arith.constant 24 : i32
      %sub3A_345 = arith.subi %sub3A_344, %select_n3A_243 : i32
      %jit3A_346 = arith.constant 0 : i32
      %select_n3A_347 = arith.select %gt3A_343, %jit3A_346, %sub3A_345 : i32
      %dma_start3A = arith.constant 0 : i32
      %dma_start3A_348 = tpu.memref_slice %arg7[%select_n3A_347, %dma_start3A] : memref<48x128xi32, #tpu.memory_space<vmem>> -> memref<1x128xi32, #tpu.memory_space<vmem>>
      %dma_start3A_349 = tpu.memref_squeeze %dma_start3A_348 : memref<1x128xi32, #tpu.memory_space<vmem>> -> memref<128xi32, #tpu.memory_space<vmem>>
      %dma_start3A_350 = arith.constant 0 : i32
      %dma_start3A_351 = arith.constant 0 : i32
      %dma_start3A_352 = tpu.memref_slice %arg13[%dma_start3A_350, %dma_start3A_351] : memref<5120x128xf32, #tpu.memory_space<vmem_shared>> -> memref<5120x128xf32, #tpu.memory_space<vmem_shared>>
      tpu.enqueue_indirect_dma source(%dma_start3A_352 : memref<5120x128xf32, #tpu.memory_space<vmem_shared>>) target(%arg9 : memref<128x128xf32, #tpu.memory_space<vmem>>) offsets(%dma_start3A_349 : memref<128xi32, #tpu.memory_space<vmem>>) semaphore(%arg15 : memref<!tpu.dma_semaphore, #tpu.memory_space<semaphore_mem>>)
    } else {
    }
    %add3A_278 = arith.constant 1 : i32
    %add3A_279 = arith.addi %add3A_272, %add3A_278 : i32
    %jit3A_280 = arith.constant 2 : i32
    %div3A_281 = arith.divsi %add3A_279, %jit3A_280 : i32
    %sign3A_282 = arith.constant 0 : i32
    %sign3A_283 = arith.cmpi sgt, %add3A_279, %sign3A_282 : i32
    %sign3A_284 = arith.extui %sign3A_283 : i1 to i32
    %sign3A_285 = arith.constant 0 : i32
    %sign3A_286 = arith.cmpi slt, %add3A_279, %sign3A_285 : i32
    %sign3A_287 = arith.extui %sign3A_286 : i1 to i32
    %sign3A_288 = arith.subi %sign3A_284, %sign3A_287 : i32
    %sign3A_289 = arith.constant 0 : i32
    %sign3A_290 = arith.cmpi sgt, %jit3A_280, %sign3A_289 : i32
    %sign3A_291 = arith.extui %sign3A_290 : i1 to i32
    %sign3A_292 = arith.constant 0 : i32
    %sign3A_293 = arith.cmpi slt, %jit3A_280, %sign3A_292 : i32
    %sign3A_294 = arith.extui %sign3A_293 : i1 to i32
    %sign3A_295 = arith.subi %sign3A_291, %sign3A_294 : i32
    %ne3A_296 = arith.cmpi ne, %sign3A_288, %sign3A_295 : i32
    %rem3A_297 = arith.remsi %add3A_279, %jit3A_280 : i32
    %ne3A_298 = arith.constant 0 : i32
    %ne3A_299 = arith.cmpi ne, %rem3A_297, %ne3A_298 : i32
    %and3A_300 = arith.andi %ne3A_296, %ne3A_299 : i1
    %sub3A_301 = arith.constant 1 : i32
    %sub3A_302 = arith.subi %div3A_281, %sub3A_301 : i32
    %select_n3A_303 = arith.select %and3A_300, %sub3A_302, %div3A_281 : i32
    %sub3A_304 = arith.constant 0 : i32
    %sub3A_305 = arith.subi %select_n3A_303, %sub3A_304 : i32
    %sub3A_306 = arith.constant 1 : i32
    %sub3A_307 = arith.constant 1 : i32
    %sub3A_308 = arith.subi %sub3A_306, %sub3A_307 : i32
    %add3A_309 = arith.addi %sub3A_305, %sub3A_308 : i32
    %div3A_310 = arith.constant 1 : i32
    %div3A_311 = arith.divsi %add3A_309, %div3A_310 : i32
    %while3A_312 = arith.constant 1 : i32
    %while3A_313 = arith.constant 0 : i32
    %while3A_314 = arith.constant 0 : i32
    %while3A_315 = arith.subi %div3A_311, %while3A_314 : i32
    %while3A_316 = arith.addi %while3A_314, %while3A_315 : i32
    %while3A_317 = arith.constant 1 : i32
    %while3A_318 = arith.divsi %while3A_315, %while3A_317 : i32
    %while3A_319 = arith.muli %while3A_318, %while3A_317 : i32
    %while3A_320 = arith.addi %while3A_314, %while3A_319 : i32
    %while3A_321 = arith.constant 1 : i32
    scf.for %while3A_342 = %while3A_314 to %while3A_320 step %while3A_321  : i32 {
      %mul3A_343 = arith.muli %while3A_342, %while3A_312 : i32
      %add3A_344 = arith.addi %while3A_313, %mul3A_343 : i32
      %mul3A_345 = arith.constant 2 : i32
      %mul3A_346 = arith.muli %add3A_344, %mul3A_345 : i32
      %add3A_347 = arith.constant 0 : i32
      %add3A_348 = arith.addi %mul3A_346, %add3A_347 : i32
      %lt3A = arith.cmpi slt, %add3A_348, %select_n3A_243 : i32
      %add3A_349 = arith.constant 24 : i32
      %add3A_350 = arith.addi %add3A_349, %add3A_348 : i32
      %sub3A_351 = arith.subi %add3A_350, %select_n3A_243 : i32
      %select_n3A_352 = arith.select %lt3A, %add3A_348, %sub3A_351 : i32
      %lt3A_353 = arith.cmpi slt, %add3A_348, %add3A_272 : i32
      %convert_element_type3A_354 = arith.extui %lt3A_353 : i1 to i32
      %cond3A_355 = arith.constant 0 : i32
      %cond3A_356 = arith.cmpi ne, %convert_element_type3A_354, %cond3A_355 : i32
      scf.if %cond3A_356 {
        %dma_wait3A = arith.constant 0 : i32
        %dma_wait3A_400 = tpu.memref_slice %arg7[%select_n3A_352, %dma_wait3A] : memref<48x128xi32, #tpu.memory_space<vmem>> -> memref<1x128xi32, #tpu.memory_space<vmem>>
        %dma_wait3A_401 = tpu.memref_squeeze %dma_wait3A_400 : memref<1x128xi32, #tpu.memory_space<vmem>> -> memref<128xi32, #tpu.memory_space<vmem>>
        %dma_wait3A_402 = arith.constant 0 : i32
        %dma_wait3A_403 = arith.constant 0 : i32
        %dma_wait3A_404 = tpu.memref_slice %arg13[%dma_wait3A_402, %dma_wait3A_403] : memref<5120x128xf32, #tpu.memory_space<vmem_shared>> -> memref<5120x128xf32, #tpu.memory_space<vmem_shared>>
        tpu.wait_indirect_dma semaphore(%arg15 : memref<!tpu.dma_semaphore, #tpu.memory_space<semaphore_mem>>) src(%dma_wait3A_404 : memref<5120x128xf32, #tpu.memory_space<vmem_shared>>) dst(%arg9 : memref<128x128xf32, #tpu.memory_space<vmem>>)
        %dma_start3A = arith.constant 0 : i32
        %dma_start3A_405 = tpu.memref_slice %arg8[%select_n3A_352, %dma_start3A] : memref<48x128xi32, #tpu.memory_space<vmem>> -> memref<1x128xi32, #tpu.memory_space<vmem>>
        %dma_start3A_406 = tpu.memref_squeeze %dma_start3A_405 : memref<1x128xi32, #tpu.memory_space<vmem>> -> memref<128xi32, #tpu.memory_space<vmem>>
        %dma_start3A_407 = arith.constant 0 : i32
        %dma_start3A_408 = arith.constant 0 : i32
        %dma_start3A_409 = tpu.memref_slice %arg14[%dma_start3A_407, %dma_start3A_408] : memref<5120x128xf32, #tpu.memory_space<vmem_shared>> -> memref<5120x128xf32, #tpu.memory_space<vmem_shared>>
        tpu.enqueue_indirect_dma source(%arg9 : memref<128x128xf32, #tpu.memory_space<vmem>>) target(%dma_start3A_409 : memref<5120x128xf32, #tpu.memory_space<vmem_shared>>) offsets(%dma_start3A_406 : memref<128xi32, #tpu.memory_space<vmem>>) semaphore(%arg16 : memref<!tpu.dma_semaphore, #tpu.memory_space<semaphore_mem>>) {add = true}
      } else {
      }
      %add3A_357 = arith.constant 1 : i32
      %add3A_358 = arith.addi %add3A_348, %add3A_357 : i32
      %lt3A_359 = arith.cmpi slt, %add3A_358, %add3A_272 : i32
      %gt3A_360 = arith.constant 0 : i32
      %gt3A_361 = arith.cmpi sgt, %add3A_348, %gt3A_360 : i32
      %and3A_362 = arith.andi %lt3A_359, %gt3A_361 : i1
      %convert_element_type3A_363 = arith.extui %and3A_362 : i1 to i32
      %cond3A_364 = arith.constant 0 : i32
      %cond3A_365 = arith.cmpi ne, %convert_element_type3A_363, %cond3A_364 : i32
      scf.if %cond3A_365 {
        %dma_wait3A = arith.constant 0 : i32
        %dma_wait3A_400 = arith.constant 0 : i32
        %dma_wait3A_401 = tpu.memref_slice %arg8[%dma_wait3A, %dma_wait3A_400] : memref<48x128xi32, #tpu.memory_space<vmem>> -> memref<1x128xi32, #tpu.memory_space<vmem>>
        %dma_wait3A_402 = tpu.memref_squeeze %dma_wait3A_401 : memref<1x128xi32, #tpu.memory_space<vmem>> -> memref<128xi32, #tpu.memory_space<vmem>>
        %dma_wait3A_403 = arith.constant 0 : i32
        %dma_wait3A_404 = arith.constant 0 : i32
        %dma_wait3A_405 = tpu.memref_slice %arg14[%dma_wait3A_403, %dma_wait3A_404] : memref<5120x128xf32, #tpu.memory_space<vmem_shared>> -> memref<5120x128xf32, #tpu.memory_space<vmem_shared>>
        tpu.wait_indirect_dma semaphore(%arg16 : memref<!tpu.dma_semaphore, #tpu.memory_space<semaphore_mem>>) src(%arg9 : memref<128x128xf32, #tpu.memory_space<vmem>>) dst(%dma_wait3A_405 : memref<5120x128xf32, #tpu.memory_space<vmem_shared>>)
      } else {
      }
      %add3A_366 = arith.constant 1 : i32
      %add3A_367 = arith.addi %add3A_348, %add3A_366 : i32
      %lt3A_368 = arith.cmpi slt, %add3A_367, %add3A_272 : i32
      %convert_element_type3A_369 = arith.extui %lt3A_368 : i1 to i32
      %cond3A_370 = arith.constant 0 : i32
      %cond3A_371 = arith.cmpi ne, %convert_element_type3A_369, %cond3A_370 : i32
      scf.if %cond3A_371 {
        %add3A_400 = arith.constant 1 : i32
        %add3A_401 = arith.addi %add3A_348, %add3A_400 : i32
        %lt3A_402 = arith.cmpi slt, %add3A_401, %select_n3A_243 : i32
        %add3A_403 = arith.constant 24 : i32
        %add3A_404 = arith.addi %add3A_403, %add3A_401 : i32
        %sub3A_405 = arith.subi %add3A_404, %select_n3A_243 : i32
        %select_n3A_406 = arith.select %lt3A_402, %add3A_401, %sub3A_405 : i32
        %dma_start3A = arith.constant 0 : i32
        %dma_start3A_407 = tpu.memref_slice %arg7[%select_n3A_406, %dma_start3A] : memref<48x128xi32, #tpu.memory_space<vmem>> -> memref<1x128xi32, #tpu.memory_space<vmem>>
        %dma_start3A_408 = tpu.memref_squeeze %dma_start3A_407 : memref<1x128xi32, #tpu.memory_space<vmem>> -> memref<128xi32, #tpu.memory_space<vmem>>
        %dma_start3A_409 = arith.constant 0 : i32
        %dma_start3A_410 = arith.constant 0 : i32
        %dma_start3A_411 = tpu.memref_slice %arg13[%dma_start3A_409, %dma_start3A_410] : memref<5120x128xf32, #tpu.memory_space<vmem_shared>> -> memref<5120x128xf32, #tpu.memory_space<vmem_shared>>
        tpu.enqueue_indirect_dma source(%dma_start3A_411 : memref<5120x128xf32, #tpu.memory_space<vmem_shared>>) target(%arg10 : memref<128x128xf32, #tpu.memory_space<vmem>>) offsets(%dma_start3A_408 : memref<128xi32, #tpu.memory_space<vmem>>) semaphore(%arg15 : memref<!tpu.dma_semaphore, #tpu.memory_space<semaphore_mem>>)
      } else {
      }
      %mul3A_372 = arith.constant 2 : i32
      %mul3A_373 = arith.muli %add3A_344, %mul3A_372 : i32
      %add3A_374 = arith.constant 1 : i32
      %add3A_375 = arith.addi %mul3A_373, %add3A_374 : i32
      %lt3A_376 = arith.cmpi slt, %add3A_375, %select_n3A_243 : i32
      %add3A_377 = arith.constant 24 : i32
      %add3A_378 = arith.addi %add3A_377, %add3A_375 : i32
      %sub3A_379 = arith.subi %add3A_378, %select_n3A_243 : i32
      %select_n3A_380 = arith.select %lt3A_376, %add3A_375, %sub3A_379 : i32
      %lt3A_381 = arith.cmpi slt, %add3A_375, %add3A_272 : i32
      %convert_element_type3A_382 = arith.extui %lt3A_381 : i1 to i32
      %cond3A_383 = arith.constant 0 : i32
      %cond3A_384 = arith.cmpi ne, %convert_element_type3A_382, %cond3A_383 : i32
      scf.if %cond3A_384 {
        %dma_wait3A = arith.constant 0 : i32
        %dma_wait3A_400 = tpu.memref_slice %arg7[%select_n3A_380, %dma_wait3A] : memref<48x128xi32, #tpu.memory_space<vmem>> -> memref<1x128xi32, #tpu.memory_space<vmem>>
        %dma_wait3A_401 = tpu.memref_squeeze %dma_wait3A_400 : memref<1x128xi32, #tpu.memory_space<vmem>> -> memref<128xi32, #tpu.memory_space<vmem>>
        %dma_wait3A_402 = arith.constant 0 : i32
        %dma_wait3A_403 = arith.constant 0 : i32
        %dma_wait3A_404 = tpu.memref_slice %arg13[%dma_wait3A_402, %dma_wait3A_403] : memref<5120x128xf32, #tpu.memory_space<vmem_shared>> -> memref<5120x128xf32, #tpu.memory_space<vmem_shared>>
        tpu.wait_indirect_dma semaphore(%arg15 : memref<!tpu.dma_semaphore, #tpu.memory_space<semaphore_mem>>) src(%dma_wait3A_404 : memref<5120x128xf32, #tpu.memory_space<vmem_shared>>) dst(%arg10 : memref<128x128xf32, #tpu.memory_space<vmem>>)
        %dma_start3A = arith.constant 0 : i32
        %dma_start3A_405 = tpu.memref_slice %arg8[%select_n3A_380, %dma_start3A] : memref<48x128xi32, #tpu.memory_space<vmem>> -> memref<1x128xi32, #tpu.memory_space<vmem>>
        %dma_start3A_406 = tpu.memref_squeeze %dma_start3A_405 : memref<1x128xi32, #tpu.memory_space<vmem>> -> memref<128xi32, #tpu.memory_space<vmem>>
        %dma_start3A_407 = arith.constant 0 : i32
        %dma_start3A_408 = arith.constant 0 : i32
        %dma_start3A_409 = tpu.memref_slice %arg14[%dma_start3A_407, %dma_start3A_408] : memref<5120x128xf32, #tpu.memory_space<vmem_shared>> -> memref<5120x128xf32, #tpu.memory_space<vmem_shared>>
        tpu.enqueue_indirect_dma source(%arg10 : memref<128x128xf32, #tpu.memory_space<vmem>>) target(%dma_start3A_409 : memref<5120x128xf32, #tpu.memory_space<vmem_shared>>) offsets(%dma_start3A_406 : memref<128xi32, #tpu.memory_space<vmem>>) semaphore(%arg16 : memref<!tpu.dma_semaphore, #tpu.memory_space<semaphore_mem>>) {add = true}
      } else {
      }
      %add3A_385 = arith.constant 1 : i32
      %add3A_386 = arith.addi %add3A_375, %add3A_385 : i32
      %lt3A_387 = arith.cmpi slt, %add3A_386, %add3A_272 : i32
      %gt3A_388 = arith.constant 0 : i32
      %gt3A_389 = arith.cmpi sgt, %add3A_375, %gt3A_388 : i32
      %and3A_390 = arith.andi %lt3A_387, %gt3A_389 : i1
      %convert_element_type3A_391 = arith.extui %and3A_390 : i1 to i32
      %cond3A_392 = arith.constant 0 : i32
      %cond3A_393 = arith.cmpi ne, %convert_element_type3A_391, %cond3A_392 : i32
      scf.if %cond3A_393 {
        %dma_wait3A = arith.constant 0 : i32
        %dma_wait3A_400 = arith.constant 0 : i32
        %dma_wait3A_401 = tpu.memref_slice %arg8[%dma_wait3A, %dma_wait3A_400] : memref<48x128xi32, #tpu.memory_space<vmem>> -> memref<1x128xi32, #tpu.memory_space<vmem>>
        %dma_wait3A_402 = tpu.memref_squeeze %dma_wait3A_401 : memref<1x128xi32, #tpu.memory_space<vmem>> -> memref<128xi32, #tpu.memory_space<vmem>>
        %dma_wait3A_403 = arith.constant 0 : i32
        %dma_wait3A_404 = arith.constant 0 : i32
        %dma_wait3A_405 = tpu.memref_slice %arg14[%dma_wait3A_403, %dma_wait3A_404] : memref<5120x128xf32, #tpu.memory_space<vmem_shared>> -> memref<5120x128xf32, #tpu.memory_space<vmem_shared>>
        tpu.wait_indirect_dma semaphore(%arg16 : memref<!tpu.dma_semaphore, #tpu.memory_space<semaphore_mem>>) src(%arg9 : memref<128x128xf32, #tpu.memory_space<vmem>>) dst(%dma_wait3A_405 : memref<5120x128xf32, #tpu.memory_space<vmem_shared>>)
      } else {
      }
      %add3A_394 = arith.constant 1 : i32
      %add3A_395 = arith.addi %add3A_375, %add3A_394 : i32
      %lt3A_396 = arith.cmpi slt, %add3A_395, %add3A_272 : i32
      %convert_element_type3A_397 = arith.extui %lt3A_396 : i1 to i32
      %cond3A_398 = arith.constant 0 : i32
      %cond3A_399 = arith.cmpi ne, %convert_element_type3A_397, %cond3A_398 : i32
      scf.if %cond3A_399 {
        %add3A_400 = arith.constant 1 : i32
        %add3A_401 = arith.addi %add3A_375, %add3A_400 : i32
        %lt3A_402 = arith.cmpi slt, %add3A_401, %select_n3A_243 : i32
        %add3A_403 = arith.constant 24 : i32
        %add3A_404 = arith.addi %add3A_403, %add3A_401 : i32
        %sub3A_405 = arith.subi %add3A_404, %select_n3A_243 : i32
        %select_n3A_406 = arith.select %lt3A_402, %add3A_401, %sub3A_405 : i32
        %dma_start3A = arith.constant 0 : i32
        %dma_start3A_407 = tpu.memref_slice %arg7[%select_n3A_406, %dma_start3A] : memref<48x128xi32, #tpu.memory_space<vmem>> -> memref<1x128xi32, #tpu.memory_space<vmem>>
        %dma_start3A_408 = tpu.memref_squeeze %dma_start3A_407 : memref<1x128xi32, #tpu.memory_space<vmem>> -> memref<128xi32, #tpu.memory_space<vmem>>
        %dma_start3A_409 = arith.constant 0 : i32
        %dma_start3A_410 = arith.constant 0 : i32
        %dma_start3A_411 = tpu.memref_slice %arg13[%dma_start3A_409, %dma_start3A_410] : memref<5120x128xf32, #tpu.memory_space<vmem_shared>> -> memref<5120x128xf32, #tpu.memory_space<vmem_shared>>
        tpu.enqueue_indirect_dma source(%dma_start3A_411 : memref<5120x128xf32, #tpu.memory_space<vmem_shared>>) target(%arg9 : memref<128x128xf32, #tpu.memory_space<vmem>>) offsets(%dma_start3A_408 : memref<128xi32, #tpu.memory_space<vmem>>) semaphore(%arg15 : memref<!tpu.dma_semaphore, #tpu.memory_space<semaphore_mem>>)
      } else {
      }
    }
    %while3A_322 = arith.constant 1 : i32
    scf.for %while3A_342 = %while3A_320 to %while3A_316 step %while3A_322  : i32 {
      %mul3A_343 = arith.muli %while3A_342, %while3A_312 : i32
      %add3A_344 = arith.addi %while3A_313, %mul3A_343 : i32
      %mul3A_345 = arith.constant 2 : i32
      %mul3A_346 = arith.muli %add3A_344, %mul3A_345 : i32
      %add3A_347 = arith.constant 0 : i32
      %add3A_348 = arith.addi %mul3A_346, %add3A_347 : i32
      %lt3A = arith.cmpi slt, %add3A_348, %select_n3A_243 : i32
      %add3A_349 = arith.constant 24 : i32
      %add3A_350 = arith.addi %add3A_349, %add3A_348 : i32
      %sub3A_351 = arith.subi %add3A_350, %select_n3A_243 : i32
      %select_n3A_352 = arith.select %lt3A, %add3A_348, %sub3A_351 : i32
      %lt3A_353 = arith.cmpi slt, %add3A_348, %add3A_272 : i32
      %convert_element_type3A_354 = arith.extui %lt3A_353 : i1 to i32
      %cond3A_355 = arith.constant 0 : i32
      %cond3A_356 = arith.cmpi ne, %convert_element_type3A_354, %cond3A_355 : i32
      scf.if %cond3A_356 {
        %dma_wait3A = arith.constant 0 : i32
        %dma_wait3A_400 = tpu.memref_slice %arg7[%select_n3A_352, %dma_wait3A] : memref<48x128xi32, #tpu.memory_space<vmem>> -> memref<1x128xi32, #tpu.memory_space<vmem>>
        %dma_wait3A_401 = tpu.memref_squeeze %dma_wait3A_400 : memref<1x128xi32, #tpu.memory_space<vmem>> -> memref<128xi32, #tpu.memory_space<vmem>>
        %dma_wait3A_402 = arith.constant 0 : i32
        %dma_wait3A_403 = arith.constant 0 : i32
        %dma_wait3A_404 = tpu.memref_slice %arg13[%dma_wait3A_402, %dma_wait3A_403] : memref<5120x128xf32, #tpu.memory_space<vmem_shared>> -> memref<5120x128xf32, #tpu.memory_space<vmem_shared>>
        tpu.wait_indirect_dma semaphore(%arg15 : memref<!tpu.dma_semaphore, #tpu.memory_space<semaphore_mem>>) src(%dma_wait3A_404 : memref<5120x128xf32, #tpu.memory_space<vmem_shared>>) dst(%arg9 : memref<128x128xf32, #tpu.memory_space<vmem>>)
        %dma_start3A = arith.constant 0 : i32
        %dma_start3A_405 = tpu.memref_slice %arg8[%select_n3A_352, %dma_start3A] : memref<48x128xi32, #tpu.memory_space<vmem>> -> memref<1x128xi32, #tpu.memory_space<vmem>>
        %dma_start3A_406 = tpu.memref_squeeze %dma_start3A_405 : memref<1x128xi32, #tpu.memory_space<vmem>> -> memref<128xi32, #tpu.memory_space<vmem>>
        %dma_start3A_407 = arith.constant 0 : i32
        %dma_start3A_408 = arith.constant 0 : i32
        %dma_start3A_409 = tpu.memref_slice %arg14[%dma_start3A_407, %dma_start3A_408] : memref<5120x128xf32, #tpu.memory_space<vmem_shared>> -> memref<5120x128xf32, #tpu.memory_space<vmem_shared>>
        tpu.enqueue_indirect_dma source(%arg9 : memref<128x128xf32, #tpu.memory_space<vmem>>) target(%dma_start3A_409 : memref<5120x128xf32, #tpu.memory_space<vmem_shared>>) offsets(%dma_start3A_406 : memref<128xi32, #tpu.memory_space<vmem>>) semaphore(%arg16 : memref<!tpu.dma_semaphore, #tpu.memory_space<semaphore_mem>>) {add = true}
      } else {
      }
      %add3A_357 = arith.constant 1 : i32
      %add3A_358 = arith.addi %add3A_348, %add3A_357 : i32
      %lt3A_359 = arith.cmpi slt, %add3A_358, %add3A_272 : i32
      %gt3A_360 = arith.constant 0 : i32
      %gt3A_361 = arith.cmpi sgt, %add3A_348, %gt3A_360 : i32
      %and3A_362 = arith.andi %lt3A_359, %gt3A_361 : i1
      %convert_element_type3A_363 = arith.extui %and3A_362 : i1 to i32
      %cond3A_364 = arith.constant 0 : i32
      %cond3A_365 = arith.cmpi ne, %convert_element_type3A_363, %cond3A_364 : i32
      scf.if %cond3A_365 {
        %dma_wait3A = arith.constant 0 : i32
        %dma_wait3A_400 = arith.constant 0 : i32
        %dma_wait3A_401 = tpu.memref_slice %arg8[%dma_wait3A, %dma_wait3A_400] : memref<48x128xi32, #tpu.memory_space<vmem>> -> memref<1x128xi32, #tpu.memory_space<vmem>>
        %dma_wait3A_402 = tpu.memref_squeeze %dma_wait3A_401 : memref<1x128xi32, #tpu.memory_space<vmem>> -> memref<128xi32, #tpu.memory_space<vmem>>
        %dma_wait3A_403 = arith.constant 0 : i32
        %dma_wait3A_404 = arith.constant 0 : i32
        %dma_wait3A_405 = tpu.memref_slice %arg14[%dma_wait3A_403, %dma_wait3A_404] : memref<5120x128xf32, #tpu.memory_space<vmem_shared>> -> memref<5120x128xf32, #tpu.memory_space<vmem_shared>>
        tpu.wait_indirect_dma semaphore(%arg16 : memref<!tpu.dma_semaphore, #tpu.memory_space<semaphore_mem>>) src(%arg9 : memref<128x128xf32, #tpu.memory_space<vmem>>) dst(%dma_wait3A_405 : memref<5120x128xf32, #tpu.memory_space<vmem_shared>>)
      } else {
      }
      %add3A_366 = arith.constant 1 : i32
      %add3A_367 = arith.addi %add3A_348, %add3A_366 : i32
      %lt3A_368 = arith.cmpi slt, %add3A_367, %add3A_272 : i32
      %convert_element_type3A_369 = arith.extui %lt3A_368 : i1 to i32
      %cond3A_370 = arith.constant 0 : i32
      %cond3A_371 = arith.cmpi ne, %convert_element_type3A_369, %cond3A_370 : i32
      scf.if %cond3A_371 {
        %add3A_400 = arith.constant 1 : i32
        %add3A_401 = arith.addi %add3A_348, %add3A_400 : i32
        %lt3A_402 = arith.cmpi slt, %add3A_401, %select_n3A_243 : i32
        %add3A_403 = arith.constant 24 : i32
        %add3A_404 = arith.addi %add3A_403, %add3A_401 : i32
        %sub3A_405 = arith.subi %add3A_404, %select_n3A_243 : i32
        %select_n3A_406 = arith.select %lt3A_402, %add3A_401, %sub3A_405 : i32
        %dma_start3A = arith.constant 0 : i32
        %dma_start3A_407 = tpu.memref_slice %arg7[%select_n3A_406, %dma_start3A] : memref<48x128xi32, #tpu.memory_space<vmem>> -> memref<1x128xi32, #tpu.memory_space<vmem>>
        %dma_start3A_408 = tpu.memref_squeeze %dma_start3A_407 : memref<1x128xi32, #tpu.memory_space<vmem>> -> memref<128xi32, #tpu.memory_space<vmem>>
        %dma_start3A_409 = arith.constant 0 : i32
        %dma_start3A_410 = arith.constant 0 : i32
        %dma_start3A_411 = tpu.memref_slice %arg13[%dma_start3A_409, %dma_start3A_410] : memref<5120x128xf32, #tpu.memory_space<vmem_shared>> -> memref<5120x128xf32, #tpu.memory_space<vmem_shared>>
        tpu.enqueue_indirect_dma source(%dma_start3A_411 : memref<5120x128xf32, #tpu.memory_space<vmem_shared>>) target(%arg10 : memref<128x128xf32, #tpu.memory_space<vmem>>) offsets(%dma_start3A_408 : memref<128xi32, #tpu.memory_space<vmem>>) semaphore(%arg15 : memref<!tpu.dma_semaphore, #tpu.memory_space<semaphore_mem>>)
      } else {
      }
      %mul3A_372 = arith.constant 2 : i32
      %mul3A_373 = arith.muli %add3A_344, %mul3A_372 : i32
      %add3A_374 = arith.constant 1 : i32
      %add3A_375 = arith.addi %mul3A_373, %add3A_374 : i32
      %lt3A_376 = arith.cmpi slt, %add3A_375, %select_n3A_243 : i32
      %add3A_377 = arith.constant 24 : i32
      %add3A_378 = arith.addi %add3A_377, %add3A_375 : i32
      %sub3A_379 = arith.subi %add3A_378, %select_n3A_243 : i32
      %select_n3A_380 = arith.select %lt3A_376, %add3A_375, %sub3A_379 : i32
      %lt3A_381 = arith.cmpi slt, %add3A_375, %add3A_272 : i32
      %convert_element_type3A_382 = arith.extui %lt3A_381 : i1 to i32
      %cond3A_383 = arith.constant 0 : i32
      %cond3A_384 = arith.cmpi ne, %convert_element_type3A_382, %cond3A_383 : i32
      scf.if %cond3A_384 {
        %dma_wait3A = arith.constant 0 : i32
        %dma_wait3A_400 = tpu.memref_slice %arg7[%select_n3A_380, %dma_wait3A] : memref<48x128xi32, #tpu.memory_space<vmem>> -> memref<1x128xi32, #tpu.memory_space<vmem>>
        %dma_wait3A_401 = tpu.memref_squeeze %dma_wait3A_400 : memref<1x128xi32, #tpu.memory_space<vmem>> -> memref<128xi32, #tpu.memory_space<vmem>>
        %dma_wait3A_402 = arith.constant 0 : i32
        %dma_wait3A_403 = arith.constant 0 : i32
        %dma_wait3A_404 = tpu.memref_slice %arg13[%dma_wait3A_402, %dma_wait3A_403] : memref<5120x128xf32, #tpu.memory_space<vmem_shared>> -> memref<5120x128xf32, #tpu.memory_space<vmem_shared>>
        tpu.wait_indirect_dma semaphore(%arg15 : memref<!tpu.dma_semaphore, #tpu.memory_space<semaphore_mem>>) src(%dma_wait3A_404 : memref<5120x128xf32, #tpu.memory_space<vmem_shared>>) dst(%arg10 : memref<128x128xf32, #tpu.memory_space<vmem>>)
        %dma_start3A = arith.constant 0 : i32
        %dma_start3A_405 = tpu.memref_slice %arg8[%select_n3A_380, %dma_start3A] : memref<48x128xi32, #tpu.memory_space<vmem>> -> memref<1x128xi32, #tpu.memory_space<vmem>>
        %dma_start3A_406 = tpu.memref_squeeze %dma_start3A_405 : memref<1x128xi32, #tpu.memory_space<vmem>> -> memref<128xi32, #tpu.memory_space<vmem>>
        %dma_start3A_407 = arith.constant 0 : i32
        %dma_start3A_408 = arith.constant 0 : i32
        %dma_start3A_409 = tpu.memref_slice %arg14[%dma_start3A_407, %dma_start3A_408] : memref<5120x128xf32, #tpu.memory_space<vmem_shared>> -> memref<5120x128xf32, #tpu.memory_space<vmem_shared>>
        tpu.enqueue_indirect_dma source(%arg10 : memref<128x128xf32, #tpu.memory_space<vmem>>) target(%dma_start3A_409 : memref<5120x128xf32, #tpu.memory_space<vmem_shared>>) offsets(%dma_start3A_406 : memref<128xi32, #tpu.memory_space<vmem>>) semaphore(%arg16 : memref<!tpu.dma_semaphore, #tpu.memory_space<semaphore_mem>>) {add = true}
      } else {
      }
      %add3A_385 = arith.constant 1 : i32
      %add3A_386 = arith.addi %add3A_375, %add3A_385 : i32
      %lt3A_387 = arith.cmpi slt, %add3A_386, %add3A_272 : i32
      %gt3A_388 = arith.constant 0 : i32
      %gt3A_389 = arith.cmpi sgt, %add3A_375, %gt3A_388 : i32
      %and3A_390 = arith.andi %lt3A_387, %gt3A_389 : i1
      %convert_element_type3A_391 = arith.extui %and3A_390 : i1 to i32
      %cond3A_392 = arith.constant 0 : i32
      %cond3A_393 = arith.cmpi ne, %convert_element_type3A_391, %cond3A_392 : i32
      scf.if %cond3A_393 {
        %dma_wait3A = arith.constant 0 : i32
        %dma_wait3A_400 = arith.constant 0 : i32
        %dma_wait3A_401 = tpu.memref_slice %arg8[%dma_wait3A, %dma_wait3A_400] : memref<48x128xi32, #tpu.memory_space<vmem>> -> memref<1x128xi32, #tpu.memory_space<vmem>>
        %dma_wait3A_402 = tpu.memref_squeeze %dma_wait3A_401 : memref<1x128xi32, #tpu.memory_space<vmem>> -> memref<128xi32, #tpu.memory_space<vmem>>
        %dma_wait3A_403 = arith.constant 0 : i32
        %dma_wait3A_404 = arith.constant 0 : i32
        %dma_wait3A_405 = tpu.memref_slice %arg14[%dma_wait3A_403, %dma_wait3A_404] : memref<5120x128xf32, #tpu.memory_space<vmem_shared>> -> memref<5120x128xf32, #tpu.memory_space<vmem_shared>>
        tpu.wait_indirect_dma semaphore(%arg16 : memref<!tpu.dma_semaphore, #tpu.memory_space<semaphore_mem>>) src(%arg9 : memref<128x128xf32, #tpu.memory_space<vmem>>) dst(%dma_wait3A_405 : memref<5120x128xf32, #tpu.memory_space<vmem_shared>>)
      } else {
      }
      %add3A_394 = arith.constant 1 : i32
      %add3A_395 = arith.addi %add3A_375, %add3A_394 : i32
      %lt3A_396 = arith.cmpi slt, %add3A_395, %add3A_272 : i32
      %convert_element_type3A_397 = arith.extui %lt3A_396 : i1 to i32
      %cond3A_398 = arith.constant 0 : i32
      %cond3A_399 = arith.cmpi ne, %convert_element_type3A_397, %cond3A_398 : i32
      scf.if %cond3A_399 {
        %add3A_400 = arith.constant 1 : i32
        %add3A_401 = arith.addi %add3A_375, %add3A_400 : i32
        %lt3A_402 = arith.cmpi slt, %add3A_401, %select_n3A_243 : i32
        %add3A_403 = arith.constant 24 : i32
        %add3A_404 = arith.addi %add3A_403, %add3A_401 : i32
        %sub3A_405 = arith.subi %add3A_404, %select_n3A_243 : i32
        %select_n3A_406 = arith.select %lt3A_402, %add3A_401, %sub3A_405 : i32
        %dma_start3A = arith.constant 0 : i32
        %dma_start3A_407 = tpu.memref_slice %arg7[%select_n3A_406, %dma_start3A] : memref<48x128xi32, #tpu.memory_space<vmem>> -> memref<1x128xi32, #tpu.memory_space<vmem>>
        %dma_start3A_408 = tpu.memref_squeeze %dma_start3A_407 : memref<1x128xi32, #tpu.memory_space<vmem>> -> memref<128xi32, #tpu.memory_space<vmem>>
        %dma_start3A_409 = arith.constant 0 : i32
        %dma_start3A_410 = arith.constant 0 : i32
        %dma_start3A_411 = tpu.memref_slice %arg13[%dma_start3A_409, %dma_start3A_410] : memref<5120x128xf32, #tpu.memory_space<vmem_shared>> -> memref<5120x128xf32, #tpu.memory_space<vmem_shared>>
        tpu.enqueue_indirect_dma source(%dma_start3A_411 : memref<5120x128xf32, #tpu.memory_space<vmem_shared>>) target(%arg9 : memref<128x128xf32, #tpu.memory_space<vmem>>) offsets(%dma_start3A_408 : memref<128xi32, #tpu.memory_space<vmem>>) semaphore(%arg15 : memref<!tpu.dma_semaphore, #tpu.memory_space<semaphore_mem>>)
      } else {
      }
    }
    %ge3A_323 = arith.constant 1 : i32
    %ge3A_324 = arith.cmpi sge, %add3A_272, %ge3A_323 : i32
    %convert_element_type3A_325 = arith.extui %ge3A_324 : i1 to i32
    %cond3A_326 = arith.constant 0 : i32
    %cond3A_327 = arith.cmpi ne, %convert_element_type3A_325, %cond3A_326 : i32
    scf.if %cond3A_327 {
      %dma_wait3A = arith.constant 0 : i32
      %dma_wait3A_342 = arith.constant 0 : i32
      %dma_wait3A_343 = tpu.memref_slice %arg8[%dma_wait3A, %dma_wait3A_342] : memref<48x128xi32, #tpu.memory_space<vmem>> -> memref<1x128xi32, #tpu.memory_space<vmem>>
      %dma_wait3A_344 = tpu.memref_squeeze %dma_wait3A_343 : memref<1x128xi32, #tpu.memory_space<vmem>> -> memref<128xi32, #tpu.memory_space<vmem>>
      %dma_wait3A_345 = arith.constant 0 : i32
      %dma_wait3A_346 = arith.constant 0 : i32
      %dma_wait3A_347 = tpu.memref_slice %arg14[%dma_wait3A_345, %dma_wait3A_346] : memref<5120x128xf32, #tpu.memory_space<vmem_shared>> -> memref<5120x128xf32, #tpu.memory_space<vmem_shared>>
      tpu.wait_indirect_dma semaphore(%arg16 : memref<!tpu.dma_semaphore, #tpu.memory_space<semaphore_mem>>) src(%arg9 : memref<128x128xf32, #tpu.memory_space<vmem>>) dst(%dma_wait3A_347 : memref<5120x128xf32, #tpu.memory_space<vmem_shared>>)
    } else {
    }
    %ge3A_328 = arith.constant 2 : i32
    %ge3A_329 = arith.cmpi sge, %add3A_272, %ge3A_328 : i32
    %convert_element_type3A_330 = arith.extui %ge3A_329 : i1 to i32
    %cond3A_331 = arith.constant 0 : i32
    %cond3A_332 = arith.cmpi ne, %convert_element_type3A_330, %cond3A_331 : i32
    scf.if %cond3A_332 {
      %dma_wait3A = arith.constant 0 : i32
      %dma_wait3A_342 = arith.constant 0 : i32
      %dma_wait3A_343 = tpu.memref_slice %arg8[%dma_wait3A, %dma_wait3A_342] : memref<48x128xi32, #tpu.memory_space<vmem>> -> memref<1x128xi32, #tpu.memory_space<vmem>>
      %dma_wait3A_344 = tpu.memref_squeeze %dma_wait3A_343 : memref<1x128xi32, #tpu.memory_space<vmem>> -> memref<128xi32, #tpu.memory_space<vmem>>
      %dma_wait3A_345 = arith.constant 0 : i32
      %dma_wait3A_346 = arith.constant 0 : i32
      %dma_wait3A_347 = tpu.memref_slice %arg14[%dma_wait3A_345, %dma_wait3A_346] : memref<5120x128xf32, #tpu.memory_space<vmem_shared>> -> memref<5120x128xf32, #tpu.memory_space<vmem_shared>>
      tpu.wait_indirect_dma semaphore(%arg16 : memref<!tpu.dma_semaphore, #tpu.memory_space<semaphore_mem>>) src(%arg9 : memref<128x128xf32, #tpu.memory_space<vmem>>) dst(%dma_wait3A_347 : memref<5120x128xf32, #tpu.memory_space<vmem_shared>>)
    } else {
    }
    %barrier3A_333 = arith.constant 0 : index
    tpu.barrier barrier_id(%barrier3A_333)
    %add3A_334 = arith.constant 0 : i32
    %add3A_335 = arith.addi %mul3A_5, %add3A_334 : i32
    "tpu.region"() ({
      %run_scoped3A = tpu.sem_alloc : memref<!tpu.dma_semaphore, #tpu.memory_space<semaphore_mem>>
      %dma_start3A = arith.constant 0 : i32
      %dma_start3A_342 = tpu.memref_slice %arg6[%arg0, %add3A_335, %dma_start3A] : memref<2x5120x128xf32, #tpu.memory_space<hbm>> -> memref<1x128x128xf32, #tpu.memory_space<hbm>>
      %dma_start3A_343 = tpu.memref_squeeze %dma_start3A_342 : memref<1x128x128xf32, #tpu.memory_space<hbm>> -> memref<128x128xf32, #tpu.memory_space<hbm>>
      %dma_start3A_344 = arith.constant 0 : i32
      %dma_start3A_345 = tpu.memref_slice %arg14[%add3A_335, %dma_start3A_344] : memref<5120x128xf32, #tpu.memory_space<vmem_shared>> -> memref<128x128xf32, #tpu.memory_space<vmem_shared>>
      tpu.enqueue_dma source(%dma_start3A_345 : memref<128x128xf32, #tpu.memory_space<vmem_shared>>) target(%dma_start3A_343 : memref<128x128xf32, #tpu.memory_space<hbm>>) target_semaphore(%run_scoped3A : memref<!tpu.dma_semaphore, #tpu.memory_space<semaphore_mem>>)
      %dma_wait3A = arith.constant 0 : i32
      %dma_wait3A_346 = tpu.memref_slice %arg6[%arg0, %add3A_335, %dma_wait3A] : memref<2x5120x128xf32, #tpu.memory_space<hbm>> -> memref<1x128x128xf32, #tpu.memory_space<hbm>>
      %dma_wait3A_347 = tpu.memref_squeeze %dma_wait3A_346 : memref<1x128x128xf32, #tpu.memory_space<hbm>> -> memref<128x128xf32, #tpu.memory_space<hbm>>
      %dma_wait3A_348 = arith.constant 0 : i32
      %dma_wait3A_349 = tpu.memref_slice %arg14[%add3A_335, %dma_wait3A_348] : memref<5120x128xf32, #tpu.memory_space<vmem_shared>> -> memref<128x128xf32, #tpu.memory_space<vmem_shared>>
      tpu.wait_dma2 semaphore(%run_scoped3A : memref<!tpu.dma_semaphore, #tpu.memory_space<semaphore_mem>>) src(%dma_wait3A_349 : memref<128x128xf32, #tpu.memory_space<vmem_shared>>) dst(%dma_wait3A_347 : memref<128x128xf32, #tpu.memory_space<hbm>>)
      tpu.yield
    }) : () -> ()
    %add3A_336 = arith.constant 128 : i32
    %add3A_337 = arith.addi %mul3A_5, %add3A_336 : i32
    "tpu.region"() ({
      %run_scoped3A = tpu.sem_alloc : memref<!tpu.dma_semaphore, #tpu.memory_space<semaphore_mem>>
      %dma_start3A = arith.constant 0 : i32
      %dma_start3A_342 = tpu.memref_slice %arg6[%arg0, %add3A_337, %dma_start3A] : memref<2x5120x128xf32, #tpu.memory_space<hbm>> -> memref<1x128x128xf32, #tpu.memory_space<hbm>>
      %dma_start3A_343 = tpu.memref_squeeze %dma_start3A_342 : memref<1x128x128xf32, #tpu.memory_space<hbm>> -> memref<128x128xf32, #tpu.memory_space<hbm>>
      %dma_start3A_344 = arith.constant 0 : i32
      %dma_start3A_345 = tpu.memref_slice %arg14[%add3A_337, %dma_start3A_344] : memref<5120x128xf32, #tpu.memory_space<vmem_shared>> -> memref<128x128xf32, #tpu.memory_space<vmem_shared>>
      tpu.enqueue_dma source(%dma_start3A_345 : memref<128x128xf32, #tpu.memory_space<vmem_shared>>) target(%dma_start3A_343 : memref<128x128xf32, #tpu.memory_space<hbm>>) target_semaphore(%run_scoped3A : memref<!tpu.dma_semaphore, #tpu.memory_space<semaphore_mem>>)
      %dma_wait3A = arith.constant 0 : i32
      %dma_wait3A_346 = tpu.memref_slice %arg6[%arg0, %add3A_337, %dma_wait3A] : memref<2x5120x128xf32, #tpu.memory_space<hbm>> -> memref<1x128x128xf32, #tpu.memory_space<hbm>>
      %dma_wait3A_347 = tpu.memref_squeeze %dma_wait3A_346 : memref<1x128x128xf32, #tpu.memory_space<hbm>> -> memref<128x128xf32, #tpu.memory_space<hbm>>
      %dma_wait3A_348 = arith.constant 0 : i32
      %dma_wait3A_349 = tpu.memref_slice %arg14[%add3A_337, %dma_wait3A_348] : memref<5120x128xf32, #tpu.memory_space<vmem_shared>> -> memref<128x128xf32, #tpu.memory_space<vmem_shared>>
      tpu.wait_dma2 semaphore(%run_scoped3A : memref<!tpu.dma_semaphore, #tpu.memory_space<semaphore_mem>>) src(%dma_wait3A_349 : memref<128x128xf32, #tpu.memory_space<vmem_shared>>) dst(%dma_wait3A_347 : memref<128x128xf32, #tpu.memory_space<hbm>>)
      tpu.yield
    }) : () -> ()
    %add3A_338 = arith.constant 320 : i32
    %add3A_339 = arith.addi %mul3A_5, %add3A_338 : i32
    %sub3A_340 = arith.constant 64 : i32
    %sub3A_341 = arith.subi %add3A_339, %sub3A_340 : i32
    "tpu.region"() ({
      %run_scoped3A = tpu.sem_alloc : memref<!tpu.dma_semaphore, #tpu.memory_space<semaphore_mem>>
      %dma_start3A = arith.constant 0 : i32
      %dma_start3A_342 = tpu.memref_slice %arg6[%arg0, %sub3A_341, %dma_start3A] : memref<2x5120x128xf32, #tpu.memory_space<hbm>> -> memref<1x64x128xf32, #tpu.memory_space<hbm>>
      %dma_start3A_343 = tpu.memref_squeeze %dma_start3A_342 : memref<1x64x128xf32, #tpu.memory_space<hbm>> -> memref<64x128xf32, #tpu.memory_space<hbm>>
      %dma_start3A_344 = arith.constant 0 : i32
      %dma_start3A_345 = tpu.memref_slice %arg14[%sub3A_341, %dma_start3A_344] : memref<5120x128xf32, #tpu.memory_space<vmem_shared>> -> memref<64x128xf32, #tpu.memory_space<vmem_shared>>
      tpu.enqueue_dma source(%dma_start3A_345 : memref<64x128xf32, #tpu.memory_space<vmem_shared>>) target(%dma_start3A_343 : memref<64x128xf32, #tpu.memory_space<hbm>>) target_semaphore(%run_scoped3A : memref<!tpu.dma_semaphore, #tpu.memory_space<semaphore_mem>>)
      %dma_wait3A = arith.constant 0 : i32
      %dma_wait3A_346 = tpu.memref_slice %arg6[%arg0, %sub3A_341, %dma_wait3A] : memref<2x5120x128xf32, #tpu.memory_space<hbm>> -> memref<1x64x128xf32, #tpu.memory_space<hbm>>
      %dma_wait3A_347 = tpu.memref_squeeze %dma_wait3A_346 : memref<1x64x128xf32, #tpu.memory_space<hbm>> -> memref<64x128xf32, #tpu.memory_space<hbm>>
      %dma_wait3A_348 = arith.constant 0 : i32
      %dma_wait3A_349 = tpu.memref_slice %arg14[%sub3A_341, %dma_wait3A_348] : memref<5120x128xf32, #tpu.memory_space<vmem_shared>> -> memref<64x128xf32, #tpu.memory_space<vmem_shared>>
      tpu.wait_dma2 semaphore(%run_scoped3A : memref<!tpu.dma_semaphore, #tpu.memory_space<semaphore_mem>>) src(%dma_wait3A_349 : memref<64x128xf32, #tpu.memory_space<vmem_shared>>) dst(%dma_wait3A_347 : memref<64x128xf32, #tpu.memory_space<hbm>>)
      tpu.yield
    }) : () -> ()
    return
  }
}

#map = affine_map<(d0, d1) -> (0, 0)>
#map1 = affine_map<(d0, d1) -> (0, 0, 0, 0)>
#map2 = affine_map<(d0, d1) -> (0, 0, 0)>
module attributes {stable_mosaic.version = 14 : i64} {
  func.func @_aggregate(%arg0: i32, %arg1: i32, %arg2: memref<10120x128xf32, #tpu.memory_space<hbm>>, %arg3: memref<32x4x24x128xi32, #tpu.memory_space<hbm>>, %arg4: memref<32x4x24x128xi32, #tpu.memory_space<hbm>>, %arg5: memref<32x16xi32, #tpu.memory_space<hbm>>, %arg6: memref<2x5120x128xf32, #tpu.memory_space<hbm>>, %arg7: memref<48x128xi32, #tpu.memory_space<vmem>>, %arg8: memref<48x128xi32, #tpu.memory_space<vmem>>, %arg9: memref<128x128xf32, #tpu.memory_space<vmem>>, %arg10: memref<128x128xf32, #tpu.memory_space<vmem>>, %arg11: memref<16xi32, #tpu.memory_space<vmem>>, %arg12: memref<16xi32, #tpu.memory_space<vmem>>, %arg13: memref<5120x128xf32, #tpu.memory_space<vmem_shared>>, %arg14: memref<5120x128xf32, #tpu.memory_space<vmem_shared>>, %arg15: memref<!tpu.dma_semaphore, #tpu.memory_space<semaphore_mem>>, %arg16: memref<!tpu.dma_semaphore, #tpu.memory_space<semaphore_mem>>) attributes {dimension_semantics = [#tpu.dimension_semantics<core_parallel>, #tpu.dimension_semantics<subcore_parallel>], iteration_bounds = array<i64: 2, 16>, scalar_prefetch = 0 : i64, scratch_operands = 10 : i64, tpu.core_type = #tpu.core_type<sc_vector_subcore>, window_params = [{transform_indices = #map}, {transform_indices = #map1}, {transform_indices = #map1}, {transform_indices = #map}, {transform_indices = #map2}]} {
    %broadcast_in_dim3A = arith.constant 0.000000e+00 : f32
    %broadcast_in_dim3A_0 = vector.broadcast %broadcast_in_dim3A : f32 to vector<16xf32>
    %scan3A = arith.constant 0 : i32
    %scan3A_1 = arith.constant 128 : i32
    %scan3A_2 = arith.addi %scan3A, %scan3A_1 : i32
    %scan3A_3 = arith.constant 1 : i32
    scf.for %scan3A_342 = %scan3A to %scan3A_2 step %scan3A_3  : i32 {
      %mul3A_343 = arith.constant 1 : i32
      %mul3A_344 = arith.muli %scan3A_342, %mul3A_343 : i32
      %add3A_345 = arith.constant 0 : i32
      %add3A_346 = arith.addi %add3A_345, %mul3A_344 : i32
      %swap3A = arith.index_cast %add3A_346 : i32 to index
      %swap3A_347 = arith.constant 0 : index
      %swap3A_348 = tpu.vector_load %arg9[%swap3A, %swap3A_347] {strides = array<i32>} : memref<128x128xf32, #tpu.memory_space<vmem>>, vector<16xf32>,
      tpu.vector_store %arg9[%swap3A, %swap3A_347], %broadcast_in_dim3A_0 {strides = array<i32>} : memref<128x128xf32, #tpu.memory_space<vmem>>, vector<16xf32>,
      %swap3A_349 = arith.index_cast %add3A_346 : i32 to index
      %swap3A_350 = arith.constant 16 : index
      %swap3A_351 = tpu.vector_load %arg9[%swap3A_349, %swap3A_350] {strides = array<i32>} : memref<128x128xf32, #tpu.memory_space<vmem>>, vector<16xf32>,
      tpu.vector_store %arg9[%swap3A_349, %swap3A_350], %broadcast_in_dim3A_0 {strides = array<i32>} : memref<128x128xf32, #tpu.memory_space<vmem>>, vector<16xf32>,
      %swap3A_352 = arith.index_cast %add3A_346 : i32 to index
      %swap3A_353 = arith.constant 32 : index
      %swap3A_354 = tpu.vector_load %arg9[%swap3A_352, %swap3A_353] {strides = array<i32>} : memref<128x128xf32, #tpu.memory_space<vmem>>, vector<16xf32>,
      tpu.vector_store %arg9[%swap3A_352, %swap3A_353], %broadcast_in_dim3A_0 {strides = array<i32>} : memref<128x128xf32, #tpu.memory_space<vmem>>, vector<16xf32>,
      %swap3A_355 = arith.index_cast %add3A_346 : i32 to index
      %swap3A_356 = arith.constant 48 : index
      %swap3A_357 = tpu.vector_load %arg9[%swap3A_355, %swap3A_356] {strides = array<i32>} : memref<128x128xf32, #tpu.memory_space<vmem>>, vector<16xf32>,
      tpu.vector_store %arg9[%swap3A_355, %swap3A_356], %broadcast_in_dim3A_0 {strides = array<i32>} : memref<128x128xf32, #tpu.memory_space<vmem>>, vector<16xf32>,
      %swap3A_358 = arith.index_cast %add3A_346 : i32 to index
      %swap3A_359 = arith.constant 64 : index
      %swap3A_360 = tpu.vector_load %arg9[%swap3A_358, %swap3A_359] {strides = array<i32>} : memref<128x128xf32, #tpu.memory_space<vmem>>, vector<16xf32>,
      tpu.vector_store %arg9[%swap3A_358, %swap3A_359], %broadcast_in_dim3A_0 {strides = array<i32>} : memref<128x128xf32, #tpu.memory_space<vmem>>, vector<16xf32>,
      %swap3A_361 = arith.index_cast %add3A_346 : i32 to index
      %swap3A_362 = arith.constant 80 : index
      %swap3A_363 = tpu.vector_load %arg9[%swap3A_361, %swap3A_362] {strides = array<i32>} : memref<128x128xf32, #tpu.memory_space<vmem>>, vector<16xf32>,
      tpu.vector_store %arg9[%swap3A_361, %swap3A_362], %broadcast_in_dim3A_0 {strides = array<i32>} : memref<128x128xf32, #tpu.memory_space<vmem>>, vector<16xf32>,
      %swap3A_364 = arith.index_cast %add3A_346 : i32 to index
      %swap3A_365 = arith.constant 96 : index
      %swap3A_366 = tpu.vector_load %arg9[%swap3A_364, %swap3A_365] {strides = array<i32>} : memref<128x128xf32, #tpu.memory_space<vmem>>, vector<16xf32>,
      tpu.vector_store %arg9[%swap3A_364, %swap3A_365], %broadcast_in_dim3A_0 {strides = array<i32>} : memref<128x128xf32, #tpu.memory_space<vmem>>, vector<16xf32>,
      %swap3A_367 = arith.index_cast %add3A_346 : i32 to index
      %swap3A_368 = arith.constant 112 : index
      %swap3A_369 = tpu.vector_load %arg9[%swap3A_367, %swap3A_368] {strides = array<i32>} : memref<128x128xf32, #tpu.memory_space<vmem>>, vector<16xf32>,
      tpu.vector_store %arg9[%swap3A_367, %swap3A_368], %broadcast_in_dim3A_0 {strides = array<i32>} : memref<128x128xf32, #tpu.memory_space<vmem>>, vector<16xf32>,
    }
    %scan3A_4 = arith.constant 128 : i32
    %mul3A = arith.constant 320 : i32
    %mul3A_5 = arith.muli %arg1, %mul3A : i32
    %add3A = arith.constant 0 : i32
    %add3A_6 = arith.addi %mul3A_5, %add3A : i32
    "tpu.region"() ({
      %run_scoped3A = tpu.sem_alloc : memref<!tpu.dma_semaphore, #tpu.memory_space<semaphore_mem>>
      %dma_start3A = arith.constant 0 : i32
      %dma_start3A_342 = tpu.memref_slice %arg14[%add3A_6, %dma_start3A] : memref<5120x128xf32, #tpu.memory_space<vmem_shared>> -> memref<128x128xf32, #tpu.memory_space<vmem_shared>>
      %dma_start3A_343 = arith.constant 0 : i32
      %dma_start3A_344 = tpu.memref_slice %arg14[%add3A_6, %dma_start3A_343] : memref<5120x128xf32, #tpu.memory_space<vmem_shared>> -> memref<128x128xf32, #tpu.memory_space<vmem_shared>>
      tpu.enqueue_dma source(%arg9 : memref<128x128xf32, #tpu.memory_space<vmem>>) target(%dma_start3A_344 : memref<128x128xf32, #tpu.memory_space<vmem_shared>>) target_semaphore(%run_scoped3A : memref<!tpu.dma_semaphore, #tpu.memory_space<semaphore_mem>>)
      %dma_wait3A = arith.constant 0 : i32
      %dma_wait3A_345 = tpu.memref_slice %arg14[%add3A_6, %dma_wait3A] : memref<5120x128xf32, #tpu.memory_space<vmem_shared>> -> memref<128x128xf32, #tpu.memory_space<vmem_shared>>
      %dma_wait3A_346 = arith.constant 0 : i32
      %dma_wait3A_347 = tpu.memref_slice %arg14[%add3A_6, %dma_wait3A_346] : memref<5120x128xf32, #tpu.memory_space<vmem_shared>> -> memref<128x128xf32, #tpu.memory_space<vmem_shared>>
      tpu.wait_dma2 semaphore(%run_scoped3A : memref<!tpu.dma_semaphore, #tpu.memory_space<semaphore_mem>>) src(%arg9 : memref<128x128xf32, #tpu.memory_space<vmem>>) dst(%dma_wait3A_347 : memref<128x128xf32, #tpu.memory_space<vmem_shared>>)
      tpu.yield
    }) : () -> ()
    %add3A_7 = arith.constant 128 : i32
    %add3A_8 = arith.addi %mul3A_5, %add3A_7 : i32
    "tpu.region"() ({
      %run_scoped3A = tpu.sem_alloc : memref<!tpu.dma_semaphore, #tpu.memory_space<semaphore_mem>>
      %dma_start3A = arith.constant 0 : i32
      %dma_start3A_342 = tpu.memref_slice %arg14[%add3A_8, %dma_start3A] : memref<5120x128xf32, #tpu.memory_space<vmem_shared>> -> memref<128x128xf32, #tpu.memory_space<vmem_shared>>
      %dma_start3A_343 = arith.constant 0 : i32
      %dma_start3A_344 = tpu.memref_slice %arg14[%add3A_8, %dma_start3A_343] : memref<5120x128xf32, #tpu.memory_space<vmem_shared>> -> memref<128x128xf32, #tpu.memory_space<vmem_shared>>
      tpu.enqueue_dma source(%arg9 : memref<128x128xf32, #tpu.memory_space<vmem>>) target(%dma_start3A_344 : memref<128x128xf32, #tpu.memory_space<vmem_shared>>) target_semaphore(%run_scoped3A : memref<!tpu.dma_semaphore, #tpu.memory_space<semaphore_mem>>)
      %dma_wait3A = arith.constant 0 : i32
      %dma_wait3A_345 = tpu.memref_slice %arg14[%add3A_8, %dma_wait3A] : memref<5120x128xf32, #tpu.memory_space<vmem_shared>> -> memref<128x128xf32, #tpu.memory_space<vmem_shared>>
      %dma_wait3A_346 = arith.constant 0 : i32
      %dma_wait3A_347 = tpu.memref_slice %arg14[%add3A_8, %dma_wait3A_346] : memref<5120x128xf32, #tpu.memory_space<vmem_shared>> -> memref<128x128xf32, #tpu.memory_space<vmem_shared>>
      tpu.wait_dma2 semaphore(%run_scoped3A : memref<!tpu.dma_semaphore, #tpu.memory_space<semaphore_mem>>) src(%arg9 : memref<128x128xf32, #tpu.memory_space<vmem>>) dst(%dma_wait3A_347 : memref<128x128xf32, #tpu.memory_space<vmem_shared>>)
      tpu.yield
    }) : () -> ()
    %add3A_9 = arith.constant 320 : i32
    %add3A_10 = arith.addi %mul3A_5, %add3A_9 : i32
    %sub3A = arith.constant 64 : i32
    %sub3A_11 = arith.subi %add3A_10, %sub3A : i32
    "tpu.region"() ({
      %run_scoped3A = tpu.sem_alloc : memref<!tpu.dma_semaphore, #tpu.memory_space<semaphore_mem>>
      %dma_start3A = arith.constant 0 : i32
      %dma_start3A_342 = arith.constant 0 : i32
      %dma_start3A_343 = tpu.memref_slice %arg9[%dma_start3A, %dma_start3A_342] : memref<128x128xf32, #tpu.memory_space<vmem>> -> memref<64x128xf32, #tpu.memory_space<vmem>>
      %dma_start3A_344 = arith.constant 0 : i32
      %dma_start3A_345 = tpu.memref_slice %arg14[%sub3A_11, %dma_start3A_344] : memref<5120x128xf32, #tpu.memory_space<vmem_shared>> -> memref<64x128xf32, #tpu.memory_space<vmem_shared>>
      %dma_start3A_346 = arith.constant 0 : i32
      %dma_start3A_347 = tpu.memref_slice %arg14[%sub3A_11, %dma_start3A_346] : memref<5120x128xf32, #tpu.memory_space<vmem_shared>> -> memref<64x128xf32, #tpu.memory_space<vmem_shared>>
      %dma_start3A_348 = arith.constant 0 : i32
      %dma_start3A_349 = arith.constant 0 : i32
      %dma_start3A_350 = tpu.memref_slice %arg9[%dma_start3A_348, %dma_start3A_349] : memref<128x128xf32, #tpu.memory_space<vmem>> -> memref<64x128xf32, #tpu.memory_space<vmem>>
      tpu.enqueue_dma source(%dma_start3A_350 : memref<64x128xf32, #tpu.memory_space<vmem>>) target(%dma_start3A_347 : memref<64x128xf32, #tpu.memory_space<vmem_shared>>) target_semaphore(%run_scoped3A : memref<!tpu.dma_semaphore, #tpu.memory_space<semaphore_mem>>)
      %dma_wait3A = arith.constant 0 : i32
      %dma_wait3A_351 = arith.constant 0 : i32
      %dma_wait3A_352 = tpu.memref_slice %arg9[%dma_wait3A, %dma_wait3A_351] : memref<128x128xf32, #tpu.memory_space<vmem>> -> memref<64x128xf32, #tpu.memory_space<vmem>>
      %dma_wait3A_353 = arith.constant 0 : i32
      %dma_wait3A_354 = tpu.memref_slice %arg14[%sub3A_11, %dma_wait3A_353] : memref<5120x128xf32, #tpu.memory_space<vmem_shared>> -> memref<64x128xf32, #tpu.memory_space<vmem_shared>>
      %dma_wait3A_355 = arith.constant 0 : i32
      %dma_wait3A_356 = tpu.memref_slice %arg14[%sub3A_11, %dma_wait3A_355] : memref<5120x128xf32, #tpu.memory_space<vmem_shared>> -> memref<64x128xf32, #tpu.memory_space<vmem_shared>>
      %dma_wait3A_357 = arith.constant 0 : i32
      %dma_wait3A_358 = arith.constant 0 : i32
      %dma_wait3A_359 = tpu.memref_slice %arg9[%dma_wait3A_357, %dma_wait3A_358] : memref<128x128xf32, #tpu.memory_space<vmem>> -> memref<64x128xf32, #tpu.memory_space<vmem>>
      tpu.wait_dma2 semaphore(%run_scoped3A : memref<!tpu.dma_semaphore, #tpu.memory_space<semaphore_mem>>) src(%dma_wait3A_359 : memref<64x128xf32, #tpu.memory_space<vmem>>) dst(%dma_wait3A_356 : memref<64x128xf32, #tpu.memory_space<vmem_shared>>)
      tpu.yield
    }) : () -> ()
    %iota3A = tpu.iota {dimensions = array<i32: 0>} : vector<16xi32>
    %mul3A_12 = arith.constant 2 : i32
    %mul3A_13 = arith.muli %mul3A_12, %arg1 : i32
    %add3A_14 = arith.constant 0 : i32
    %add3A_15 = arith.addi %mul3A_13, %add3A_14 : i32
    "tpu.region"() ({
      %run_scoped3A = tpu.sem_alloc : memref<!tpu.dma_semaphore, #tpu.memory_space<semaphore_mem>>
      %dma_start3A = arith.constant 0 : i32
      %dma_start3A_342 = tpu.memref_slice %arg5[%add3A_15, %dma_start3A] : memref<32x16xi32, #tpu.memory_space<hbm>> -> memref<1x16xi32, #tpu.memory_space<hbm>>
      %dma_start3A_343 = tpu.memref_squeeze %dma_start3A_342 : memref<1x16xi32, #tpu.memory_space<hbm>> -> memref<16xi32, #tpu.memory_space<hbm>>
      %dma_start3A_344 = arith.constant 0 : i32
      %dma_start3A_345 = tpu.memref_slice %arg5[%add3A_15, %dma_start3A_344] : memref<32x16xi32, #tpu.memory_space<hbm>> -> memref<1x16xi32, #tpu.memory_space<hbm>>
      %dma_start3A_346 = tpu.memref_squeeze %dma_start3A_345 : memref<1x16xi32, #tpu.memory_space<hbm>> -> memref<16xi32, #tpu.memory_space<hbm>>
      tpu.enqueue_dma source(%dma_start3A_346 : memref<16xi32, #tpu.memory_space<hbm>>) target(%arg11 : memref<16xi32, #tpu.memory_space<vmem>>) target_semaphore(%run_scoped3A : memref<!tpu.dma_semaphore, #tpu.memory_space<semaphore_mem>>)
      %dma_wait3A = arith.constant 0 : i32
      %dma_wait3A_347 = tpu.memref_slice %arg5[%add3A_15, %dma_wait3A] : memref<32x16xi32, #tpu.memory_space<hbm>> -> memref<1x16xi32, #tpu.memory_space<hbm>>
      %dma_wait3A_348 = tpu.memref_squeeze %dma_wait3A_347 : memref<1x16xi32, #tpu.memory_space<hbm>> -> memref<16xi32, #tpu.memory_space<hbm>>
      %dma_wait3A_349 = arith.constant 0 : i32
      %dma_wait3A_350 = tpu.memref_slice %arg5[%add3A_15, %dma_wait3A_349] : memref<32x16xi32, #tpu.memory_space<hbm>> -> memref<1x16xi32, #tpu.memory_space<hbm>>
      %dma_wait3A_351 = tpu.memref_squeeze %dma_wait3A_350 : memref<1x16xi32, #tpu.memory_space<hbm>> -> memref<16xi32, #tpu.memory_space<hbm>>
      tpu.wait_dma2 semaphore(%run_scoped3A : memref<!tpu.dma_semaphore, #tpu.memory_space<semaphore_mem>>) src(%dma_wait3A_351 : memref<16xi32, #tpu.memory_space<hbm>>) dst(%arg11 : memref<16xi32, #tpu.memory_space<vmem>>)
      tpu.yield
    }) : () -> ()
    %mul3A_16 = arith.constant 2 : i32
    %mul3A_17 = arith.muli %mul3A_16, %arg1 : i32
    %add3A_18 = arith.constant 1 : i32
    %add3A_19 = arith.addi %mul3A_17, %add3A_18 : i32
    "tpu.region"() ({
      %run_scoped3A = tpu.sem_alloc : memref<!tpu.dma_semaphore, #tpu.memory_space<semaphore_mem>>
      %dma_start3A = arith.constant 0 : i32
      %dma_start3A_342 = tpu.memref_slice %arg5[%add3A_19, %dma_start3A] : memref<32x16xi32, #tpu.memory_space<hbm>> -> memref<1x16xi32, #tpu.memory_space<hbm>>
      %dma_start3A_343 = tpu.memref_squeeze %dma_start3A_342 : memref<1x16xi32, #tpu.memory_space<hbm>> -> memref<16xi32, #tpu.memory_space<hbm>>
      %dma_start3A_344 = arith.constant 0 : i32
      %dma_start3A_345 = tpu.memref_slice %arg5[%add3A_19, %dma_start3A_344] : memref<32x16xi32, #tpu.memory_space<hbm>> -> memref<1x16xi32, #tpu.memory_space<hbm>>
      %dma_start3A_346 = tpu.memref_squeeze %dma_start3A_345 : memref<1x16xi32, #tpu.memory_space<hbm>> -> memref<16xi32, #tpu.memory_space<hbm>>
      tpu.enqueue_dma source(%dma_start3A_346 : memref<16xi32, #tpu.memory_space<hbm>>) target(%arg12 : memref<16xi32, #tpu.memory_space<vmem>>) target_semaphore(%run_scoped3A : memref<!tpu.dma_semaphore, #tpu.memory_space<semaphore_mem>>)
      %dma_wait3A = arith.constant 0 : i32
      %dma_wait3A_347 = tpu.memref_slice %arg5[%add3A_19, %dma_wait3A] : memref<32x16xi32, #tpu.memory_space<hbm>> -> memref<1x16xi32, #tpu.memory_space<hbm>>
      %dma_wait3A_348 = tpu.memref_squeeze %dma_wait3A_347 : memref<1x16xi32, #tpu.memory_space<hbm>> -> memref<16xi32, #tpu.memory_space<hbm>>
      %dma_wait3A_349 = arith.constant 0 : i32
      %dma_wait3A_350 = tpu.memref_slice %arg5[%add3A_19, %dma_wait3A_349] : memref<32x16xi32, #tpu.memory_space<hbm>> -> memref<1x16xi32, #tpu.memory_space<hbm>>
      %dma_wait3A_351 = tpu.memref_squeeze %dma_wait3A_350 : memref<1x16xi32, #tpu.memory_space<hbm>> -> memref<16xi32, #tpu.memory_space<hbm>>
      tpu.wait_dma2 semaphore(%run_scoped3A : memref<!tpu.dma_semaphore, #tpu.memory_space<semaphore_mem>>) src(%dma_wait3A_351 : memref<16xi32, #tpu.memory_space<hbm>>) dst(%arg12 : memref<16xi32, #tpu.memory_space<vmem>>)
      tpu.yield
    }) : () -> ()
    %mul3A_20 = arith.constant 320 : i32
    %mul3A_21 = arith.muli %arg1, %mul3A_20 : i32
    %add3A_22 = arith.constant 0 : i32
    %add3A_23 = arith.addi %add3A_22, %mul3A_21 : i32
    %mul3A_24 = arith.constant 320 : i32
    %mul3A_25 = arith.muli %arg1, %mul3A_24 : i32
    "tpu.region"() ({
      %run_scoped3A = tpu.sem_alloc : memref<!tpu.dma_semaphore, #tpu.memory_space<semaphore_mem>>
      %dma_start3A = arith.constant 0 : i32
      %dma_start3A_342 = tpu.memref_slice %arg13[%mul3A_25, %dma_start3A] : memref<5120x128xf32, #tpu.memory_space<vmem_shared>> -> memref<320x128xf32, #tpu.memory_space<vmem_shared>>
      %dma_start3A_343 = arith.constant 0 : i32
      %dma_start3A_344 = tpu.memref_slice %arg2[%add3A_23, %dma_start3A_343] : memref<10120x128xf32, #tpu.memory_space<hbm>> -> memref<320x128xf32, #tpu.memory_space<hbm>>
      tpu.enqueue_dma source(%dma_start3A_344 : memref<320x128xf32, #tpu.memory_space<hbm>>) target(%dma_start3A_342 : memref<320x128xf32, #tpu.memory_space<vmem_shared>>) target_semaphore(%run_scoped3A : memref<!tpu.dma_semaphore, #tpu.memory_space<semaphore_mem>>)
      %dma_wait3A = arith.constant 0 : i32
      %dma_wait3A_345 = tpu.memref_slice %arg13[%mul3A_25, %dma_wait3A] : memref<5120x128xf32, #tpu.memory_space<vmem_shared>> -> memref<320x128xf32, #tpu.memory_space<vmem_shared>>
      %dma_wait3A_346 = arith.constant 0 : i32
      %dma_wait3A_347 = tpu.memref_slice %arg2[%add3A_23, %dma_wait3A_346] : memref<10120x128xf32, #tpu.memory_space<hbm>> -> memref<320x128xf32, #tpu.memory_space<hbm>>
      tpu.wait_dma2 semaphore(%run_scoped3A : memref<!tpu.dma_semaphore, #tpu.memory_space<semaphore_mem>>) src(%dma_wait3A_347 : memref<320x128xf32, #tpu.memory_space<hbm>>) dst(%dma_wait3A_345 : memref<320x128xf32, #tpu.memory_space<vmem_shared>>)
      tpu.yield
    }) : () -> ()
    %barrier3A = arith.constant 0 : index
    tpu.barrier barrier_id(%barrier3A)
    %add3A_26 = arith.constant 0 : i32
    %add3A_27 = arith.addi %add3A_26, %arg0 : i32
    %mul3A_28 = arith.constant 2 : i32
    %mul3A_29 = arith.muli %mul3A_28, %arg1 : i32
    %add3A_30 = arith.constant 0 : i32
    %add3A_31 = arith.addi %mul3A_29, %add3A_30 : i32
    "tpu.region"() ({
      %run_scoped3A = tpu.sem_alloc : memref<!tpu.dma_semaphore, #tpu.memory_space<semaphore_mem>>
      %dma_start3A = arith.constant 0 : i32
      %dma_start3A_342 = arith.constant 0 : i32
      %dma_start3A_343 = tpu.memref_slice %arg7[%dma_start3A, %dma_start3A_342] : memref<48x128xi32, #tpu.memory_space<vmem>> -> memref<24x128xi32, #tpu.memory_space<vmem>>
      %dma_start3A_344 = arith.constant 0 : i32
      %dma_start3A_345 = arith.constant 0 : i32
      %dma_start3A_346 = tpu.memref_slice %arg3[%add3A_31, %add3A_27, %dma_start3A_344, %dma_start3A_345] : memref<32x4x24x128xi32, #tpu.memory_space<hbm>> -> memref<1x1x24x128xi32, #tpu.memory_space<hbm>>
      %dma_start3A_347 = tpu.memref_squeeze %dma_start3A_346 : memref<1x1x24x128xi32, #tpu.memory_space<hbm>> -> memref<24x128xi32, #tpu.memory_space<hbm>>
      %dma_start3A_348 = arith.constant 0 : i32
      %dma_start3A_349 = arith.constant 0 : i32
      %dma_start3A_350 = tpu.memref_slice %arg7[%dma_start3A_348, %dma_start3A_349] : memref<48x128xi32, #tpu.memory_space<vmem>> -> memref<24x128xi32, #tpu.memory_space<vmem>>
      %dma_start3A_351 = arith.constant 0 : i32
      %dma_start3A_352 = arith.constant 0 : i32
      %dma_start3A_353 = tpu.memref_slice %arg3[%add3A_31, %add3A_27, %dma_start3A_351, %dma_start3A_352] : memref<32x4x24x128xi32, #tpu.memory_space<hbm>> -> memref<1x1x24x128xi32, #tpu.memory_space<hbm>>
      %dma_start3A_354 = tpu.memref_squeeze %dma_start3A_353 : memref<1x1x24x128xi32, #tpu.memory_space<hbm>> -> memref<24x128xi32, #tpu.memory_space<hbm>>
      tpu.enqueue_dma source(%dma_start3A_354 : memref<24x128xi32, #tpu.memory_space<hbm>>) target(%dma_start3A_350 : memref<24x128xi32, #tpu.memory_space<vmem>>) target_semaphore(%run_scoped3A : memref<!tpu.dma_semaphore, #tpu.memory_space<semaphore_mem>>)
      %dma_wait3A = arith.constant 0 : i32
      %dma_wait3A_355 = arith.constant 0 : i32
      %dma_wait3A_356 = tpu.memref_slice %arg7[%dma_wait3A, %dma_wait3A_355] : memref<48x128xi32, #tpu.memory_space<vmem>> -> memref<24x128xi32, #tpu.memory_space<vmem>>
      %dma_wait3A_357 = arith.constant 0 : i32
      %dma_wait3A_358 = arith.constant 0 : i32
      %dma_wait3A_359 = tpu.memref_slice %arg3[%add3A_31, %add3A_27, %dma_wait3A_357, %dma_wait3A_358] : memref<32x4x24x128xi32, #tpu.memory_space<hbm>> -> memref<1x1x24x128xi32, #tpu.memory_space<hbm>>
      %dma_wait3A_360 = tpu.memref_squeeze %dma_wait3A_359 : memref<1x1x24x128xi32, #tpu.memory_space<hbm>> -> memref<24x128xi32, #tpu.memory_space<hbm>>
      %dma_wait3A_361 = arith.constant 0 : i32
      %dma_wait3A_362 = arith.constant 0 : i32
      %dma_wait3A_363 = tpu.memref_slice %arg7[%dma_wait3A_361, %dma_wait3A_362] : memref<48x128xi32, #tpu.memory_space<vmem>> -> memref<24x128xi32, #tpu.memory_space<vmem>>
      %dma_wait3A_364 = arith.constant 0 : i32
      %dma_wait3A_365 = arith.constant 0 : i32
      %dma_wait3A_366 = tpu.memref_slice %arg3[%add3A_31, %add3A_27, %dma_wait3A_364, %dma_wait3A_365] : memref<32x4x24x128xi32, #tpu.memory_space<hbm>> -> memref<1x1x24x128xi32, #tpu.memory_space<hbm>>
      %dma_wait3A_367 = tpu.memref_squeeze %dma_wait3A_366 : memref<1x1x24x128xi32, #tpu.memory_space<hbm>> -> memref<24x128xi32, #tpu.memory_space<hbm>>
      tpu.wait_dma2 semaphore(%run_scoped3A : memref<!tpu.dma_semaphore, #tpu.memory_space<semaphore_mem>>) src(%dma_wait3A_367 : memref<24x128xi32, #tpu.memory_space<hbm>>) dst(%dma_wait3A_363 : memref<24x128xi32, #tpu.memory_space<vmem>>)
      tpu.yield
    }) : () -> ()
    %mul3A_32 = arith.constant 2 : i32
    %mul3A_33 = arith.muli %mul3A_32, %arg1 : i32
    %add3A_34 = arith.constant 0 : i32
    %add3A_35 = arith.addi %mul3A_33, %add3A_34 : i32
    "tpu.region"() ({
      %run_scoped3A = tpu.sem_alloc : memref<!tpu.dma_semaphore, #tpu.memory_space<semaphore_mem>>
      %dma_start3A = arith.constant 0 : i32
      %dma_start3A_342 = arith.constant 0 : i32
      %dma_start3A_343 = tpu.memref_slice %arg8[%dma_start3A, %dma_start3A_342] : memref<48x128xi32, #tpu.memory_space<vmem>> -> memref<24x128xi32, #tpu.memory_space<vmem>>
      %dma_start3A_344 = arith.constant 0 : i32
      %dma_start3A_345 = arith.constant 0 : i32
      %dma_start3A_346 = tpu.memref_slice %arg4[%add3A_35, %add3A_27, %dma_start3A_344, %dma_start3A_345] : memref<32x4x24x128xi32, #tpu.memory_space<hbm>> -> memref<1x1x24x128xi32, #tpu.memory_space<hbm>>
      %dma_start3A_347 = tpu.memref_squeeze %dma_start3A_346 : memref<1x1x24x128xi32, #tpu.memory_space<hbm>> -> memref<24x128xi32, #tpu.memory_space<hbm>>
      %dma_start3A_348 = arith.constant 0 : i32
      %dma_start3A_349 = arith.constant 0 : i32
      %dma_start3A_350 = tpu.memref_slice %arg8[%dma_start3A_348, %dma_start3A_349] : memref<48x128xi32, #tpu.memory_space<vmem>> -> memref<24x128xi32, #tpu.memory_space<vmem>>
      %dma_start3A_351 = arith.constant 0 : i32
      %dma_start3A_352 = arith.constant 0 : i32
      %dma_start3A_353 = tpu.memref_slice %arg4[%add3A_35, %add3A_27, %dma_start3A_351, %dma_start3A_352] : memref<32x4x24x128xi32, #tpu.memory_space<hbm>> -> memref<1x1x24x128xi32, #tpu.memory_space<hbm>>
      %dma_start3A_354 = tpu.memref_squeeze %dma_start3A_353 : memref<1x1x24x128xi32, #tpu.memory_space<hbm>> -> memref<24x128xi32, #tpu.memory_space<hbm>>
      tpu.enqueue_dma source(%dma_start3A_354 : memref<24x128xi32, #tpu.memory_space<hbm>>) target(%dma_start3A_350 : memref<24x128xi32, #tpu.memory_space<vmem>>) target_semaphore(%run_scoped3A : memref<!tpu.dma_semaphore, #tpu.memory_space<semaphore_mem>>)
      %dma_wait3A = arith.constant 0 : i32
      %dma_wait3A_355 = arith.constant 0 : i32
      %dma_wait3A_356 = tpu.memref_slice %arg8[%dma_wait3A, %dma_wait3A_355] : memref<48x128xi32, #tpu.memory_space<vmem>> -> memref<24x128xi32, #tpu.memory_space<vmem>>
      %dma_wait3A_357 = arith.constant 0 : i32
      %dma_wait3A_358 = arith.constant 0 : i32
      %dma_wait3A_359 = tpu.memref_slice %arg4[%add3A_35, %add3A_27, %dma_wait3A_357, %dma_wait3A_358] : memref<32x4x24x128xi32, #tpu.memory_space<hbm>> -> memref<1x1x24x128xi32, #tpu.memory_space<hbm>>
      %dma_wait3A_360 = tpu.memref_squeeze %dma_wait3A_359 : memref<1x1x24x128xi32, #tpu.memory_space<hbm>> -> memref<24x128xi32, #tpu.memory_space<hbm>>
      %dma_wait3A_361 = arith.constant 0 : i32
      %dma_wait3A_362 = arith.constant 0 : i32
      %dma_wait3A_363 = tpu.memref_slice %arg8[%dma_wait3A_361, %dma_wait3A_362] : memref<48x128xi32, #tpu.memory_space<vmem>> -> memref<24x128xi32, #tpu.memory_space<vmem>>
      %dma_wait3A_364 = arith.constant 0 : i32
      %dma_wait3A_365 = arith.constant 0 : i32
      %dma_wait3A_366 = tpu.memref_slice %arg4[%add3A_35, %add3A_27, %dma_wait3A_364, %dma_wait3A_365] : memref<32x4x24x128xi32, #tpu.memory_space<hbm>> -> memref<1x1x24x128xi32, #tpu.memory_space<hbm>>
      %dma_wait3A_367 = tpu.memref_squeeze %dma_wait3A_366 : memref<1x1x24x128xi32, #tpu.memory_space<hbm>> -> memref<24x128xi32, #tpu.memory_space<hbm>>
      tpu.wait_dma2 semaphore(%run_scoped3A : memref<!tpu.dma_semaphore, #tpu.memory_space<semaphore_mem>>) src(%dma_wait3A_367 : memref<24x128xi32, #tpu.memory_space<hbm>>) dst(%dma_wait3A_363 : memref<24x128xi32, #tpu.memory_space<vmem>>)
      tpu.yield
    }) : () -> ()
    %mul3A_36 = arith.constant 2 : i32
    %mul3A_37 = arith.muli %mul3A_36, %arg1 : i32
    %add3A_38 = arith.constant 1 : i32
    %add3A_39 = arith.addi %mul3A_37, %add3A_38 : i32
    "tpu.region"() ({
      %run_scoped3A = tpu.sem_alloc : memref<!tpu.dma_semaphore, #tpu.memory_space<semaphore_mem>>
      %dma_start3A = arith.constant 24 : i32
      %dma_start3A_342 = arith.constant 0 : i32
      %dma_start3A_343 = tpu.memref_slice %arg7[%dma_start3A, %dma_start3A_342] : memref<48x128xi32, #tpu.memory_space<vmem>> -> memref<24x128xi32, #tpu.memory_space<vmem>>
      %dma_start3A_344 = arith.constant 0 : i32
      %dma_start3A_345 = arith.constant 0 : i32
      %dma_start3A_346 = tpu.memref_slice %arg3[%add3A_39, %add3A_27, %dma_start3A_344, %dma_start3A_345] : memref<32x4x24x128xi32, #tpu.memory_space<hbm>> -> memref<1x1x24x128xi32, #tpu.memory_space<hbm>>
      %dma_start3A_347 = tpu.memref_squeeze %dma_start3A_346 : memref<1x1x24x128xi32, #tpu.memory_space<hbm>> -> memref<24x128xi32, #tpu.memory_space<hbm>>
      %dma_start3A_348 = arith.constant 24 : i32
      %dma_start3A_349 = arith.constant 0 : i32
      %dma_start3A_350 = tpu.memref_slice %arg7[%dma_start3A_348, %dma_start3A_349] : memref<48x128xi32, #tpu.memory_space<vmem>> -> memref<24x128xi32, #tpu.memory_space<vmem>>
      %dma_start3A_351 = arith.constant 0 : i32
      %dma_start3A_352 = arith.constant 0 : i32
      %dma_start3A_353 = tpu.memref_slice %arg3[%add3A_39, %add3A_27, %dma_start3A_351, %dma_start3A_352] : memref<32x4x24x128xi32, #tpu.memory_space<hbm>> -> memref<1x1x24x128xi32, #tpu.memory_space<hbm>>
      %dma_start3A_354 = tpu.memref_squeeze %dma_start3A_353 : memref<1x1x24x128xi32, #tpu.memory_space<hbm>> -> memref<24x128xi32, #tpu.memory_space<hbm>>
      tpu.enqueue_dma source(%dma_start3A_354 : memref<24x128xi32, #tpu.memory_space<hbm>>) target(%dma_start3A_350 : memref<24x128xi32, #tpu.memory_space<vmem>>) target_semaphore(%run_scoped3A : memref<!tpu.dma_semaphore, #tpu.memory_space<semaphore_mem>>)
      %dma_wait3A = arith.constant 24 : i32
      %dma_wait3A_355 = arith.constant 0 : i32
      %dma_wait3A_356 = tpu.memref_slice %arg7[%dma_wait3A, %dma_wait3A_355] : memref<48x128xi32, #tpu.memory_space<vmem>> -> memref<24x128xi32, #tpu.memory_space<vmem>>
      %dma_wait3A_357 = arith.constant 0 : i32
      %dma_wait3A_358 = arith.constant 0 : i32
      %dma_wait3A_359 = tpu.memref_slice %arg3[%add3A_39, %add3A_27, %dma_wait3A_357, %dma_wait3A_358] : memref<32x4x24x128xi32, #tpu.memory_space<hbm>> -> memref<1x1x24x128xi32, #tpu.memory_space<hbm>>
      %dma_wait3A_360 = tpu.memref_squeeze %dma_wait3A_359 : memref<1x1x24x128xi32, #tpu.memory_space<hbm>> -> memref<24x128xi32, #tpu.memory_space<hbm>>
      %dma_wait3A_361 = arith.constant 24 : i32
      %dma_wait3A_362 = arith.constant 0 : i32
      %dma_wait3A_363 = tpu.memref_slice %arg7[%dma_wait3A_361, %dma_wait3A_362] : memref<48x128xi32, #tpu.memory_space<vmem>> -> memref<24x128xi32, #tpu.memory_space<vmem>>
      %dma_wait3A_364 = arith.constant 0 : i32
      %dma_wait3A_365 = arith.constant 0 : i32
      %dma_wait3A_366 = tpu.memref_slice %arg3[%add3A_39, %add3A_27, %dma_wait3A_364, %dma_wait3A_365] : memref<32x4x24x128xi32, #tpu.memory_space<hbm>> -> memref<1x1x24x128xi32, #tpu.memory_space<hbm>>
      %dma_wait3A_367 = tpu.memref_squeeze %dma_wait3A_366 : memref<1x1x24x128xi32, #tpu.memory_space<hbm>> -> memref<24x128xi32, #tpu.memory_space<hbm>>
      tpu.wait_dma2 semaphore(%run_scoped3A : memref<!tpu.dma_semaphore, #tpu.memory_space<semaphore_mem>>) src(%dma_wait3A_367 : memref<24x128xi32, #tpu.memory_space<hbm>>) dst(%dma_wait3A_363 : memref<24x128xi32, #tpu.memory_space<vmem>>)
      tpu.yield
    }) : () -> ()
    %mul3A_40 = arith.constant 2 : i32
    %mul3A_41 = arith.muli %mul3A_40, %arg1 : i32
    %add3A_42 = arith.constant 1 : i32
    %add3A_43 = arith.addi %mul3A_41, %add3A_42 : i32
    "tpu.region"() ({
      %run_scoped3A = tpu.sem_alloc : memref<!tpu.dma_semaphore, #tpu.memory_space<semaphore_mem>>
      %dma_start3A = arith.constant 24 : i32
      %dma_start3A_342 = arith.constant 0 : i32
      %dma_start3A_343 = tpu.memref_slice %arg8[%dma_start3A, %dma_start3A_342] : memref<48x128xi32, #tpu.memory_space<vmem>> -> memref<24x128xi32, #tpu.memory_space<vmem>>
      %dma_start3A_344 = arith.constant 0 : i32
      %dma_start3A_345 = arith.constant 0 : i32
      %dma_start3A_346 = tpu.memref_slice %arg4[%add3A_43, %add3A_27, %dma_start3A_344, %dma_start3A_345] : memref<32x4x24x128xi32, #tpu.memory_space<hbm>> -> memref<1x1x24x128xi32, #tpu.memory_space<hbm>>
      %dma_start3A_347 = tpu.memref_squeeze %dma_start3A_346 : memref<1x1x24x128xi32, #tpu.memory_space<hbm>> -> memref<24x128xi32, #tpu.memory_space<hbm>>
      %dma_start3A_348 = arith.constant 24 : i32
      %dma_start3A_349 = arith.constant 0 : i32
      %dma_start3A_350 = tpu.memref_slice %arg8[%dma_start3A_348, %dma_start3A_349] : memref<48x128xi32, #tpu.memory_space<vmem>> -> memref<24x128xi32, #tpu.memory_space<vmem>>
      %dma_start3A_351 = arith.constant 0 : i32
      %dma_start3A_352 = arith.constant 0 : i32
      %dma_start3A_353 = tpu.memref_slice %arg4[%add3A_43, %add3A_27, %dma_start3A_351, %dma_start3A_352] : memref<32x4x24x128xi32, #tpu.memory_space<hbm>> -> memref<1x1x24x128xi32, #tpu.memory_space<hbm>>
      %dma_start3A_354 = tpu.memref_squeeze %dma_start3A_353 : memref<1x1x24x128xi32, #tpu.memory_space<hbm>> -> memref<24x128xi32, #tpu.memory_space<hbm>>
      tpu.enqueue_dma source(%dma_start3A_354 : memref<24x128xi32, #tpu.memory_space<hbm>>) target(%dma_start3A_350 : memref<24x128xi32, #tpu.memory_space<vmem>>) target_semaphore(%run_scoped3A : memref<!tpu.dma_semaphore, #tpu.memory_space<semaphore_mem>>)
      %dma_wait3A = arith.constant 24 : i32
      %dma_wait3A_355 = arith.constant 0 : i32
      %dma_wait3A_356 = tpu.memref_slice %arg8[%dma_wait3A, %dma_wait3A_355] : memref<48x128xi32, #tpu.memory_space<vmem>> -> memref<24x128xi32, #tpu.memory_space<vmem>>
      %dma_wait3A_357 = arith.constant 0 : i32
      %dma_wait3A_358 = arith.constant 0 : i32
      %dma_wait3A_359 = tpu.memref_slice %arg4[%add3A_43, %add3A_27, %dma_wait3A_357, %dma_wait3A_358] : memref<32x4x24x128xi32, #tpu.memory_space<hbm>> -> memref<1x1x24x128xi32, #tpu.memory_space<hbm>>
      %dma_wait3A_360 = tpu.memref_squeeze %dma_wait3A_359 : memref<1x1x24x128xi32, #tpu.memory_space<hbm>> -> memref<24x128xi32, #tpu.memory_space<hbm>>
      %dma_wait3A_361 = arith.constant 24 : i32
      %dma_wait3A_362 = arith.constant 0 : i32
      %dma_wait3A_363 = tpu.memref_slice %arg8[%dma_wait3A_361, %dma_wait3A_362] : memref<48x128xi32, #tpu.memory_space<vmem>> -> memref<24x128xi32, #tpu.memory_space<vmem>>
      %dma_wait3A_364 = arith.constant 0 : i32
      %dma_wait3A_365 = arith.constant 0 : i32
      %dma_wait3A_366 = tpu.memref_slice %arg4[%add3A_43, %add3A_27, %dma_wait3A_364, %dma_wait3A_365] : memref<32x4x24x128xi32, #tpu.memory_space<hbm>> -> memref<1x1x24x128xi32, #tpu.memory_space<hbm>>
      %dma_wait3A_367 = tpu.memref_squeeze %dma_wait3A_366 : memref<1x1x24x128xi32, #tpu.memory_space<hbm>> -> memref<24x128xi32, #tpu.memory_space<hbm>>
      tpu.wait_dma2 semaphore(%run_scoped3A : memref<!tpu.dma_semaphore, #tpu.memory_space<semaphore_mem>>) src(%dma_wait3A_367 : memref<24x128xi32, #tpu.memory_space<hbm>>) dst(%dma_wait3A_363 : memref<24x128xi32, #tpu.memory_space<vmem>>)
      tpu.yield
    }) : () -> ()
    %eq3A = vector.broadcast %add3A_27 : i32 to vector<16xi32>
    %eq3A_44 = arith.cmpi eq, %iota3A, %eq3A : vector<16xi32>
    %get3A = arith.constant 0 : index
    %get3A_45 = tpu.vector_load %arg11[%get3A] {strides = array<i32>} : memref<16xi32, #tpu.memory_space<vmem>>, vector<16xi32>,
    %jit3A = arith.constant 0 : i32
    %broadcast_in_dim3A_46 = vector.broadcast %jit3A : i32 to vector<16xi32>
    %select_n3A = arith.select %eq3A_44, %get3A_45, %broadcast_in_dim3A_46 : vector<16xi1>, vector<16xi32>
    %reduce_sum3A = arith.constant true
    %reduce_sum3A_47 = vector.broadcast %reduce_sum3A : i1 to vector<16xi1>
    %reduce_sum3A_48 = tpu.scan <sum>, %select_n3A masked %reduce_sum3A_47 : vector<16xi32>, vector<16xi1> -> vector<16xi32>
    %reduce_sum3A_49 = vector.extract %reduce_sum3A_48[15] : i32 from vector<16xi32>
    %eq3A_50 = vector.broadcast %add3A_27 : i32 to vector<16xi32>
    %eq3A_51 = arith.cmpi eq, %iota3A, %eq3A_50 : vector<16xi32>
    %get3A_52 = arith.constant 0 : index
    %get3A_53 = tpu.vector_load %arg12[%get3A_52] {strides = array<i32>} : memref<16xi32, #tpu.memory_space<vmem>>, vector<16xi32>,
    %jit3A_54 = arith.constant 0 : i32
    %broadcast_in_dim3A_55 = vector.broadcast %jit3A_54 : i32 to vector<16xi32>
    %select_n3A_56 = arith.select %eq3A_51, %get3A_53, %broadcast_in_dim3A_55 : vector<16xi1>, vector<16xi32>
    %reduce_sum3A_57 = arith.constant true
    %reduce_sum3A_58 = vector.broadcast %reduce_sum3A_57 : i1 to vector<16xi1>
    %reduce_sum3A_59 = tpu.scan <sum>, %select_n3A_56 masked %reduce_sum3A_58 : vector<16xi32>, vector<16xi1> -> vector<16xi32>
    %reduce_sum3A_60 = vector.extract %reduce_sum3A_59[15] : i32 from vector<16xi32>
    %add3A_61 = arith.constant 128 : i32
    %add3A_62 = arith.addi %reduce_sum3A_49, %add3A_61 : i32
    %sub3A_63 = arith.constant 1 : i32
    %sub3A_64 = arith.subi %add3A_62, %sub3A_63 : i32
    %jit3A_65 = arith.constant 128 : i32
    %div3A = arith.divsi %sub3A_64, %jit3A_65 : i32
    %sign3A = arith.constant 0 : i32
    %sign3A_66 = arith.cmpi sgt, %sub3A_64, %sign3A : i32
    %sign3A_67 = arith.extui %sign3A_66 : i1 to i32
    %sign3A_68 = arith.constant 0 : i32
    %sign3A_69 = arith.cmpi slt, %sub3A_64, %sign3A_68 : i32
    %sign3A_70 = arith.extui %sign3A_69 : i1 to i32
    %sign3A_71 = arith.subi %sign3A_67, %sign3A_70 : i32
    %sign3A_72 = arith.constant 0 : i32
    %sign3A_73 = arith.cmpi sgt, %jit3A_65, %sign3A_72 : i32
    %sign3A_74 = arith.extui %sign3A_73 : i1 to i32
    %sign3A_75 = arith.constant 0 : i32
    %sign3A_76 = arith.cmpi slt, %jit3A_65, %sign3A_75 : i32
    %sign3A_77 = arith.extui %sign3A_76 : i1 to i32
    %sign3A_78 = arith.subi %sign3A_74, %sign3A_77 : i32
    %ne3A = arith.cmpi ne, %sign3A_71, %sign3A_78 : i32
    %rem3A = arith.remsi %sub3A_64, %jit3A_65 : i32
    %ne3A_79 = arith.constant 0 : i32
    %ne3A_80 = arith.cmpi ne, %rem3A, %ne3A_79 : i32
    %and3A = arith.andi %ne3A, %ne3A_80 : i1
    %sub3A_81 = arith.constant 1 : i32
    %sub3A_82 = arith.subi %div3A, %sub3A_81 : i32
    %select_n3A_83 = arith.select %and3A, %sub3A_82, %div3A : i32
    %add3A_84 = arith.constant 128 : i32
    %add3A_85 = arith.addi %reduce_sum3A_60, %add3A_84 : i32
    %sub3A_86 = arith.constant 1 : i32
    %sub3A_87 = arith.subi %add3A_85, %sub3A_86 : i32
    %jit3A_88 = arith.constant 128 : i32
    %div3A_89 = arith.divsi %sub3A_87, %jit3A_88 : i32
    %sign3A_90 = arith.constant 0 : i32
    %sign3A_91 = arith.cmpi sgt, %sub3A_87, %sign3A_90 : i32
    %sign3A_92 = arith.extui %sign3A_91 : i1 to i32
    %sign3A_93 = arith.constant 0 : i32
    %sign3A_94 = arith.cmpi slt, %sub3A_87, %sign3A_93 : i32
    %sign3A_95 = arith.extui %sign3A_94 : i1 to i32
    %sign3A_96 = arith.subi %sign3A_92, %sign3A_95 : i32
    %sign3A_97 = arith.constant 0 : i32
    %sign3A_98 = arith.cmpi sgt, %jit3A_88, %sign3A_97 : i32
    %sign3A_99 = arith.extui %sign3A_98 : i1 to i32
    %sign3A_100 = arith.constant 0 : i32
    %sign3A_101 = arith.cmpi slt, %jit3A_88, %sign3A_100 : i32
    %sign3A_102 = arith.extui %sign3A_101 : i1 to i32
    %sign3A_103 = arith.subi %sign3A_99, %sign3A_102 : i32
    %ne3A_104 = arith.cmpi ne, %sign3A_96, %sign3A_103 : i32
    %rem3A_105 = arith.remsi %sub3A_87, %jit3A_88 : i32
    %ne3A_106 = arith.constant 0 : i32
    %ne3A_107 = arith.cmpi ne, %rem3A_105, %ne3A_106 : i32
    %and3A_108 = arith.andi %ne3A_104, %ne3A_107 : i1
    %sub3A_109 = arith.constant 1 : i32
    %sub3A_110 = arith.subi %div3A_89, %sub3A_109 : i32
    %select_n3A_111 = arith.select %and3A_108, %sub3A_110, %div3A_89 : i32
    %add3A_112 = arith.addi %select_n3A_83, %select_n3A_111 : i32
    %gt3A = arith.constant 0 : i32
    %gt3A_113 = arith.cmpi sgt, %add3A_112, %gt3A : i32
    %convert_element_type3A = arith.extui %gt3A_113 : i1 to i32
    %cond3A = arith.constant 0 : i32
    %cond3A_114 = arith.cmpi ne, %convert_element_type3A, %cond3A : i32
    scf.if %cond3A_114 {
      %gt3A_342 = arith.constant 0 : i32
      %gt3A_343 = arith.cmpi sgt, %select_n3A_83, %gt3A_342 : i32
      %sub3A_344 = arith.constant 24 : i32
      %sub3A_345 = arith.subi %sub3A_344, %select_n3A_83 : i32
      %jit3A_346 = arith.constant 0 : i32
      %select_n3A_347 = arith.select %gt3A_343, %jit3A_346, %sub3A_345 : i32
      %dma_start3A = arith.constant 0 : i32
      %dma_start3A_348 = tpu.memref_slice %arg7[%select_n3A_347, %dma_start3A] : memref<48x128xi32, #tpu.memory_space<vmem>> -> memref<1x128xi32, #tpu.memory_space<vmem>>
      %dma_start3A_349 = tpu.memref_squeeze %dma_start3A_348 : memref<1x128xi32, #tpu.memory_space<vmem>> -> memref<128xi32, #tpu.memory_space<vmem>>
      %dma_start3A_350 = arith.constant 0 : i32
      %dma_start3A_351 = arith.constant 0 : i32
      %dma_start3A_352 = tpu.memref_slice %arg13[%dma_start3A_350, %dma_start3A_351] : memref<5120x128xf32, #tpu.memory_space<vmem_shared>> -> memref<5120x128xf32, #tpu.memory_space<vmem_shared>>
      tpu.enqueue_indirect_dma source(%dma_start3A_352 : memref<5120x128xf32, #tpu.memory_space<vmem_shared>>) target(%arg9 : memref<128x128xf32, #tpu.memory_space<vmem>>) offsets(%dma_start3A_349 : memref<128xi32, #tpu.memory_space<vmem>>) semaphore(%arg15 : memref<!tpu.dma_semaphore, #tpu.memory_space<semaphore_mem>>)
    } else {
    }
    %add3A_115 = arith.constant 1 : i32
    %add3A_116 = arith.addi %add3A_112, %add3A_115 : i32
    %jit3A_117 = arith.constant 2 : i32
    %div3A_118 = arith.divsi %add3A_116, %jit3A_117 : i32
    %sign3A_119 = arith.constant 0 : i32
    %sign3A_120 = arith.cmpi sgt, %add3A_116, %sign3A_119 : i32
    %sign3A_121 = arith.extui %sign3A_120 : i1 to i32
    %sign3A_122 = arith.constant 0 : i32
    %sign3A_123 = arith.cmpi slt, %add3A_116, %sign3A_122 : i32
    %sign3A_124 = arith.extui %sign3A_123 : i1 to i32
    %sign3A_125 = arith.subi %sign3A_121, %sign3A_124 : i32
    %sign3A_126 = arith.constant 0 : i32
    %sign3A_127 = arith.cmpi sgt, %jit3A_117, %sign3A_126 : i32
    %sign3A_128 = arith.extui %sign3A_127 : i1 to i32
    %sign3A_129 = arith.constant 0 : i32
    %sign3A_130 = arith.cmpi slt, %jit3A_117, %sign3A_129 : i32
    %sign3A_131 = arith.extui %sign3A_130 : i1 to i32
    %sign3A_132 = arith.subi %sign3A_128, %sign3A_131 : i32
    %ne3A_133 = arith.cmpi ne, %sign3A_125, %sign3A_132 : i32
    %rem3A_134 = arith.remsi %add3A_116, %jit3A_117 : i32
    %ne3A_135 = arith.constant 0 : i32
    %ne3A_136 = arith.cmpi ne, %rem3A_134, %ne3A_135 : i32
    %and3A_137 = arith.andi %ne3A_133, %ne3A_136 : i1
    %sub3A_138 = arith.constant 1 : i32
    %sub3A_139 = arith.subi %div3A_118, %sub3A_138 : i32
    %select_n3A_140 = arith.select %and3A_137, %sub3A_139, %div3A_118 : i32
    %sub3A_141 = arith.constant 0 : i32
    %sub3A_142 = arith.subi %select_n3A_140, %sub3A_141 : i32
    %sub3A_143 = arith.constant 1 : i32
    %sub3A_144 = arith.constant 1 : i32
    %sub3A_145 = arith.subi %sub3A_143, %sub3A_144 : i32
    %add3A_146 = arith.addi %sub3A_142, %sub3A_145 : i32
    %div3A_147 = arith.constant 1 : i32
    %div3A_148 = arith.divsi %add3A_146, %div3A_147 : i32
    %while3A = arith.constant 1 : i32
    %while3A_149 = arith.constant 0 : i32
    %while3A_150 = arith.constant 0 : i32
    %while3A_151 = arith.subi %div3A_148, %while3A_150 : i32
    %while3A_152 = arith.addi %while3A_150, %while3A_151 : i32
    %while3A_153 = arith.constant 1 : i32
    %while3A_154 = arith.divsi %while3A_151, %while3A_153 : i32
    %while3A_155 = arith.muli %while3A_154, %while3A_153 : i32
    %while3A_156 = arith.addi %while3A_150, %while3A_155 : i32
    %while3A_157 = arith.constant 1 : i32
    scf.for %while3A_342 = %while3A_150 to %while3A_156 step %while3A_157  : i32 {
      %mul3A_343 = arith.muli %while3A_342, %while3A : i32
      %add3A_344 = arith.addi %while3A_149, %mul3A_343 : i32
      %mul3A_345 = arith.constant 2 : i32
      %mul3A_346 = arith.muli %add3A_344, %mul3A_345 : i32
      %add3A_347 = arith.constant 0 : i32
      %add3A_348 = arith.addi %mul3A_346, %add3A_347 : i32
      %lt3A = arith.cmpi slt, %add3A_348, %select_n3A_83 : i32
      %add3A_349 = arith.constant 24 : i32
      %add3A_350 = arith.addi %add3A_349, %add3A_348 : i32
      %sub3A_351 = arith.subi %add3A_350, %select_n3A_83 : i32
      %select_n3A_352 = arith.select %lt3A, %add3A_348, %sub3A_351 : i32
      %lt3A_353 = arith.cmpi slt, %add3A_348, %add3A_112 : i32
      %convert_element_type3A_354 = arith.extui %lt3A_353 : i1 to i32
      %cond3A_355 = arith.constant 0 : i32
      %cond3A_356 = arith.cmpi ne, %convert_element_type3A_354, %cond3A_355 : i32
      scf.if %cond3A_356 {
        %dma_wait3A = arith.constant 0 : i32
        %dma_wait3A_400 = tpu.memref_slice %arg7[%select_n3A_352, %dma_wait3A] : memref<48x128xi32, #tpu.memory_space<vmem>> -> memref<1x128xi32, #tpu.memory_space<vmem>>
        %dma_wait3A_401 = tpu.memref_squeeze %dma_wait3A_400 : memref<1x128xi32, #tpu.memory_space<vmem>> -> memref<128xi32, #tpu.memory_space<vmem>>
        %dma_wait3A_402 = arith.constant 0 : i32
        %dma_wait3A_403 = arith.constant 0 : i32
        %dma_wait3A_404 = tpu.memref_slice %arg13[%dma_wait3A_402, %dma_wait3A_403] : memref<5120x128xf32, #tpu.memory_space<vmem_shared>> -> memref<5120x128xf32, #tpu.memory_space<vmem_shared>>
        tpu.wait_indirect_dma semaphore(%arg15 : memref<!tpu.dma_semaphore, #tpu.memory_space<semaphore_mem>>) src(%dma_wait3A_404 : memref<5120x128xf32, #tpu.memory_space<vmem_shared>>) dst(%arg9 : memref<128x128xf32, #tpu.memory_space<vmem>>)
        %dma_start3A = arith.constant 0 : i32
        %dma_start3A_405 = tpu.memref_slice %arg8[%select_n3A_352, %dma_start3A] : memref<48x128xi32, #tpu.memory_space<vmem>> -> memref<1x128xi32, #tpu.memory_space<vmem>>
        %dma_start3A_406 = tpu.memref_squeeze %dma_start3A_405 : memref<1x128xi32, #tpu.memory_space<vmem>> -> memref<128xi32, #tpu.memory_space<vmem>>
        %dma_start3A_407 = arith.constant 0 : i32
        %dma_start3A_408 = arith.constant 0 : i32
        %dma_start3A_409 = tpu.memref_slice %arg14[%dma_start3A_407, %dma_start3A_408] : memref<5120x128xf32, #tpu.memory_space<vmem_shared>> -> memref<5120x128xf32, #tpu.memory_space<vmem_shared>>
        tpu.enqueue_indirect_dma source(%arg9 : memref<128x128xf32, #tpu.memory_space<vmem>>) target(%dma_start3A_409 : memref<5120x128xf32, #tpu.memory_space<vmem_shared>>) offsets(%dma_start3A_406 : memref<128xi32, #tpu.memory_space<vmem>>) semaphore(%arg16 : memref<!tpu.dma_semaphore, #tpu.memory_space<semaphore_mem>>) {add = true}
      } else {
      }
      %add3A_357 = arith.constant 1 : i32
      %add3A_358 = arith.addi %add3A_348, %add3A_357 : i32
      %lt3A_359 = arith.cmpi slt, %add3A_358, %add3A_112 : i32
      %gt3A_360 = arith.constant 0 : i32
      %gt3A_361 = arith.cmpi sgt, %add3A_348, %gt3A_360 : i32
      %and3A_362 = arith.andi %lt3A_359, %gt3A_361 : i1
      %convert_element_type3A_363 = arith.extui %and3A_362 : i1 to i32
      %cond3A_364 = arith.constant 0 : i32
      %cond3A_365 = arith.cmpi ne, %convert_element_type3A_363, %cond3A_364 : i32
      scf.if %cond3A_365 {
        %dma_wait3A = arith.constant 0 : i32
        %dma_wait3A_400 = arith.constant 0 : i32
        %dma_wait3A_401 = tpu.memref_slice %arg8[%dma_wait3A, %dma_wait3A_400] : memref<48x128xi32, #tpu.memory_space<vmem>> -> memref<1x128xi32, #tpu.memory_space<vmem>>
        %dma_wait3A_402 = tpu.memref_squeeze %dma_wait3A_401 : memref<1x128xi32, #tpu.memory_space<vmem>> -> memref<128xi32, #tpu.memory_space<vmem>>
        %dma_wait3A_403 = arith.constant 0 : i32
        %dma_wait3A_404 = arith.constant 0 : i32
        %dma_wait3A_405 = tpu.memref_slice %arg14[%dma_wait3A_403, %dma_wait3A_404] : memref<5120x128xf32, #tpu.memory_space<vmem_shared>> -> memref<5120x128xf32, #tpu.memory_space<vmem_shared>>
        tpu.wait_indirect_dma semaphore(%arg16 : memref<!tpu.dma_semaphore, #tpu.memory_space<semaphore_mem>>) src(%arg9 : memref<128x128xf32, #tpu.memory_space<vmem>>) dst(%dma_wait3A_405 : memref<5120x128xf32, #tpu.memory_space<vmem_shared>>)
      } else {
      }
      %add3A_366 = arith.constant 1 : i32
      %add3A_367 = arith.addi %add3A_348, %add3A_366 : i32
      %lt3A_368 = arith.cmpi slt, %add3A_367, %add3A_112 : i32
      %convert_element_type3A_369 = arith.extui %lt3A_368 : i1 to i32
      %cond3A_370 = arith.constant 0 : i32
      %cond3A_371 = arith.cmpi ne, %convert_element_type3A_369, %cond3A_370 : i32
      scf.if %cond3A_371 {
        %add3A_400 = arith.constant 1 : i32
        %add3A_401 = arith.addi %add3A_348, %add3A_400 : i32
        %lt3A_402 = arith.cmpi slt, %add3A_401, %select_n3A_83 : i32
        %add3A_403 = arith.constant 24 : i32
        %add3A_404 = arith.addi %add3A_403, %add3A_401 : i32
        %sub3A_405 = arith.subi %add3A_404, %select_n3A_83 : i32
        %select_n3A_406 = arith.select %lt3A_402, %add3A_401, %sub3A_405 : i32
        %dma_start3A = arith.constant 0 : i32
        %dma_start3A_407 = tpu.memref_slice %arg7[%select_n3A_406, %dma_start3A] : memref<48x128xi32, #tpu.memory_space<vmem>> -> memref<1x128xi32, #tpu.memory_space<vmem>>
        %dma_start3A_408 = tpu.memref_squeeze %dma_start3A_407 : memref<1x128xi32, #tpu.memory_space<vmem>> -> memref<128xi32, #tpu.memory_space<vmem>>
        %dma_start3A_409 = arith.constant 0 : i32
        %dma_start3A_410 = arith.constant 0 : i32
        %dma_start3A_411 = tpu.memref_slice %arg13[%dma_start3A_409, %dma_start3A_410] : memref<5120x128xf32, #tpu.memory_space<vmem_shared>> -> memref<5120x128xf32, #tpu.memory_space<vmem_shared>>
        tpu.enqueue_indirect_dma source(%dma_start3A_411 : memref<5120x128xf32, #tpu.memory_space<vmem_shared>>) target(%arg10 : memref<128x128xf32, #tpu.memory_space<vmem>>) offsets(%dma_start3A_408 : memref<128xi32, #tpu.memory_space<vmem>>) semaphore(%arg15 : memref<!tpu.dma_semaphore, #tpu.memory_space<semaphore_mem>>)
      } else {
      }
      %mul3A_372 = arith.constant 2 : i32
      %mul3A_373 = arith.muli %add3A_344, %mul3A_372 : i32
      %add3A_374 = arith.constant 1 : i32
      %add3A_375 = arith.addi %mul3A_373, %add3A_374 : i32
      %lt3A_376 = arith.cmpi slt, %add3A_375, %select_n3A_83 : i32
      %add3A_377 = arith.constant 24 : i32
      %add3A_378 = arith.addi %add3A_377, %add3A_375 : i32
      %sub3A_379 = arith.subi %add3A_378, %select_n3A_83 : i32
      %select_n3A_380 = arith.select %lt3A_376, %add3A_375, %sub3A_379 : i32
      %lt3A_381 = arith.cmpi slt, %add3A_375, %add3A_112 : i32
      %convert_element_type3A_382 = arith.extui %lt3A_381 : i1 to i32
      %cond3A_383 = arith.constant 0 : i32
      %cond3A_384 = arith.cmpi ne, %convert_element_type3A_382, %cond3A_383 : i32
      scf.if %cond3A_384 {
        %dma_wait3A = arith.constant 0 : i32
        %dma_wait3A_400 = tpu.memref_slice %arg7[%select_n3A_380, %dma_wait3A] : memref<48x128xi32, #tpu.memory_space<vmem>> -> memref<1x128xi32, #tpu.memory_space<vmem>>
        %dma_wait3A_401 = tpu.memref_squeeze %dma_wait3A_400 : memref<1x128xi32, #tpu.memory_space<vmem>> -> memref<128xi32, #tpu.memory_space<vmem>>
        %dma_wait3A_402 = arith.constant 0 : i32
        %dma_wait3A_403 = arith.constant 0 : i32
        %dma_wait3A_404 = tpu.memref_slice %arg13[%dma_wait3A_402, %dma_wait3A_403] : memref<5120x128xf32, #tpu.memory_space<vmem_shared>> -> memref<5120x128xf32, #tpu.memory_space<vmem_shared>>
        tpu.wait_indirect_dma semaphore(%arg15 : memref<!tpu.dma_semaphore, #tpu.memory_space<semaphore_mem>>) src(%dma_wait3A_404 : memref<5120x128xf32, #tpu.memory_space<vmem_shared>>) dst(%arg10 : memref<128x128xf32, #tpu.memory_space<vmem>>)
        %dma_start3A = arith.constant 0 : i32
        %dma_start3A_405 = tpu.memref_slice %arg8[%select_n3A_380, %dma_start3A] : memref<48x128xi32, #tpu.memory_space<vmem>> -> memref<1x128xi32, #tpu.memory_space<vmem>>
        %dma_start3A_406 = tpu.memref_squeeze %dma_start3A_405 : memref<1x128xi32, #tpu.memory_space<vmem>> -> memref<128xi32, #tpu.memory_space<vmem>>
        %dma_start3A_407 = arith.constant 0 : i32
        %dma_start3A_408 = arith.constant 0 : i32
        %dma_start3A_409 = tpu.memref_slice %arg14[%dma_start3A_407, %dma_start3A_408] : memref<5120x128xf32, #tpu.memory_space<vmem_shared>> -> memref<5120x128xf32, #tpu.memory_space<vmem_shared>>
        tpu.enqueue_indirect_dma source(%arg10 : memref<128x128xf32, #tpu.memory_space<vmem>>) target(%dma_start3A_409 : memref<5120x128xf32, #tpu.memory_space<vmem_shared>>) offsets(%dma_start3A_406 : memref<128xi32, #tpu.memory_space<vmem>>) semaphore(%arg16 : memref<!tpu.dma_semaphore, #tpu.memory_space<semaphore_mem>>) {add = true}
      } else {
      }
      %add3A_385 = arith.constant 1 : i32
      %add3A_386 = arith.addi %add3A_375, %add3A_385 : i32
      %lt3A_387 = arith.cmpi slt, %add3A_386, %add3A_112 : i32
      %gt3A_388 = arith.constant 0 : i32
      %gt3A_389 = arith.cmpi sgt, %add3A_375, %gt3A_388 : i32
      %and3A_390 = arith.andi %lt3A_387, %gt3A_389 : i1
      %convert_element_type3A_391 = arith.extui %and3A_390 : i1 to i32
      %cond3A_392 = arith.constant 0 : i32
      %cond3A_393 = arith.cmpi ne, %convert_element_type3A_391, %cond3A_392 : i32
      scf.if %cond3A_393 {
        %dma_wait3A = arith.constant 0 : i32
        %dma_wait3A_400 = arith.constant 0 : i32
        %dma_wait3A_401 = tpu.memref_slice %arg8[%dma_wait3A, %dma_wait3A_400] : memref<48x128xi32, #tpu.memory_space<vmem>> -> memref<1x128xi32, #tpu.memory_space<vmem>>
        %dma_wait3A_402 = tpu.memref_squeeze %dma_wait3A_401 : memref<1x128xi32, #tpu.memory_space<vmem>> -> memref<128xi32, #tpu.memory_space<vmem>>
        %dma_wait3A_403 = arith.constant 0 : i32
        %dma_wait3A_404 = arith.constant 0 : i32
        %dma_wait3A_405 = tpu.memref_slice %arg14[%dma_wait3A_403, %dma_wait3A_404] : memref<5120x128xf32, #tpu.memory_space<vmem_shared>> -> memref<5120x128xf32, #tpu.memory_space<vmem_shared>>
        tpu.wait_indirect_dma semaphore(%arg16 : memref<!tpu.dma_semaphore, #tpu.memory_space<semaphore_mem>>) src(%arg9 : memref<128x128xf32, #tpu.memory_space<vmem>>) dst(%dma_wait3A_405 : memref<5120x128xf32, #tpu.memory_space<vmem_shared>>)
      } else {
      }
      %add3A_394 = arith.constant 1 : i32
      %add3A_395 = arith.addi %add3A_375, %add3A_394 : i32
      %lt3A_396 = arith.cmpi slt, %add3A_395, %add3A_112 : i32
      %convert_element_type3A_397 = arith.extui %lt3A_396 : i1 to i32
      %cond3A_398 = arith.constant 0 : i32
      %cond3A_399 = arith.cmpi ne, %convert_element_type3A_397, %cond3A_398 : i32
      scf.if %cond3A_399 {
        %add3A_400 = arith.constant 1 : i32
        %add3A_401 = arith.addi %add3A_375, %add3A_400 : i32
        %lt3A_402 = arith.cmpi slt, %add3A_401, %select_n3A_83 : i32
        %add3A_403 = arith.constant 24 : i32
        %add3A_404 = arith.addi %add3A_403, %add3A_401 : i32
        %sub3A_405 = arith.subi %add3A_404, %select_n3A_83 : i32
        %select_n3A_406 = arith.select %lt3A_402, %add3A_401, %sub3A_405 : i32
        %dma_start3A = arith.constant 0 : i32
        %dma_start3A_407 = tpu.memref_slice %arg7[%select_n3A_406, %dma_start3A] : memref<48x128xi32, #tpu.memory_space<vmem>> -> memref<1x128xi32, #tpu.memory_space<vmem>>
        %dma_start3A_408 = tpu.memref_squeeze %dma_start3A_407 : memref<1x128xi32, #tpu.memory_space<vmem>> -> memref<128xi32, #tpu.memory_space<vmem>>
        %dma_start3A_409 = arith.constant 0 : i32
        %dma_start3A_410 = arith.constant 0 : i32
        %dma_start3A_411 = tpu.memref_slice %arg13[%dma_start3A_409, %dma_start3A_410] : memref<5120x128xf32, #tpu.memory_space<vmem_shared>> -> memref<5120x128xf32, #tpu.memory_space<vmem_shared>>
        tpu.enqueue_indirect_dma source(%dma_start3A_411 : memref<5120x128xf32, #tpu.memory_space<vmem_shared>>) target(%arg9 : memref<128x128xf32, #tpu.memory_space<vmem>>) offsets(%dma_start3A_408 : memref<128xi32, #tpu.memory_space<vmem>>) semaphore(%arg15 : memref<!tpu.dma_semaphore, #tpu.memory_space<semaphore_mem>>)
      } else {
      }
    }
    %while3A_158 = arith.constant 1 : i32
    scf.for %while3A_342 = %while3A_156 to %while3A_152 step %while3A_158  : i32 {
      %mul3A_343 = arith.muli %while3A_342, %while3A : i32
      %add3A_344 = arith.addi %while3A_149, %mul3A_343 : i32
      %mul3A_345 = arith.constant 2 : i32
      %mul3A_346 = arith.muli %add3A_344, %mul3A_345 : i32
      %add3A_347 = arith.constant 0 : i32
      %add3A_348 = arith.addi %mul3A_346, %add3A_347 : i32
      %lt3A = arith.cmpi slt, %add3A_348, %select_n3A_83 : i32
      %add3A_349 = arith.constant 24 : i32
      %add3A_350 = arith.addi %add3A_349, %add3A_348 : i32
      %sub3A_351 = arith.subi %add3A_350, %select_n3A_83 : i32
      %select_n3A_352 = arith.select %lt3A, %add3A_348, %sub3A_351 : i32
      %lt3A_353 = arith.cmpi slt, %add3A_348, %add3A_112 : i32
      %convert_element_type3A_354 = arith.extui %lt3A_353 : i1 to i32
      %cond3A_355 = arith.constant 0 : i32
      %cond3A_356 = arith.cmpi ne, %convert_element_type3A_354, %cond3A_355 : i32
      scf.if %cond3A_356 {
        %dma_wait3A = arith.constant 0 : i32
        %dma_wait3A_400 = tpu.memref_slice %arg7[%select_n3A_352, %dma_wait3A] : memref<48x128xi32, #tpu.memory_space<vmem>> -> memref<1x128xi32, #tpu.memory_space<vmem>>
        %dma_wait3A_401 = tpu.memref_squeeze %dma_wait3A_400 : memref<1x128xi32, #tpu.memory_space<vmem>> -> memref<128xi32, #tpu.memory_space<vmem>>
        %dma_wait3A_402 = arith.constant 0 : i32
        %dma_wait3A_403 = arith.constant 0 : i32
        %dma_wait3A_404 = tpu.memref_slice %arg13[%dma_wait3A_402, %dma_wait3A_403] : memref<5120x128xf32, #tpu.memory_space<vmem_shared>> -> memref<5120x128xf32, #tpu.memory_space<vmem_shared>>
        tpu.wait_indirect_dma semaphore(%arg15 : memref<!tpu.dma_semaphore, #tpu.memory_space<semaphore_mem>>) src(%dma_wait3A_404 : memref<5120x128xf32, #tpu.memory_space<vmem_shared>>) dst(%arg9 : memref<128x128xf32, #tpu.memory_space<vmem>>)
        %dma_start3A = arith.constant 0 : i32
        %dma_start3A_405 = tpu.memref_slice %arg8[%select_n3A_352, %dma_start3A] : memref<48x128xi32, #tpu.memory_space<vmem>> -> memref<1x128xi32, #tpu.memory_space<vmem>>
        %dma_start3A_406 = tpu.memref_squeeze %dma_start3A_405 : memref<1x128xi32, #tpu.memory_space<vmem>> -> memref<128xi32, #tpu.memory_space<vmem>>
        %dma_start3A_407 = arith.constant 0 : i32
        %dma_start3A_408 = arith.constant 0 : i32
        %dma_start3A_409 = tpu.memref_slice %arg14[%dma_start3A_407, %dma_start3A_408] : memref<5120x128xf32, #tpu.memory_space<vmem_shared>> -> memref<5120x128xf32, #tpu.memory_space<vmem_shared>>
        tpu.enqueue_indirect_dma source(%arg9 : memref<128x128xf32, #tpu.memory_space<vmem>>) target(%dma_start3A_409 : memref<5120x128xf32, #tpu.memory_space<vmem_shared>>) offsets(%dma_start3A_406 : memref<128xi32, #tpu.memory_space<vmem>>) semaphore(%arg16 : memref<!tpu.dma_semaphore, #tpu.memory_space<semaphore_mem>>) {add = true}
      } else {
      }
      %add3A_357 = arith.constant 1 : i32
      %add3A_358 = arith.addi %add3A_348, %add3A_357 : i32
      %lt3A_359 = arith.cmpi slt, %add3A_358, %add3A_112 : i32
      %gt3A_360 = arith.constant 0 : i32
      %gt3A_361 = arith.cmpi sgt, %add3A_348, %gt3A_360 : i32
      %and3A_362 = arith.andi %lt3A_359, %gt3A_361 : i1
      %convert_element_type3A_363 = arith.extui %and3A_362 : i1 to i32
      %cond3A_364 = arith.constant 0 : i32
      %cond3A_365 = arith.cmpi ne, %convert_element_type3A_363, %cond3A_364 : i32
      scf.if %cond3A_365 {
        %dma_wait3A = arith.constant 0 : i32
        %dma_wait3A_400 = arith.constant 0 : i32
        %dma_wait3A_401 = tpu.memref_slice %arg8[%dma_wait3A, %dma_wait3A_400] : memref<48x128xi32, #tpu.memory_space<vmem>> -> memref<1x128xi32, #tpu.memory_space<vmem>>
        %dma_wait3A_402 = tpu.memref_squeeze %dma_wait3A_401 : memref<1x128xi32, #tpu.memory_space<vmem>> -> memref<128xi32, #tpu.memory_space<vmem>>
        %dma_wait3A_403 = arith.constant 0 : i32
        %dma_wait3A_404 = arith.constant 0 : i32
        %dma_wait3A_405 = tpu.memref_slice %arg14[%dma_wait3A_403, %dma_wait3A_404] : memref<5120x128xf32, #tpu.memory_space<vmem_shared>> -> memref<5120x128xf32, #tpu.memory_space<vmem_shared>>
        tpu.wait_indirect_dma semaphore(%arg16 : memref<!tpu.dma_semaphore, #tpu.memory_space<semaphore_mem>>) src(%arg9 : memref<128x128xf32, #tpu.memory_space<vmem>>) dst(%dma_wait3A_405 : memref<5120x128xf32, #tpu.memory_space<vmem_shared>>)
      } else {
      }
      %add3A_366 = arith.constant 1 : i32
      %add3A_367 = arith.addi %add3A_348, %add3A_366 : i32
      %lt3A_368 = arith.cmpi slt, %add3A_367, %add3A_112 : i32
      %convert_element_type3A_369 = arith.extui %lt3A_368 : i1 to i32
      %cond3A_370 = arith.constant 0 : i32
      %cond3A_371 = arith.cmpi ne, %convert_element_type3A_369, %cond3A_370 : i32
      scf.if %cond3A_371 {
        %add3A_400 = arith.constant 1 : i32
        %add3A_401 = arith.addi %add3A_348, %add3A_400 : i32
        %lt3A_402 = arith.cmpi slt, %add3A_401, %select_n3A_83 : i32
        %add3A_403 = arith.constant 24 : i32
        %add3A_404 = arith.addi %add3A_403, %add3A_401 : i32
        %sub3A_405 = arith.subi %add3A_404, %select_n3A_83 : i32
        %select_n3A_406 = arith.select %lt3A_402, %add3A_401, %sub3A_405 : i32
        %dma_start3A = arith.constant 0 : i32
        %dma_start3A_407 = tpu.memref_slice %arg7[%select_n3A_406, %dma_start3A] : memref<48x128xi32, #tpu.memory_space<vmem>> -> memref<1x128xi32, #tpu.memory_space<vmem>>
        %dma_start3A_408 = tpu.memref_squeeze %dma_start3A_407 : memref<1x128xi32, #tpu.memory_space<vmem>> -> memref<128xi32, #tpu.memory_space<vmem>>
        %dma_start3A_409 = arith.constant 0 : i32
        %dma_start3A_410 = arith.constant 0 : i32
        %dma_start3A_411 = tpu.memref_slice %arg13[%dma_start3A_409, %dma_start3A_410] : memref<5120x128xf32, #tpu.memory_space<vmem_shared>> -> memref<5120x128xf32, #tpu.memory_space<vmem_shared>>
        tpu.enqueue_indirect_dma source(%dma_start3A_411 : memref<5120x128xf32, #tpu.memory_space<vmem_shared>>) target(%arg10 : memref<128x128xf32, #tpu.memory_space<vmem>>) offsets(%dma_start3A_408 : memref<128xi32, #tpu.memory_space<vmem>>) semaphore(%arg15 : memref<!tpu.dma_semaphore, #tpu.memory_space<semaphore_mem>>)
      } else {
      }
      %mul3A_372 = arith.constant 2 : i32
      %mul3A_373 = arith.muli %add3A_344, %mul3A_372 : i32
      %add3A_374 = arith.constant 1 : i32
      %add3A_375 = arith.addi %mul3A_373, %add3A_374 : i32
      %lt3A_376 = arith.cmpi slt, %add3A_375, %select_n3A_83 : i32
      %add3A_377 = arith.constant 24 : i32
      %add3A_378 = arith.addi %add3A_377, %add3A_375 : i32
      %sub3A_379 = arith.subi %add3A_378, %select_n3A_83 : i32
      %select_n3A_380 = arith.select %lt3A_376, %add3A_375, %sub3A_379 : i32
      %lt3A_381 = arith.cmpi slt, %add3A_375, %add3A_112 : i32
      %convert_element_type3A_382 = arith.extui %lt3A_381 : i1 to i32
      %cond3A_383 = arith.constant 0 : i32
      %cond3A_384 = arith.cmpi ne, %convert_element_type3A_382, %cond3A_383 : i32
      scf.if %cond3A_384 {
        %dma_wait3A = arith.constant 0 : i32
        %dma_wait3A_400 = tpu.memref_slice %arg7[%select_n3A_380, %dma_wait3A] : memref<48x128xi32, #tpu.memory_space<vmem>> -> memref<1x128xi32, #tpu.memory_space<vmem>>
        %dma_wait3A_401 = tpu.memref_squeeze %dma_wait3A_400 : memref<1x128xi32, #tpu.memory_space<vmem>> -> memref<128xi32, #tpu.memory_space<vmem>>
        %dma_wait3A_402 = arith.constant 0 : i32
        %dma_wait3A_403 = arith.constant 0 : i32
        %dma_wait3A_404 = tpu.memref_slice %arg13[%dma_wait3A_402, %dma_wait3A_403] : memref<5120x128xf32, #tpu.memory_space<vmem_shared>> -> memref<5120x128xf32, #tpu.memory_space<vmem_shared>>
        tpu.wait_indirect_dma semaphore(%arg15 : memref<!tpu.dma_semaphore, #tpu.memory_space<semaphore_mem>>) src(%dma_wait3A_404 : memref<5120x128xf32, #tpu.memory_space<vmem_shared>>) dst(%arg10 : memref<128x128xf32, #tpu.memory_space<vmem>>)
        %dma_start3A = arith.constant 0 : i32
        %dma_start3A_405 = tpu.memref_slice %arg8[%select_n3A_380, %dma_start3A] : memref<48x128xi32, #tpu.memory_space<vmem>> -> memref<1x128xi32, #tpu.memory_space<vmem>>
        %dma_start3A_406 = tpu.memref_squeeze %dma_start3A_405 : memref<1x128xi32, #tpu.memory_space<vmem>> -> memref<128xi32, #tpu.memory_space<vmem>>
        %dma_start3A_407 = arith.constant 0 : i32
        %dma_start3A_408 = arith.constant 0 : i32
        %dma_start3A_409 = tpu.memref_slice %arg14[%dma_start3A_407, %dma_start3A_408] : memref<5120x128xf32, #tpu.memory_space<vmem_shared>> -> memref<5120x128xf32, #tpu.memory_space<vmem_shared>>
        tpu.enqueue_indirect_dma source(%arg10 : memref<128x128xf32, #tpu.memory_space<vmem>>) target(%dma_start3A_409 : memref<5120x128xf32, #tpu.memory_space<vmem_shared>>) offsets(%dma_start3A_406 : memref<128xi32, #tpu.memory_space<vmem>>) semaphore(%arg16 : memref<!tpu.dma_semaphore, #tpu.memory_space<semaphore_mem>>) {add = true}
      } else {
      }
      %add3A_385 = arith.constant 1 : i32
      %add3A_386 = arith.addi %add3A_375, %add3A_385 : i32
      %lt3A_387 = arith.cmpi slt, %add3A_386, %add3A_112 : i32
      %gt3A_388 = arith.constant 0 : i32
      %gt3A_389 = arith.cmpi sgt, %add3A_375, %gt3A_388 : i32
      %and3A_390 = arith.andi %lt3A_387, %gt3A_389 : i1
      %convert_element_type3A_391 = arith.extui %and3A_390 : i1 to i32
      %cond3A_392 = arith.constant 0 : i32
      %cond3A_393 = arith.cmpi ne, %convert_element_type3A_391, %cond3A_392 : i32
      scf.if %cond3A_393 {
        %dma_wait3A = arith.constant 0 : i32
        %dma_wait3A_400 = arith.constant 0 : i32
        %dma_wait3A_401 = tpu.memref_slice %arg8[%dma_wait3A, %dma_wait3A_400] : memref<48x128xi32, #tpu.memory_space<vmem>> -> memref<1x128xi32, #tpu.memory_space<vmem>>
        %dma_wait3A_402 = tpu.memref_squeeze %dma_wait3A_401 : memref<1x128xi32, #tpu.memory_space<vmem>> -> memref<128xi32, #tpu.memory_space<vmem>>
        %dma_wait3A_403 = arith.constant 0 : i32
        %dma_wait3A_404 = arith.constant 0 : i32
        %dma_wait3A_405 = tpu.memref_slice %arg14[%dma_wait3A_403, %dma_wait3A_404] : memref<5120x128xf32, #tpu.memory_space<vmem_shared>> -> memref<5120x128xf32, #tpu.memory_space<vmem_shared>>
        tpu.wait_indirect_dma semaphore(%arg16 : memref<!tpu.dma_semaphore, #tpu.memory_space<semaphore_mem>>) src(%arg9 : memref<128x128xf32, #tpu.memory_space<vmem>>) dst(%dma_wait3A_405 : memref<5120x128xf32, #tpu.memory_space<vmem_shared>>)
      } else {
      }
      %add3A_394 = arith.constant 1 : i32
      %add3A_395 = arith.addi %add3A_375, %add3A_394 : i32
      %lt3A_396 = arith.cmpi slt, %add3A_395, %add3A_112 : i32
      %convert_element_type3A_397 = arith.extui %lt3A_396 : i1 to i32
      %cond3A_398 = arith.constant 0 : i32
      %cond3A_399 = arith.cmpi ne, %convert_element_type3A_397, %cond3A_398 : i32
      scf.if %cond3A_399 {
        %add3A_400 = arith.constant 1 : i32
        %add3A_401 = arith.addi %add3A_375, %add3A_400 : i32
        %lt3A_402 = arith.cmpi slt, %add3A_401, %select_n3A_83 : i32
        %add3A_403 = arith.constant 24 : i32
        %add3A_404 = arith.addi %add3A_403, %add3A_401 : i32
        %sub3A_405 = arith.subi %add3A_404, %select_n3A_83 : i32
        %select_n3A_406 = arith.select %lt3A_402, %add3A_401, %sub3A_405 : i32
        %dma_start3A = arith.constant 0 : i32
        %dma_start3A_407 = tpu.memref_slice %arg7[%select_n3A_406, %dma_start3A] : memref<48x128xi32, #tpu.memory_space<vmem>> -> memref<1x128xi32, #tpu.memory_space<vmem>>
        %dma_start3A_408 = tpu.memref_squeeze %dma_start3A_407 : memref<1x128xi32, #tpu.memory_space<vmem>> -> memref<128xi32, #tpu.memory_space<vmem>>
        %dma_start3A_409 = arith.constant 0 : i32
        %dma_start3A_410 = arith.constant 0 : i32
        %dma_start3A_411 = tpu.memref_slice %arg13[%dma_start3A_409, %dma_start3A_410] : memref<5120x128xf32, #tpu.memory_space<vmem_shared>> -> memref<5120x128xf32, #tpu.memory_space<vmem_shared>>
        tpu.enqueue_indirect_dma source(%dma_start3A_411 : memref<5120x128xf32, #tpu.memory_space<vmem_shared>>) target(%arg9 : memref<128x128xf32, #tpu.memory_space<vmem>>) offsets(%dma_start3A_408 : memref<128xi32, #tpu.memory_space<vmem>>) semaphore(%arg15 : memref<!tpu.dma_semaphore, #tpu.memory_space<semaphore_mem>>)
      } else {
      }
    }
    %ge3A = arith.constant 1 : i32
    %ge3A_159 = arith.cmpi sge, %add3A_112, %ge3A : i32
    %convert_element_type3A_160 = arith.extui %ge3A_159 : i1 to i32
    %cond3A_161 = arith.constant 0 : i32
    %cond3A_162 = arith.cmpi ne, %convert_element_type3A_160, %cond3A_161 : i32
    scf.if %cond3A_162 {
      %dma_wait3A = arith.constant 0 : i32
      %dma_wait3A_342 = arith.constant 0 : i32
      %dma_wait3A_343 = tpu.memref_slice %arg8[%dma_wait3A, %dma_wait3A_342] : memref<48x128xi32, #tpu.memory_space<vmem>> -> memref<1x128xi32, #tpu.memory_space<vmem>>
      %dma_wait3A_344 = tpu.memref_squeeze %dma_wait3A_343 : memref<1x128xi32, #tpu.memory_space<vmem>> -> memref<128xi32, #tpu.memory_space<vmem>>
      %dma_wait3A_345 = arith.constant 0 : i32
      %dma_wait3A_346 = arith.constant 0 : i32
      %dma_wait3A_347 = tpu.memref_slice %arg14[%dma_wait3A_345, %dma_wait3A_346] : memref<5120x128xf32, #tpu.memory_space<vmem_shared>> -> memref<5120x128xf32, #tpu.memory_space<vmem_shared>>
      tpu.wait_indirect_dma semaphore(%arg16 : memref<!tpu.dma_semaphore, #tpu.memory_space<semaphore_mem>>) src(%arg9 : memref<128x128xf32, #tpu.memory_space<vmem>>) dst(%dma_wait3A_347 : memref<5120x128xf32, #tpu.memory_space<vmem_shared>>)
    } else {
    }
    %ge3A_163 = arith.constant 2 : i32
    %ge3A_164 = arith.cmpi sge, %add3A_112, %ge3A_163 : i32
    %convert_element_type3A_165 = arith.extui %ge3A_164 : i1 to i32
    %cond3A_166 = arith.constant 0 : i32
    %cond3A_167 = arith.cmpi ne, %convert_element_type3A_165, %cond3A_166 : i32
    scf.if %cond3A_167 {
      %dma_wait3A = arith.constant 0 : i32
      %dma_wait3A_342 = arith.constant 0 : i32
      %dma_wait3A_343 = tpu.memref_slice %arg8[%dma_wait3A, %dma_wait3A_342] : memref<48x128xi32, #tpu.memory_space<vmem>> -> memref<1x128xi32, #tpu.memory_space<vmem>>
      %dma_wait3A_344 = tpu.memref_squeeze %dma_wait3A_343 : memref<1x128xi32, #tpu.memory_space<vmem>> -> memref<128xi32, #tpu.memory_space<vmem>>
      %dma_wait3A_345 = arith.constant 0 : i32
      %dma_wait3A_346 = arith.constant 0 : i32
      %dma_wait3A_347 = tpu.memref_slice %arg14[%dma_wait3A_345, %dma_wait3A_346] : memref<5120x128xf32, #tpu.memory_space<vmem_shared>> -> memref<5120x128xf32, #tpu.memory_space<vmem_shared>>
      tpu.wait_indirect_dma semaphore(%arg16 : memref<!tpu.dma_semaphore, #tpu.memory_space<semaphore_mem>>) src(%arg9 : memref<128x128xf32, #tpu.memory_space<vmem>>) dst(%dma_wait3A_347 : memref<5120x128xf32, #tpu.memory_space<vmem_shared>>)
    } else {
    }
    %barrier3A_168 = arith.constant 0 : index
    tpu.barrier barrier_id(%barrier3A_168)
    %mul3A_169 = arith.constant 320 : i32
    %mul3A_170 = arith.muli %arg1, %mul3A_169 : i32
    %add3A_171 = arith.constant 5000 : i32
    %add3A_172 = arith.addi %add3A_171, %mul3A_170 : i32
    %mul3A_173 = arith.constant 320 : i32
    %mul3A_174 = arith.muli %arg1, %mul3A_173 : i32
    "tpu.region"() ({
      %run_scoped3A = tpu.sem_alloc : memref<!tpu.dma_semaphore, #tpu.memory_space<semaphore_mem>>
      %dma_start3A = arith.constant 0 : i32
      %dma_start3A_342 = tpu.memref_slice %arg13[%mul3A_174, %dma_start3A] : memref<5120x128xf32, #tpu.memory_space<vmem_shared>> -> memref<320x128xf32, #tpu.memory_space<vmem_shared>>
      %dma_start3A_343 = arith.constant 0 : i32
      %dma_start3A_344 = tpu.memref_slice %arg2[%add3A_172, %dma_start3A_343] : memref<10120x128xf32, #tpu.memory_space<hbm>> -> memref<320x128xf32, #tpu.memory_space<hbm>>
      tpu.enqueue_dma source(%dma_start3A_344 : memref<320x128xf32, #tpu.memory_space<hbm>>) target(%dma_start3A_342 : memref<320x128xf32, #tpu.memory_space<vmem_shared>>) target_semaphore(%run_scoped3A : memref<!tpu.dma_semaphore, #tpu.memory_space<semaphore_mem>>)
      %dma_wait3A = arith.constant 0 : i32
      %dma_wait3A_345 = tpu.memref_slice %arg13[%mul3A_174, %dma_wait3A] : memref<5120x128xf32, #tpu.memory_space<vmem_shared>> -> memref<320x128xf32, #tpu.memory_space<vmem_shared>>
      %dma_wait3A_346 = arith.constant 0 : i32
      %dma_wait3A_347 = tpu.memref_slice %arg2[%add3A_172, %dma_wait3A_346] : memref<10120x128xf32, #tpu.memory_space<hbm>> -> memref<320x128xf32, #tpu.memory_space<hbm>>
      tpu.wait_dma2 semaphore(%run_scoped3A : memref<!tpu.dma_semaphore, #tpu.memory_space<semaphore_mem>>) src(%dma_wait3A_347 : memref<320x128xf32, #tpu.memory_space<hbm>>) dst(%dma_wait3A_345 : memref<320x128xf32, #tpu.memory_space<vmem_shared>>)
      tpu.yield
    }) : () -> ()
    %barrier3A_175 = arith.constant 0 : index
    tpu.barrier barrier_id(%barrier3A_175)
    %add3A_176 = arith.constant 2 : i32
    %add3A_177 = arith.addi %add3A_176, %arg0 : i32
    %mul3A_178 = arith.constant 2 : i32
    %mul3A_179 = arith.muli %mul3A_178, %arg1 : i32
    %add3A_180 = arith.constant 0 : i32
    %add3A_181 = arith.addi %mul3A_179, %add3A_180 : i32
    "tpu.region"() ({
      %run_scoped3A = tpu.sem_alloc : memref<!tpu.dma_semaphore, #tpu.memory_space<semaphore_mem>>
      %dma_start3A = arith.constant 0 : i32
      %dma_start3A_342 = arith.constant 0 : i32
      %dma_start3A_343 = tpu.memref_slice %arg7[%dma_start3A, %dma_start3A_342] : memref<48x128xi32, #tpu.memory_space<vmem>> -> memref<24x128xi32, #tpu.memory_space<vmem>>
      %dma_start3A_344 = arith.constant 0 : i32
      %dma_start3A_345 = arith.constant 0 : i32
      %dma_start3A_346 = tpu.memref_slice %arg3[%add3A_181, %add3A_177, %dma_start3A_344, %dma_start3A_345] : memref<32x4x24x128xi32, #tpu.memory_space<hbm>> -> memref<1x1x24x128xi32, #tpu.memory_space<hbm>>
      %dma_start3A_347 = tpu.memref_squeeze %dma_start3A_346 : memref<1x1x24x128xi32, #tpu.memory_space<hbm>> -> memref<24x128xi32, #tpu.memory_space<hbm>>
      %dma_start3A_348 = arith.constant 0 : i32
      %dma_start3A_349 = arith.constant 0 : i32
      %dma_start3A_350 = tpu.memref_slice %arg7[%dma_start3A_348, %dma_start3A_349] : memref<48x128xi32, #tpu.memory_space<vmem>> -> memref<24x128xi32, #tpu.memory_space<vmem>>
      %dma_start3A_351 = arith.constant 0 : i32
      %dma_start3A_352 = arith.constant 0 : i32
      %dma_start3A_353 = tpu.memref_slice %arg3[%add3A_181, %add3A_177, %dma_start3A_351, %dma_start3A_352] : memref<32x4x24x128xi32, #tpu.memory_space<hbm>> -> memref<1x1x24x128xi32, #tpu.memory_space<hbm>>
      %dma_start3A_354 = tpu.memref_squeeze %dma_start3A_353 : memref<1x1x24x128xi32, #tpu.memory_space<hbm>> -> memref<24x128xi32, #tpu.memory_space<hbm>>
      tpu.enqueue_dma source(%dma_start3A_354 : memref<24x128xi32, #tpu.memory_space<hbm>>) target(%dma_start3A_350 : memref<24x128xi32, #tpu.memory_space<vmem>>) target_semaphore(%run_scoped3A : memref<!tpu.dma_semaphore, #tpu.memory_space<semaphore_mem>>)
      %dma_wait3A = arith.constant 0 : i32
      %dma_wait3A_355 = arith.constant 0 : i32
      %dma_wait3A_356 = tpu.memref_slice %arg7[%dma_wait3A, %dma_wait3A_355] : memref<48x128xi32, #tpu.memory_space<vmem>> -> memref<24x128xi32, #tpu.memory_space<vmem>>
      %dma_wait3A_357 = arith.constant 0 : i32
      %dma_wait3A_358 = arith.constant 0 : i32
      %dma_wait3A_359 = tpu.memref_slice %arg3[%add3A_181, %add3A_177, %dma_wait3A_357, %dma_wait3A_358] : memref<32x4x24x128xi32, #tpu.memory_space<hbm>> -> memref<1x1x24x128xi32, #tpu.memory_space<hbm>>
      %dma_wait3A_360 = tpu.memref_squeeze %dma_wait3A_359 : memref<1x1x24x128xi32, #tpu.memory_space<hbm>> -> memref<24x128xi32, #tpu.memory_space<hbm>>
      %dma_wait3A_361 = arith.constant 0 : i32
      %dma_wait3A_362 = arith.constant 0 : i32
      %dma_wait3A_363 = tpu.memref_slice %arg7[%dma_wait3A_361, %dma_wait3A_362] : memref<48x128xi32, #tpu.memory_space<vmem>> -> memref<24x128xi32, #tpu.memory_space<vmem>>
      %dma_wait3A_364 = arith.constant 0 : i32
      %dma_wait3A_365 = arith.constant 0 : i32
      %dma_wait3A_366 = tpu.memref_slice %arg3[%add3A_181, %add3A_177, %dma_wait3A_364, %dma_wait3A_365] : memref<32x4x24x128xi32, #tpu.memory_space<hbm>> -> memref<1x1x24x128xi32, #tpu.memory_space<hbm>>
      %dma_wait3A_367 = tpu.memref_squeeze %dma_wait3A_366 : memref<1x1x24x128xi32, #tpu.memory_space<hbm>> -> memref<24x128xi32, #tpu.memory_space<hbm>>
      tpu.wait_dma2 semaphore(%run_scoped3A : memref<!tpu.dma_semaphore, #tpu.memory_space<semaphore_mem>>) src(%dma_wait3A_367 : memref<24x128xi32, #tpu.memory_space<hbm>>) dst(%dma_wait3A_363 : memref<24x128xi32, #tpu.memory_space<vmem>>)
      tpu.yield
    }) : () -> ()
    %mul3A_182 = arith.constant 2 : i32
    %mul3A_183 = arith.muli %mul3A_182, %arg1 : i32
    %add3A_184 = arith.constant 0 : i32
    %add3A_185 = arith.addi %mul3A_183, %add3A_184 : i32
    "tpu.region"() ({
      %run_scoped3A = tpu.sem_alloc : memref<!tpu.dma_semaphore, #tpu.memory_space<semaphore_mem>>
      %dma_start3A = arith.constant 0 : i32
      %dma_start3A_342 = arith.constant 0 : i32
      %dma_start3A_343 = tpu.memref_slice %arg8[%dma_start3A, %dma_start3A_342] : memref<48x128xi32, #tpu.memory_space<vmem>> -> memref<24x128xi32, #tpu.memory_space<vmem>>
      %dma_start3A_344 = arith.constant 0 : i32
      %dma_start3A_345 = arith.constant 0 : i32
      %dma_start3A_346 = tpu.memref_slice %arg4[%add3A_185, %add3A_177, %dma_start3A_344, %dma_start3A_345] : memref<32x4x24x128xi32, #tpu.memory_space<hbm>> -> memref<1x1x24x128xi32, #tpu.memory_space<hbm>>
      %dma_start3A_347 = tpu.memref_squeeze %dma_start3A_346 : memref<1x1x24x128xi32, #tpu.memory_space<hbm>> -> memref<24x128xi32, #tpu.memory_space<hbm>>
      %dma_start3A_348 = arith.constant 0 : i32
      %dma_start3A_349 = arith.constant 0 : i32
      %dma_start3A_350 = tpu.memref_slice %arg8[%dma_start3A_348, %dma_start3A_349] : memref<48x128xi32, #tpu.memory_space<vmem>> -> memref<24x128xi32, #tpu.memory_space<vmem>>
      %dma_start3A_351 = arith.constant 0 : i32
      %dma_start3A_352 = arith.constant 0 : i32
      %dma_start3A_353 = tpu.memref_slice %arg4[%add3A_185, %add3A_177, %dma_start3A_351, %dma_start3A_352] : memref<32x4x24x128xi32, #tpu.memory_space<hbm>> -> memref<1x1x24x128xi32, #tpu.memory_space<hbm>>
      %dma_start3A_354 = tpu.memref_squeeze %dma_start3A_353 : memref<1x1x24x128xi32, #tpu.memory_space<hbm>> -> memref<24x128xi32, #tpu.memory_space<hbm>>
      tpu.enqueue_dma source(%dma_start3A_354 : memref<24x128xi32, #tpu.memory_space<hbm>>) target(%dma_start3A_350 : memref<24x128xi32, #tpu.memory_space<vmem>>) target_semaphore(%run_scoped3A : memref<!tpu.dma_semaphore, #tpu.memory_space<semaphore_mem>>)
      %dma_wait3A = arith.constant 0 : i32
      %dma_wait3A_355 = arith.constant 0 : i32
      %dma_wait3A_356 = tpu.memref_slice %arg8[%dma_wait3A, %dma_wait3A_355] : memref<48x128xi32, #tpu.memory_space<vmem>> -> memref<24x128xi32, #tpu.memory_space<vmem>>
      %dma_wait3A_357 = arith.constant 0 : i32
      %dma_wait3A_358 = arith.constant 0 : i32
      %dma_wait3A_359 = tpu.memref_slice %arg4[%add3A_185, %add3A_177, %dma_wait3A_357, %dma_wait3A_358] : memref<32x4x24x128xi32, #tpu.memory_space<hbm>> -> memref<1x1x24x128xi32, #tpu.memory_space<hbm>>
      %dma_wait3A_360 = tpu.memref_squeeze %dma_wait3A_359 : memref<1x1x24x128xi32, #tpu.memory_space<hbm>> -> memref<24x128xi32, #tpu.memory_space<hbm>>
      %dma_wait3A_361 = arith.constant 0 : i32
      %dma_wait3A_362 = arith.constant 0 : i32
      %dma_wait3A_363 = tpu.memref_slice %arg8[%dma_wait3A_361, %dma_wait3A_362] : memref<48x128xi32, #tpu.memory_space<vmem>> -> memref<24x128xi32, #tpu.memory_space<vmem>>
      %dma_wait3A_364 = arith.constant 0 : i32
      %dma_wait3A_365 = arith.constant 0 : i32
      %dma_wait3A_366 = tpu.memref_slice %arg4[%add3A_185, %add3A_177, %dma_wait3A_364, %dma_wait3A_365] : memref<32x4x24x128xi32, #tpu.memory_space<hbm>> -> memref<1x1x24x128xi32, #tpu.memory_space<hbm>>
      %dma_wait3A_367 = tpu.memref_squeeze %dma_wait3A_366 : memref<1x1x24x128xi32, #tpu.memory_space<hbm>> -> memref<24x128xi32, #tpu.memory_space<hbm>>
      tpu.wait_dma2 semaphore(%run_scoped3A : memref<!tpu.dma_semaphore, #tpu.memory_space<semaphore_mem>>) src(%dma_wait3A_367 : memref<24x128xi32, #tpu.memory_space<hbm>>) dst(%dma_wait3A_363 : memref<24x128xi32, #tpu.memory_space<vmem>>)
      tpu.yield
    }) : () -> ()
    %mul3A_186 = arith.constant 2 : i32
    %mul3A_187 = arith.muli %mul3A_186, %arg1 : i32
    %add3A_188 = arith.constant 1 : i32
    %add3A_189 = arith.addi %mul3A_187, %add3A_188 : i32
    "tpu.region"() ({
      %run_scoped3A = tpu.sem_alloc : memref<!tpu.dma_semaphore, #tpu.memory_space<semaphore_mem>>
      %dma_start3A = arith.constant 24 : i32
      %dma_start3A_342 = arith.constant 0 : i32
      %dma_start3A_343 = tpu.memref_slice %arg7[%dma_start3A, %dma_start3A_342] : memref<48x128xi32, #tpu.memory_space<vmem>> -> memref<24x128xi32, #tpu.memory_space<vmem>>
      %dma_start3A_344 = arith.constant 0 : i32
      %dma_start3A_345 = arith.constant 0 : i32
      %dma_start3A_346 = tpu.memref_slice %arg3[%add3A_189, %add3A_177, %dma_start3A_344, %dma_start3A_345] : memref<32x4x24x128xi32, #tpu.memory_space<hbm>> -> memref<1x1x24x128xi32, #tpu.memory_space<hbm>>
      %dma_start3A_347 = tpu.memref_squeeze %dma_start3A_346 : memref<1x1x24x128xi32, #tpu.memory_space<hbm>> -> memref<24x128xi32, #tpu.memory_space<hbm>>
      %dma_start3A_348 = arith.constant 24 : i32
      %dma_start3A_349 = arith.constant 0 : i32
      %dma_start3A_350 = tpu.memref_slice %arg7[%dma_start3A_348, %dma_start3A_349] : memref<48x128xi32, #tpu.memory_space<vmem>> -> memref<24x128xi32, #tpu.memory_space<vmem>>
      %dma_start3A_351 = arith.constant 0 : i32
      %dma_start3A_352 = arith.constant 0 : i32
      %dma_start3A_353 = tpu.memref_slice %arg3[%add3A_189, %add3A_177, %dma_start3A_351, %dma_start3A_352] : memref<32x4x24x128xi32, #tpu.memory_space<hbm>> -> memref<1x1x24x128xi32, #tpu.memory_space<hbm>>
      %dma_start3A_354 = tpu.memref_squeeze %dma_start3A_353 : memref<1x1x24x128xi32, #tpu.memory_space<hbm>> -> memref<24x128xi32, #tpu.memory_space<hbm>>
      tpu.enqueue_dma source(%dma_start3A_354 : memref<24x128xi32, #tpu.memory_space<hbm>>) target(%dma_start3A_350 : memref<24x128xi32, #tpu.memory_space<vmem>>) target_semaphore(%run_scoped3A : memref<!tpu.dma_semaphore, #tpu.memory_space<semaphore_mem>>)
      %dma_wait3A = arith.constant 24 : i32
      %dma_wait3A_355 = arith.constant 0 : i32
      %dma_wait3A_356 = tpu.memref_slice %arg7[%dma_wait3A, %dma_wait3A_355] : memref<48x128xi32, #tpu.memory_space<vmem>> -> memref<24x128xi32, #tpu.memory_space<vmem>>
      %dma_wait3A_357 = arith.constant 0 : i32
      %dma_wait3A_358 = arith.constant 0 : i32
      %dma_wait3A_359 = tpu.memref_slice %arg3[%add3A_189, %add3A_177, %dma_wait3A_357, %dma_wait3A_358] : memref<32x4x24x128xi32, #tpu.memory_space<hbm>> -> memref<1x1x24x128xi32, #tpu.memory_space<hbm>>
      %dma_wait3A_360 = tpu.memref_squeeze %dma_wait3A_359 : memref<1x1x24x128xi32, #tpu.memory_space<hbm>> -> memref<24x128xi32, #tpu.memory_space<hbm>>
      %dma_wait3A_361 = arith.constant 24 : i32
      %dma_wait3A_362 = arith.constant 0 : i32
      %dma_wait3A_363 = tpu.memref_slice %arg7[%dma_wait3A_361, %dma_wait3A_362] : memref<48x128xi32, #tpu.memory_space<vmem>> -> memref<24x128xi32, #tpu.memory_space<vmem>>
      %dma_wait3A_364 = arith.constant 0 : i32
      %dma_wait3A_365 = arith.constant 0 : i32
      %dma_wait3A_366 = tpu.memref_slice %arg3[%add3A_189, %add3A_177, %dma_wait3A_364, %dma_wait3A_365] : memref<32x4x24x128xi32, #tpu.memory_space<hbm>> -> memref<1x1x24x128xi32, #tpu.memory_space<hbm>>
      %dma_wait3A_367 = tpu.memref_squeeze %dma_wait3A_366 : memref<1x1x24x128xi32, #tpu.memory_space<hbm>> -> memref<24x128xi32, #tpu.memory_space<hbm>>
      tpu.wait_dma2 semaphore(%run_scoped3A : memref<!tpu.dma_semaphore, #tpu.memory_space<semaphore_mem>>) src(%dma_wait3A_367 : memref<24x128xi32, #tpu.memory_space<hbm>>) dst(%dma_wait3A_363 : memref<24x128xi32, #tpu.memory_space<vmem>>)
      tpu.yield
    }) : () -> ()
    %mul3A_190 = arith.constant 2 : i32
    %mul3A_191 = arith.muli %mul3A_190, %arg1 : i32
    %add3A_192 = arith.constant 1 : i32
    %add3A_193 = arith.addi %mul3A_191, %add3A_192 : i32
    "tpu.region"() ({
      %run_scoped3A = tpu.sem_alloc : memref<!tpu.dma_semaphore, #tpu.memory_space<semaphore_mem>>
      %dma_start3A = arith.constant 24 : i32
      %dma_start3A_342 = arith.constant 0 : i32
      %dma_start3A_343 = tpu.memref_slice %arg8[%dma_start3A, %dma_start3A_342] : memref<48x128xi32, #tpu.memory_space<vmem>> -> memref<24x128xi32, #tpu.memory_space<vmem>>
      %dma_start3A_344 = arith.constant 0 : i32
      %dma_start3A_345 = arith.constant 0 : i32
      %dma_start3A_346 = tpu.memref_slice %arg4[%add3A_193, %add3A_177, %dma_start3A_344, %dma_start3A_345] : memref<32x4x24x128xi32, #tpu.memory_space<hbm>> -> memref<1x1x24x128xi32, #tpu.memory_space<hbm>>
      %dma_start3A_347 = tpu.memref_squeeze %dma_start3A_346 : memref<1x1x24x128xi32, #tpu.memory_space<hbm>> -> memref<24x128xi32, #tpu.memory_space<hbm>>
      %dma_start3A_348 = arith.constant 24 : i32
      %dma_start3A_349 = arith.constant 0 : i32
      %dma_start3A_350 = tpu.memref_slice %arg8[%dma_start3A_348, %dma_start3A_349] : memref<48x128xi32, #tpu.memory_space<vmem>> -> memref<24x128xi32, #tpu.memory_space<vmem>>
      %dma_start3A_351 = arith.constant 0 : i32
      %dma_start3A_352 = arith.constant 0 : i32
      %dma_start3A_353 = tpu.memref_slice %arg4[%add3A_193, %add3A_177, %dma_start3A_351, %dma_start3A_352] : memref<32x4x24x128xi32, #tpu.memory_space<hbm>> -> memref<1x1x24x128xi32, #tpu.memory_space<hbm>>
      %dma_start3A_354 = tpu.memref_squeeze %dma_start3A_353 : memref<1x1x24x128xi32, #tpu.memory_space<hbm>> -> memref<24x128xi32, #tpu.memory_space<hbm>>
      tpu.enqueue_dma source(%dma_start3A_354 : memref<24x128xi32, #tpu.memory_space<hbm>>) target(%dma_start3A_350 : memref<24x128xi32, #tpu.memory_space<vmem>>) target_semaphore(%run_scoped3A : memref<!tpu.dma_semaphore, #tpu.memory_space<semaphore_mem>>)
      %dma_wait3A = arith.constant 24 : i32
      %dma_wait3A_355 = arith.constant 0 : i32
      %dma_wait3A_356 = tpu.memref_slice %arg8[%dma_wait3A, %dma_wait3A_355] : memref<48x128xi32, #tpu.memory_space<vmem>> -> memref<24x128xi32, #tpu.memory_space<vmem>>
      %dma_wait3A_357 = arith.constant 0 : i32
      %dma_wait3A_358 = arith.constant 0 : i32
      %dma_wait3A_359 = tpu.memref_slice %arg4[%add3A_193, %add3A_177, %dma_wait3A_357, %dma_wait3A_358] : memref<32x4x24x128xi32, #tpu.memory_space<hbm>> -> memref<1x1x24x128xi32, #tpu.memory_space<hbm>>
      %dma_wait3A_360 = tpu.memref_squeeze %dma_wait3A_359 : memref<1x1x24x128xi32, #tpu.memory_space<hbm>> -> memref<24x128xi32, #tpu.memory_space<hbm>>
      %dma_wait3A_361 = arith.constant 24 : i32
      %dma_wait3A_362 = arith.constant 0 : i32
      %dma_wait3A_363 = tpu.memref_slice %arg8[%dma_wait3A_361, %dma_wait3A_362] : memref<48x128xi32, #tpu.memory_space<vmem>> -> memref<24x128xi32, #tpu.memory_space<vmem>>
      %dma_wait3A_364 = arith.constant 0 : i32
      %dma_wait3A_365 = arith.constant 0 : i32
      %dma_wait3A_366 = tpu.memref_slice %arg4[%add3A_193, %add3A_177, %dma_wait3A_364, %dma_wait3A_365] : memref<32x4x24x128xi32, #tpu.memory_space<hbm>> -> memref<1x1x24x128xi32, #tpu.memory_space<hbm>>
      %dma_wait3A_367 = tpu.memref_squeeze %dma_wait3A_366 : memref<1x1x24x128xi32, #tpu.memory_space<hbm>> -> memref<24x128xi32, #tpu.memory_space<hbm>>
      tpu.wait_dma2 semaphore(%run_scoped3A : memref<!tpu.dma_semaphore, #tpu.memory_space<semaphore_mem>>) src(%dma_wait3A_367 : memref<24x128xi32, #tpu.memory_space<hbm>>) dst(%dma_wait3A_363 : memref<24x128xi32, #tpu.memory_space<vmem>>)
      tpu.yield
    }) : () -> ()
    %eq3A_194 = vector.broadcast %add3A_177 : i32 to vector<16xi32>
    %eq3A_195 = arith.cmpi eq, %iota3A, %eq3A_194 : vector<16xi32>
    %get3A_196 = arith.constant 0 : index
    %get3A_197 = tpu.vector_load %arg11[%get3A_196] {strides = array<i32>} : memref<16xi32, #tpu.memory_space<vmem>>, vector<16xi32>,
    %jit3A_198 = arith.constant 0 : i32
    %broadcast_in_dim3A_199 = vector.broadcast %jit3A_198 : i32 to vector<16xi32>
    %select_n3A_200 = arith.select %eq3A_195, %get3A_197, %broadcast_in_dim3A_199 : vector<16xi1>, vector<16xi32>
    %reduce_sum3A_201 = arith.constant true
    %reduce_sum3A_202 = vector.broadcast %reduce_sum3A_201 : i1 to vector<16xi1>
    %reduce_sum3A_203 = tpu.scan <sum>, %select_n3A_200 masked %reduce_sum3A_202 : vector<16xi32>, vector<16xi1> -> vector<16xi32>
    %reduce_sum3A_204 = vector.extract %reduce_sum3A_203[15] : i32 from vector<16xi32>
    %eq3A_205 = vector.broadcast %add3A_177 : i32 to vector<16xi32>
    %eq3A_206 = arith.cmpi eq, %iota3A, %eq3A_205 : vector<16xi32>
    %get3A_207 = arith.constant 0 : index
    %get3A_208 = tpu.vector_load %arg12[%get3A_207] {strides = array<i32>} : memref<16xi32, #tpu.memory_space<vmem>>, vector<16xi32>,
    %jit3A_209 = arith.constant 0 : i32
    %broadcast_in_dim3A_210 = vector.broadcast %jit3A_209 : i32 to vector<16xi32>
    %select_n3A_211 = arith.select %eq3A_206, %get3A_208, %broadcast_in_dim3A_210 : vector<16xi1>, vector<16xi32>
    %reduce_sum3A_212 = arith.constant true
    %reduce_sum3A_213 = vector.broadcast %reduce_sum3A_212 : i1 to vector<16xi1>
    %reduce_sum3A_214 = tpu.scan <sum>, %select_n3A_211 masked %reduce_sum3A_213 : vector<16xi32>, vector<16xi1> -> vector<16xi32>
    %reduce_sum3A_215 = vector.extract %reduce_sum3A_214[15] : i32 from vector<16xi32>
    %add3A_216 = arith.constant 128 : i32
    %add3A_217 = arith.addi %reduce_sum3A_204, %add3A_216 : i32
    %sub3A_218 = arith.constant 1 : i32
    %sub3A_219 = arith.subi %add3A_217, %sub3A_218 : i32
    %jit3A_220 = arith.constant 128 : i32
    %div3A_221 = arith.divsi %sub3A_219, %jit3A_220 : i32
    %sign3A_222 = arith.constant 0 : i32
    %sign3A_223 = arith.cmpi sgt, %sub3A_219, %sign3A_222 : i32
    %sign3A_224 = arith.extui %sign3A_223 : i1 to i32
    %sign3A_225 = arith.constant 0 : i32
    %sign3A_226 = arith.cmpi slt, %sub3A_219, %sign3A_225 : i32
    %sign3A_227 = arith.extui %sign3A_226 : i1 to i32
    %sign3A_228 = arith.subi %sign3A_224, %sign3A_227 : i32
    %sign3A_229 = arith.constant 0 : i32
    %sign3A_230 = arith.cmpi sgt, %jit3A_220, %sign3A_229 : i32
    %sign3A_231 = arith.extui %sign3A_230 : i1 to i32
    %sign3A_232 = arith.constant 0 : i32
    %sign3A_233 = arith.cmpi slt, %jit3A_220, %sign3A_232 : i32
    %sign3A_234 = arith.extui %sign3A_233 : i1 to i32
    %sign3A_235 = arith.subi %sign3A_231, %sign3A_234 : i32
    %ne3A_236 = arith.cmpi ne, %sign3A_228, %sign3A_235 : i32
    %rem3A_237 = arith.remsi %sub3A_219, %jit3A_220 : i32
    %ne3A_238 = arith.constant 0 : i32
    %ne3A_239 = arith.cmpi ne, %rem3A_237, %ne3A_238 : i32
    %and3A_240 = arith.andi %ne3A_236, %ne3A_239 : i1
    %sub3A_241 = arith.constant 1 : i32
    %sub3A_242 = arith.subi %div3A_221, %sub3A_241 : i32
    %select_n3A_243 = arith.select %and3A_240, %sub3A_242, %div3A_221 : i32
    %add3A_244 = arith.constant 128 : i32
    %add3A_245 = arith.addi %reduce_sum3A_215, %add3A_244 : i32
    %sub3A_246 = arith.constant 1 : i32
    %sub3A_247 = arith.subi %add3A_245, %sub3A_246 : i32
    %jit3A_248 = arith.constant 128 : i32
    %div3A_249 = arith.divsi %sub3A_247, %jit3A_248 : i32
    %sign3A_250 = arith.constant 0 : i32
    %sign3A_251 = arith.cmpi sgt, %sub3A_247, %sign3A_250 : i32
    %sign3A_252 = arith.extui %sign3A_251 : i1 to i32
    %sign3A_253 = arith.constant 0 : i32
    %sign3A_254 = arith.cmpi slt, %sub3A_247, %sign3A_253 : i32
    %sign3A_255 = arith.extui %sign3A_254 : i1 to i32
    %sign3A_256 = arith.subi %sign3A_252, %sign3A_255 : i32
    %sign3A_257 = arith.constant 0 : i32
    %sign3A_258 = arith.cmpi sgt, %jit3A_248, %sign3A_257 : i32
    %sign3A_259 = arith.extui %sign3A_258 : i1 to i32
    %sign3A_260 = arith.constant 0 : i32
    %sign3A_261 = arith.cmpi slt, %jit3A_248, %sign3A_260 : i32
    %sign3A_262 = arith.extui %sign3A_261 : i1 to i32
    %sign3A_263 = arith.subi %sign3A_259, %sign3A_262 : i32
    %ne3A_264 = arith.cmpi ne, %sign3A_256, %sign3A_263 : i32
    %rem3A_265 = arith.remsi %sub3A_247, %jit3A_248 : i32
    %ne3A_266 = arith.constant 0 : i32
    %ne3A_267 = arith.cmpi ne, %rem3A_265, %ne3A_266 : i32
    %and3A_268 = arith.andi %ne3A_264, %ne3A_267 : i1
    %sub3A_269 = arith.constant 1 : i32
    %sub3A_270 = arith.subi %div3A_249, %sub3A_269 : i32
    %select_n3A_271 = arith.select %and3A_268, %sub3A_270, %div3A_249 : i32
    %add3A_272 = arith.addi %select_n3A_243, %select_n3A_271 : i32
    %gt3A_273 = arith.constant 0 : i32
    %gt3A_274 = arith.cmpi sgt, %add3A_272, %gt3A_273 : i32
    %convert_element_type3A_275 = arith.extui %gt3A_274 : i1 to i32
    %cond3A_276 = arith.constant 0 : i32
    %cond3A_277 = arith.cmpi ne, %convert_element_type3A_275, %cond3A_276 : i32
    scf.if %cond3A_277 {
      %gt3A_342 = arith.constant 0 : i32
      %gt3A_343 = arith.cmpi sgt, %select_n3A_243, %gt3A_342 : i32
      %sub3A_344 = arith.constant 24 : i32
      %sub3A_345 = arith.subi %sub3A_344, %select_n3A_243 : i32
      %jit3A_346 = arith.constant 0 : i32
      %select_n3A_347 = arith.select %gt3A_343, %jit3A_346, %sub3A_345 : i32
      %dma_start3A = arith.constant 0 : i32
      %dma_start3A_348 = tpu.memref_slice %arg7[%select_n3A_347, %dma_start3A] : memref<48x128xi32, #tpu.memory_space<vmem>> -> memref<1x128xi32, #tpu.memory_space<vmem>>
      %dma_start3A_349 = tpu.memref_squeeze %dma_start3A_348 : memref<1x128xi32, #tpu.memory_space<vmem>> -> memref<128xi32, #tpu.memory_space<vmem>>
      %dma_start3A_350 = arith.constant 0 : i32
      %dma_start3A_351 = arith.constant 0 : i32
      %dma_start3A_352 = tpu.memref_slice %arg13[%dma_start3A_350, %dma_start3A_351] : memref<5120x128xf32, #tpu.memory_space<vmem_shared>> -> memref<5120x128xf32, #tpu.memory_space<vmem_shared>>
      tpu.enqueue_indirect_dma source(%dma_start3A_352 : memref<5120x128xf32, #tpu.memory_space<vmem_shared>>) target(%arg9 : memref<128x128xf32, #tpu.memory_space<vmem>>) offsets(%dma_start3A_349 : memref<128xi32, #tpu.memory_space<vmem>>) semaphore(%arg15 : memref<!tpu.dma_semaphore, #tpu.memory_space<semaphore_mem>>)
    } else {
    }
    %add3A_278 = arith.constant 1 : i32
    %add3A_279 = arith.addi %add3A_272, %add3A_278 : i32
    %jit3A_280 = arith.constant 2 : i32
    %div3A_281 = arith.divsi %add3A_279, %jit3A_280 : i32
    %sign3A_282 = arith.constant 0 : i32
    %sign3A_283 = arith.cmpi sgt, %add3A_279, %sign3A_282 : i32
    %sign3A_284 = arith.extui %sign3A_283 : i1 to i32
    %sign3A_285 = arith.constant 0 : i32
    %sign3A_286 = arith.cmpi slt, %add3A_279, %sign3A_285 : i32
    %sign3A_287 = arith.extui %sign3A_286 : i1 to i32
    %sign3A_288 = arith.subi %sign3A_284, %sign3A_287 : i32
    %sign3A_289 = arith.constant 0 : i32
    %sign3A_290 = arith.cmpi sgt, %jit3A_280, %sign3A_289 : i32
    %sign3A_291 = arith.extui %sign3A_290 : i1 to i32
    %sign3A_292 = arith.constant 0 : i32
    %sign3A_293 = arith.cmpi slt, %jit3A_280, %sign3A_292 : i32
    %sign3A_294 = arith.extui %sign3A_293 : i1 to i32
    %sign3A_295 = arith.subi %sign3A_291, %sign3A_294 : i32
    %ne3A_296 = arith.cmpi ne, %sign3A_288, %sign3A_295 : i32
    %rem3A_297 = arith.remsi %add3A_279, %jit3A_280 : i32
    %ne3A_298 = arith.constant 0 : i32
    %ne3A_299 = arith.cmpi ne, %rem3A_297, %ne3A_298 : i32
    %and3A_300 = arith.andi %ne3A_296, %ne3A_299 : i1
    %sub3A_301 = arith.constant 1 : i32
    %sub3A_302 = arith.subi %div3A_281, %sub3A_301 : i32
    %select_n3A_303 = arith.select %and3A_300, %sub3A_302, %div3A_281 : i32
    %sub3A_304 = arith.constant 0 : i32
    %sub3A_305 = arith.subi %select_n3A_303, %sub3A_304 : i32
    %sub3A_306 = arith.constant 1 : i32
    %sub3A_307 = arith.constant 1 : i32
    %sub3A_308 = arith.subi %sub3A_306, %sub3A_307 : i32
    %add3A_309 = arith.addi %sub3A_305, %sub3A_308 : i32
    %div3A_310 = arith.constant 1 : i32
    %div3A_311 = arith.divsi %add3A_309, %div3A_310 : i32
    %while3A_312 = arith.constant 1 : i32
    %while3A_313 = arith.constant 0 : i32
    %while3A_314 = arith.constant 0 : i32
    %while3A_315 = arith.subi %div3A_311, %while3A_314 : i32
    %while3A_316 = arith.addi %while3A_314, %while3A_315 : i32
    %while3A_317 = arith.constant 1 : i32
    %while3A_318 = arith.divsi %while3A_315, %while3A_317 : i32
    %while3A_319 = arith.muli %while3A_318, %while3A_317 : i32
    %while3A_320 = arith.addi %while3A_314, %while3A_319 : i32
    %while3A_321 = arith.constant 1 : i32
    scf.for %while3A_342 = %while3A_314 to %while3A_320 step %while3A_321  : i32 {
      %mul3A_343 = arith.muli %while3A_342, %while3A_312 : i32
      %add3A_344 = arith.addi %while3A_313, %mul3A_343 : i32
      %mul3A_345 = arith.constant 2 : i32
      %mul3A_346 = arith.muli %add3A_344, %mul3A_345 : i32
      %add3A_347 = arith.constant 0 : i32
      %add3A_348 = arith.addi %mul3A_346, %add3A_347 : i32
      %lt3A = arith.cmpi slt, %add3A_348, %select_n3A_243 : i32
      %add3A_349 = arith.constant 24 : i32
      %add3A_350 = arith.addi %add3A_349, %add3A_348 : i32
      %sub3A_351 = arith.subi %add3A_350, %select_n3A_243 : i32
      %select_n3A_352 = arith.select %lt3A, %add3A_348, %sub3A_351 : i32
      %lt3A_353 = arith.cmpi slt, %add3A_348, %add3A_272 : i32
      %convert_element_type3A_354 = arith.extui %lt3A_353 : i1 to i32
      %cond3A_355 = arith.constant 0 : i32
      %cond3A_356 = arith.cmpi ne, %convert_element_type3A_354, %cond3A_355 : i32
      scf.if %cond3A_356 {
        %dma_wait3A = arith.constant 0 : i32
        %dma_wait3A_400 = tpu.memref_slice %arg7[%select_n3A_352, %dma_wait3A] : memref<48x128xi32, #tpu.memory_space<vmem>> -> memref<1x128xi32, #tpu.memory_space<vmem>>
        %dma_wait3A_401 = tpu.memref_squeeze %dma_wait3A_400 : memref<1x128xi32, #tpu.memory_space<vmem>> -> memref<128xi32, #tpu.memory_space<vmem>>
        %dma_wait3A_402 = arith.constant 0 : i32
        %dma_wait3A_403 = arith.constant 0 : i32
        %dma_wait3A_404 = tpu.memref_slice %arg13[%dma_wait3A_402, %dma_wait3A_403] : memref<5120x128xf32, #tpu.memory_space<vmem_shared>> -> memref<5120x128xf32, #tpu.memory_space<vmem_shared>>
        tpu.wait_indirect_dma semaphore(%arg15 : memref<!tpu.dma_semaphore, #tpu.memory_space<semaphore_mem>>) src(%dma_wait3A_404 : memref<5120x128xf32, #tpu.memory_space<vmem_shared>>) dst(%arg9 : memref<128x128xf32, #tpu.memory_space<vmem>>)
        %dma_start3A = arith.constant 0 : i32
        %dma_start3A_405 = tpu.memref_slice %arg8[%select_n3A_352, %dma_start3A] : memref<48x128xi32, #tpu.memory_space<vmem>> -> memref<1x128xi32, #tpu.memory_space<vmem>>
        %dma_start3A_406 = tpu.memref_squeeze %dma_start3A_405 : memref<1x128xi32, #tpu.memory_space<vmem>> -> memref<128xi32, #tpu.memory_space<vmem>>
        %dma_start3A_407 = arith.constant 0 : i32
        %dma_start3A_408 = arith.constant 0 : i32
        %dma_start3A_409 = tpu.memref_slice %arg14[%dma_start3A_407, %dma_start3A_408] : memref<5120x128xf32, #tpu.memory_space<vmem_shared>> -> memref<5120x128xf32, #tpu.memory_space<vmem_shared>>
        tpu.enqueue_indirect_dma source(%arg9 : memref<128x128xf32, #tpu.memory_space<vmem>>) target(%dma_start3A_409 : memref<5120x128xf32, #tpu.memory_space<vmem_shared>>) offsets(%dma_start3A_406 : memref<128xi32, #tpu.memory_space<vmem>>) semaphore(%arg16 : memref<!tpu.dma_semaphore, #tpu.memory_space<semaphore_mem>>) {add = true}
      } else {
      }
      %add3A_357 = arith.constant 1 : i32
      %add3A_358 = arith.addi %add3A_348, %add3A_357 : i32
      %lt3A_359 = arith.cmpi slt, %add3A_358, %add3A_272 : i32
      %gt3A_360 = arith.constant 0 : i32
      %gt3A_361 = arith.cmpi sgt, %add3A_348, %gt3A_360 : i32
      %and3A_362 = arith.andi %lt3A_359, %gt3A_361 : i1
      %convert_element_type3A_363 = arith.extui %and3A_362 : i1 to i32
      %cond3A_364 = arith.constant 0 : i32
      %cond3A_365 = arith.cmpi ne, %convert_element_type3A_363, %cond3A_364 : i32
      scf.if %cond3A_365 {
        %dma_wait3A = arith.constant 0 : i32
        %dma_wait3A_400 = arith.constant 0 : i32
        %dma_wait3A_401 = tpu.memref_slice %arg8[%dma_wait3A, %dma_wait3A_400] : memref<48x128xi32, #tpu.memory_space<vmem>> -> memref<1x128xi32, #tpu.memory_space<vmem>>
        %dma_wait3A_402 = tpu.memref_squeeze %dma_wait3A_401 : memref<1x128xi32, #tpu.memory_space<vmem>> -> memref<128xi32, #tpu.memory_space<vmem>>
        %dma_wait3A_403 = arith.constant 0 : i32
        %dma_wait3A_404 = arith.constant 0 : i32
        %dma_wait3A_405 = tpu.memref_slice %arg14[%dma_wait3A_403, %dma_wait3A_404] : memref<5120x128xf32, #tpu.memory_space<vmem_shared>> -> memref<5120x128xf32, #tpu.memory_space<vmem_shared>>
        tpu.wait_indirect_dma semaphore(%arg16 : memref<!tpu.dma_semaphore, #tpu.memory_space<semaphore_mem>>) src(%arg9 : memref<128x128xf32, #tpu.memory_space<vmem>>) dst(%dma_wait3A_405 : memref<5120x128xf32, #tpu.memory_space<vmem_shared>>)
      } else {
      }
      %add3A_366 = arith.constant 1 : i32
      %add3A_367 = arith.addi %add3A_348, %add3A_366 : i32
      %lt3A_368 = arith.cmpi slt, %add3A_367, %add3A_272 : i32
      %convert_element_type3A_369 = arith.extui %lt3A_368 : i1 to i32
      %cond3A_370 = arith.constant 0 : i32
      %cond3A_371 = arith.cmpi ne, %convert_element_type3A_369, %cond3A_370 : i32
      scf.if %cond3A_371 {
        %add3A_400 = arith.constant 1 : i32
        %add3A_401 = arith.addi %add3A_348, %add3A_400 : i32
        %lt3A_402 = arith.cmpi slt, %add3A_401, %select_n3A_243 : i32
        %add3A_403 = arith.constant 24 : i32
        %add3A_404 = arith.addi %add3A_403, %add3A_401 : i32
        %sub3A_405 = arith.subi %add3A_404, %select_n3A_243 : i32
        %select_n3A_406 = arith.select %lt3A_402, %add3A_401, %sub3A_405 : i32
        %dma_start3A = arith.constant 0 : i32
        %dma_start3A_407 = tpu.memref_slice %arg7[%select_n3A_406, %dma_start3A] : memref<48x128xi32, #tpu.memory_space<vmem>> -> memref<1x128xi32, #tpu.memory_space<vmem>>
        %dma_start3A_408 = tpu.memref_squeeze %dma_start3A_407 : memref<1x128xi32, #tpu.memory_space<vmem>> -> memref<128xi32, #tpu.memory_space<vmem>>
        %dma_start3A_409 = arith.constant 0 : i32
        %dma_start3A_410 = arith.constant 0 : i32
        %dma_start3A_411 = tpu.memref_slice %arg13[%dma_start3A_409, %dma_start3A_410] : memref<5120x128xf32, #tpu.memory_space<vmem_shared>> -> memref<5120x128xf32, #tpu.memory_space<vmem_shared>>
        tpu.enqueue_indirect_dma source(%dma_start3A_411 : memref<5120x128xf32, #tpu.memory_space<vmem_shared>>) target(%arg10 : memref<128x128xf32, #tpu.memory_space<vmem>>) offsets(%dma_start3A_408 : memref<128xi32, #tpu.memory_space<vmem>>) semaphore(%arg15 : memref<!tpu.dma_semaphore, #tpu.memory_space<semaphore_mem>>)
      } else {
      }
      %mul3A_372 = arith.constant 2 : i32
      %mul3A_373 = arith.muli %add3A_344, %mul3A_372 : i32
      %add3A_374 = arith.constant 1 : i32
      %add3A_375 = arith.addi %mul3A_373, %add3A_374 : i32
      %lt3A_376 = arith.cmpi slt, %add3A_375, %select_n3A_243 : i32
      %add3A_377 = arith.constant 24 : i32
      %add3A_378 = arith.addi %add3A_377, %add3A_375 : i32
      %sub3A_379 = arith.subi %add3A_378, %select_n3A_243 : i32
      %select_n3A_380 = arith.select %lt3A_376, %add3A_375, %sub3A_379 : i32
      %lt3A_381 = arith.cmpi slt, %add3A_375, %add3A_272 : i32
      %convert_element_type3A_382 = arith.extui %lt3A_381 : i1 to i32
      %cond3A_383 = arith.constant 0 : i32
      %cond3A_384 = arith.cmpi ne, %convert_element_type3A_382, %cond3A_383 : i32
      scf.if %cond3A_384 {
        %dma_wait3A = arith.constant 0 : i32
        %dma_wait3A_400 = tpu.memref_slice %arg7[%select_n3A_380, %dma_wait3A] : memref<48x128xi32, #tpu.memory_space<vmem>> -> memref<1x128xi32, #tpu.memory_space<vmem>>
        %dma_wait3A_401 = tpu.memref_squeeze %dma_wait3A_400 : memref<1x128xi32, #tpu.memory_space<vmem>> -> memref<128xi32, #tpu.memory_space<vmem>>
        %dma_wait3A_402 = arith.constant 0 : i32
        %dma_wait3A_403 = arith.constant 0 : i32
        %dma_wait3A_404 = tpu.memref_slice %arg13[%dma_wait3A_402, %dma_wait3A_403] : memref<5120x128xf32, #tpu.memory_space<vmem_shared>> -> memref<5120x128xf32, #tpu.memory_space<vmem_shared>>
        tpu.wait_indirect_dma semaphore(%arg15 : memref<!tpu.dma_semaphore, #tpu.memory_space<semaphore_mem>>) src(%dma_wait3A_404 : memref<5120x128xf32, #tpu.memory_space<vmem_shared>>) dst(%arg10 : memref<128x128xf32, #tpu.memory_space<vmem>>)
        %dma_start3A = arith.constant 0 : i32
        %dma_start3A_405 = tpu.memref_slice %arg8[%select_n3A_380, %dma_start3A] : memref<48x128xi32, #tpu.memory_space<vmem>> -> memref<1x128xi32, #tpu.memory_space<vmem>>
        %dma_start3A_406 = tpu.memref_squeeze %dma_start3A_405 : memref<1x128xi32, #tpu.memory_space<vmem>> -> memref<128xi32, #tpu.memory_space<vmem>>
        %dma_start3A_407 = arith.constant 0 : i32
        %dma_start3A_408 = arith.constant 0 : i32
        %dma_start3A_409 = tpu.memref_slice %arg14[%dma_start3A_407, %dma_start3A_408] : memref<5120x128xf32, #tpu.memory_space<vmem_shared>> -> memref<5120x128xf32, #tpu.memory_space<vmem_shared>>
        tpu.enqueue_indirect_dma source(%arg10 : memref<128x128xf32, #tpu.memory_space<vmem>>) target(%dma_start3A_409 : memref<5120x128xf32, #tpu.memory_space<vmem_shared>>) offsets(%dma_start3A_406 : memref<128xi32, #tpu.memory_space<vmem>>) semaphore(%arg16 : memref<!tpu.dma_semaphore, #tpu.memory_space<semaphore_mem>>) {add = true}
      } else {
      }
      %add3A_385 = arith.constant 1 : i32
      %add3A_386 = arith.addi %add3A_375, %add3A_385 : i32
      %lt3A_387 = arith.cmpi slt, %add3A_386, %add3A_272 : i32
      %gt3A_388 = arith.constant 0 : i32
      %gt3A_389 = arith.cmpi sgt, %add3A_375, %gt3A_388 : i32
      %and3A_390 = arith.andi %lt3A_387, %gt3A_389 : i1
      %convert_element_type3A_391 = arith.extui %and3A_390 : i1 to i32
      %cond3A_392 = arith.constant 0 : i32
      %cond3A_393 = arith.cmpi ne, %convert_element_type3A_391, %cond3A_392 : i32
      scf.if %cond3A_393 {
        %dma_wait3A = arith.constant 0 : i32
        %dma_wait3A_400 = arith.constant 0 : i32
        %dma_wait3A_401 = tpu.memref_slice %arg8[%dma_wait3A, %dma_wait3A_400] : memref<48x128xi32, #tpu.memory_space<vmem>> -> memref<1x128xi32, #tpu.memory_space<vmem>>
        %dma_wait3A_402 = tpu.memref_squeeze %dma_wait3A_401 : memref<1x128xi32, #tpu.memory_space<vmem>> -> memref<128xi32, #tpu.memory_space<vmem>>
        %dma_wait3A_403 = arith.constant 0 : i32
        %dma_wait3A_404 = arith.constant 0 : i32
        %dma_wait3A_405 = tpu.memref_slice %arg14[%dma_wait3A_403, %dma_wait3A_404] : memref<5120x128xf32, #tpu.memory_space<vmem_shared>> -> memref<5120x128xf32, #tpu.memory_space<vmem_shared>>
        tpu.wait_indirect_dma semaphore(%arg16 : memref<!tpu.dma_semaphore, #tpu.memory_space<semaphore_mem>>) src(%arg9 : memref<128x128xf32, #tpu.memory_space<vmem>>) dst(%dma_wait3A_405 : memref<5120x128xf32, #tpu.memory_space<vmem_shared>>)
      } else {
      }
      %add3A_394 = arith.constant 1 : i32
      %add3A_395 = arith.addi %add3A_375, %add3A_394 : i32
      %lt3A_396 = arith.cmpi slt, %add3A_395, %add3A_272 : i32
      %convert_element_type3A_397 = arith.extui %lt3A_396 : i1 to i32
      %cond3A_398 = arith.constant 0 : i32
      %cond3A_399 = arith.cmpi ne, %convert_element_type3A_397, %cond3A_398 : i32
      scf.if %cond3A_399 {
        %add3A_400 = arith.constant 1 : i32
        %add3A_401 = arith.addi %add3A_375, %add3A_400 : i32
        %lt3A_402 = arith.cmpi slt, %add3A_401, %select_n3A_243 : i32
        %add3A_403 = arith.constant 24 : i32
        %add3A_404 = arith.addi %add3A_403, %add3A_401 : i32
        %sub3A_405 = arith.subi %add3A_404, %select_n3A_243 : i32
        %select_n3A_406 = arith.select %lt3A_402, %add3A_401, %sub3A_405 : i32
        %dma_start3A = arith.constant 0 : i32
        %dma_start3A_407 = tpu.memref_slice %arg7[%select_n3A_406, %dma_start3A] : memref<48x128xi32, #tpu.memory_space<vmem>> -> memref<1x128xi32, #tpu.memory_space<vmem>>
        %dma_start3A_408 = tpu.memref_squeeze %dma_start3A_407 : memref<1x128xi32, #tpu.memory_space<vmem>> -> memref<128xi32, #tpu.memory_space<vmem>>
        %dma_start3A_409 = arith.constant 0 : i32
        %dma_start3A_410 = arith.constant 0 : i32
        %dma_start3A_411 = tpu.memref_slice %arg13[%dma_start3A_409, %dma_start3A_410] : memref<5120x128xf32, #tpu.memory_space<vmem_shared>> -> memref<5120x128xf32, #tpu.memory_space<vmem_shared>>
        tpu.enqueue_indirect_dma source(%dma_start3A_411 : memref<5120x128xf32, #tpu.memory_space<vmem_shared>>) target(%arg9 : memref<128x128xf32, #tpu.memory_space<vmem>>) offsets(%dma_start3A_408 : memref<128xi32, #tpu.memory_space<vmem>>) semaphore(%arg15 : memref<!tpu.dma_semaphore, #tpu.memory_space<semaphore_mem>>)
      } else {
      }
    }
    %while3A_322 = arith.constant 1 : i32
    scf.for %while3A_342 = %while3A_320 to %while3A_316 step %while3A_322  : i32 {
      %mul3A_343 = arith.muli %while3A_342, %while3A_312 : i32
      %add3A_344 = arith.addi %while3A_313, %mul3A_343 : i32
      %mul3A_345 = arith.constant 2 : i32
      %mul3A_346 = arith.muli %add3A_344, %mul3A_345 : i32
      %add3A_347 = arith.constant 0 : i32
      %add3A_348 = arith.addi %mul3A_346, %add3A_347 : i32
      %lt3A = arith.cmpi slt, %add3A_348, %select_n3A_243 : i32
      %add3A_349 = arith.constant 24 : i32
      %add3A_350 = arith.addi %add3A_349, %add3A_348 : i32
      %sub3A_351 = arith.subi %add3A_350, %select_n3A_243 : i32
      %select_n3A_352 = arith.select %lt3A, %add3A_348, %sub3A_351 : i32
      %lt3A_353 = arith.cmpi slt, %add3A_348, %add3A_272 : i32
      %convert_element_type3A_354 = arith.extui %lt3A_353 : i1 to i32
      %cond3A_355 = arith.constant 0 : i32
      %cond3A_356 = arith.cmpi ne, %convert_element_type3A_354, %cond3A_355 : i32
      scf.if %cond3A_356 {
        %dma_wait3A = arith.constant 0 : i32
        %dma_wait3A_400 = tpu.memref_slice %arg7[%select_n3A_352, %dma_wait3A] : memref<48x128xi32, #tpu.memory_space<vmem>> -> memref<1x128xi32, #tpu.memory_space<vmem>>
        %dma_wait3A_401 = tpu.memref_squeeze %dma_wait3A_400 : memref<1x128xi32, #tpu.memory_space<vmem>> -> memref<128xi32, #tpu.memory_space<vmem>>
        %dma_wait3A_402 = arith.constant 0 : i32
        %dma_wait3A_403 = arith.constant 0 : i32
        %dma_wait3A_404 = tpu.memref_slice %arg13[%dma_wait3A_402, %dma_wait3A_403] : memref<5120x128xf32, #tpu.memory_space<vmem_shared>> -> memref<5120x128xf32, #tpu.memory_space<vmem_shared>>
        tpu.wait_indirect_dma semaphore(%arg15 : memref<!tpu.dma_semaphore, #tpu.memory_space<semaphore_mem>>) src(%dma_wait3A_404 : memref<5120x128xf32, #tpu.memory_space<vmem_shared>>) dst(%arg9 : memref<128x128xf32, #tpu.memory_space<vmem>>)
        %dma_start3A = arith.constant 0 : i32
        %dma_start3A_405 = tpu.memref_slice %arg8[%select_n3A_352, %dma_start3A] : memref<48x128xi32, #tpu.memory_space<vmem>> -> memref<1x128xi32, #tpu.memory_space<vmem>>
        %dma_start3A_406 = tpu.memref_squeeze %dma_start3A_405 : memref<1x128xi32, #tpu.memory_space<vmem>> -> memref<128xi32, #tpu.memory_space<vmem>>
        %dma_start3A_407 = arith.constant 0 : i32
        %dma_start3A_408 = arith.constant 0 : i32
        %dma_start3A_409 = tpu.memref_slice %arg14[%dma_start3A_407, %dma_start3A_408] : memref<5120x128xf32, #tpu.memory_space<vmem_shared>> -> memref<5120x128xf32, #tpu.memory_space<vmem_shared>>
        tpu.enqueue_indirect_dma source(%arg9 : memref<128x128xf32, #tpu.memory_space<vmem>>) target(%dma_start3A_409 : memref<5120x128xf32, #tpu.memory_space<vmem_shared>>) offsets(%dma_start3A_406 : memref<128xi32, #tpu.memory_space<vmem>>) semaphore(%arg16 : memref<!tpu.dma_semaphore, #tpu.memory_space<semaphore_mem>>) {add = true}
      } else {
      }
      %add3A_357 = arith.constant 1 : i32
      %add3A_358 = arith.addi %add3A_348, %add3A_357 : i32
      %lt3A_359 = arith.cmpi slt, %add3A_358, %add3A_272 : i32
      %gt3A_360 = arith.constant 0 : i32
      %gt3A_361 = arith.cmpi sgt, %add3A_348, %gt3A_360 : i32
      %and3A_362 = arith.andi %lt3A_359, %gt3A_361 : i1
      %convert_element_type3A_363 = arith.extui %and3A_362 : i1 to i32
      %cond3A_364 = arith.constant 0 : i32
      %cond3A_365 = arith.cmpi ne, %convert_element_type3A_363, %cond3A_364 : i32
      scf.if %cond3A_365 {
        %dma_wait3A = arith.constant 0 : i32
        %dma_wait3A_400 = arith.constant 0 : i32
        %dma_wait3A_401 = tpu.memref_slice %arg8[%dma_wait3A, %dma_wait3A_400] : memref<48x128xi32, #tpu.memory_space<vmem>> -> memref<1x128xi32, #tpu.memory_space<vmem>>
        %dma_wait3A_402 = tpu.memref_squeeze %dma_wait3A_401 : memref<1x128xi32, #tpu.memory_space<vmem>> -> memref<128xi32, #tpu.memory_space<vmem>>
        %dma_wait3A_403 = arith.constant 0 : i32
        %dma_wait3A_404 = arith.constant 0 : i32
        %dma_wait3A_405 = tpu.memref_slice %arg14[%dma_wait3A_403, %dma_wait3A_404] : memref<5120x128xf32, #tpu.memory_space<vmem_shared>> -> memref<5120x128xf32, #tpu.memory_space<vmem_shared>>
        tpu.wait_indirect_dma semaphore(%arg16 : memref<!tpu.dma_semaphore, #tpu.memory_space<semaphore_mem>>) src(%arg9 : memref<128x128xf32, #tpu.memory_space<vmem>>) dst(%dma_wait3A_405 : memref<5120x128xf32, #tpu.memory_space<vmem_shared>>)
      } else {
      }
      %add3A_366 = arith.constant 1 : i32
      %add3A_367 = arith.addi %add3A_348, %add3A_366 : i32
      %lt3A_368 = arith.cmpi slt, %add3A_367, %add3A_272 : i32
      %convert_element_type3A_369 = arith.extui %lt3A_368 : i1 to i32
      %cond3A_370 = arith.constant 0 : i32
      %cond3A_371 = arith.cmpi ne, %convert_element_type3A_369, %cond3A_370 : i32
      scf.if %cond3A_371 {
        %add3A_400 = arith.constant 1 : i32
        %add3A_401 = arith.addi %add3A_348, %add3A_400 : i32
        %lt3A_402 = arith.cmpi slt, %add3A_401, %select_n3A_243 : i32
        %add3A_403 = arith.constant 24 : i32
        %add3A_404 = arith.addi %add3A_403, %add3A_401 : i32
        %sub3A_405 = arith.subi %add3A_404, %select_n3A_243 : i32
        %select_n3A_406 = arith.select %lt3A_402, %add3A_401, %sub3A_405 : i32
        %dma_start3A = arith.constant 0 : i32
        %dma_start3A_407 = tpu.memref_slice %arg7[%select_n3A_406, %dma_start3A] : memref<48x128xi32, #tpu.memory_space<vmem>> -> memref<1x128xi32, #tpu.memory_space<vmem>>
        %dma_start3A_408 = tpu.memref_squeeze %dma_start3A_407 : memref<1x128xi32, #tpu.memory_space<vmem>> -> memref<128xi32, #tpu.memory_space<vmem>>
        %dma_start3A_409 = arith.constant 0 : i32
        %dma_start3A_410 = arith.constant 0 : i32
        %dma_start3A_411 = tpu.memref_slice %arg13[%dma_start3A_409, %dma_start3A_410] : memref<5120x128xf32, #tpu.memory_space<vmem_shared>> -> memref<5120x128xf32, #tpu.memory_space<vmem_shared>>
        tpu.enqueue_indirect_dma source(%dma_start3A_411 : memref<5120x128xf32, #tpu.memory_space<vmem_shared>>) target(%arg10 : memref<128x128xf32, #tpu.memory_space<vmem>>) offsets(%dma_start3A_408 : memref<128xi32, #tpu.memory_space<vmem>>) semaphore(%arg15 : memref<!tpu.dma_semaphore, #tpu.memory_space<semaphore_mem>>)
      } else {
      }
      %mul3A_372 = arith.constant 2 : i32
      %mul3A_373 = arith.muli %add3A_344, %mul3A_372 : i32
      %add3A_374 = arith.constant 1 : i32
      %add3A_375 = arith.addi %mul3A_373, %add3A_374 : i32
      %lt3A_376 = arith.cmpi slt, %add3A_375, %select_n3A_243 : i32
      %add3A_377 = arith.constant 24 : i32
      %add3A_378 = arith.addi %add3A_377, %add3A_375 : i32
      %sub3A_379 = arith.subi %add3A_378, %select_n3A_243 : i32
      %select_n3A_380 = arith.select %lt3A_376, %add3A_375, %sub3A_379 : i32
      %lt3A_381 = arith.cmpi slt, %add3A_375, %add3A_272 : i32
      %convert_element_type3A_382 = arith.extui %lt3A_381 : i1 to i32
      %cond3A_383 = arith.constant 0 : i32
      %cond3A_384 = arith.cmpi ne, %convert_element_type3A_382, %cond3A_383 : i32
      scf.if %cond3A_384 {
        %dma_wait3A = arith.constant 0 : i32
        %dma_wait3A_400 = tpu.memref_slice %arg7[%select_n3A_380, %dma_wait3A] : memref<48x128xi32, #tpu.memory_space<vmem>> -> memref<1x128xi32, #tpu.memory_space<vmem>>
        %dma_wait3A_401 = tpu.memref_squeeze %dma_wait3A_400 : memref<1x128xi32, #tpu.memory_space<vmem>> -> memref<128xi32, #tpu.memory_space<vmem>>
        %dma_wait3A_402 = arith.constant 0 : i32
        %dma_wait3A_403 = arith.constant 0 : i32
        %dma_wait3A_404 = tpu.memref_slice %arg13[%dma_wait3A_402, %dma_wait3A_403] : memref<5120x128xf32, #tpu.memory_space<vmem_shared>> -> memref<5120x128xf32, #tpu.memory_space<vmem_shared>>
        tpu.wait_indirect_dma semaphore(%arg15 : memref<!tpu.dma_semaphore, #tpu.memory_space<semaphore_mem>>) src(%dma_wait3A_404 : memref<5120x128xf32, #tpu.memory_space<vmem_shared>>) dst(%arg10 : memref<128x128xf32, #tpu.memory_space<vmem>>)
        %dma_start3A = arith.constant 0 : i32
        %dma_start3A_405 = tpu.memref_slice %arg8[%select_n3A_380, %dma_start3A] : memref<48x128xi32, #tpu.memory_space<vmem>> -> memref<1x128xi32, #tpu.memory_space<vmem>>
        %dma_start3A_406 = tpu.memref_squeeze %dma_start3A_405 : memref<1x128xi32, #tpu.memory_space<vmem>> -> memref<128xi32, #tpu.memory_space<vmem>>
        %dma_start3A_407 = arith.constant 0 : i32
        %dma_start3A_408 = arith.constant 0 : i32
        %dma_start3A_409 = tpu.memref_slice %arg14[%dma_start3A_407, %dma_start3A_408] : memref<5120x128xf32, #tpu.memory_space<vmem_shared>> -> memref<5120x128xf32, #tpu.memory_space<vmem_shared>>
        tpu.enqueue_indirect_dma source(%arg10 : memref<128x128xf32, #tpu.memory_space<vmem>>) target(%dma_start3A_409 : memref<5120x128xf32, #tpu.memory_space<vmem_shared>>) offsets(%dma_start3A_406 : memref<128xi32, #tpu.memory_space<vmem>>) semaphore(%arg16 : memref<!tpu.dma_semaphore, #tpu.memory_space<semaphore_mem>>) {add = true}
      } else {
      }
      %add3A_385 = arith.constant 1 : i32
      %add3A_386 = arith.addi %add3A_375, %add3A_385 : i32
      %lt3A_387 = arith.cmpi slt, %add3A_386, %add3A_272 : i32
      %gt3A_388 = arith.constant 0 : i32
      %gt3A_389 = arith.cmpi sgt, %add3A_375, %gt3A_388 : i32
      %and3A_390 = arith.andi %lt3A_387, %gt3A_389 : i1
      %convert_element_type3A_391 = arith.extui %and3A_390 : i1 to i32
      %cond3A_392 = arith.constant 0 : i32
      %cond3A_393 = arith.cmpi ne, %convert_element_type3A_391, %cond3A_392 : i32
      scf.if %cond3A_393 {
        %dma_wait3A = arith.constant 0 : i32
        %dma_wait3A_400 = arith.constant 0 : i32
        %dma_wait3A_401 = tpu.memref_slice %arg8[%dma_wait3A, %dma_wait3A_400] : memref<48x128xi32, #tpu.memory_space<vmem>> -> memref<1x128xi32, #tpu.memory_space<vmem>>
        %dma_wait3A_402 = tpu.memref_squeeze %dma_wait3A_401 : memref<1x128xi32, #tpu.memory_space<vmem>> -> memref<128xi32, #tpu.memory_space<vmem>>
        %dma_wait3A_403 = arith.constant 0 : i32
        %dma_wait3A_404 = arith.constant 0 : i32
        %dma_wait3A_405 = tpu.memref_slice %arg14[%dma_wait3A_403, %dma_wait3A_404] : memref<5120x128xf32, #tpu.memory_space<vmem_shared>> -> memref<5120x128xf32, #tpu.memory_space<vmem_shared>>
        tpu.wait_indirect_dma semaphore(%arg16 : memref<!tpu.dma_semaphore, #tpu.memory_space<semaphore_mem>>) src(%arg9 : memref<128x128xf32, #tpu.memory_space<vmem>>) dst(%dma_wait3A_405 : memref<5120x128xf32, #tpu.memory_space<vmem_shared>>)
      } else {
      }
      %add3A_394 = arith.constant 1 : i32
      %add3A_395 = arith.addi %add3A_375, %add3A_394 : i32
      %lt3A_396 = arith.cmpi slt, %add3A_395, %add3A_272 : i32
      %convert_element_type3A_397 = arith.extui %lt3A_396 : i1 to i32
      %cond3A_398 = arith.constant 0 : i32
      %cond3A_399 = arith.cmpi ne, %convert_element_type3A_397, %cond3A_398 : i32
      scf.if %cond3A_399 {
        %add3A_400 = arith.constant 1 : i32
        %add3A_401 = arith.addi %add3A_375, %add3A_400 : i32
        %lt3A_402 = arith.cmpi slt, %add3A_401, %select_n3A_243 : i32
        %add3A_403 = arith.constant 24 : i32
        %add3A_404 = arith.addi %add3A_403, %add3A_401 : i32
        %sub3A_405 = arith.subi %add3A_404, %select_n3A_243 : i32
        %select_n3A_406 = arith.select %lt3A_402, %add3A_401, %sub3A_405 : i32
        %dma_start3A = arith.constant 0 : i32
        %dma_start3A_407 = tpu.memref_slice %arg7[%select_n3A_406, %dma_start3A] : memref<48x128xi32, #tpu.memory_space<vmem>> -> memref<1x128xi32, #tpu.memory_space<vmem>>
        %dma_start3A_408 = tpu.memref_squeeze %dma_start3A_407 : memref<1x128xi32, #tpu.memory_space<vmem>> -> memref<128xi32, #tpu.memory_space<vmem>>
        %dma_start3A_409 = arith.constant 0 : i32
        %dma_start3A_410 = arith.constant 0 : i32
        %dma_start3A_411 = tpu.memref_slice %arg13[%dma_start3A_409, %dma_start3A_410] : memref<5120x128xf32, #tpu.memory_space<vmem_shared>> -> memref<5120x128xf32, #tpu.memory_space<vmem_shared>>
        tpu.enqueue_indirect_dma source(%dma_start3A_411 : memref<5120x128xf32, #tpu.memory_space<vmem_shared>>) target(%arg9 : memref<128x128xf32, #tpu.memory_space<vmem>>) offsets(%dma_start3A_408 : memref<128xi32, #tpu.memory_space<vmem>>) semaphore(%arg15 : memref<!tpu.dma_semaphore, #tpu.memory_space<semaphore_mem>>)
      } else {
      }
    }
    %ge3A_323 = arith.constant 1 : i32
    %ge3A_324 = arith.cmpi sge, %add3A_272, %ge3A_323 : i32
    %convert_element_type3A_325 = arith.extui %ge3A_324 : i1 to i32
    %cond3A_326 = arith.constant 0 : i32
    %cond3A_327 = arith.cmpi ne, %convert_element_type3A_325, %cond3A_326 : i32
    scf.if %cond3A_327 {
      %dma_wait3A = arith.constant 0 : i32
      %dma_wait3A_342 = arith.constant 0 : i32
      %dma_wait3A_343 = tpu.memref_slice %arg8[%dma_wait3A, %dma_wait3A_342] : memref<48x128xi32, #tpu.memory_space<vmem>> -> memref<1x128xi32, #tpu.memory_space<vmem>>
      %dma_wait3A_344 = tpu.memref_squeeze %dma_wait3A_343 : memref<1x128xi32, #tpu.memory_space<vmem>> -> memref<128xi32, #tpu.memory_space<vmem>>
      %dma_wait3A_345 = arith.constant 0 : i32
      %dma_wait3A_346 = arith.constant 0 : i32
      %dma_wait3A_347 = tpu.memref_slice %arg14[%dma_wait3A_345, %dma_wait3A_346] : memref<5120x128xf32, #tpu.memory_space<vmem_shared>> -> memref<5120x128xf32, #tpu.memory_space<vmem_shared>>
      tpu.wait_indirect_dma semaphore(%arg16 : memref<!tpu.dma_semaphore, #tpu.memory_space<semaphore_mem>>) src(%arg9 : memref<128x128xf32, #tpu.memory_space<vmem>>) dst(%dma_wait3A_347 : memref<5120x128xf32, #tpu.memory_space<vmem_shared>>)
    } else {
    }
    %ge3A_328 = arith.constant 2 : i32
    %ge3A_329 = arith.cmpi sge, %add3A_272, %ge3A_328 : i32
    %convert_element_type3A_330 = arith.extui %ge3A_329 : i1 to i32
    %cond3A_331 = arith.constant 0 : i32
    %cond3A_332 = arith.cmpi ne, %convert_element_type3A_330, %cond3A_331 : i32
    scf.if %cond3A_332 {
      %dma_wait3A = arith.constant 0 : i32
      %dma_wait3A_342 = arith.constant 0 : i32
      %dma_wait3A_343 = tpu.memref_slice %arg8[%dma_wait3A, %dma_wait3A_342] : memref<48x128xi32, #tpu.memory_space<vmem>> -> memref<1x128xi32, #tpu.memory_space<vmem>>
      %dma_wait3A_344 = tpu.memref_squeeze %dma_wait3A_343 : memref<1x128xi32, #tpu.memory_space<vmem>> -> memref<128xi32, #tpu.memory_space<vmem>>
      %dma_wait3A_345 = arith.constant 0 : i32
      %dma_wait3A_346 = arith.constant 0 : i32
      %dma_wait3A_347 = tpu.memref_slice %arg14[%dma_wait3A_345, %dma_wait3A_346] : memref<5120x128xf32, #tpu.memory_space<vmem_shared>> -> memref<5120x128xf32, #tpu.memory_space<vmem_shared>>
      tpu.wait_indirect_dma semaphore(%arg16 : memref<!tpu.dma_semaphore, #tpu.memory_space<semaphore_mem>>) src(%arg9 : memref<128x128xf32, #tpu.memory_space<vmem>>) dst(%dma_wait3A_347 : memref<5120x128xf32, #tpu.memory_space<vmem_shared>>)
    } else {
    }
    %barrier3A_333 = arith.constant 0 : index
    tpu.barrier barrier_id(%barrier3A_333)
    %add3A_334 = arith.constant 0 : i32
    %add3A_335 = arith.addi %mul3A_5, %add3A_334 : i32
    "tpu.region"() ({
      %run_scoped3A = tpu.sem_alloc : memref<!tpu.dma_semaphore, #tpu.memory_space<semaphore_mem>>
      %dma_start3A = arith.constant 0 : i32
      %dma_start3A_342 = tpu.memref_slice %arg6[%arg0, %add3A_335, %dma_start3A] : memref<2x5120x128xf32, #tpu.memory_space<hbm>> -> memref<1x128x128xf32, #tpu.memory_space<hbm>>
      %dma_start3A_343 = tpu.memref_squeeze %dma_start3A_342 : memref<1x128x128xf32, #tpu.memory_space<hbm>> -> memref<128x128xf32, #tpu.memory_space<hbm>>
      %dma_start3A_344 = arith.constant 0 : i32
      %dma_start3A_345 = tpu.memref_slice %arg14[%add3A_335, %dma_start3A_344] : memref<5120x128xf32, #tpu.memory_space<vmem_shared>> -> memref<128x128xf32, #tpu.memory_space<vmem_shared>>
      tpu.enqueue_dma source(%dma_start3A_345 : memref<128x128xf32, #tpu.memory_space<vmem_shared>>) target(%dma_start3A_343 : memref<128x128xf32, #tpu.memory_space<hbm>>) target_semaphore(%run_scoped3A : memref<!tpu.dma_semaphore, #tpu.memory_space<semaphore_mem>>)
      %dma_wait3A = arith.constant 0 : i32
      %dma_wait3A_346 = tpu.memref_slice %arg6[%arg0, %add3A_335, %dma_wait3A] : memref<2x5120x128xf32, #tpu.memory_space<hbm>> -> memref<1x128x128xf32, #tpu.memory_space<hbm>>
      %dma_wait3A_347 = tpu.memref_squeeze %dma_wait3A_346 : memref<1x128x128xf32, #tpu.memory_space<hbm>> -> memref<128x128xf32, #tpu.memory_space<hbm>>
      %dma_wait3A_348 = arith.constant 0 : i32
      %dma_wait3A_349 = tpu.memref_slice %arg14[%add3A_335, %dma_wait3A_348] : memref<5120x128xf32, #tpu.memory_space<vmem_shared>> -> memref<128x128xf32, #tpu.memory_space<vmem_shared>>
      tpu.wait_dma2 semaphore(%run_scoped3A : memref<!tpu.dma_semaphore, #tpu.memory_space<semaphore_mem>>) src(%dma_wait3A_349 : memref<128x128xf32, #tpu.memory_space<vmem_shared>>) dst(%dma_wait3A_347 : memref<128x128xf32, #tpu.memory_space<hbm>>)
      tpu.yield
    }) : () -> ()
    %add3A_336 = arith.constant 128 : i32
    %add3A_337 = arith.addi %mul3A_5, %add3A_336 : i32
    "tpu.region"() ({
      %run_scoped3A = tpu.sem_alloc : memref<!tpu.dma_semaphore, #tpu.memory_space<semaphore_mem>>
      %dma_start3A = arith.constant 0 : i32
      %dma_start3A_342 = tpu.memref_slice %arg6[%arg0, %add3A_337, %dma_start3A] : memref<2x5120x128xf32, #tpu.memory_space<hbm>> -> memref<1x128x128xf32, #tpu.memory_space<hbm>>
      %dma_start3A_343 = tpu.memref_squeeze %dma_start3A_342 : memref<1x128x128xf32, #tpu.memory_space<hbm>> -> memref<128x128xf32, #tpu.memory_space<hbm>>
      %dma_start3A_344 = arith.constant 0 : i32
      %dma_start3A_345 = tpu.memref_slice %arg14[%add3A_337, %dma_start3A_344] : memref<5120x128xf32, #tpu.memory_space<vmem_shared>> -> memref<128x128xf32, #tpu.memory_space<vmem_shared>>
      tpu.enqueue_dma source(%dma_start3A_345 : memref<128x128xf32, #tpu.memory_space<vmem_shared>>) target(%dma_start3A_343 : memref<128x128xf32, #tpu.memory_space<hbm>>) target_semaphore(%run_scoped3A : memref<!tpu.dma_semaphore, #tpu.memory_space<semaphore_mem>>)
      %dma_wait3A = arith.constant 0 : i32
      %dma_wait3A_346 = tpu.memref_slice %arg6[%arg0, %add3A_337, %dma_wait3A] : memref<2x5120x128xf32, #tpu.memory_space<hbm>> -> memref<1x128x128xf32, #tpu.memory_space<hbm>>
      %dma_wait3A_347 = tpu.memref_squeeze %dma_wait3A_346 : memref<1x128x128xf32, #tpu.memory_space<hbm>> -> memref<128x128xf32, #tpu.memory_space<hbm>>
      %dma_wait3A_348 = arith.constant 0 : i32
      %dma_wait3A_349 = tpu.memref_slice %arg14[%add3A_337, %dma_wait3A_348] : memref<5120x128xf32, #tpu.memory_space<vmem_shared>> -> memref<128x128xf32, #tpu.memory_space<vmem_shared>>
      tpu.wait_dma2 semaphore(%run_scoped3A : memref<!tpu.dma_semaphore, #tpu.memory_space<semaphore_mem>>) src(%dma_wait3A_349 : memref<128x128xf32, #tpu.memory_space<vmem_shared>>) dst(%dma_wait3A_347 : memref<128x128xf32, #tpu.memory_space<hbm>>)
      tpu.yield
    }) : () -> ()
    %add3A_338 = arith.constant 320 : i32
    %add3A_339 = arith.addi %mul3A_5, %add3A_338 : i32
    %sub3A_340 = arith.constant 64 : i32
    %sub3A_341 = arith.subi %add3A_339, %sub3A_340 : i32
    "tpu.region"() ({
      %run_scoped3A = tpu.sem_alloc : memref<!tpu.dma_semaphore, #tpu.memory_space<semaphore_mem>>
      %dma_start3A = arith.constant 0 : i32
      %dma_start3A_342 = tpu.memref_slice %arg6[%arg0, %sub3A_341, %dma_start3A] : memref<2x5120x128xf32, #tpu.memory_space<hbm>> -> memref<1x64x128xf32, #tpu.memory_space<hbm>>
      %dma_start3A_343 = tpu.memref_squeeze %dma_start3A_342 : memref<1x64x128xf32, #tpu.memory_space<hbm>> -> memref<64x128xf32, #tpu.memory_space<hbm>>
      %dma_start3A_344 = arith.constant 0 : i32
      %dma_start3A_345 = tpu.memref_slice %arg14[%sub3A_341, %dma_start3A_344] : memref<5120x128xf32, #tpu.memory_space<vmem_shared>> -> memref<64x128xf32, #tpu.memory_space<vmem_shared>>
      tpu.enqueue_dma source(%dma_start3A_345 : memref<64x128xf32, #tpu.memory_space<vmem_shared>>) target(%dma_start3A_343 : memref<64x128xf32, #tpu.memory_space<hbm>>) target_semaphore(%run_scoped3A : memref<!tpu.dma_semaphore, #tpu.memory_space<semaphore_mem>>)
      %dma_wait3A = arith.constant 0 : i32
      %dma_wait3A_346 = tpu.memref_slice %arg6[%arg0, %sub3A_341, %dma_wait3A] : memref<2x5120x128xf32, #tpu.memory_space<hbm>> -> memref<1x64x128xf32, #tpu.memory_space<hbm>>
      %dma_wait3A_347 = tpu.memref_squeeze %dma_wait3A_346 : memref<1x64x128xf32, #tpu.memory_space<hbm>> -> memref<64x128xf32, #tpu.memory_space<hbm>>
      %dma_wait3A_348 = arith.constant 0 : i32
      %dma_wait3A_349 = tpu.memref_slice %arg14[%sub3A_341, %dma_wait3A_348] : memref<5120x128xf32, #tpu.memory_space<vmem_shared>> -> memref<64x128xf32, #tpu.memory_space<vmem_shared>>
      tpu.wait_dma2 semaphore(%run_scoped3A : memref<!tpu.dma_semaphore, #tpu.memory_space<semaphore_mem>>) src(%dma_wait3A_349 : memref<64x128xf32, #tpu.memory_space<vmem_shared>>) dst(%dma_wait3A_347 : memref<64x128xf32, #tpu.memory_space<hbm>>)
      tpu.yield
    }) : () -> ()
    return
  }
}

module attributes {stable_mosaic.version = 14 : i64} {
  func.func @_scale_matmul_body(%arg0: i32, %arg1: memref<1000x128xf32, #tpu.memory_space<vmem>>, %arg2: memref<1000x32xf32, #tpu.memory_space<vmem>>, %arg3: memref<128x128xf32, #tpu.memory_space<vmem>>, %arg4: memref<1000x128xf32, #tpu.memory_space<vmem>>) attributes {dimension_semantics = [#tpu.dimension_semantics<arbitrary>], iteration_bounds = array<i64: 10>, scalar_prefetch = 0 : i64, scratch_operands = 0 : i64, tpu.core_type = #tpu.core_type<tc>, window_params = [{transform_indices = @transform_0, window_bounds = array<i64: 1000, 128>}, {transform_indices = @transform_1, window_bounds = array<i64: 1000, 32>}, {pipeline_mode = #tpu.pipeline_mode<synchronous>, transform_indices = @transform_2, window_bounds = array<i64: 128, 128>}, {transform_indices = @transform_3, window_bounds = array<i64: 1000, 128>}]} {
    %get3A = arith.constant 0 : index
    %get3A_0 = arith.constant 0 : index
    %get3A_1 = vector.load %arg2[%get3A, %get3A_0] : memref<1000x32xf32, #tpu.memory_space<vmem>>, vector<1000x32xf32>
    %reduce_sum3A = arith.constant dense<0.000000e+00> : vector<1000xf32>
    %reduce_sum3A_2 = vector.multi_reduction <add>, %get3A_1, %reduce_sum3A [1] : vector<1000x32xf32> to vector<1000xf32>
    %max3A = arith.constant 1.000000e+00 : f32
    %max3A_3 = vector.broadcast %max3A : f32 to vector<1000xf32>
    %max3A_4 = arith.maximumf %reduce_sum3A_2, %max3A_3 : vector<1000xf32>
    %rsqrt3A = math.rsqrt %max3A_4 : vector<1000xf32>
    %get3A_5 = arith.constant 0 : index
    %get3A_6 = arith.constant 0 : index
    %get3A_7 = vector.load %arg1[%get3A_5, %get3A_6] : memref<1000x128xf32, #tpu.memory_space<vmem>>, vector<1000x128xf32>
    %broadcast_in_dim3A = vector.shape_cast %rsqrt3A : vector<1000xf32> to vector<1000x1xf32>
    %mul3A = vector.broadcast %broadcast_in_dim3A : vector<1000x1xf32> to vector<1000x128xf32>
    %mul3A_8 = arith.mulf %get3A_7, %mul3A : vector<1000x128xf32>
    %get3A_9 = arith.constant 0 : index
    %get3A_10 = arith.constant 0 : index
    %get3A_11 = vector.load %arg3[%get3A_9, %get3A_10] : memref<128x128xf32, #tpu.memory_space<vmem>>, vector<128x128xf32>
    %dot_general3A = arith.constant dense<0.000000e+00> : vector<1000x128xf32>
    %dot_general3A_12 = tpu.matmul %mul3A_8, %get3A_11, %dot_general3A {dimension_numbers = #tpu.dot_dimension_numbers<[1], [0], [0], [1], [0, 0, 1, 1], [], []>, transpose_lhs_hint = false} : vector<1000x128xf32>, vector<128x128xf32>, vector<1000x128xf32> -> vector<1000x128xf32>
    %swap3A = arith.constant 0 : index
    %swap3A_13 = arith.constant 0 : index
    %swap3A_14 = vector.load %arg4[%swap3A, %swap3A_13] : memref<1000x128xf32, #tpu.memory_space<vmem>>, vector<1000x128xf32>
    tpu.vector_store %arg4[%swap3A, %swap3A_13], %dot_general3A_12 {strides = array<i32>} : memref<1000x128xf32, #tpu.memory_space<vmem>>, vector<1000x128xf32>,
    return
  }
  func.func @transform_0(%arg0: i32) -> (i32, i32) {
    %c0_i32 = arith.constant 0 : i32
    %c0_i32_0 = arith.constant 0 : i32
    return %arg0, %c0_i32 : i32, i32
  }
  func.func @transform_1(%arg0: i32) -> (i32, i32) {
    %c0_i32 = arith.constant 0 : i32
    %c0_i32_0 = arith.constant 0 : i32
    return %arg0, %c0_i32 : i32, i32
  }
  func.func @transform_2(%arg0: i32) -> (i32, i32) {
    %c0_i32 = arith.constant 0 : i32
    %c0_i32_0 = arith.constant 0 : i32
    %c0_i32_1 = arith.constant 0 : i32
    return %c0_i32, %c0_i32_0 : i32, i32
  }
  func.func @transform_3(%arg0: i32) -> (i32, i32) {
    %c0_i32 = arith.constant 0 : i32
    %c0_i32_0 = arith.constant 0 : i32
    return %arg0, %c0_i32 : i32, i32
  }
}

module attributes {stable_mosaic.version = 14 : i64} {
  func.func @_mid_body(%arg0: i32, %arg1: memref<1x1000x128xf32, #tpu.memory_space<vmem>>, %arg2: memref<1000x32xf32, #tpu.memory_space<vmem>>, %arg3: memref<1000x32xf32, #tpu.memory_space<vmem>>, %arg4: memref<1x128xf32, #tpu.memory_space<vmem>>, %arg5: memref<128x128xf32, #tpu.memory_space<vmem>>, %arg6: memref<1000x128xf32, #tpu.memory_space<vmem>>) attributes {dimension_semantics = [#tpu.dimension_semantics<arbitrary>], iteration_bounds = array<i64: 10>, scalar_prefetch = 0 : i64, scratch_operands = 0 : i64, tpu.core_type = #tpu.core_type<tc>, window_params = [{transform_indices = @transform_0, window_bounds = array<i64: 1, 1000, 128>}, {transform_indices = @transform_1, window_bounds = array<i64: 1000, 32>}, {transform_indices = @transform_2, window_bounds = array<i64: 1000, 32>}, {pipeline_mode = #tpu.pipeline_mode<synchronous>, transform_indices = @transform_3, window_bounds = array<i64: 1, 128>}, {pipeline_mode = #tpu.pipeline_mode<synchronous>, transform_indices = @transform_4, window_bounds = array<i64: 128, 128>}, {transform_indices = @transform_5, window_bounds = array<i64: 1000, 128>}]} {
    %get3A = arith.constant 0 : index
    %get3A_0 = arith.constant 0 : index
    %get3A_1 = vector.load %arg2[%get3A, %get3A_0] : memref<1000x32xf32, #tpu.memory_space<vmem>>, vector<1000x32xf32>
    %reduce_sum3A = arith.constant dense<0.000000e+00> : vector<1000xf32>
    %reduce_sum3A_2 = vector.multi_reduction <add>, %get3A_1, %reduce_sum3A [1] : vector<1000x32xf32> to vector<1000xf32>
    %max3A = arith.constant 1.000000e+00 : f32
    %max3A_3 = vector.broadcast %max3A : f32 to vector<1000xf32>
    %max3A_4 = arith.maximumf %reduce_sum3A_2, %max3A_3 : vector<1000xf32>
    %rsqrt3A = math.rsqrt %max3A_4 : vector<1000xf32>
    %get3A_5 = arith.constant 0 : index
    %get3A_6 = arith.constant 0 : index
    %get3A_7 = arith.constant 0 : index
    %get3A_8 = vector.load %arg1[%get3A_5, %get3A_6, %get3A_7] : memref<1x1000x128xf32, #tpu.memory_space<vmem>>, vector<1x1000x128xf32>
    %get3A_9 = vector.shape_cast %get3A_8 : vector<1x1000x128xf32> to vector<1000x128xf32>
    %broadcast_in_dim3A = vector.shape_cast %rsqrt3A : vector<1000xf32> to vector<1000x1xf32>
    %mul3A = vector.broadcast %broadcast_in_dim3A : vector<1000x1xf32> to vector<1000x128xf32>
    %mul3A_10 = arith.mulf %get3A_9, %mul3A : vector<1000x128xf32>
    %get3A_11 = arith.constant 0 : index
    %get3A_12 = arith.constant 0 : index
    %get3A_13 = vector.load %arg4[%get3A_11, %get3A_12] : memref<1x128xf32, #tpu.memory_space<vmem>>, vector<1x128xf32>
    %add3A = vector.broadcast %get3A_13 : vector<1x128xf32> to vector<1000x128xf32>
    %add3A_14 = arith.addf %mul3A_10, %add3A : vector<1000x128xf32>
    %max3A_15 = arith.constant 0.000000e+00 : f32
    %max3A_16 = vector.broadcast %max3A_15 : f32 to vector<1000x128xf32>
    %max3A_17 = arith.maximumf %add3A_14, %max3A_16 : vector<1000x128xf32>
    %get3A_18 = arith.constant 0 : index
    %get3A_19 = arith.constant 0 : index
    %get3A_20 = vector.load %arg3[%get3A_18, %get3A_19] : memref<1000x32xf32, #tpu.memory_space<vmem>>, vector<1000x32xf32>
    %reduce_sum3A_21 = arith.constant dense<0.000000e+00> : vector<1000xf32>
    %reduce_sum3A_22 = vector.multi_reduction <add>, %get3A_20, %reduce_sum3A_21 [1] : vector<1000x32xf32> to vector<1000xf32>
    %max3A_23 = arith.constant 1.000000e+00 : f32
    %max3A_24 = vector.broadcast %max3A_23 : f32 to vector<1000xf32>
    %max3A_25 = arith.maximumf %reduce_sum3A_22, %max3A_24 : vector<1000xf32>
    %rsqrt3A_26 = math.rsqrt %max3A_25 : vector<1000xf32>
    %broadcast_in_dim3A_27 = vector.shape_cast %rsqrt3A_26 : vector<1000xf32> to vector<1000x1xf32>
    %mul3A_28 = vector.broadcast %broadcast_in_dim3A_27 : vector<1000x1xf32> to vector<1000x128xf32>
    %mul3A_29 = arith.mulf %max3A_17, %mul3A_28 : vector<1000x128xf32>
    %get3A_30 = arith.constant 0 : index
    %get3A_31 = arith.constant 0 : index
    %get3A_32 = vector.load %arg5[%get3A_30, %get3A_31] : memref<128x128xf32, #tpu.memory_space<vmem>>, vector<128x128xf32>
    %dot_general3A = arith.constant dense<0.000000e+00> : vector<1000x128xf32>
    %dot_general3A_33 = tpu.matmul %mul3A_29, %get3A_32, %dot_general3A {dimension_numbers = #tpu.dot_dimension_numbers<[1], [0], [0], [1], [0, 0, 1, 1], [], []>, transpose_lhs_hint = false} : vector<1000x128xf32>, vector<128x128xf32>, vector<1000x128xf32> -> vector<1000x128xf32>
    %swap3A = arith.constant 0 : index
    %swap3A_34 = arith.constant 0 : index
    %swap3A_35 = vector.load %arg6[%swap3A, %swap3A_34] : memref<1000x128xf32, #tpu.memory_space<vmem>>, vector<1000x128xf32>
    tpu.vector_store %arg6[%swap3A, %swap3A_34], %dot_general3A_33 {strides = array<i32>} : memref<1000x128xf32, #tpu.memory_space<vmem>>, vector<1000x128xf32>,
    return
  }
  func.func @transform_0(%arg0: i32) -> (i32, i32, i32) {
    %jit3A = arith.constant 5 : i32
    %div3A = arith.divsi %arg0, %jit3A : i32
    %sign3A = arith.constant 0 : i32
    %sign3A_0 = arith.cmpi sgt, %arg0, %sign3A : i32
    %sign3A_1 = arith.extui %sign3A_0 : i1 to i32
    %sign3A_2 = arith.constant 0 : i32
    %sign3A_3 = arith.cmpi slt, %arg0, %sign3A_2 : i32
    %sign3A_4 = arith.extui %sign3A_3 : i1 to i32
    %sign3A_5 = arith.subi %sign3A_1, %sign3A_4 : i32
    %sign3A_6 = arith.constant 0 : i32
    %sign3A_7 = arith.cmpi sgt, %jit3A, %sign3A_6 : i32
    %sign3A_8 = arith.extui %sign3A_7 : i1 to i32
    %sign3A_9 = arith.constant 0 : i32
    %sign3A_10 = arith.cmpi slt, %jit3A, %sign3A_9 : i32
    %sign3A_11 = arith.extui %sign3A_10 : i1 to i32
    %sign3A_12 = arith.subi %sign3A_8, %sign3A_11 : i32
    %ne3A = arith.cmpi ne, %sign3A_5, %sign3A_12 : i32
    %rem3A = arith.remsi %arg0, %jit3A : i32
    %ne3A_13 = arith.constant 0 : i32
    %ne3A_14 = arith.cmpi ne, %rem3A, %ne3A_13 : i32
    %and3A = arith.andi %ne3A, %ne3A_14 : i1
    %sub3A = arith.constant 1 : i32
    %sub3A_15 = arith.subi %div3A, %sub3A : i32
    %select_n3A = arith.select %and3A, %sub3A_15, %div3A : i32
    %jit3A_16 = arith.constant 5 : i32
    %eq3A = arith.constant 0 : i32
    %eq3A_17 = arith.cmpi eq, %jit3A_16, %eq3A : i32
    %jit3A_18 = arith.constant 1 : i32
    %select_n3A_19 = arith.select %eq3A_17, %jit3A_18, %jit3A_16 : i32
    %rem3A_20 = arith.remsi %arg0, %select_n3A_19 : i32
    %ne3A_21 = arith.constant 0 : i32
    %ne3A_22 = arith.cmpi ne, %rem3A_20, %ne3A_21 : i32
    %lt3A = arith.constant 0 : i32
    %lt3A_23 = arith.cmpi slt, %rem3A_20, %lt3A : i32
    %lt3A_24 = arith.constant 0 : i32
    %lt3A_25 = arith.cmpi slt, %select_n3A_19, %lt3A_24 : i32
    %ne3A_26 = arith.xori %lt3A_23, %lt3A_25 : i1
    %and3A_27 = arith.andi %ne3A_26, %ne3A_22 : i1
    %add3A = arith.addi %rem3A_20, %select_n3A_19 : i32
    %select_n3A_28 = arith.select %and3A_27, %add3A, %rem3A_20 : i32
    %c0_i32 = arith.constant 0 : i32
    %c0_i32_29 = arith.constant 0 : i32
    return %select_n3A, %select_n3A_28, %c0_i32 : i32, i32, i32
  }
  func.func @transform_1(%arg0: i32) -> (i32, i32) {
    %c0_i32 = arith.constant 0 : i32
    %c0_i32_0 = arith.constant 0 : i32
    return %arg0, %c0_i32 : i32, i32
  }
  func.func @transform_2(%arg0: i32) -> (i32, i32) {
    %c0_i32 = arith.constant 0 : i32
    %c0_i32_0 = arith.constant 0 : i32
    return %arg0, %c0_i32 : i32, i32
  }
  func.func @transform_3(%arg0: i32) -> (i32, i32) {
    %c0_i32 = arith.constant 0 : i32
    %c0_i32_0 = arith.constant 0 : i32
    %c0_i32_1 = arith.constant 0 : i32
    return %c0_i32, %c0_i32_0 : i32, i32
  }
  func.func @transform_4(%arg0: i32) -> (i32, i32) {
    %c0_i32 = arith.constant 0 : i32
    %c0_i32_0 = arith.constant 0 : i32
    %c0_i32_1 = arith.constant 0 : i32
    return %c0_i32, %c0_i32_0 : i32, i32
  }
  func.func @transform_5(%arg0: i32) -> (i32, i32) {
    %c0_i32 = arith.constant 0 : i32
    %c0_i32_0 = arith.constant 0 : i32
    return %arg0, %c0_i32 : i32, i32
  }
}

module attributes {stable_mosaic.version = 14 : i64} {
  func.func @_final_body(%arg0: i32, %arg1: memref<1x1000x128xf32, #tpu.memory_space<vmem>>, %arg2: memref<1000x32xf32, #tpu.memory_space<vmem>>, %arg3: memref<1x128xf32, #tpu.memory_space<vmem>>, %arg4: memref<1000x128xf32, #tpu.memory_space<vmem>>) attributes {dimension_semantics = [#tpu.dimension_semantics<arbitrary>], iteration_bounds = array<i64: 10>, scalar_prefetch = 0 : i64, scratch_operands = 0 : i64, tpu.core_type = #tpu.core_type<tc>, window_params = [{transform_indices = @transform_0, window_bounds = array<i64: 1, 1000, 128>}, {transform_indices = @transform_1, window_bounds = array<i64: 1000, 32>}, {pipeline_mode = #tpu.pipeline_mode<synchronous>, transform_indices = @transform_2, window_bounds = array<i64: 1, 128>}, {transform_indices = @transform_3, window_bounds = array<i64: 1000, 128>}]} {
    %get3A = arith.constant 0 : index
    %get3A_0 = arith.constant 0 : index
    %get3A_1 = vector.load %arg2[%get3A, %get3A_0] : memref<1000x32xf32, #tpu.memory_space<vmem>>, vector<1000x32xf32>
    %reduce_sum3A = arith.constant dense<0.000000e+00> : vector<1000xf32>
    %reduce_sum3A_2 = vector.multi_reduction <add>, %get3A_1, %reduce_sum3A [1] : vector<1000x32xf32> to vector<1000xf32>
    %max3A = arith.constant 1.000000e+00 : f32
    %max3A_3 = vector.broadcast %max3A : f32 to vector<1000xf32>
    %max3A_4 = arith.maximumf %reduce_sum3A_2, %max3A_3 : vector<1000xf32>
    %rsqrt3A = math.rsqrt %max3A_4 : vector<1000xf32>
    %get3A_5 = arith.constant 0 : index
    %get3A_6 = arith.constant 0 : index
    %get3A_7 = arith.constant 0 : index
    %get3A_8 = vector.load %arg1[%get3A_5, %get3A_6, %get3A_7] : memref<1x1000x128xf32, #tpu.memory_space<vmem>>, vector<1x1000x128xf32>
    %get3A_9 = vector.shape_cast %get3A_8 : vector<1x1000x128xf32> to vector<1000x128xf32>
    %broadcast_in_dim3A = vector.shape_cast %rsqrt3A : vector<1000xf32> to vector<1000x1xf32>
    %mul3A = vector.broadcast %broadcast_in_dim3A : vector<1000x1xf32> to vector<1000x128xf32>
    %mul3A_10 = arith.mulf %get3A_9, %mul3A : vector<1000x128xf32>
    %get3A_11 = arith.constant 0 : index
    %get3A_12 = arith.constant 0 : index
    %get3A_13 = vector.load %arg3[%get3A_11, %get3A_12] : memref<1x128xf32, #tpu.memory_space<vmem>>, vector<1x128xf32>
    %add3A = vector.broadcast %get3A_13 : vector<1x128xf32> to vector<1000x128xf32>
    %add3A_14 = arith.addf %mul3A_10, %add3A : vector<1000x128xf32>
    %max3A_15 = arith.constant 0.000000e+00 : f32
    %max3A_16 = vector.broadcast %max3A_15 : f32 to vector<1000x128xf32>
    %max3A_17 = arith.maximumf %add3A_14, %max3A_16 : vector<1000x128xf32>
    %swap3A = arith.constant 0 : index
    %swap3A_18 = arith.constant 0 : index
    %swap3A_19 = vector.load %arg4[%swap3A, %swap3A_18] : memref<1000x128xf32, #tpu.memory_space<vmem>>, vector<1000x128xf32>
    tpu.vector_store %arg4[%swap3A, %swap3A_18], %max3A_17 {strides = array<i32>} : memref<1000x128xf32, #tpu.memory_space<vmem>>, vector<1000x128xf32>,
    return
  }
  func.func @transform_0(%arg0: i32) -> (i32, i32, i32) {
    %jit3A = arith.constant 5 : i32
    %div3A = arith.divsi %arg0, %jit3A : i32
    %sign3A = arith.constant 0 : i32
    %sign3A_0 = arith.cmpi sgt, %arg0, %sign3A : i32
    %sign3A_1 = arith.extui %sign3A_0 : i1 to i32
    %sign3A_2 = arith.constant 0 : i32
    %sign3A_3 = arith.cmpi slt, %arg0, %sign3A_2 : i32
    %sign3A_4 = arith.extui %sign3A_3 : i1 to i32
    %sign3A_5 = arith.subi %sign3A_1, %sign3A_4 : i32
    %sign3A_6 = arith.constant 0 : i32
    %sign3A_7 = arith.cmpi sgt, %jit3A, %sign3A_6 : i32
    %sign3A_8 = arith.extui %sign3A_7 : i1 to i32
    %sign3A_9 = arith.constant 0 : i32
    %sign3A_10 = arith.cmpi slt, %jit3A, %sign3A_9 : i32
    %sign3A_11 = arith.extui %sign3A_10 : i1 to i32
    %sign3A_12 = arith.subi %sign3A_8, %sign3A_11 : i32
    %ne3A = arith.cmpi ne, %sign3A_5, %sign3A_12 : i32
    %rem3A = arith.remsi %arg0, %jit3A : i32
    %ne3A_13 = arith.constant 0 : i32
    %ne3A_14 = arith.cmpi ne, %rem3A, %ne3A_13 : i32
    %and3A = arith.andi %ne3A, %ne3A_14 : i1
    %sub3A = arith.constant 1 : i32
    %sub3A_15 = arith.subi %div3A, %sub3A : i32
    %select_n3A = arith.select %and3A, %sub3A_15, %div3A : i32
    %jit3A_16 = arith.constant 5 : i32
    %eq3A = arith.constant 0 : i32
    %eq3A_17 = arith.cmpi eq, %jit3A_16, %eq3A : i32
    %jit3A_18 = arith.constant 1 : i32
    %select_n3A_19 = arith.select %eq3A_17, %jit3A_18, %jit3A_16 : i32
    %rem3A_20 = arith.remsi %arg0, %select_n3A_19 : i32
    %ne3A_21 = arith.constant 0 : i32
    %ne3A_22 = arith.cmpi ne, %rem3A_20, %ne3A_21 : i32
    %lt3A = arith.constant 0 : i32
    %lt3A_23 = arith.cmpi slt, %rem3A_20, %lt3A : i32
    %lt3A_24 = arith.constant 0 : i32
    %lt3A_25 = arith.cmpi slt, %select_n3A_19, %lt3A_24 : i32
    %ne3A_26 = arith.xori %lt3A_23, %lt3A_25 : i1
    %and3A_27 = arith.andi %ne3A_26, %ne3A_22 : i1
    %add3A = arith.addi %rem3A_20, %select_n3A_19 : i32
    %select_n3A_28 = arith.select %and3A_27, %add3A, %rem3A_20 : i32
    %c0_i32 = arith.constant 0 : i32
    %c0_i32_29 = arith.constant 0 : i32
    return %select_n3A, %select_n3A_28, %c0_i32 : i32, i32, i32
  }
  func.func @transform_1(%arg0: i32) -> (i32, i32) {
    %c0_i32 = arith.constant 0 : i32
    %c0_i32_0 = arith.constant 0 : i32
    return %arg0, %c0_i32 : i32, i32
  }
  func.func @transform_2(%arg0: i32) -> (i32, i32) {
    %c0_i32 = arith.constant 0 : i32
    %c0_i32_0 = arith.constant 0 : i32
    %c0_i32_1 = arith.constant 0 : i32
    return %c0_i32, %c0_i32_0 : i32, i32
  }
  func.func @transform_3(%arg0: i32) -> (i32, i32) {
    %c0_i32 = arith.constant 0 : i32
    %c0_i32_0 = arith.constant 0 : i32
    return %arg0, %c0_i32 : i32, i32
  }
}

</mosaic_0001>

<sc_bundles>
// kernel: kernel.11.cloned.1.call-start
scs
__scs_entry_jumppad:
0x0: {  	(pc) =	sbr.rel $0x88, $3  }
0x1: {  	(tag) =	ssettag $0x0;
	lr =	simm.s32 $0x1  }
0x2: {  	[smem:$0x3F9B] =	sst lr;
	_ =	strace $0xD0000000  }
0x3: {  	_ = 	snop  }
0x4: {  	_ = 	snop  }
0x5: {  	_ = 	snop  }
0x6: {  	_ = 	snop  }
0x7: {  	_ = 	snop  }
__scs_overlays_trampoline_lowered:
0x8: {  	[smem:$0x3FAA] =	sst s0  }
0x9: {  	[smem:$0x3FAB] =	sst s1  }
0xa: {  	[smem:$0x3FAC] =	sst s2  }
0xb: {  	[smem:$0x3FAD] =	sst s3  }
0xc: {  	[smem:$0x3FAE] =	sst s4  }
0xd: {  	[smem:$0x3FAF] =	sst s5  }
0xe: {  	[smem:$0x3FB0] =	sst s6  }
0xf: {  	[smem:$0x3FB1] =	sst s7  }
0x10: {  	[smem:$0x3FB2] =	sst s8  }
0x11: {  	[smem:$0x3FB3] =	sst s9;
	s0 =	simm.s32 @!p0 $0x0  }
0x12: {  	s1 =	sld [smem:$0x3F99];
	s0 =	simm.s32 @p0 $0x1  }
0x13: {  	[smem:$0x3FB4] =	sst s0;
	s0 =	simm.s32 @!p1 $0x0  }
0x14: {  	s2 =	sld [smem:$0x3F98];
	s0 =	simm.s32 @p1 $0x1  }
0x15: {  	[smem:$0x3FB5] =	sst s0;
	s0 =	simm.s32 @!p2 $0x0  }
0x16: {  	s3 =	sld [smem:$0x3FDB];
	s0 =	simm.s32 @p2 $0x1  }
0x17: {  	s4 =	simm.s32 $0x1BF5;
	[smem:$0x3FB7] =	sst s0  }
0x18: {  	s0 =	sld [smem:$0x3F9A];
	_ =	swait.ge [sflag:s4], $0x0  }
0x19: {  	s7 =	sld [smem:$0x3F9B]  }
0x1a: {  	s8 =	sadd.s32 $0xFFFFE003, lr  }
0x1b: {  	s9 =	sadd.s32 $0xFFFFFEF7, lr;
	s5 =	simm.s32 $0xFFFFFFFF;
	p2 =	slt.u32 s8, $0xFFFFF086  }
0x1c: {  	p1 =	slt.u32 s9, $0xF7A;
	s5 =	simm.s32 @!p2 $0x0  }
0x1d: {  	s5 =	simm.s32 @p1 $0x1;
	p0 =	seq.s32 s7, s2  }
0x1e: {  	s7 =	smul.u32 @!p0 $0xF7A, s2;
	p2 =	seq.s32 @!p0 s5, $0x0  }
0x1f: {  	s9 =	smul.u32 $0xF7A, s1;
	s8 =	simm.s32 @!p0 $0x1BF5;
	p2 =	por !p2, p0  }
0x20: {  	[sflag:s8] =	ssyncset.s32 @!p0 $0xFFFFF086;
	s6 =	sadd.s32 @!p0 s3, s7;
	s7 =	simm.s32 @!p0 $0x108  }
0x21: {  	s3 =	sadd.s32 s3, s9;
	s6 =	sadd.s32 @!p0 $0x88, s6;
	s7 =	simm.s32 @p2 $0x1082  }
0x22: {  	[simem:s7], [sflag:s8] =	dma.local @!p0 [hbm:s6], $0xF7A  }
0x23: {  	s9 =	sor.u32 $0xD0000000, s2;
	s6 =	simm.s32 $0x108;
	_ =	swait.ge @!p0 [sflag:s8], $0x0  }
0x24: {  	s3 =	sadd.s32 $0x88, s3;
	s6 =	simm.s32 @!p1 $0x1082;
	[sflag:s4] =	ssyncset.s32 $0xFFFFF086  }
0x25: {  	[simem:s6], [sflag:s4] =	dma.local [hbm:s3], $0xF7A  }
0x26: {  	[smem:$0x3F9B] =	sst s1;
	(tag) =	ssettag s2;
	_ =	strace s9  }
0x27: {  	s1 =	sld [smem:$0x3FAB]  }
0x28: {  	s2 =	sld [smem:$0x3FAC]  }
0x29: {  	s4 =	sld [smem:$0x3FAE]  }
0x2a: {  	p0 =	seq.s32 s5, $0x0;
	s5 =	sld [smem:$0x3FAF]  }
0x2b: {  	s6 =	sld [smem:$0x3FB0]  }
0x2c: {  	s7 =	sld [smem:$0x3FB1]  }
0x2d: {  	s3 =	simm.s32 $0x108;
	s8 =	sld [smem:$0x3FB2]  }
0x2e: {  	s3 =	simm.s32 @!p0 $0x1082;
	s9 =	sld [smem:$0x3FB3]  }
0x2f: {  	lr =	sadd.s32 s0, s3;
	s0 =	sld [smem:$0x3FAA]  }
0x30: {  	s3 =	sld [smem:$0x3FAD]  }
0x31: {  	[smem:$0x3FB6] =	sst s10  }
0x32: {  	s10 =	sld [smem:$0x3FB4];
	_ =	sdelay $0x3  }
0x33: {  	p0 =	seq.s32 s10, $0x1;
	s10 =	sld [smem:$0x3FB6];
	_ =	sdelay $0x3  }
0x34: {  	[smem:$0x3FB6] =	sst s10  }
0x35: {  	s10 =	sld [smem:$0x3FB5];
	_ =	sdelay $0x3  }
0x36: {  	p1 =	seq.s32 s10, $0x1;
	s10 =	sld [smem:$0x3FB6];
	_ =	sdelay $0x3  }
0x37: {  	[smem:$0x3FB6] =	sst s10  }
0x38: {  	s10 =	sld [smem:$0x3FB7]  }
0x39: {  	_ = 	snop;
	(pc) =	sbr.ind lr, $3  }
0x3a: {  	_ = 	snop  }
0x3b: {  	_ = 	snop  }
0x3c: {  	p2 =	seq.s32 s10, $0x1;
	s10 =	sld [smem:$0x3FB6]  }
0x3d: {  	_ =	shalt  }
0x3e: {  	_ =	shalt  }
0x3f: {  	_ =	shalt  }
0x40: {  	_ =	shalt  }
0x41: {  	_ =	shalt  }
0x42: {  	_ =	shalt  }
0x43: {  	_ =	shalt  }
0x44: {  	_ =	shalt  }
0x45: {  	_ =	shalt  }
0x46: {  	_ =	shalt  }
0x47: {  	_ =	shalt  }
0x48: {  	_ =	shalt  }
0x49: {  	_ =	shalt  }
0x4a: {  	_ =	shalt  }
0x4b: {  	_ =	shalt  }
0x4c: {  	_ =	shalt  }
0x4d: {  	_ =	shalt  }
0x4e: {  	_ =	shalt  }
0x4f: {  	_ =	shalt  }
0x50: {  	_ =	shalt  }
0x51: {  	_ =	shalt  }
0x52: {  	_ =	shalt  }
0x53: {  	_ =	shalt  }
0x54: {  	_ =	shalt  }
0x55: {  	_ =	shalt  }
0x56: {  	_ =	shalt  }
0x57: {  	_ =	shalt  }
0x58: {  	_ =	shalt  }
0x59: {  	_ =	shalt  }
0x5a: {  	_ =	shalt  }
0x5b: {  	_ =	shalt  }
0x5c: {  	_ =	shalt  }
0x5d: {  	_ =	shalt  }
0x5e: {  	_ =	shalt  }
0x5f: {  	_ =	shalt  }
0x60: {  	_ =	shalt  }
0x61: {  	_ =	shalt  }
0x62: {  	_ =	shalt  }
0x63: {  	_ =	shalt  }
0x64: {  	_ =	shalt  }
0x65: {  	_ =	shalt  }
0x66: {  	_ =	shalt  }
0x67: {  	_ =	shalt  }
0x68: {  	_ =	shalt  }
0x69: {  	_ =	shalt  }
0x6a: {  	_ =	shalt  }
0x6b: {  	_ =	shalt  }
0x6c: {  	_ =	shalt  }
0x6d: {  	_ =	shalt  }
0x6e: {  	_ =	shalt  }
0x6f: {  	_ =	shalt  }
0x70: {  	_ =	shalt  }
0x71: {  	_ =	shalt  }
0x72: {  	_ =	shalt  }
0x73: {  	_ =	shalt  }
0x74: {  	_ =	shalt  }
0x75: {  	_ =	shalt  }
0x76: {  	_ =	shalt  }
0x77: {  	_ =	shalt  }
0x78: {  	_ =	shalt  }
0x79: {  	_ =	shalt  }
0x7a: {  	_ =	shalt  }
0x7b: {  	_ =	shalt  }
0x7c: {  	_ =	shalt  }
0x7d: {  	_ =	shalt  }
0x7e: {  	_ =	shalt  }
0x7f: {  	_ =	shalt  }
0x80: {  	_ =	shalt  }
0x81: {  	_ =	shalt  }
0x82: {  	_ =	shalt  }
0x83: {  	_ =	shalt  }
0x84: {  	_ =	shalt  }
0x85: {  	_ =	shalt  }
0x86: {  	_ =	shalt  }
0x87: {  	_ =	shalt  }
.Lfunc_end0:
.L_simem_size_0:
called_computation.1_lowered:
.L_overlay_start_0:
0x88: {  	s2 =	sld [smem:$0x3FD9]  }
0x89: {  	s3 =	sld [smem:$0x3FFE];
	_ =	sdelay $0x1  }
0x8a: {  	s1 =	srdreg.scid  }
0x8b: {  	s0 =	sand.u32 $0x1, s1  }
0x8c: {  	s16 =	sshll.u32 s0, $0xA;
	s2 =	sadd.s32 s3, s2  }
0x8d: {  	s2 =	sadd.s32 s2, s16  }
0x8e: {  	[smem:$0x3FC2] =	sst s2  }
0x8f: {  	_ = 	snop  }
0x90: {  	(tm) =	ssettm $0x1  }
0x91: {  	s17 =	sld [smem:$0x3FFB];
	_ =	sdelay $0x3  }
0x92: {  	_ =	strace s17  }
0x93: {  	s2 =	sld [smem:$0x3FFC];
	_ =	sdelay $0x3  }
0x94: {  	_ =	strace s2  }
0x95: {  	s2 =	sld [smem:$0x3FFD];
	_ =	sdelay $0x3  }
0x96: {  	_ =	strace s2  }
0x97: {  	_ =	strace $0x8FFFFFFF  }
0x98: {  	s18 =	sld [smem:$0x3FDB];
	_ =	sdelay $0x1  }
0x99: {  	s19 =	simm.s32 $_scs_section_size  }
0x9a: {  	s4 =	simm.s32 $_size__tile_overlayer_lowered;
	s5 =	simm.s32 $_tile_overlayer_lowered  }
0x9b: {  	s22 =	simm.s32 $0x1BFF;
	s21 =	sshll.u32 s5, $0x1;
	s2 =	sadd.s32 s19, s18  }
0x9c: {  	s6 =	simm.s32 $0x0;
	s20 =	sshll.u32 s4, $0x1;
	s4 =	sadd.s32 s21, s2  }
0x9d: {  	[timem:s6], [sflag:s22] =	dma.local [hbm:s4], s20  }
0x9e: {  	_ =	swait.ge [sflag:s22], s20  }
0x9f: {  	s3 =	ssub.s32 $0x0, s20;
	[sflag:s22] =	ssyncset.done $0x0  }
0xa0: {  	[sflag:s22] =	ssyncadd.s32 s3;
	_ =	sdelay $0x1  }
0xa1: {  	s23 =	simm.s32 $0x1B8B  }
0xa2: {  	_ =	swait.ge [sflag:s23], $0x1  }
0xa3: {  	[sflag:s23] =	ssyncset.done $0x0  }
0xa4: {  	s25 =	simm.s32 $0x1B8E;
	s24 =	sld [smem:$0x3FFE];
	[sflag:s23] =	ssyncadd.s32 $0xFFFFFFFF  }
0xa5: {  	s26 =	simm.s32 $execute0_lowered;
	[smem:$0x3FD2] =	sst s25  }
0xa6: {  	s4 =	sshll.u32 s26, $0x1;
	_ =	strace $0x80000049;
	[dreg:$0x1] =	wrdreg $0xFFFFFFFF  }
0xa7: {  	s28 =	simm.s32 $_size_execute0_lowered;
	s2 =	sadd.s32 s2, s4;
	[dreg:$0x0] =	wrdreg $0x0  }
0xa8: {  	s4 =	sshll.u32 s28, $0x1;
	[dreg:$0x2] =	wrdreg s2  }
0xa9: {  	[dreg:$0x3] =	wrdreg s4  }
0xaa: {  	[dreg:$0x4] =	wrdreg $0xC0  }
0xab: {  	_ =	task [dreg:s6], $0x5FFFF  }
0xac: {  	[dreg:$0x1] =	wrdreg $0xFFFFFFFF  }
0xad: {  	[dreg:$0x0] =	wrdreg $0x60  }
0xae: {  	[dreg:$0x2] =	wrdreg s24  }
0xaf: {  	[dreg:$0x3] =	wrdreg $0xB1000  }
0xb0: {  	[dreg:$0x4] =	wrdreg $0x151000  }
0xb1: {  	[dreg:$0x5] =	wrdreg $0x9  }
0xb2: {  	_ =	task.clear_ibuf [dreg:s6], $0x6FFFF;
	_ =	strace $0x90000049  }
0xb3: {  	s29 =	simm.s32 $0x9;
	_ =	strace $0x8000004B  }
0xb4: {  	_ =	swait.ge [sflag:s29], $0x1  }
0xb5: {  	[sflag:s29] =	ssyncadd.s32 $0xFFFFFFFF  }
0xb6: {  	_ =	strace $0x9000004B  }
0xb7: {  	_ =	sfence  }
0xb8: {  	s30 =	sld [smem:$0x0];
	_ =	sdelay $0x2  }
0xb9: {  	s31 =	sshll.u32 s1, $0xD;
	s1 =	sshrl.u32 s1, $0x2  }
0xba: {  	s3 =	sand.u32 $0x4000, s31;
	s1 =	sadd.s32 s1, s30  }
0xbb: {  	s0 =	sor.u32 s3, s0;
	s1 =	sshll.u32 s1, $0x11  }
0xbc: {  	s0 =	sor.u32 s1, s0  }
0xbd: {  	s0 =	sadd.s32 $0x8F2B, s0  }
0xbe: {  	[sflag:s0] =	ssyncadd.remote.s32 $0x1  }
0xbf: {  	_ =	sfence.sel $0xFFFF  }
0xc0: {  	[dreg:$0x0] =	wrdreg $0xFFFFFFFF;
	(pc) =	sbr.abs _section_cstart, $3  }
0xc1: {  	[dreg:$0x1] =	wrdreg $0xFFFFFFFF  }
0xc2: {  	_ =	task.clear_ibuf [dreg:s6], $0x2FFFF;
	_ =	strace $0x9FFFFFFF  }
0xc3: {  	(tm) =	ssettm $0x7FFFFFFF  }
tec
execute0_lowered:
.L_overlay_start_1:
0x0: {  	(tag) =	ssettag $0x1  }
0x1: {  	s0 =	rddreg [dreg:$0x0]  }
0x2: {  	s2 =	rddreg [dreg:$0x1];
	s15 =	stileid.u32  }
0x3: {  	s3 =	rddreg [dreg:$0x2];
	s4 =	simm.s32 $0x0;
	s6 =	srdreg.scid  }
0x4: {  	s1 =	smul.u32 $0xA000, s15;
	[smem:$0x7FF] =	sst s4  }
0x5: {  	s6 =	sand.u32 $0x1, s6;
	s7 =	sadd.s32 $0x2000, s0;
	s8 =	sadd.s32 $0xE000, s0  }
0x6: {  	s10 =	sadd.s32 $0x2DC00, s0;
	s13 =	sshll.u32 s15, $0x5;
	s14 =	sshllo.u32 s15, $0x1  }
0x7: {  	s15 =	smul.u32 $0x6000, s15;
	_ =	strace $0x8000004A;
	s9 =	ssub.s32 $0x2, s6  }
0x8: {  	s16 =	sand.u32 $0x180, s13;
	s17 =	sshll.u32 s14, $0x4;
	s18 =	smul.u32 $0xC00, s6  }
0x9: {  	s13 =	sadd.s32 s10, s13;
	s14 =	smul.u32 $0x3000, s14;
	s28 =	sor.u32 $0x2, s6  }
0xa: {  	s5 =	sshrl.u32 s1, $0x3;
	s11 =	sshrl.u32 s9, $0x1;
	s12 =	sadd.s32 $0x8000, s1  }
0xb: {  	[dreg:$0x4] =	wrdreg s13;
	s29 =	sand.u32 $0x70, s17;
	s10 =	sadd.s32 s10, s16  }
0xc: {  	s20 =	smul.u32 $0xC00, s28;
	v2 =	vmov s28;
	s28 =	simm.s32 $0x0;
	s5 =	sadd.s32 s5, s0  }
0xd: {  	s0 =	sadd.s32 $0x55800, s0;
	s9 =	ssub.s32 s9, s11;
	s11 =	sadd.s32 $0x4000, s1  }
0xe: {  	s17 =	sor.u32 s18, s15;
	s19 =	sor.u32 s18, s14;
	s10 =	sadd.s32 s29, s10  }
0xf: {  	s29 =	smul.u32 $0xA0000, s6;
	s18 =	sadd.s32 s1, s3;
	s16 =	sshrl.u32 s17, $0x3  }
0x10: {  	[dreg:$0x5] =	wrdreg s10;
	s23 =	sshrl.u32 s19, $0x3;
	s24 =	sadd.s32 s15, s20  }
0x11: {  	s26 =	sadd.s32 s20, s14;
	s19 =	sadd.s32 s11, s3;
	s20 =	sadd.s32 s12, s3  }
0x12: {  	s22 =	sadd.s32 s7, s16;
	s17 =	sadd.s32 s8, s16;
	s30 =	sadd.s32 s7, s23  }
0x13: {  	s21 =	sadd.s32 s8, s23;
	s25 =	sshrl.u32 s24, $0x3;
	s13 =	sshrl.u32 s26, $0x3  }
0x14: {  	s10 =	sadd.s32 s1, s29;
	s14 =	sadd.s32 s29, s12;
	s16 =	sadd.s32 s1, s2  }
0x15: {  	s26 =	sadd.s32 $0x41680, s5;
	[dreg:$0x6] =	wrdreg s22;
	s22 =	sadd.s32 s7, s25  }
0x16: {  	s23 =	sadd.s32 s8, s25;
	s24 =	sadd.s32 s7, s13;
	s31 =	sadd.s32 s8, s13  }
0x17: {  	s13 =	sadd.s32 s29, s11;
	s7 =	sshrl.u32 s10, $0x3;
	[dreg:$0xa] =	wrdreg s16  }
0x18: {  	s10 =	sshrl.u32 s14, $0x3;
	s25 =	sadd.s32 $0x2DE00, s5;
	[dreg:$0xc] =	wrdreg s26  }
.Ltmp0:
0x19: {  	s29 =	smax.u32 s9, $0x1;
	[dreg:$0xb] =	wrdreg s25;
	(pc) =	sbr.rel .LBB2_1-.Ltmp0, $4  }
0x1a: {  	s8 =	sshrl.u32 s13, $0x3;
	s7 =	sadd.s32 s0, s7;
	[dreg:$0xd] =	wrdreg s29  }
0x1b: {  	s26 =	simm.s32 $0x3;
	[dreg:$0x7] =	wrdreg s7;
	s15 =	sadd.s32 s0, s8  }
0x1c: {  	v3 =	vlaneseq.u32;
	v1 =	vmov s6;
	s16 =	simm.s32 $0xC00;
	s0 =	sadd.s32 s0, s10;
	[dreg:$0x8] =	wrdreg s15  }
0x1d: {  	v0 =	vimm.f32 $0.0e+00;
	vm0 =	veq.s32 v1, v3;
	vm1 =	veq.s32 v2, v3;
	s25 =	simm.s32 $0x3000;
	[dreg:$0x9] =	wrdreg s0;
	s15 =	simm.s32 $0x1800  }
.LBB2_10:
0x1e: {  	[spmem:s3] =	stream.indirect.scatter.add.f32 @!p1 [tilespmem:s10], [sflag:$0x2], $0x80, s12, s11, $0xb8;
	[tilespmem:$0x1F100] =	vst v63  }
0x1f: {  	s5 =	simm.s32 @!p2 $0x80;
	_ =	swait.ge @!p2 [sflag:s13], $0x4000  }
0x20: {  	s6 =	simm.s32 @!p2 $0x3000;
	s7 =	sshra.s32 @!p2 s14, $0x2;
	[sflag:s13] =	ssyncset.done @!p2 $0x0  }
0x21: {  	s15 =	simm.s32 $0x1800;
	s16 =	simm.s32 $0xC00;
	[sflag:s13] =	ssyncadd.s32 @!p2 $0xFFFFC000  }
0x22: {  	[tilespmem:s6], [sflag:$0x1] =	stream.indirect.gather @!p2 [spmem:s2], $0x80, s7, s5, $0xb8;
	[tilespmem:$0x1F100] =	vst v63  }
.LBB2_11:
0x23: {  	s1 =	sld [smem:$0x7F5];
	_ =	sdelay $0x2  }
0x24: {  	p1 =	seq.s32 s1, $0x1  }
0x25: {  	s5 =	simm.s32 @!p1 $0x2  }
0x26: {  	p0 =	seq.s32 @!p1 s0, $0x1;
	_ =	swait.ge @!p1 [sflag:s5], $0x4000  }
0x27: {  	p0 =	por p0, p1;
	[sflag:s5] =	ssyncset.done @!p1 $0x0  }
0x28: {  	s0 =	simm.s32 @!p0 $0x2;
	[sflag:s5] =	ssyncadd.s32 @!p1 $0xFFFFC000  }
0x29: {  	_ =	swait.ge @!p0 [sflag:s0], $0x4000  }
0x2a: {  	[sflag:s0] =	ssyncset.done @!p0 $0x0  }
0x2b: {  	[sflag:s0] =	ssyncadd.s32 @!p0 $0xFFFFC000  }
0x2c: {  	[bflag:$0x0] =	sbarrier.arrive $0xFFFF  }
0x2d: {  	s9 =	sshrl.u32 s18, $0x3;
	s10 =	rddreg [dreg:$0x7]  }
0x2e: {  	[hbm:s10], [sflag:s29] =	dma.local [spmem:s9], $0x800  }
0x2f: {  	_ =	swait.ge [sflag:s26], $0x800  }
0x30: {  	[sflag:s26] =	ssyncset.done $0x0  }
0x31: {  	s11 =	sshrl.u32 s19, $0x3;
	s12 =	rddreg [dreg:$0x8];
	[sflag:s26] =	ssyncadd.s32 $0xFFFFF800  }
0x32: {  	[hbm:s12], [sflag:s29] =	dma.local [spmem:s11], $0x800  }
0x33: {  	_ =	swait.ge [sflag:s26], $0x800  }
0x34: {  	[sflag:s26] =	ssyncset.done $0x0  }
0x35: {  	s13 =	sshrl.u32 s20, $0x3;
	s14 =	rddreg [dreg:$0x9];
	[sflag:s26] =	ssyncadd.s32 $0xFFFFF800  }
0x36: {  	[hbm:s14], [sflag:s29] =	dma.local [spmem:s13], $0x400  }
0x37: {  	_ =	swait.ge [sflag:s26], $0x400  }
0x38: {  	s28 =	sadd.s32 $0x1, s28;
	s29 =	rddreg [dreg:$0xd]  }
0x39: {  	p0 =	sne.s32 s28, s29  }
.Ltmp1:
0x3a: {  	_ = 	snop;
	(pc) =	sbr.rel @!p0 .LBB2_12-.Ltmp1, $3  }
0x3b: {  	_ =	sdelay $0x1  }
0x3c: {  	[sflag:s26] =	ssyncset.done $0x0  }
0x3d: {  	[sflag:s26] =	ssyncadd.s32 $0xFFFFFC00  }
.LBB2_1:
0x3e: {  	s0 =	simm.s32 $0x0;
	s5 =	simm.s32 $0x200  }
.LBB2_2:
0x3f: {  	p0 =	sne.s32 s5, $0xFE00;
	[tilespmem:s0+$0x3070] =	vst v0  }
0x40: {  	[tilespmem:s0+$0x3000] =	vst v0  }
0x41: {  	[tilespmem:s0+$0x3010] =	vst v0  }
.Ltmp2:
0x42: {  	[tilespmem:s0+$0x3020] =	vst v0;
	(pc) =	sbr.rel @p0 .LBB2_2-.Ltmp2, $4  }
0x43: {  	[tilespmem:s0+$0x3030] =	vst v0  }
0x44: {  	[tilespmem:s0+$0x3040] =	vst v0  }
0x45: {  	[tilespmem:s0+$0x3050] =	vst v0  }
0x46: {  	[tilespmem:s0+$0x3060] =	vst v0;
	s0 =	sshra.s32 s5, $0x2;
	s5 =	sadd.s32 $0x200, s5  }
0x47: {  	[tilespmem:s0+$0x3070] =	vst v0  }
0x48: {  	[tilespmem:s0+$0x3000] =	vst v0  }
0x49: {  	[tilespmem:s0+$0x3010] =	vst v0  }
0x4a: {  	[tilespmem:s0+$0x3020] =	vst v0  }
0x4b: {  	[tilespmem:s0+$0x3030] =	vst v0  }
0x4c: {  	[tilespmem:s0+$0x3040] =	vst v0  }
0x4d: {  	[tilespmem:s0+$0x3050] =	vst v0  }
0x4e: {  	[tilespmem:s0+$0x3060] =	vst v0  }
0x4f: {  	[spmem:s18] =	stream.linear.scatter [tilespmem:s25], [sflag:$0x3], $0x4000, $0x38;
	[tilespmem:$0x1F100] =	vst v63  }
0x50: {  	_ =	swait.ge [sflag:s26], $0x4000  }
0x51: {  	[sflag:s26] =	ssyncset.done $0x0  }
0x52: {  	[sflag:s26] =	ssyncadd.s32 $0xFFFFC000  }
0x53: {  	[spmem:s19] =	stream.linear.scatter [tilespmem:s25], [sflag:$0x3], $0x4000, $0x38;
	[tilespmem:$0x1F100] =	vst v63  }
0x54: {  	_ =	swait.ge [sflag:s26], $0x4000  }
0x55: {  	[sflag:s26] =	ssyncset.done $0x0  }
0x56: {  	[sflag:s26] =	ssyncadd.s32 $0xFFFFC000  }
0x57: {  	[spmem:s20] =	stream.linear.scatter [tilespmem:s25], [sflag:$0x3], $0x2000, $0x38;
	[tilespmem:$0x1F100] =	vst v63  }
0x58: {  	_ =	swait.ge [sflag:s26], $0x2000  }
0x59: {  	[sflag:s26] =	ssyncset.done $0x0  }
0x5a: {  	s1 =	simm.s32 $0xB000;
	s11 =	rddreg [dreg:$0x4];
	[sflag:s26] =	ssyncadd.s32 $0xFFFFE000  }
0x5b: {  	[tilespmem:s1], [sflag:$0x3] =	stream.linear.gather [hbm4b:s11+s4], $0x80, $0x38;
	[tilespmem:$0x1F100] =	vst v63  }
0x5c: {  	_ =	swait.ge [sflag:s26], $0x80  }
0x5d: {  	s13 =	simm.s32 $0xB080;
	[sflag:s26] =	ssyncset.done $0x0  }
0x5e: {  	s14 =	stileid.u32;
	s12 =	rddreg [dreg:$0x5];
	[sflag:s26] =	ssyncadd.s32 $0xFFFFFF80  }
0x5f: {  	[tilespmem:s13], [sflag:$0x3] =	stream.linear.gather [hbm4b:s12+s4], $0x80, $0x38;
	[tilespmem:$0x1F100] =	vst v63  }
0x60: {  	s0 =	sshll.u32 s14, $0x6;
	_ =	swait.ge [sflag:s26], $0x80  }
0x61: {  	s29 =	sor.u32 $0x1C03, s0;
	[sflag:s26] =	ssyncset.done $0x0;
	s1 =	rddreg [dreg:$0xa]  }
0x62: {  	s5 =	rddreg [dreg:$0xb];
	[sflag:s26] =	ssyncadd.s32 $0xFFFFFF80;
	s0 =	sshrl.u32 s1, $0x3  }
0x63: {  	[spmem:s0], [sflag:s29] =	dma.local [hbm:s5], $0x1400  }
0x64: {  	_ =	swait.ge [sflag:s26], $0x1400  }
0x65: {  	[sflag:s26] =	ssyncset.done $0x0  }
0x66: {  	[sflag:s26] =	ssyncadd.s32 $0xFFFFEC00  }
0x67: {  	[bflag:$0x0] =	sbarrier.arrive $0xFFFF  }
0x68: {  	s5 =	rddreg [dreg:$0x6]  }
0x69: {  	[tilespmem:s4], [sflag:$0x3] =	stream.linear.gather [hbm4b:s5+s4], $0xC00, $0x38;
	[tilespmem:$0x1F100] =	vst v63  }
0x6a: {  	_ =	swait.ge [sflag:s26], $0xC00  }
0x6b: {  	[sflag:s26] =	ssyncset.done $0x0  }
0x6c: {  	[sflag:s26] =	ssyncadd.s32 $0xFFFFF400  }
0x6d: {  	[tilespmem:s15], [sflag:$0x3] =	stream.linear.gather [hbm4b:s17+s4], $0xC00, $0x38;
	[tilespmem:$0x1F100] =	vst v63  }
0x6e: {  	_ =	swait.ge [sflag:s26], $0xC00  }
0x6f: {  	[sflag:s26] =	ssyncset.done $0x0  }
0x70: {  	[sflag:s26] =	ssyncadd.s32 $0xFFFFF400  }
0x71: {  	[tilespmem:s16], [sflag:$0x3] =	stream.linear.gather [hbm4b:s30+s4], $0xC00, $0x38;
	[tilespmem:$0x1F100] =	vst v63  }
0x72: {  	_ =	swait.ge [sflag:s26], $0xC00  }
0x73: {  	[sflag:s26] =	ssyncset.done $0x0  }
0x74: {  	s6 =	simm.s32 $0x2400;
	[sflag:s26] =	ssyncadd.s32 $0xFFFFF400  }
0x75: {  	[tilespmem:s6], [sflag:$0x3] =	stream.linear.gather [hbm4b:s21+s4], $0xC00, $0x38;
	[tilespmem:$0x1F100] =	vst v63  }
0x76: {  	_ =	swait.ge [sflag:s26], $0xC00  }
0x77: {  	[sflag:s26] =	ssyncset.done $0x0  }
0x78: {  	[sflag:s26] =	ssyncadd.s32 $0xFFFFF400  }
0x79: {  	v1 =	vld [tilespmem:$0xB000];
	_ =	sdelay $0x1  }
0x7a: {  	v2 =	vld [tilespmem:$0xB080];
	_ =	sdelay $0x2  }
0x7b: {  	v1 =	vnsel vm0, $0x0, v1  }
0x7c: {  	(xrf0) =	vadd.scan.msk.s32 $0xffff, v1  }
0x7d: {  	v1 =	vnsel vm0, $0x0, v2  }
0x7e: {  	(xrf0) =	vadd.scan.msk.s32 $0xffff, v1;
	_ =	sdelay $0x3  }
0x7f: {  	v1, _, _ =	vpop (xrf0)  }
0x80: {  	(v2sf) =	vpush v1, $0xF  }
0x81: {  	v1, _, _ =	vpop (xrf0)  }
0x82: {  	(v2sf) =	vpush v1, $0xF;
	_ =	sdelay $0xc  }
0x83: {  	s7 =	spop (v2sf)  }
0x84: {  	s5 =	sadd.s32 $0x7F, s7  }
0x85: {  	s6 =	spop (v2sf);
	s7 =	sshra.s32 s5, $0x1F;
	s8 =	sand.u32 $0x7F, s5  }
0x86: {  	p0 =	slt.s32 s5, $0x1;
	s6 =	sadd.s32 $0x7F, s6;
	s7 =	sshrl.u32 s7, $0x19  }
0x87: {  	p1 =	sne.s32 s8, $0x0;
	s8 =	sand.u32 $0x7F, s6;
	s9 =	sshra.s32 s6, $0x1F  }
0x88: {  	p3 =	slt.s32 s6, $0x1;
	s5 =	sadd.s32 s7, s5;
	p0 =	por !p0, !p1  }
0x89: {  	p4 =	sne.s32 s8, $0x0;
	s8 =	sshrl.u32 s9, $0x19;
	s7 =	sshra.s32 s5, $0x7  }
0x8a: {  	p2 =	por !p0, !p0;
	s5 =	simm.s32 $0x1;
	p0 =	por !p3, !p4  }
0x8b: {  	s6 =	sadd.s32 s8, s6;
	s8 =	simm.s32 $0x1;
	p0 =	por !p0, !p0  }
0x8c: {  	s5 =	simm.s32 @!p2 $0x0;
	s9 =	sshra.s32 s6, $0x7;
	s8 =	simm.s32 @!p0 $0x0  }
0x8d: {  	s1 =	simm.s32 @!p2 $0x0;
	s6 =	ssub.s32 s7, s5;
	s10 =	ssub.s32 s9, s8  }
0x8e: {  	s1 =	simm.s32 @p2 $0x1;
	s5 =	sadd.s32 s6, s10  }
0x8f: {  	[smem:$0x7F9] =	sst s1;
	p0 =	slt.s32 s5, $0x1  }
0x90: {  	s11 =	sadd.s32 $0x1, s5;
	p5 =	slt.s32 s5, $0x0;
	p1 =	sgt.s32 @!p0 s6, $0x0  }
0x91: {  	s8 =	sshll.u32 @!p0 s6, $0x7;
	s9 =	simm.s32 @!p0 $0x80;
	s10 =	simm.s32 @!p0 $0x3000  }
0x92: {  	s1 =	simm.s32 @!p0 $0x0;
	s12 =	sand.u32 $0x1, s11;
	s13 =	sshrl.u32 s11, $0x1F  }
0x93: {  	s8 =	ssub.s32 @!p0 $0xC00, s8;
	p1 =	por !p1, p0;
	p6 =	seq.s32 s12, $0x1  }
0x94: {  	s1 =	simm.s32 @p0 $0x1;
	s8 =	simm.s32 @!p1 $0x0;
	p1 =	por !p5, !p6  }
0x95: {  	[tilespmem:s10], [sflag:$0x1] =	stream.indirect.gather @!p0 [spmem:s2], $0x80, s8, s9, $0xb8;
	[tilespmem:$0x1F100] =	vst v63  }
0x96: {  	s8 =	sadd.s32 s13, s11;
	p0 =	por !p1, !p1;
	s9 =	simm.s32 $0x1  }
0x97: {  	s8 =	sshra.s32 s8, $0x1;
	s9 =	simm.s32 @!p0 $0x0  }
0x98: {  	s9 =	ssub.s32 s8, s9  }
0x99: {  	p3 =	slt.s32 s9, $0x1  }
0x9a: {  	[smem:$0x7FA] =	sst s1;
	s1 =	simm.s32 @!p0 $0x0;
	p4 =	slt.s32 @!p3 s5, $0x1  }
0x9b: {  	s1 =	simm.s32 @p0 $0x1;
	p5 =	por p4, p3  }
0x9c: {  	[smem:$0x7FB] =	sst s1;
	p1 =	sgt.s32 @!p5 s6, $0x0;
	s10 =	simm.s32 @!p5 $0x1  }
0x9d: {  	s11 =	sshll.u32 @!p5 s6, $0x9;
	s13 =	simm.s32 @!p5 $0x3000;
	p6 =	seq.s32 @!p5 s5, $0x1  }
0x9e: {  	p1 =	por @!p3 !p1, p4;
	_ =	swait.ge @!p5 [sflag:s10], $0x4000;
	s12 =	ssub.s32 @!p5 $0x3000, s11  }
0x9f: {  	s1 =	simm.s32 @!p6 $0x0;
	p1 =	por !p1, p3;
	[sflag:s10] =	ssyncset.done @!p5 $0x0  }
0xa0: {  	s1 =	simm.s32 @p6 $0x1;
	s12 =	simm.s32 @p1 $0x0;
	[sflag:s10] =	ssyncadd.s32 @!p5 $0xFFFFC000  }
0xa1: {  	p1 =	por @!p3 p6, p4;
	[smem:$0x7FD] =	sst s1;
	s10 =	sshra.s32 @!p5 s12, $0x2  }
0xa2: {  	s12 =	simm.s32 @!p5 $0x80;
	p1 =	por p1, p3;
	s10 =	sadd.s32 @!p5 $0x1800, s10  }
0xa3: {  	p2 =	sgt.s32 @!p1 s6, $0x1;
	p0 =	slt.u32 @!p1 s5, $0x3;
	s14 =	simm.s32 @!p1 $0x1  }
0xa4: {  	[spmem:s3] =	stream.indirect.scatter.add.f32 @!p5 [tilespmem:s13], [sflag:$0x2], $0x80, s10, s12, $0xb8;
	[tilespmem:$0x1F100] =	vst v63  }
0xa5: {  	p2 =	por @!p5 !p2, p6;
	s10 =	sshll.u32 @!p1 s6, $0x7;
	s12 =	simm.s32 @!p1 $0x80  }
0xa6: {  	s13 =	simm.s32 @!p1 $0x7000;
	s1 =	simm.s32 @!p0 $0x0;
	p2 =	por @!p3 !p2, p4  }
0xa7: {  	s10 =	ssub.s32 @!p1 $0xC80, s10;
	s1 =	simm.s32 @p0 $0x1;
	p2 =	por !p2, p3  }
0xa8: {  	[smem:$0x7FC] =	sst s1;
	s10 =	simm.s32 @!p2 $0x80;
	p2 =	por @!p5 p0, p6  }
0xa9: {  	[tilespmem:s13], [sflag:$0x1] =	stream.indirect.gather @!p1 [spmem:s2], $0x80, s10, s12, $0xb8;
	[tilespmem:$0x1F100] =	vst v63  }
0xaa: {  	p2 =	por @!p3 p2, p4;
	_ =	swait.ge @!p1 [sflag:s14], $0x4000  }
0xab: {  	s10 =	sadd.s32 @!p1 $0x1800, s10;
	[sflag:s14] =	ssyncset.done @!p1 $0x0;
	s1 =	sld [smem:$0x7FC]  }
0xac: {  	p2 =	por p2, p3;
	[sflag:s14] =	ssyncadd.s32 @!p1 $0xFFFFC000;
	s14 =	sld [smem:$0x7FD]  }
0xad: {  	[spmem:s3] =	stream.indirect.scatter.add.f32 @!p1 [tilespmem:s13], [sflag:$0x2], $0x80, s10, s12, $0xb8;
	[tilespmem:$0x1F100] =	vst v63  }
0xae: {  	p0 =	sgt.s32 @!p2 s6, $0x2;
	p6 =	seq.s32 s1, $0x1  }
0xaf: {  	p0 =	por @!p1 !p0, p6;
	p1 =	seq.s32 s14, $0x1  }
0xb0: {  	p0 =	por @!p5 !p0, p1  }
0xb1: {  	p0 =	por @!p3 !p0, p4  }
0xb2: {  	s11 =	ssub.s32 @!p2 $0x3400, s11;
	p0 =	por !p0, p3  }
0xb3: {  	s11 =	simm.s32 @p0 $0x400;
	p0 =	seq.s32 @!p3 s9, $0x1  }
0xb4: {  	p0 =	por p3, p0  }
.Ltmp3:
0xb5: {  	s10 =	simm.s32 @!p2 $0x2;
	(pc) =	sbr.rel @p0 .LBB2_7-.Ltmp3, $4  }
0xb6: {  	_ =	swait.ge @!p2 [sflag:s10], $0x4000  }
0xb7: {  	s12 =	simm.s32 @!p2 $0x3000;
	[sflag:s10] =	ssyncset.done @!p2 $0x0  }
0xb8: {  	[sflag:s10] =	ssyncadd.s32 @!p2 $0xFFFFC000;
	s10 =	sshra.s32 @!p2 s11, $0x2;
	s11 =	simm.s32 @!p2 $0x80  }
0xb9: {  	[tilespmem:s12], [sflag:$0x1] =	stream.indirect.gather @!p2 [spmem:s2], $0x80, s10, s11, $0xb8;
	[tilespmem:$0x1F100] =	vst v63  }
0xba: {  	s1 =	smov.u32 s31  }
0xbb: {  	s31 =	smov.u32 s24;
	s24 =	smov.u32 s23;
	s23 =	smov.u32 s22  }
0xbc: {  	s22 =	smov.u32 s21;
	s21 =	smov.u32 s30;
	s11 =	sld [smem:$0x7FB]  }
0xbd: {  	s30 =	smov.u32 s17;
	s9 =	simm.s32 $0xFFFFFFFF;
	s17 =	sld [smem:$0x7F9]  }
0xbe: {  	s10 =	simm.s32 $0xFFFFFFFF;
	p2 =	sle.s32 s5, $0x2;
	s13 =	simm.s32 $0x3  }
0xbf: {  	p1 =	sle.s32 s5, $0x3;
	s16 =	simm.s32 $0x4;
	p0 =	seq.s32 s11, $0x1  }
0xc0: {  	s12 =	simm.s32 @!p2 $0x1;
	s9 =	simm.s32 @!p0 $0x0;
	p0 =	seq.s32 s17, $0x1  }
0xc1: {  	s14 =	simm.s32 @!p1 $0x2;
	_ =	swait.ge @!p2 [sflag:s12], $0x4000;
	s10 =	simm.s32 @!p0 $0x0  }
0xc2: {  	s15 =	simm.s32 @!p2 $0x3000;
	[sflag:s12] =	ssyncset.done @!p2 $0x0;
	s7 =	sadd.s32 s10, s7  }
0xc3: {  	s11 =	simm.s32 $0x2;
	[sflag:s12] =	ssyncadd.s32 @!p2 $0xFFFFC000;
	s7 =	ssub.s32 $0x0, s7  }
0xc4: {  	s12 =	simm.s32 @!p2 $0x80;
	p0 =	sgt.s32 @!p2 s6, $0x2;
	s10 =	sadd.s32 @!p2 $0x0, s7  }
0xc5: {  	s8 =	sadd.s32 s9, s8;
	p0 =	por !p0, p2;
	s10 =	sadd.s32 @!p2 $0x1A, s10  }
0xc6: {  	s9 =	sadd.s32 $0xFFFFFFFF, s8;
	s8 =	simm.s32 $0x2;
	s11 =	smov.u32 @p0 s10  }
0xc7: {  	p0 =	sgt.s32 @!p1 s6, $0x3;
	s10 =	sshll.u32 @!p2 s11, $0x9;
	s11 =	sadd.s32 @!p1 $0x0, s7  }
0xc8: {  	p0 =	por !p0, p1;
	s10 =	sshra.s32 @!p2 s10, $0x2;
	s11 =	sadd.s32 @!p1 $0x1B, s11  }
0xc9: {  	s9 =	sadd.s32 $0xFFFFFFFF, s9;
	s10 =	sadd.s32 @!p2 $0x1800, s10;
	s13 =	smov.u32 @p0 s11  }
0xca: {  	[spmem:s3] =	stream.indirect.scatter.add.f32 @!p2 [tilespmem:s15], [sflag:$0x2], $0x80, s10, s12, $0xb8;
	[tilespmem:$0x1F100] =	vst v63  }
0xcb: {  	p3 =	sne.s32 s9, $0x0;
	s11 =	simm.s32 @!p1 $0x7000;
	s10 =	sshll.u32 @!p1 s13, $0x7  }
0xcc: {  	s12 =	simm.s32 @!p1 $0x80;
	p2 =	sle.s32 s5, $0x4;
	_ =	swait.ge @!p1 [sflag:s14], $0x4000  }
0xcd: {  	s15 =	simm.s32 @!p1 $0x1;
	p0 =	sgt.s32 @!p2 s6, $0x4;
	[sflag:s14] =	ssyncset.done @!p1 $0x0  }
.Ltmp4:
0xce: {  	s13 =	sadd.s32 @!p2 $0x0, s7;
	[sflag:s14] =	ssyncadd.s32 @!p1 $0xFFFFC000;
	(pc) =	sbr.rel @!p3 .LBB2_6-.Ltmp4, $4  }
0xcf: {  	[tilespmem:s11], [sflag:$0x1] =	stream.indirect.gather @!p1 [spmem:s2], $0x80, s10, s12, $0xb8;
	[tilespmem:$0x1F100] =	vst v63  }
0xd0: {  	p0 =	por !p0, p2;
	s14 =	sadd.s32 @!p2 $0x1C, s13;
	_ =	swait.ge @!p1 [sflag:s15], $0x4000  }
0xd1: {  	s13 =	sadd.s32 @!p1 $0x1800, s10;
	s16 =	smov.u32 @p0 s14;
	[sflag:s15] =	ssyncset.done @!p1 $0x0  }
0xd2: {  	s14 =	simm.s32 @!p2 $0x2;
	[sflag:s15] =	ssyncadd.s32 @!p1 $0xFFFFC000;
	s15 =	sshll.u32 @!p2 s16, $0x9  }
.LBB2_5:
0xd3: {  	[spmem:s3] =	stream.indirect.scatter.add.f32 @!p1 [tilespmem:s11], [sflag:$0x2], $0x80, s13, s12, $0xb8;
	[tilespmem:$0x1F100] =	vst v63  }
0xd4: {  	s10 =	smov.u32 s8;
	s11 =	simm.s32 @!p2 $0x80  }
0xd5: {  	s12 =	simm.s32 @!p2 $0x3000;
	s8 =	sadd.s32 $0x2, s8;
	_ =	swait.ge @!p2 [sflag:s14], $0x4000  }
0xd6: {  	s13 =	sshra.s32 @!p2 s15, $0x2;
	s9 =	sadd.s32 $0xFFFFFFFF, s9;
	[sflag:s14] =	ssyncset.done @!p2 $0x0  }
0xd7: {  	p4 =	sge.s32 s8, s5;
	p3 =	sne.s32 s9, $0x0;
	[sflag:s14] =	ssyncadd.s32 @!p2 $0xFFFFC000  }
0xd8: {  	[tilespmem:s12], [sflag:$0x1] =	stream.indirect.gather @!p2 [spmem:s2], $0x80, s13, s11, $0xb8;
	[tilespmem:$0x1F100] =	vst v63  }
0xd9: {  	p0 =	slt.s32 @!p4 s8, s6;
	s11 =	sadd.s32 @!p4 s10, s7;
	s12 =	simm.s32 @!p4 $0x1  }
0xda: {  	p0 =	por !p0, p4;
	s13 =	smov.u32 s8;
	s11 =	sadd.s32 @!p4 $0x1A, s11  }
0xdb: {  	s13 =	smov.u32 @p0 s11  }
0xdc: {  	s11 =	sshll.u32 @!p4 s13, $0x9;
	s13 =	sadd.s32 $0x3, s10;
	_ =	swait.ge @!p4 [sflag:s12], $0x4000  }
0xdd: {  	s11 =	sshra.s32 @!p4 s11, $0x2;
	p1 =	sge.s32 s13, s5;
	[sflag:s12] =	ssyncset.done @!p4 $0x0  }
0xde: {  	[sflag:s12] =	ssyncadd.s32 @!p4 $0xFFFFC000;
	s12 =	sadd.s32 @!p4 $0x1800, s11;
	s11 =	sadd.s32 @!p1 s10, s7  }
0xdf: {  	s14 =	simm.s32 @!p1 $0x2;
	p0 =	slt.s32 @!p1 s13, s6;
	s11 =	sadd.s32 @!p1 $0x1B, s11  }
0xe0: {  	s15 =	simm.s32 @!p4 $0x80;
	s16 =	simm.s32 @!p4 $0x3000;
	p0 =	por !p0, p1  }
0xe1: {  	s17 =	sadd.s32 $0x4, s10;
	s13 =	smov.u32 @p0 s11;
	s11 =	simm.s32 @!p1 $0x7000  }
0xe2: {  	[spmem:s3] =	stream.indirect.scatter.add.f32 @!p4 [tilespmem:s16], [sflag:$0x2], $0x80, s12, s15, $0xb8;
	[tilespmem:$0x1F100] =	vst v63  }
0xe3: {  	s15 =	sshll.u32 @!p1 s13, $0x7;
	s12 =	simm.s32 @!p1 $0x80;
	_ =	swait.ge @!p1 [sflag:s14], $0x4000  }
0xe4: {  	s16 =	simm.s32 @!p1 $0x1;
	s13 =	sadd.s32 @!p1 $0x1800, s15;
	[sflag:s14] =	ssyncset.done @!p1 $0x0  }
0xe5: {  	p2 =	sge.s32 s17, s5;
	[sflag:s14] =	ssyncadd.s32 @!p1 $0xFFFFC000  }
.Ltmp5:
0xe6: {  	s10 =	sadd.s32 @!p2 s10, s7;
	p0 =	slt.s32 @!p2 s17, s6;
	(pc) =	sbr.rel @p3 .LBB2_5-.Ltmp5, $4  }
0xe7: {  	[tilespmem:s11], [sflag:$0x1] =	stream.indirect.gather @!p1 [spmem:s2], $0x80, s15, s12, $0xb8;
	[tilespmem:$0x1F100] =	vst v63  }
0xe8: {  	s10 =	sadd.s32 @!p2 $0x1C, s10;
	p0 =	por !p0, p2;
	_ =	swait.ge @!p1 [sflag:s16], $0x4000  }
0xe9: {  	s17 =	smov.u32 @p0 s10;
	[sflag:s16] =	ssyncset.done @!p1 $0x0  }
0xea: {  	s14 =	simm.s32 @!p2 $0x2;
	s15 =	sshll.u32 @!p2 s17, $0x9;
	[sflag:s16] =	ssyncadd.s32 @!p1 $0xFFFFC000  }
.LBB2_6:
0xeb: {  	[spmem:s3] =	stream.indirect.scatter.add.f32 @!p1 [tilespmem:s11], [sflag:$0x2], $0x80, s13, s12, $0xb8;
	[tilespmem:$0x1F100] =	vst v63  }
0xec: {  	s6 =	simm.s32 @!p2 $0x80;
	s7 =	simm.s32 @!p2 $0x3000;
	s8 =	sshra.s32 @!p2 s15, $0x2  }
0xed: {  	s17 =	smov.u32 s30;
	s30 =	smov.u32 s21;
	s21 =	smov.u32 s22  }
0xee: {  	s22 =	smov.u32 s23;
	s23 =	smov.u32 s24;
	_ =	swait.ge @!p2 [sflag:s14], $0x4000  }
0xef: {  	s24 =	smov.u32 s31;
	s31 =	smov.u32 s1;
	[sflag:s14] =	ssyncset.done @!p2 $0x0  }
0xf0: {  	s15 =	simm.s32 $0x1800;
	s16 =	simm.s32 $0xC00;
	[sflag:s14] =	ssyncadd.s32 @!p2 $0xFFFFC000  }
0xf1: {  	[tilespmem:s7], [sflag:$0x1] =	stream.indirect.gather @!p2 [spmem:s2], $0x80, s8, s6, $0xb8;
	[tilespmem:$0x1F100] =	vst v63  }
.LBB2_7:
0xf2: {  	s1 =	sld [smem:$0x7FA];
	_ =	sdelay $0x2  }
0xf3: {  	p1 =	seq.s32 s1, $0x1  }
0xf4: {  	s6 =	simm.s32 @!p1 $0x2  }
0xf5: {  	p0 =	seq.s32 @!p1 s5, $0x1;
	_ =	swait.ge @!p1 [sflag:s6], $0x4000  }
0xf6: {  	p0 =	por p0, p1;
	[sflag:s6] =	ssyncset.done @!p1 $0x0  }
0xf7: {  	s5 =	simm.s32 @!p0 $0x2;
	[sflag:s6] =	ssyncadd.s32 @!p1 $0xFFFFC000  }
0xf8: {  	_ =	swait.ge @!p0 [sflag:s5], $0x4000  }
0xf9: {  	[sflag:s5] =	ssyncset.done @!p0 $0x0  }
0xfa: {  	[sflag:s5] =	ssyncadd.s32 @!p0 $0xFFFFC000  }
0xfb: {  	[bflag:$0x0] =	sbarrier.arrive $0xFFFF  }
0xfc: {  	s11 =	rddreg [dreg:$0xc]  }
0xfd: {  	[spmem:s0], [sflag:s29] =	dma.local [hbm:s11], $0x1400  }
0xfe: {  	_ =	swait.ge [sflag:s26], $0x1400  }
0xff: {  	[sflag:s26] =	ssyncset.done $0x0  }
0x100: {  	[sflag:s26] =	ssyncadd.s32 $0xFFFFEC00  }
0x101: {  	[bflag:$0x0] =	sbarrier.arrive $0xFFFF  }
0x102: {  	[tilespmem:s4], [sflag:$0x3] =	stream.linear.gather [hbm4b:s22+s4], $0xC00, $0x38;
	[tilespmem:$0x1F100] =	vst v63  }
0x103: {  	_ =	swait.ge [sflag:s26], $0xC00  }
0x104: {  	[sflag:s26] =	ssyncset.done $0x0  }
0x105: {  	[sflag:s26] =	ssyncadd.s32 $0xFFFFF400  }
0x106: {  	[tilespmem:s15], [sflag:$0x3] =	stream.linear.gather [hbm4b:s23+s4], $0xC00, $0x38;
	[tilespmem:$0x1F100] =	vst v63  }
0x107: {  	_ =	swait.ge [sflag:s26], $0xC00  }
0x108: {  	[sflag:s26] =	ssyncset.done $0x0  }
0x109: {  	[sflag:s26] =	ssyncadd.s32 $0xFFFFF400  }
0x10a: {  	[tilespmem:s16], [sflag:$0x3] =	stream.linear.gather [hbm4b:s24+s4], $0xC00, $0x38;
	[tilespmem:$0x1F100] =	vst v63  }
0x10b: {  	_ =	swait.ge [sflag:s26], $0xC00  }
0x10c: {  	[sflag:s26] =	ssyncset.done $0x0  }
0x10d: {  	s12 =	simm.s32 $0x2400;
	[sflag:s26] =	ssyncadd.s32 $0xFFFFF400  }
0x10e: {  	[tilespmem:s12], [sflag:$0x3] =	stream.linear.gather [hbm4b:s31+s4], $0xC00, $0x38;
	[tilespmem:$0x1F100] =	vst v63  }
0x10f: {  	_ =	swait.ge [sflag:s26], $0xC00  }
0x110: {  	[sflag:s26] =	ssyncset.done $0x0  }
0x111: {  	[sflag:s26] =	ssyncadd.s32 $0xFFFFF400  }
0x112: {  	v1 =	vld [tilespmem:$0xB000];
	_ =	sdelay $0x1  }
0x113: {  	v2 =	vld [tilespmem:$0xB080];
	_ =	sdelay $0x2  }
0x114: {  	v1 =	vnsel vm1, $0x0, v1  }
0x115: {  	(xrf0) =	vadd.scan.msk.s32 $0xffff, v1  }
0x116: {  	v1 =	vnsel vm1, $0x0, v2  }
0x117: {  	(xrf0) =	vadd.scan.msk.s32 $0xffff, v1;
	_ =	sdelay $0x3  }
0x118: {  	v1, _, _ =	vpop (xrf0)  }
0x119: {  	(v2sf) =	vpush v1, $0xF  }
0x11a: {  	v1, _, _ =	vpop (xrf0)  }
0x11b: {  	(v2sf) =	vpush v1, $0xF;
	_ =	sdelay $0xc  }
0x11c: {  	s13 =	spop (v2sf)  }
0x11d: {  	s0 =	sadd.s32 $0x7F, s13  }
0x11e: {  	s14 =	spop (v2sf);
	s1 =	sshra.s32 s0, $0x1F;
	s7 =	sand.u32 $0x7F, s0  }
0x11f: {  	p1 =	slt.s32 s0, $0x1;
	s5 =	sadd.s32 $0x7F, s14;
	s6 =	sshrl.u32 s1, $0x19  }
0x120: {  	p2 =	sne.s32 s7, $0x0;
	s8 =	sand.u32 $0x7F, s5;
	s9 =	sshra.s32 s5, $0x1F  }
0x121: {  	p3 =	slt.s32 s5, $0x1;
	s0 =	sadd.s32 s6, s0;
	p0 =	por !p1, !p2  }
0x122: {  	p4 =	sne.s32 s8, $0x0;
	s7 =	sshrl.u32 s9, $0x19;
	s6 =	sshra.s32 s0, $0x7  }
0x123: {  	p2 =	por !p0, !p0;
	s0 =	simm.s32 $0x1;
	p0 =	por !p3, !p4  }
0x124: {  	s5 =	sadd.s32 s7, s5;
	s7 =	simm.s32 $0x1;
	p0 =	por !p0, !p0  }
0x125: {  	s0 =	simm.s32 @!p2 $0x0;
	s8 =	sshra.s32 s5, $0x7;
	s7 =	simm.s32 @!p0 $0x0  }
0x126: {  	s1 =	simm.s32 @!p2 $0x0;
	s5 =	ssub.s32 s6, s0;
	s10 =	ssub.s32 s8, s7  }
0x127: {  	s1 =	simm.s32 @p2 $0x1;
	s0 =	sadd.s32 s5, s10  }
0x128: {  	[smem:$0x7F4] =	sst s1;
	p0 =	slt.s32 s0, $0x1  }
0x129: {  	s11 =	sadd.s32 $0x1, s0;
	p5 =	slt.s32 s0, $0x0;
	p1 =	sgt.s32 @!p0 s5, $0x0  }
0x12a: {  	s7 =	sshll.u32 @!p0 s5, $0x7;
	s8 =	simm.s32 @!p0 $0x80;
	s9 =	simm.s32 @!p0 $0x3000  }
0x12b: {  	s1 =	simm.s32 @!p0 $0x0;
	s12 =	sand.u32 $0x1, s11;
	s13 =	sshrl.u32 s11, $0x1F  }
0x12c: {  	s7 =	ssub.s32 @!p0 $0xC00, s7;
	p1 =	por !p1, p0;
	p6 =	seq.s32 s12, $0x1  }
0x12d: {  	s1 =	simm.s32 @p0 $0x1;
	s7 =	simm.s32 @!p1 $0x0;
	p1 =	por !p5, !p6  }
0x12e: {  	[tilespmem:s9], [sflag:$0x1] =	stream.indirect.gather @!p0 [spmem:s2], $0x80, s7, s8, $0xb8;
	[tilespmem:$0x1F100] =	vst v63  }
0x12f: {  	s7 =	sadd.s32 s13, s11;
	p0 =	por !p1, !p1;
	s8 =	simm.s32 $0x1  }
0x130: {  	s7 =	sshra.s32 s7, $0x1;
	s8 =	simm.s32 @!p0 $0x0  }
0x131: {  	s8 =	ssub.s32 s7, s8  }
0x132: {  	p3 =	slt.s32 s8, $0x1  }
0x133: {  	[smem:$0x7F5] =	sst s1;
	s1 =	simm.s32 @!p0 $0x0;
	p4 =	slt.s32 @!p3 s0, $0x1  }
0x134: {  	s1 =	simm.s32 @p0 $0x1;
	p5 =	por p4, p3  }
0x135: {  	[smem:$0x7F6] =	sst s1;
	p1 =	sgt.s32 @!p5 s5, $0x0  }
0x136: {  	s9 =	simm.s32 @!p5 $0x1;
	s10 =	sshll.u32 @!p5 s5, $0x9;
	s12 =	simm.s32 @!p5 $0x3000  }
0x137: {  	p6 =	seq.s32 @!p5 s0, $0x1;
	p1 =	por @!p3 !p1, p4;
	_ =	swait.ge @!p5 [sflag:s9], $0x4000  }
0x138: {  	s11 =	ssub.s32 @!p5 $0x3000, s10;
	s1 =	simm.s32 @!p6 $0x0;
	p1 =	por !p1, p3  }
0x139: {  	[sflag:s9] =	ssyncset.done @!p5 $0x0;
	s1 =	simm.s32 @p6 $0x1;
	s11 =	simm.s32 @p1 $0x0  }
0x13a: {  	[sflag:s9] =	ssyncadd.s32 @!p5 $0xFFFFC000;
	p1 =	por @!p3 p6, p4;
	[smem:$0x7F8] =	sst s1  }
0x13b: {  	s9 =	sshra.s32 @!p5 s11, $0x2;
	s11 =	simm.s32 @!p5 $0x80;
	p1 =	por p1, p3  }
0x13c: {  	s9 =	sadd.s32 @!p5 $0x1800, s9;
	p2 =	sgt.s32 @!p1 s5, $0x1;
	p0 =	slt.u32 @!p1 s0, $0x3  }
0x13d: {  	[spmem:s3] =	stream.indirect.scatter.add.f32 @!p5 [tilespmem:s12], [sflag:$0x2], $0x80, s9, s11, $0xb8;
	[tilespmem:$0x1F100] =	vst v63  }
0x13e: {  	s13 =	simm.s32 @!p1 $0x1;
	p2 =	por @!p5 !p2, p6;
	s9 =	sshll.u32 @!p1 s5, $0x7  }
0x13f: {  	s11 =	simm.s32 @!p1 $0x80;
	s1 =	simm.s32 @!p0 $0x0;
	p2 =	por @!p3 !p2, p4  }
0x140: {  	s9 =	ssub.s32 @!p1 $0xC80, s9;
	s1 =	simm.s32 @p0 $0x1;
	p2 =	por !p2, p3  }
0x141: {  	s12 =	simm.s32 @!p1 $0x7000;
	[smem:$0x7F7] =	sst s1;
	s9 =	simm.s32 @!p2 $0x80  }
0x142: {  	[tilespmem:s12], [sflag:$0x1] =	stream.indirect.gather @!p1 [spmem:s2], $0x80, s9, s11, $0xb8;
	[tilespmem:$0x1F100] =	vst v63  }
0x143: {  	_ =	swait.ge @!p1 [sflag:s13], $0x4000  }
0x144: {  	p2 =	por @!p5 p0, p6;
	s14 =	sld [smem:$0x7F7]  }
0x145: {  	p2 =	por @!p3 p2, p4  }
0x146: {  	p2 =	por p2, p3  }
0x147: {  	[sflag:s13] =	ssyncset.done @!p1 $0x0;
	p6 =	seq.s32 s14, $0x1;
	s14 =	sld [smem:$0x7F8]  }
0x148: {  	s9 =	sadd.s32 @!p1 $0x1800, s9;
	p0 =	sgt.s32 @!p2 s5, $0x2;
	[sflag:s13] =	ssyncadd.s32 @!p1 $0xFFFFC000  }
0x149: {  	[spmem:s3] =	stream.indirect.scatter.add.f32 @!p1 [tilespmem:s12], [sflag:$0x2], $0x80, s9, s11, $0xb8;
	[tilespmem:$0x1F100] =	vst v63  }
0x14a: {  	p0 =	por @!p1 !p0, p6;
	p1 =	seq.s32 s14, $0x1  }
0x14b: {  	p0 =	por @!p5 !p0, p1  }
0x14c: {  	p0 =	por @!p3 !p0, p4  }
0x14d: {  	s10 =	ssub.s32 @!p2 $0x3400, s10;
	p0 =	por !p0, p3  }
0x14e: {  	s10 =	simm.s32 @p0 $0x400;
	p0 =	seq.s32 @!p3 s8, $0x1  }
0x14f: {  	p0 =	por p3, p0  }
.Ltmp6:
0x150: {  	s9 =	simm.s32 @!p2 $0x2;
	(pc) =	sbr.rel @p0 .LBB2_11-.Ltmp6, $4  }
0x151: {  	_ =	swait.ge @!p2 [sflag:s9], $0x4000  }
0x152: {  	s11 =	simm.s32 @!p2 $0x3000;
	[sflag:s9] =	ssyncset.done @!p2 $0x0  }
0x153: {  	[sflag:s9] =	ssyncadd.s32 @!p2 $0xFFFFC000;
	s9 =	sshra.s32 @!p2 s10, $0x2;
	s10 =	simm.s32 @!p2 $0x80  }
0x154: {  	[tilespmem:s11], [sflag:$0x1] =	stream.indirect.gather @!p2 [spmem:s2], $0x80, s9, s10, $0xb8;
	[tilespmem:$0x1F100] =	vst v63  }
0x155: {  	s1 =	sld [smem:$0x7F6]  }
0x156: {  	s8 =	simm.s32 $0xFFFFFFFF;
	s16 =	sld [smem:$0x7F4]  }
0x157: {  	s9 =	simm.s32 $0xFFFFFFFF;
	p2 =	sle.s32 s0, $0x2;
	s10 =	simm.s32 $0x2  }
0x158: {  	s12 =	simm.s32 $0x3;
	p1 =	sle.s32 s0, $0x3;
	p0 =	seq.s32 s1, $0x1  }
0x159: {  	s11 =	simm.s32 @!p2 $0x1;
	s8 =	simm.s32 @!p0 $0x0;
	p0 =	seq.s32 s16, $0x1  }
0x15a: {  	s15 =	simm.s32 $0x4;
	_ =	swait.ge @!p2 [sflag:s11], $0x4000;
	s9 =	simm.s32 @!p0 $0x0  }
0x15b: {  	s13 =	simm.s32 @!p1 $0x2;
	[sflag:s11] =	ssyncset.done @!p2 $0x0;
	s6 =	sadd.s32 s9, s6  }
0x15c: {  	s14 =	simm.s32 @!p2 $0x3000;
	[sflag:s11] =	ssyncadd.s32 @!p2 $0xFFFFC000;
	s6 =	ssub.s32 $0x0, s6  }
0x15d: {  	s11 =	simm.s32 @!p2 $0x80;
	p0 =	sgt.s32 @!p2 s5, $0x2;
	s9 =	sadd.s32 @!p2 $0x0, s6  }
0x15e: {  	s7 =	sadd.s32 s8, s7;
	p0 =	por !p0, p2;
	s9 =	sadd.s32 @!p2 $0x1A, s9  }
0x15f: {  	s8 =	sadd.s32 $0xFFFFFFFF, s7;
	s7 =	simm.s32 $0x2;
	s10 =	smov.u32 @p0 s9  }
0x160: {  	p0 =	sgt.s32 @!p1 s5, $0x3;
	s9 =	sshll.u32 @!p2 s10, $0x9;
	s10 =	sadd.s32 @!p1 $0x0, s6  }
0x161: {  	p0 =	por !p0, p1;
	s9 =	sshra.s32 @!p2 s9, $0x2;
	s10 =	sadd.s32 @!p1 $0x1B, s10  }
0x162: {  	s8 =	sadd.s32 $0xFFFFFFFF, s8;
	s9 =	sadd.s32 @!p2 $0x1800, s9;
	s12 =	smov.u32 @p0 s10  }
0x163: {  	[spmem:s3] =	stream.indirect.scatter.add.f32 @!p2 [tilespmem:s14], [sflag:$0x2], $0x80, s9, s11, $0xb8;
	[tilespmem:$0x1F100] =	vst v63  }
0x164: {  	p3 =	sne.s32 s8, $0x0;
	s10 =	simm.s32 @!p1 $0x7000;
	s9 =	sshll.u32 @!p1 s12, $0x7  }
0x165: {  	s11 =	simm.s32 @!p1 $0x80;
	p2 =	sle.s32 s0, $0x4;
	_ =	swait.ge @!p1 [sflag:s13], $0x4000  }
0x166: {  	s14 =	simm.s32 @!p1 $0x1;
	p0 =	sgt.s32 @!p2 s5, $0x4;
	[sflag:s13] =	ssyncset.done @!p1 $0x0  }
.Ltmp7:
0x167: {  	s12 =	sadd.s32 @!p2 $0x0, s6;
	[sflag:s13] =	ssyncadd.s32 @!p1 $0xFFFFC000;
	(pc) =	sbr.rel @!p3 .LBB2_10-.Ltmp7, $4  }
0x168: {  	[tilespmem:s10], [sflag:$0x1] =	stream.indirect.gather @!p1 [spmem:s2], $0x80, s9, s11, $0xb8;
	[tilespmem:$0x1F100] =	vst v63  }
0x169: {  	p0 =	por !p0, p2;
	s13 =	sadd.s32 @!p2 $0x1C, s12;
	_ =	swait.ge @!p1 [sflag:s14], $0x4000  }
0x16a: {  	s12 =	sadd.s32 @!p1 $0x1800, s9;
	s15 =	smov.u32 @p0 s13;
	[sflag:s14] =	ssyncset.done @!p1 $0x0  }
0x16b: {  	s13 =	simm.s32 @!p2 $0x2;
	[sflag:s14] =	ssyncadd.s32 @!p1 $0xFFFFC000;
	s14 =	sshll.u32 @!p2 s15, $0x9  }
.LBB2_9:
0x16c: {  	[spmem:s3] =	stream.indirect.scatter.add.f32 @!p1 [tilespmem:s10], [sflag:$0x2], $0x80, s12, s11, $0xb8;
	[tilespmem:$0x1F100] =	vst v63  }
0x16d: {  	s9 =	smov.u32 s7;
	s10 =	simm.s32 @!p2 $0x80  }
0x16e: {  	s11 =	simm.s32 @!p2 $0x3000;
	s7 =	sadd.s32 $0x2, s7;
	_ =	swait.ge @!p2 [sflag:s13], $0x4000  }
0x16f: {  	s12 =	sshra.s32 @!p2 s14, $0x2;
	s8 =	sadd.s32 $0xFFFFFFFF, s8;
	[sflag:s13] =	ssyncset.done @!p2 $0x0  }
0x170: {  	p4 =	sge.s32 s7, s0;
	p3 =	sne.s32 s8, $0x0;
	[sflag:s13] =	ssyncadd.s32 @!p2 $0xFFFFC000  }
0x171: {  	[tilespmem:s11], [sflag:$0x1] =	stream.indirect.gather @!p2 [spmem:s2], $0x80, s12, s10, $0xb8;
	[tilespmem:$0x1F100] =	vst v63  }
0x172: {  	p0 =	slt.s32 @!p4 s7, s5;
	s10 =	sadd.s32 @!p4 s9, s6;
	s11 =	simm.s32 @!p4 $0x1  }
0x173: {  	p0 =	por !p0, p4;
	s12 =	smov.u32 s7;
	s10 =	sadd.s32 @!p4 $0x1A, s10  }
0x174: {  	s12 =	smov.u32 @p0 s10  }
0x175: {  	s10 =	sshll.u32 @!p4 s12, $0x9;
	s12 =	sadd.s32 $0x3, s9;
	_ =	swait.ge @!p4 [sflag:s11], $0x4000  }
0x176: {  	s10 =	sshra.s32 @!p4 s10, $0x2;
	p1 =	sge.s32 s12, s0;
	[sflag:s11] =	ssyncset.done @!p4 $0x0  }
0x177: {  	[sflag:s11] =	ssyncadd.s32 @!p4 $0xFFFFC000;
	s11 =	sadd.s32 @!p4 $0x1800, s10;
	s10 =	sadd.s32 @!p1 s9, s6  }
0x178: {  	s13 =	simm.s32 @!p1 $0x2;
	p0 =	slt.s32 @!p1 s12, s5;
	s10 =	sadd.s32 @!p1 $0x1B, s10  }
0x179: {  	s14 =	simm.s32 @!p4 $0x80;
	s15 =	simm.s32 @!p4 $0x3000;
	p0 =	por !p0, p1  }
0x17a: {  	s16 =	sadd.s32 $0x4, s9;
	s12 =	smov.u32 @p0 s10;
	s10 =	simm.s32 @!p1 $0x7000  }
0x17b: {  	[spmem:s3] =	stream.indirect.scatter.add.f32 @!p4 [tilespmem:s15], [sflag:$0x2], $0x80, s11, s14, $0xb8;
	[tilespmem:$0x1F100] =	vst v63  }
0x17c: {  	s14 =	sshll.u32 @!p1 s12, $0x7;
	s11 =	simm.s32 @!p1 $0x80;
	_ =	swait.ge @!p1 [sflag:s13], $0x4000  }
0x17d: {  	s15 =	simm.s32 @!p1 $0x1;
	s12 =	sadd.s32 @!p1 $0x1800, s14;
	[sflag:s13] =	ssyncset.done @!p1 $0x0  }
0x17e: {  	p2 =	sge.s32 s16, s0;
	[sflag:s13] =	ssyncadd.s32 @!p1 $0xFFFFC000  }
.Ltmp8:
0x17f: {  	s9 =	sadd.s32 @!p2 s9, s6;
	p0 =	slt.s32 @!p2 s16, s5;
	(pc) =	sbr.rel @p3 .LBB2_9-.Ltmp8, $4  }
0x180: {  	[tilespmem:s10], [sflag:$0x1] =	stream.indirect.gather @!p1 [spmem:s2], $0x80, s14, s11, $0xb8;
	[tilespmem:$0x1F100] =	vst v63  }
0x181: {  	s9 =	sadd.s32 @!p2 $0x1C, s9;
	p0 =	por !p0, p2;
	_ =	swait.ge @!p1 [sflag:s15], $0x4000  }
0x182: {  	s16 =	smov.u32 @p0 s9;
	[sflag:s15] =	ssyncset.done @!p1 $0x0  }
0x183: {  	s13 =	simm.s32 @!p2 $0x2;
	s14 =	sshll.u32 @!p2 s16, $0x9;
	[sflag:s15] =	ssyncadd.s32 @!p1 $0xFFFFC000  }
.Ltmp9:
0x184: {  	_ = 	snop;
	(pc) =	sbr.rel .LBB2_10-.Ltmp9, $1  }
0x185: {  	_ =	sdelay $0x3  }
.LBB2_12:
0x186: {  	_ =	sfence.sel $0x180000  }
0x187: {  	[bflag:$0x0] =	sbarrier.arrive $0xFFFF  }
0x188: {  	_ =	strace $0x9000004A  }
0x189: {  	s0 =	stileid.u32;
	[bflag:$0x2] =	sbarrier.arrive $0xFFFF  }
0x18a: {  	p0 =	sne.s32 s0, $0x0;
	s0 =	rddreg [dreg:$0x3]  }
0x18b: {  	s0 =	sadd.s32 @!p0 $0x100000, s0  }
0x18c: {  	[sflag:s0] =	ssyncadd.tile.s32 @!p0 $0x1;
	_ =	shalt  }
.Lfunc_end2:
_tile_overlayer_lowered:
.L_overlay_start_2:
0x18d: {  	(tag) =	ssettag $0x2  }
0x18e: {  	s0 =	rddreg [dreg:$0x0];
	s2 =	stileid.u32  }
0x18f: {  	s1 =	rddreg [dreg:$0x1];
	p0 =	sne.s32 s2, $0x0  }
0x190: {  	s3 =	rddreg [dreg:$0x2];
	[bflag:$0x3] =	sbarrier.arrive $0xFFFF;
	s2 =	simm.s32 @!p0 $0x1C03  }
0x191: {  	[timem:s3], [sflag:s2] =	dma.local @!p0 [hbm:s0], s1  }
0x192: {  	s0 =	simm.s32 @!p0 $0x3  }
0x193: {  	_ =	swait.ge @!p0 [sflag:s0], s1  }
0x194: {  	s1 =	ssub.s32 @!p0 $0x0, s1;
	[sflag:s0] =	ssyncset.done @!p0 $0x0  }
0x195: {  	[sflag:s0] =	ssyncadd.s32 @!p0 s1  }
0x196: {  	[bflag:$0x3] =	sbarrier.arrive $0xFFFF  }
0x197: {  	_ =	shalt  }

// kernel: kernel.14.cloned.1.call-start
scs
__scs_entry_jumppad:
0x0: {  	(pc) =	sbr.rel $0x88, $3  }
0x1: {  	(tag) =	ssettag $0x0;
	lr =	simm.s32 $0x1  }
0x2: {  	[smem:$0x3F9B] =	sst lr;
	_ =	strace $0xD0000000  }
0x3: {  	_ = 	snop  }
0x4: {  	_ = 	snop  }
0x5: {  	_ = 	snop  }
0x6: {  	_ = 	snop  }
0x7: {  	_ = 	snop  }
__scs_overlays_trampoline_lowered:
0x8: {  	[smem:$0x3FAA] =	sst s0  }
0x9: {  	[smem:$0x3FAB] =	sst s1  }
0xa: {  	[smem:$0x3FAC] =	sst s2  }
0xb: {  	[smem:$0x3FAD] =	sst s3  }
0xc: {  	[smem:$0x3FAE] =	sst s4  }
0xd: {  	[smem:$0x3FAF] =	sst s5  }
0xe: {  	[smem:$0x3FB0] =	sst s6  }
0xf: {  	[smem:$0x3FB1] =	sst s7  }
0x10: {  	[smem:$0x3FB2] =	sst s8  }
0x11: {  	[smem:$0x3FB3] =	sst s9;
	s0 =	simm.s32 @!p0 $0x0  }
0x12: {  	s1 =	sld [smem:$0x3F99];
	s0 =	simm.s32 @p0 $0x1  }
0x13: {  	[smem:$0x3FB4] =	sst s0;
	s0 =	simm.s32 @!p1 $0x0  }
0x14: {  	s2 =	sld [smem:$0x3F98];
	s0 =	simm.s32 @p1 $0x1  }
0x15: {  	[smem:$0x3FB5] =	sst s0;
	s0 =	simm.s32 @!p2 $0x0  }
0x16: {  	s3 =	sld [smem:$0x3FDB];
	s0 =	simm.s32 @p2 $0x1  }
0x17: {  	s4 =	simm.s32 $0x1BF5;
	[smem:$0x3FB7] =	sst s0  }
0x18: {  	s0 =	sld [smem:$0x3F9A];
	_ =	swait.ge [sflag:s4], $0x0  }
0x19: {  	s7 =	sld [smem:$0x3F9B]  }
0x1a: {  	s8 =	sadd.s32 $0xFFFFE003, lr  }
0x1b: {  	s9 =	sadd.s32 $0xFFFFFEF7, lr;
	s5 =	simm.s32 $0xFFFFFFFF;
	p2 =	slt.u32 s8, $0xFFFFF086  }
0x1c: {  	p1 =	slt.u32 s9, $0xF7A;
	s5 =	simm.s32 @!p2 $0x0  }
0x1d: {  	s5 =	simm.s32 @p1 $0x1;
	p0 =	seq.s32 s7, s2  }
0x1e: {  	s7 =	smul.u32 @!p0 $0xF7A, s2;
	p2 =	seq.s32 @!p0 s5, $0x0  }
0x1f: {  	s9 =	smul.u32 $0xF7A, s1;
	s8 =	simm.s32 @!p0 $0x1BF5;
	p2 =	por !p2, p0  }
0x20: {  	[sflag:s8] =	ssyncset.s32 @!p0 $0xFFFFF086;
	s6 =	sadd.s32 @!p0 s3, s7;
	s7 =	simm.s32 @!p0 $0x108  }
0x21: {  	s3 =	sadd.s32 s3, s9;
	s6 =	sadd.s32 @!p0 $0x88, s6;
	s7 =	simm.s32 @p2 $0x1082  }
0x22: {  	[simem:s7], [sflag:s8] =	dma.local @!p0 [hbm:s6], $0xF7A  }
0x23: {  	s9 =	sor.u32 $0xD0000000, s2;
	s6 =	simm.s32 $0x108;
	_ =	swait.ge @!p0 [sflag:s8], $0x0  }
0x24: {  	s3 =	sadd.s32 $0x88, s3;
	s6 =	simm.s32 @!p1 $0x1082;
	[sflag:s4] =	ssyncset.s32 $0xFFFFF086  }
0x25: {  	[simem:s6], [sflag:s4] =	dma.local [hbm:s3], $0xF7A  }
0x26: {  	[smem:$0x3F9B] =	sst s1;
	(tag) =	ssettag s2;
	_ =	strace s9  }
0x27: {  	s1 =	sld [smem:$0x3FAB]  }
0x28: {  	s2 =	sld [smem:$0x3FAC]  }
0x29: {  	s4 =	sld [smem:$0x3FAE]  }
0x2a: {  	p0 =	seq.s32 s5, $0x0;
	s5 =	sld [smem:$0x3FAF]  }
0x2b: {  	s6 =	sld [smem:$0x3FB0]  }
0x2c: {  	s7 =	sld [smem:$0x3FB1]  }
0x2d: {  	s3 =	simm.s32 $0x108;
	s8 =	sld [smem:$0x3FB2]  }
0x2e: {  	s3 =	simm.s32 @!p0 $0x1082;
	s9 =	sld [smem:$0x3FB3]  }
0x2f: {  	lr =	sadd.s32 s0, s3;
	s0 =	sld [smem:$0x3FAA]  }
0x30: {  	s3 =	sld [smem:$0x3FAD]  }
0x31: {  	[smem:$0x3FB6] =	sst s10  }
0x32: {  	s10 =	sld [smem:$0x3FB4];
	_ =	sdelay $0x3  }
0x33: {  	p0 =	seq.s32 s10, $0x1;
	s10 =	sld [smem:$0x3FB6];
	_ =	sdelay $0x3  }
0x34: {  	[smem:$0x3FB6] =	sst s10  }
0x35: {  	s10 =	sld [smem:$0x3FB5];
	_ =	sdelay $0x3  }
0x36: {  	p1 =	seq.s32 s10, $0x1;
	s10 =	sld [smem:$0x3FB6];
	_ =	sdelay $0x3  }
0x37: {  	[smem:$0x3FB6] =	sst s10  }
0x38: {  	s10 =	sld [smem:$0x3FB7]  }
0x39: {  	_ = 	snop;
	(pc) =	sbr.ind lr, $3  }
0x3a: {  	_ = 	snop  }
0x3b: {  	_ = 	snop  }
0x3c: {  	p2 =	seq.s32 s10, $0x1;
	s10 =	sld [smem:$0x3FB6]  }
0x3d: {  	_ =	shalt  }
0x3e: {  	_ =	shalt  }
0x3f: {  	_ =	shalt  }
0x40: {  	_ =	shalt  }
0x41: {  	_ =	shalt  }
0x42: {  	_ =	shalt  }
0x43: {  	_ =	shalt  }
0x44: {  	_ =	shalt  }
0x45: {  	_ =	shalt  }
0x46: {  	_ =	shalt  }
0x47: {  	_ =	shalt  }
0x48: {  	_ =	shalt  }
0x49: {  	_ =	shalt  }
0x4a: {  	_ =	shalt  }
0x4b: {  	_ =	shalt  }
0x4c: {  	_ =	shalt  }
0x4d: {  	_ =	shalt  }
0x4e: {  	_ =	shalt  }
0x4f: {  	_ =	shalt  }
0x50: {  	_ =	shalt  }
0x51: {  	_ =	shalt  }
0x52: {  	_ =	shalt  }
0x53: {  	_ =	shalt  }
0x54: {  	_ =	shalt  }
0x55: {  	_ =	shalt  }
0x56: {  	_ =	shalt  }
0x57: {  	_ =	shalt  }
0x58: {  	_ =	shalt  }
0x59: {  	_ =	shalt  }
0x5a: {  	_ =	shalt  }
0x5b: {  	_ =	shalt  }
0x5c: {  	_ =	shalt  }
0x5d: {  	_ =	shalt  }
0x5e: {  	_ =	shalt  }
0x5f: {  	_ =	shalt  }
0x60: {  	_ =	shalt  }
0x61: {  	_ =	shalt  }
0x62: {  	_ =	shalt  }
0x63: {  	_ =	shalt  }
0x64: {  	_ =	shalt  }
0x65: {  	_ =	shalt  }
0x66: {  	_ =	shalt  }
0x67: {  	_ =	shalt  }
0x68: {  	_ =	shalt  }
0x69: {  	_ =	shalt  }
0x6a: {  	_ =	shalt  }
0x6b: {  	_ =	shalt  }
0x6c: {  	_ =	shalt  }
0x6d: {  	_ =	shalt  }
0x6e: {  	_ =	shalt  }
0x6f: {  	_ =	shalt  }
0x70: {  	_ =	shalt  }
0x71: {  	_ =	shalt  }
0x72: {  	_ =	shalt  }
0x73: {  	_ =	shalt  }
0x74: {  	_ =	shalt  }
0x75: {  	_ =	shalt  }
0x76: {  	_ =	shalt  }
0x77: {  	_ =	shalt  }
0x78: {  	_ =	shalt  }
0x79: {  	_ =	shalt  }
0x7a: {  	_ =	shalt  }
0x7b: {  	_ =	shalt  }
0x7c: {  	_ =	shalt  }
0x7d: {  	_ =	shalt  }
0x7e: {  	_ =	shalt  }
0x7f: {  	_ =	shalt  }
0x80: {  	_ =	shalt  }
0x81: {  	_ =	shalt  }
0x82: {  	_ =	shalt  }
0x83: {  	_ =	shalt  }
0x84: {  	_ =	shalt  }
0x85: {  	_ =	shalt  }
0x86: {  	_ =	shalt  }
0x87: {  	_ =	shalt  }
.Lfunc_end0:
.L_simem_size_0:
called_computation.2_lowered:
.L_overlay_start_0:
0x88: {  	s2 =	sld [smem:$0x3FD9]  }
0x89: {  	s3 =	sld [smem:$0x3FFE];
	_ =	sdelay $0x1  }
0x8a: {  	s1 =	srdreg.scid  }
0x8b: {  	s0 =	sand.u32 $0x1, s1  }
0x8c: {  	s16 =	sshll.u32 s0, $0xA;
	s2 =	sadd.s32 s3, s2  }
0x8d: {  	s2 =	sadd.s32 s2, s16  }
0x8e: {  	[smem:$0x3FC2] =	sst s2  }
0x8f: {  	_ = 	snop  }
0x90: {  	(tm) =	ssettm $0x1  }
0x91: {  	s17 =	sld [smem:$0x3FFB];
	_ =	sdelay $0x3  }
0x92: {  	_ =	strace s17  }
0x93: {  	s2 =	sld [smem:$0x3FFC];
	_ =	sdelay $0x3  }
0x94: {  	_ =	strace s2  }
0x95: {  	s2 =	sld [smem:$0x3FFD];
	_ =	sdelay $0x3  }
0x96: {  	_ =	strace s2  }
0x97: {  	_ =	strace $0x8FFFFFFF  }
0x98: {  	s18 =	sld [smem:$0x3FDB];
	_ =	sdelay $0x1  }
0x99: {  	s19 =	simm.s32 $_scs_section_size  }
0x9a: {  	s4 =	simm.s32 $_size__tile_overlayer_lowered;
	s5 =	simm.s32 $_tile_overlayer_lowered  }
0x9b: {  	s22 =	simm.s32 $0x1BFF;
	s21 =	sshll.u32 s5, $0x1;
	s2 =	sadd.s32 s19, s18  }
0x9c: {  	s6 =	simm.s32 $0x0;
	s20 =	sshll.u32 s4, $0x1;
	s4 =	sadd.s32 s21, s2  }
0x9d: {  	[timem:s6], [sflag:s22] =	dma.local [hbm:s4], s20  }
0x9e: {  	_ =	swait.ge [sflag:s22], s20  }
0x9f: {  	s3 =	ssub.s32 $0x0, s20;
	[sflag:s22] =	ssyncset.done $0x0  }
0xa0: {  	[sflag:s22] =	ssyncadd.s32 s3;
	_ =	sdelay $0x1  }
0xa1: {  	s23 =	simm.s32 $0x1B8B  }
0xa2: {  	_ =	swait.ge [sflag:s23], $0x1  }
0xa3: {  	[sflag:s23] =	ssyncset.done $0x0  }
0xa4: {  	s25 =	simm.s32 $0x1B8E;
	s24 =	sld [smem:$0x3FFE];
	[sflag:s23] =	ssyncadd.s32 $0xFFFFFFFF  }
0xa5: {  	s26 =	simm.s32 $execute0_lowered;
	[smem:$0x3FD2] =	sst s25  }
0xa6: {  	s4 =	sshll.u32 s26, $0x1;
	_ =	strace $0x8000004C;
	[dreg:$0x1] =	wrdreg $0xFFFFFFFF  }
0xa7: {  	s28 =	simm.s32 $_size_execute0_lowered;
	s2 =	sadd.s32 s2, s4;
	[dreg:$0x0] =	wrdreg $0x0  }
0xa8: {  	s4 =	sshll.u32 s28, $0x1;
	[dreg:$0x2] =	wrdreg s2  }
0xa9: {  	[dreg:$0x3] =	wrdreg s4  }
0xaa: {  	[dreg:$0x4] =	wrdreg $0xC0  }
0xab: {  	_ =	task [dreg:s6], $0x5FFFF  }
0xac: {  	[dreg:$0x1] =	wrdreg $0xFFFFFFFF  }
0xad: {  	[dreg:$0x0] =	wrdreg $0x60  }
0xae: {  	[dreg:$0x2] =	wrdreg s24  }
0xaf: {  	[dreg:$0x3] =	wrdreg $0xB1000  }
0xb0: {  	[dreg:$0x4] =	wrdreg $0x151000  }
0xb1: {  	[dreg:$0x5] =	wrdreg $0x9  }
0xb2: {  	_ =	task.clear_ibuf [dreg:s6], $0x6FFFF;
	_ =	strace $0x9000004C  }
0xb3: {  	s29 =	simm.s32 $0x9;
	_ =	strace $0x8000004E  }
0xb4: {  	_ =	swait.ge [sflag:s29], $0x1  }
0xb5: {  	[sflag:s29] =	ssyncadd.s32 $0xFFFFFFFF  }
0xb6: {  	_ =	strace $0x9000004E  }
0xb7: {  	_ =	sfence  }
0xb8: {  	s30 =	sld [smem:$0x0];
	_ =	sdelay $0x2  }
0xb9: {  	s31 =	sshll.u32 s1, $0xD;
	s1 =	sshrl.u32 s1, $0x2  }
0xba: {  	s3 =	sand.u32 $0x4000, s31;
	s1 =	sadd.s32 s1, s30  }
0xbb: {  	s0 =	sor.u32 s3, s0;
	s1 =	sshll.u32 s1, $0x11  }
0xbc: {  	s0 =	sor.u32 s1, s0  }
0xbd: {  	s0 =	sadd.s32 $0x8F2B, s0  }
0xbe: {  	[sflag:s0] =	ssyncadd.remote.s32 $0x1  }
0xbf: {  	_ =	sfence.sel $0xFFFF  }
0xc0: {  	[dreg:$0x0] =	wrdreg $0xFFFFFFFF;
	(pc) =	sbr.abs _section_cstart, $3  }
0xc1: {  	[dreg:$0x1] =	wrdreg $0xFFFFFFFF  }
0xc2: {  	_ =	task.clear_ibuf [dreg:s6], $0x2FFFF;
	_ =	strace $0x9FFFFFFF  }
0xc3: {  	(tm) =	ssettm $0x7FFFFFFF  }
tec
execute0_lowered:
.L_overlay_start_1:
0x0: {  	(tag) =	ssettag $0x1  }
0x1: {  	s0 =	rddreg [dreg:$0x0]  }
0x2: {  	s2 =	rddreg [dreg:$0x1];
	s15 =	stileid.u32  }
0x3: {  	s3 =	rddreg [dreg:$0x2];
	s4 =	simm.s32 $0x0;
	s6 =	srdreg.scid  }
0x4: {  	s1 =	smul.u32 $0xA000, s15;
	[smem:$0x7FF] =	sst s4  }
0x5: {  	s6 =	sand.u32 $0x1, s6;
	s7 =	sadd.s32 $0x2000, s0;
	s8 =	sadd.s32 $0xE000, s0  }
0x6: {  	s10 =	sadd.s32 $0x2DC00, s0;
	s13 =	sshll.u32 s15, $0x5;
	s14 =	sshllo.u32 s15, $0x1  }
0x7: {  	s15 =	smul.u32 $0x6000, s15;
	_ =	strace $0x8000004D;
	s9 =	ssub.s32 $0x2, s6  }
0x8: {  	s16 =	sand.u32 $0x180, s13;
	s17 =	sshll.u32 s14, $0x4;
	s18 =	smul.u32 $0xC00, s6  }
0x9: {  	s13 =	sadd.s32 s10, s13;
	s14 =	smul.u32 $0x3000, s14;
	s28 =	sor.u32 $0x2, s6  }
0xa: {  	s5 =	sshrl.u32 s1, $0x3;
	s11 =	sshrl.u32 s9, $0x1;
	s12 =	sadd.s32 $0x8000, s1  }
0xb: {  	[dreg:$0x4] =	wrdreg s13;
	s29 =	sand.u32 $0x70, s17;
	s10 =	sadd.s32 s10, s16  }
0xc: {  	s20 =	smul.u32 $0xC00, s28;
	v2 =	vmov s28;
	s28 =	simm.s32 $0x0;
	s5 =	sadd.s32 s5, s0  }
0xd: {  	s0 =	sadd.s32 $0x55800, s0;
	s9 =	ssub.s32 s9, s11;
	s11 =	sadd.s32 $0x4000, s1  }
0xe: {  	s17 =	sor.u32 s18, s15;
	s19 =	sor.u32 s18, s14;
	s10 =	sadd.s32 s29, s10  }
0xf: {  	s29 =	smul.u32 $0xA0000, s6;
	s18 =	sadd.s32 s1, s3;
	s16 =	sshrl.u32 s17, $0x3  }
0x10: {  	[dreg:$0x5] =	wrdreg s10;
	s23 =	sshrl.u32 s19, $0x3;
	s24 =	sadd.s32 s15, s20  }
0x11: {  	s26 =	sadd.s32 s20, s14;
	s19 =	sadd.s32 s11, s3;
	s20 =	sadd.s32 s12, s3  }
0x12: {  	s22 =	sadd.s32 s7, s16;
	s17 =	sadd.s32 s8, s16;
	s30 =	sadd.s32 s7, s23  }
0x13: {  	s21 =	sadd.s32 s8, s23;
	s25 =	sshrl.u32 s24, $0x3;
	s13 =	sshrl.u32 s26, $0x3  }
0x14: {  	s10 =	sadd.s32 s1, s29;
	s14 =	sadd.s32 s29, s12;
	s16 =	sadd.s32 s1, s2  }
0x15: {  	s26 =	sadd.s32 $0x41680, s5;
	[dreg:$0x6] =	wrdreg s22;
	s22 =	sadd.s32 s7, s25  }
0x16: {  	s23 =	sadd.s32 s8, s25;
	s24 =	sadd.s32 s7, s13;
	s31 =	sadd.s32 s8, s13  }
0x17: {  	s13 =	sadd.s32 s29, s11;
	s7 =	sshrl.u32 s10, $0x3;
	[dreg:$0xa] =	wrdreg s16  }
0x18: {  	s10 =	sshrl.u32 s14, $0x3;
	s25 =	sadd.s32 $0x2DE00, s5;
	[dreg:$0xc] =	wrdreg s26  }
.Ltmp0:
0x19: {  	s29 =	smax.u32 s9, $0x1;
	[dreg:$0xb] =	wrdreg s25;
	(pc) =	sbr.rel .LBB2_1-.Ltmp0, $4  }
0x1a: {  	s8 =	sshrl.u32 s13, $0x3;
	s7 =	sadd.s32 s0, s7;
	[dreg:$0xd] =	wrdreg s29  }
0x1b: {  	s26 =	simm.s32 $0x3;
	[dreg:$0x7] =	wrdreg s7;
	s15 =	sadd.s32 s0, s8  }
0x1c: {  	v3 =	vlaneseq.u32;
	v1 =	vmov s6;
	s16 =	simm.s32 $0xC00;
	s0 =	sadd.s32 s0, s10;
	[dreg:$0x8] =	wrdreg s15  }
0x1d: {  	v0 =	vimm.f32 $0.0e+00;
	vm0 =	veq.s32 v1, v3;
	vm1 =	veq.s32 v2, v3;
	s25 =	simm.s32 $0x3000;
	[dreg:$0x9] =	wrdreg s0;
	s15 =	simm.s32 $0x1800  }
.LBB2_10:
0x1e: {  	[spmem:s3] =	stream.indirect.scatter.add.f32 @!p1 [tilespmem:s10], [sflag:$0x2], $0x80, s12, s11, $0xb8;
	[tilespmem:$0x1F100] =	vst v63  }
0x1f: {  	s5 =	simm.s32 @!p2 $0x80;
	_ =	swait.ge @!p2 [sflag:s13], $0x4000  }
0x20: {  	s6 =	simm.s32 @!p2 $0x3000;
	s7 =	sshra.s32 @!p2 s14, $0x2;
	[sflag:s13] =	ssyncset.done @!p2 $0x0  }
0x21: {  	s15 =	simm.s32 $0x1800;
	s16 =	simm.s32 $0xC00;
	[sflag:s13] =	ssyncadd.s32 @!p2 $0xFFFFC000  }
0x22: {  	[tilespmem:s6], [sflag:$0x1] =	stream.indirect.gather @!p2 [spmem:s2], $0x80, s7, s5, $0xb8;
	[tilespmem:$0x1F100] =	vst v63  }
.LBB2_11:
0x23: {  	s1 =	sld [smem:$0x7F5];
	_ =	sdelay $0x2  }
0x24: {  	p1 =	seq.s32 s1, $0x1  }
0x25: {  	s5 =	simm.s32 @!p1 $0x2  }
0x26: {  	p0 =	seq.s32 @!p1 s0, $0x1;
	_ =	swait.ge @!p1 [sflag:s5], $0x4000  }
0x27: {  	p0 =	por p0, p1;
	[sflag:s5] =	ssyncset.done @!p1 $0x0  }
0x28: {  	s0 =	simm.s32 @!p0 $0x2;
	[sflag:s5] =	ssyncadd.s32 @!p1 $0xFFFFC000  }
0x29: {  	_ =	swait.ge @!p0 [sflag:s0], $0x4000  }
0x2a: {  	[sflag:s0] =	ssyncset.done @!p0 $0x0  }
0x2b: {  	[sflag:s0] =	ssyncadd.s32 @!p0 $0xFFFFC000  }
0x2c: {  	[bflag:$0x0] =	sbarrier.arrive $0xFFFF  }
0x2d: {  	s9 =	sshrl.u32 s18, $0x3;
	s10 =	rddreg [dreg:$0x7]  }
0x2e: {  	[hbm:s10], [sflag:s29] =	dma.local [spmem:s9], $0x800  }
0x2f: {  	_ =	swait.ge [sflag:s26], $0x800  }
0x30: {  	[sflag:s26] =	ssyncset.done $0x0  }
0x31: {  	s11 =	sshrl.u32 s19, $0x3;
	s12 =	rddreg [dreg:$0x8];
	[sflag:s26] =	ssyncadd.s32 $0xFFFFF800  }
0x32: {  	[hbm:s12], [sflag:s29] =	dma.local [spmem:s11], $0x800  }
0x33: {  	_ =	swait.ge [sflag:s26], $0x800  }
0x34: {  	[sflag:s26] =	ssyncset.done $0x0  }
0x35: {  	s13 =	sshrl.u32 s20, $0x3;
	s14 =	rddreg [dreg:$0x9];
	[sflag:s26] =	ssyncadd.s32 $0xFFFFF800  }
0x36: {  	[hbm:s14], [sflag:s29] =	dma.local [spmem:s13], $0x400  }
0x37: {  	_ =	swait.ge [sflag:s26], $0x400  }
0x38: {  	s28 =	sadd.s32 $0x1, s28;
	s29 =	rddreg [dreg:$0xd]  }
0x39: {  	p0 =	sne.s32 s28, s29  }
.Ltmp1:
0x3a: {  	_ = 	snop;
	(pc) =	sbr.rel @!p0 .LBB2_12-.Ltmp1, $3  }
0x3b: {  	_ =	sdelay $0x1  }
0x3c: {  	[sflag:s26] =	ssyncset.done $0x0  }
0x3d: {  	[sflag:s26] =	ssyncadd.s32 $0xFFFFFC00  }
.LBB2_1:
0x3e: {  	s0 =	simm.s32 $0x0;
	s5 =	simm.s32 $0x200  }
.LBB2_2:
0x3f: {  	p0 =	sne.s32 s5, $0xFE00;
	[tilespmem:s0+$0x3070] =	vst v0  }
0x40: {  	[tilespmem:s0+$0x3000] =	vst v0  }
0x41: {  	[tilespmem:s0+$0x3010] =	vst v0  }
.Ltmp2:
0x42: {  	[tilespmem:s0+$0x3020] =	vst v0;
	(pc) =	sbr.rel @p0 .LBB2_2-.Ltmp2, $4  }
0x43: {  	[tilespmem:s0+$0x3030] =	vst v0  }
0x44: {  	[tilespmem:s0+$0x3040] =	vst v0  }
0x45: {  	[tilespmem:s0+$0x3050] =	vst v0  }
0x46: {  	[tilespmem:s0+$0x3060] =	vst v0;
	s0 =	sshra.s32 s5, $0x2;
	s5 =	sadd.s32 $0x200, s5  }
0x47: {  	[tilespmem:s0+$0x3070] =	vst v0  }
0x48: {  	[tilespmem:s0+$0x3000] =	vst v0  }
0x49: {  	[tilespmem:s0+$0x3010] =	vst v0  }
0x4a: {  	[tilespmem:s0+$0x3020] =	vst v0  }
0x4b: {  	[tilespmem:s0+$0x3030] =	vst v0  }
0x4c: {  	[tilespmem:s0+$0x3040] =	vst v0  }
0x4d: {  	[tilespmem:s0+$0x3050] =	vst v0  }
0x4e: {  	[tilespmem:s0+$0x3060] =	vst v0  }
0x4f: {  	[spmem:s18] =	stream.linear.scatter [tilespmem:s25], [sflag:$0x3], $0x4000, $0x38;
	[tilespmem:$0x1F100] =	vst v63  }
0x50: {  	_ =	swait.ge [sflag:s26], $0x4000  }
0x51: {  	[sflag:s26] =	ssyncset.done $0x0  }
0x52: {  	[sflag:s26] =	ssyncadd.s32 $0xFFFFC000  }
0x53: {  	[spmem:s19] =	stream.linear.scatter [tilespmem:s25], [sflag:$0x3], $0x4000, $0x38;
	[tilespmem:$0x1F100] =	vst v63  }
0x54: {  	_ =	swait.ge [sflag:s26], $0x4000  }
0x55: {  	[sflag:s26] =	ssyncset.done $0x0  }
0x56: {  	[sflag:s26] =	ssyncadd.s32 $0xFFFFC000  }
0x57: {  	[spmem:s20] =	stream.linear.scatter [tilespmem:s25], [sflag:$0x3], $0x2000, $0x38;
	[tilespmem:$0x1F100] =	vst v63  }
0x58: {  	_ =	swait.ge [sflag:s26], $0x2000  }
0x59: {  	[sflag:s26] =	ssyncset.done $0x0  }
0x5a: {  	s1 =	simm.s32 $0xB000;
	s11 =	rddreg [dreg:$0x4];
	[sflag:s26] =	ssyncadd.s32 $0xFFFFE000  }
0x5b: {  	[tilespmem:s1], [sflag:$0x3] =	stream.linear.gather [hbm4b:s11+s4], $0x80, $0x38;
	[tilespmem:$0x1F100] =	vst v63  }
0x5c: {  	_ =	swait.ge [sflag:s26], $0x80  }
0x5d: {  	s13 =	simm.s32 $0xB080;
	[sflag:s26] =	ssyncset.done $0x0  }
0x5e: {  	s14 =	stileid.u32;
	s12 =	rddreg [dreg:$0x5];
	[sflag:s26] =	ssyncadd.s32 $0xFFFFFF80  }
0x5f: {  	[tilespmem:s13], [sflag:$0x3] =	stream.linear.gather [hbm4b:s12+s4], $0x80, $0x38;
	[tilespmem:$0x1F100] =	vst v63  }
0x60: {  	s0 =	sshll.u32 s14, $0x6;
	_ =	swait.ge [sflag:s26], $0x80  }
0x61: {  	s29 =	sor.u32 $0x1C03, s0;
	[sflag:s26] =	ssyncset.done $0x0;
	s1 =	rddreg [dreg:$0xa]  }
0x62: {  	s5 =	rddreg [dreg:$0xb];
	[sflag:s26] =	ssyncadd.s32 $0xFFFFFF80;
	s0 =	sshrl.u32 s1, $0x3  }
0x63: {  	[spmem:s0], [sflag:s29] =	dma.local [hbm:s5], $0x1400  }
0x64: {  	_ =	swait.ge [sflag:s26], $0x1400  }
0x65: {  	[sflag:s26] =	ssyncset.done $0x0  }
0x66: {  	[sflag:s26] =	ssyncadd.s32 $0xFFFFEC00  }
0x67: {  	[bflag:$0x0] =	sbarrier.arrive $0xFFFF  }
0x68: {  	s5 =	rddreg [dreg:$0x6]  }
0x69: {  	[tilespmem:s4], [sflag:$0x3] =	stream.linear.gather [hbm4b:s5+s4], $0xC00, $0x38;
	[tilespmem:$0x1F100] =	vst v63  }
0x6a: {  	_ =	swait.ge [sflag:s26], $0xC00  }
0x6b: {  	[sflag:s26] =	ssyncset.done $0x0  }
0x6c: {  	[sflag:s26] =	ssyncadd.s32 $0xFFFFF400  }
0x6d: {  	[tilespmem:s15], [sflag:$0x3] =	stream.linear.gather [hbm4b:s17+s4], $0xC00, $0x38;
	[tilespmem:$0x1F100] =	vst v63  }
0x6e: {  	_ =	swait.ge [sflag:s26], $0xC00  }
0x6f: {  	[sflag:s26] =	ssyncset.done $0x0  }
0x70: {  	[sflag:s26] =	ssyncadd.s32 $0xFFFFF400  }
0x71: {  	[tilespmem:s16], [sflag:$0x3] =	stream.linear.gather [hbm4b:s30+s4], $0xC00, $0x38;
	[tilespmem:$0x1F100] =	vst v63  }
0x72: {  	_ =	swait.ge [sflag:s26], $0xC00  }
0x73: {  	[sflag:s26] =	ssyncset.done $0x0  }
0x74: {  	s6 =	simm.s32 $0x2400;
	[sflag:s26] =	ssyncadd.s32 $0xFFFFF400  }
0x75: {  	[tilespmem:s6], [sflag:$0x3] =	stream.linear.gather [hbm4b:s21+s4], $0xC00, $0x38;
	[tilespmem:$0x1F100] =	vst v63  }
0x76: {  	_ =	swait.ge [sflag:s26], $0xC00  }
0x77: {  	[sflag:s26] =	ssyncset.done $0x0  }
0x78: {  	[sflag:s26] =	ssyncadd.s32 $0xFFFFF400  }
0x79: {  	v1 =	vld [tilespmem:$0xB000];
	_ =	sdelay $0x1  }
0x7a: {  	v2 =	vld [tilespmem:$0xB080];
	_ =	sdelay $0x2  }
0x7b: {  	v1 =	vnsel vm0, $0x0, v1  }
0x7c: {  	(xrf0) =	vadd.scan.msk.s32 $0xffff, v1  }
0x7d: {  	v1 =	vnsel vm0, $0x0, v2  }
0x7e: {  	(xrf0) =	vadd.scan.msk.s32 $0xffff, v1;
	_ =	sdelay $0x3  }
0x7f: {  	v1, _, _ =	vpop (xrf0)  }
0x80: {  	(v2sf) =	vpush v1, $0xF  }
0x81: {  	v1, _, _ =	vpop (xrf0)  }
0x82: {  	(v2sf) =	vpush v1, $0xF;
	_ =	sdelay $0xc  }
0x83: {  	s7 =	spop (v2sf)  }
0x84: {  	s5 =	sadd.s32 $0x7F, s7  }
0x85: {  	s6 =	spop (v2sf);
	s7 =	sshra.s32 s5, $0x1F;
	s8 =	sand.u32 $0x7F, s5  }
0x86: {  	p0 =	slt.s32 s5, $0x1;
	s6 =	sadd.s32 $0x7F, s6;
	s7 =	sshrl.u32 s7, $0x19  }
0x87: {  	p1 =	sne.s32 s8, $0x0;
	s8 =	sand.u32 $0x7F, s6;
	s9 =	sshra.s32 s6, $0x1F  }
0x88: {  	p3 =	slt.s32 s6, $0x1;
	s5 =	sadd.s32 s7, s5;
	p0 =	por !p0, !p1  }
0x89: {  	p4 =	sne.s32 s8, $0x0;
	s8 =	sshrl.u32 s9, $0x19;
	s7 =	sshra.s32 s5, $0x7  }
0x8a: {  	p2 =	por !p0, !p0;
	s5 =	simm.s32 $0x1;
	p0 =	por !p3, !p4  }
0x8b: {  	s6 =	sadd.s32 s8, s6;
	s8 =	simm.s32 $0x1;
	p0 =	por !p0, !p0  }
0x8c: {  	s5 =	simm.s32 @!p2 $0x0;
	s9 =	sshra.s32 s6, $0x7;
	s8 =	simm.s32 @!p0 $0x0  }
0x8d: {  	s1 =	simm.s32 @!p2 $0x0;
	s6 =	ssub.s32 s7, s5;
	s10 =	ssub.s32 s9, s8  }
0x8e: {  	s1 =	simm.s32 @p2 $0x1;
	s5 =	sadd.s32 s6, s10  }
0x8f: {  	[smem:$0x7F9] =	sst s1;
	p0 =	slt.s32 s5, $0x1  }
0x90: {  	s11 =	sadd.s32 $0x1, s5;
	p5 =	slt.s32 s5, $0x0;
	p1 =	sgt.s32 @!p0 s6, $0x0  }
0x91: {  	s8 =	sshll.u32 @!p0 s6, $0x7;
	s9 =	simm.s32 @!p0 $0x80;
	s10 =	simm.s32 @!p0 $0x3000  }
0x92: {  	s1 =	simm.s32 @!p0 $0x0;
	s12 =	sand.u32 $0x1, s11;
	s13 =	sshrl.u32 s11, $0x1F  }
0x93: {  	s8 =	ssub.s32 @!p0 $0xC00, s8;
	p1 =	por !p1, p0;
	p6 =	seq.s32 s12, $0x1  }
0x94: {  	s1 =	simm.s32 @p0 $0x1;
	s8 =	simm.s32 @!p1 $0x0;
	p1 =	por !p5, !p6  }
0x95: {  	[tilespmem:s10], [sflag:$0x1] =	stream.indirect.gather @!p0 [spmem:s2], $0x80, s8, s9, $0xb8;
	[tilespmem:$0x1F100] =	vst v63  }
0x96: {  	s8 =	sadd.s32 s13, s11;
	p0 =	por !p1, !p1;
	s9 =	simm.s32 $0x1  }
0x97: {  	s8 =	sshra.s32 s8, $0x1;
	s9 =	simm.s32 @!p0 $0x0  }
0x98: {  	s9 =	ssub.s32 s8, s9  }
0x99: {  	p3 =	slt.s32 s9, $0x1  }
0x9a: {  	[smem:$0x7FA] =	sst s1;
	s1 =	simm.s32 @!p0 $0x0;
	p4 =	slt.s32 @!p3 s5, $0x1  }
0x9b: {  	s1 =	simm.s32 @p0 $0x1;
	p5 =	por p4, p3  }
0x9c: {  	[smem:$0x7FB] =	sst s1;
	p1 =	sgt.s32 @!p5 s6, $0x0;
	s10 =	simm.s32 @!p5 $0x1  }
0x9d: {  	s11 =	sshll.u32 @!p5 s6, $0x9;
	s13 =	simm.s32 @!p5 $0x3000;
	p6 =	seq.s32 @!p5 s5, $0x1  }
0x9e: {  	p1 =	por @!p3 !p1, p4;
	_ =	swait.ge @!p5 [sflag:s10], $0x4000;
	s12 =	ssub.s32 @!p5 $0x3000, s11  }
0x9f: {  	s1 =	simm.s32 @!p6 $0x0;
	p1 =	por !p1, p3;
	[sflag:s10] =	ssyncset.done @!p5 $0x0  }
0xa0: {  	s1 =	simm.s32 @p6 $0x1;
	s12 =	simm.s32 @p1 $0x0;
	[sflag:s10] =	ssyncadd.s32 @!p5 $0xFFFFC000  }
0xa1: {  	p1 =	por @!p3 p6, p4;
	[smem:$0x7FD] =	sst s1;
	s10 =	sshra.s32 @!p5 s12, $0x2  }
0xa2: {  	s12 =	simm.s32 @!p5 $0x80;
	p1 =	por p1, p3;
	s10 =	sadd.s32 @!p5 $0x1800, s10  }
0xa3: {  	p2 =	sgt.s32 @!p1 s6, $0x1;
	p0 =	slt.u32 @!p1 s5, $0x3;
	s14 =	simm.s32 @!p1 $0x1  }
0xa4: {  	[spmem:s3] =	stream.indirect.scatter.add.f32 @!p5 [tilespmem:s13], [sflag:$0x2], $0x80, s10, s12, $0xb8;
	[tilespmem:$0x1F100] =	vst v63  }
0xa5: {  	p2 =	por @!p5 !p2, p6;
	s10 =	sshll.u32 @!p1 s6, $0x7;
	s12 =	simm.s32 @!p1 $0x80  }
0xa6: {  	s13 =	simm.s32 @!p1 $0x7000;
	s1 =	simm.s32 @!p0 $0x0;
	p2 =	por @!p3 !p2, p4  }
0xa7: {  	s10 =	ssub.s32 @!p1 $0xC80, s10;
	s1 =	simm.s32 @p0 $0x1;
	p2 =	por !p2, p3  }
0xa8: {  	[smem:$0x7FC] =	sst s1;
	s10 =	simm.s32 @!p2 $0x80;
	p2 =	por @!p5 p0, p6  }
0xa9: {  	[tilespmem:s13], [sflag:$0x1] =	stream.indirect.gather @!p1 [spmem:s2], $0x80, s10, s12, $0xb8;
	[tilespmem:$0x1F100] =	vst v63  }
0xaa: {  	p2 =	por @!p3 p2, p4;
	_ =	swait.ge @!p1 [sflag:s14], $0x4000  }
0xab: {  	s10 =	sadd.s32 @!p1 $0x1800, s10;
	[sflag:s14] =	ssyncset.done @!p1 $0x0;
	s1 =	sld [smem:$0x7FC]  }
0xac: {  	p2 =	por p2, p3;
	[sflag:s14] =	ssyncadd.s32 @!p1 $0xFFFFC000;
	s14 =	sld [smem:$0x7FD]  }
0xad: {  	[spmem:s3] =	stream.indirect.scatter.add.f32 @!p1 [tilespmem:s13], [sflag:$0x2], $0x80, s10, s12, $0xb8;
	[tilespmem:$0x1F100] =	vst v63  }
0xae: {  	p0 =	sgt.s32 @!p2 s6, $0x2;
	p6 =	seq.s32 s1, $0x1  }
0xaf: {  	p0 =	por @!p1 !p0, p6;
	p1 =	seq.s32 s14, $0x1  }
0xb0: {  	p0 =	por @!p5 !p0, p1  }
0xb1: {  	p0 =	por @!p3 !p0, p4  }
0xb2: {  	s11 =	ssub.s32 @!p2 $0x3400, s11;
	p0 =	por !p0, p3  }
0xb3: {  	s11 =	simm.s32 @p0 $0x400;
	p0 =	seq.s32 @!p3 s9, $0x1  }
0xb4: {  	p0 =	por p3, p0  }
.Ltmp3:
0xb5: {  	s10 =	simm.s32 @!p2 $0x2;
	(pc) =	sbr.rel @p0 .LBB2_7-.Ltmp3, $4  }
0xb6: {  	_ =	swait.ge @!p2 [sflag:s10], $0x4000  }
0xb7: {  	s12 =	simm.s32 @!p2 $0x3000;
	[sflag:s10] =	ssyncset.done @!p2 $0x0  }
0xb8: {  	[sflag:s10] =	ssyncadd.s32 @!p2 $0xFFFFC000;
	s10 =	sshra.s32 @!p2 s11, $0x2;
	s11 =	simm.s32 @!p2 $0x80  }
0xb9: {  	[tilespmem:s12], [sflag:$0x1] =	stream.indirect.gather @!p2 [spmem:s2], $0x80, s10, s11, $0xb8;
	[tilespmem:$0x1F100] =	vst v63  }
0xba: {  	s1 =	smov.u32 s31  }
0xbb: {  	s31 =	smov.u32 s24;
	s24 =	smov.u32 s23;
	s23 =	smov.u32 s22  }
0xbc: {  	s22 =	smov.u32 s21;
	s21 =	smov.u32 s30;
	s11 =	sld [smem:$0x7FB]  }
0xbd: {  	s30 =	smov.u32 s17;
	s9 =	simm.s32 $0xFFFFFFFF;
	s17 =	sld [smem:$0x7F9]  }
0xbe: {  	s10 =	simm.s32 $0xFFFFFFFF;
	p2 =	sle.s32 s5, $0x2;
	s13 =	simm.s32 $0x3  }
0xbf: {  	p1 =	sle.s32 s5, $0x3;
	s16 =	simm.s32 $0x4;
	p0 =	seq.s32 s11, $0x1  }
0xc0: {  	s12 =	simm.s32 @!p2 $0x1;
	s9 =	simm.s32 @!p0 $0x0;
	p0 =	seq.s32 s17, $0x1  }
0xc1: {  	s14 =	simm.s32 @!p1 $0x2;
	_ =	swait.ge @!p2 [sflag:s12], $0x4000;
	s10 =	simm.s32 @!p0 $0x0  }
0xc2: {  	s15 =	simm.s32 @!p2 $0x3000;
	[sflag:s12] =	ssyncset.done @!p2 $0x0;
	s7 =	sadd.s32 s10, s7  }
0xc3: {  	s11 =	simm.s32 $0x2;
	[sflag:s12] =	ssyncadd.s32 @!p2 $0xFFFFC000;
	s7 =	ssub.s32 $0x0, s7  }
0xc4: {  	s12 =	simm.s32 @!p2 $0x80;
	p0 =	sgt.s32 @!p2 s6, $0x2;
	s10 =	sadd.s32 @!p2 $0x0, s7  }
0xc5: {  	s8 =	sadd.s32 s9, s8;
	p0 =	por !p0, p2;
	s10 =	sadd.s32 @!p2 $0x1A, s10  }
0xc6: {  	s9 =	sadd.s32 $0xFFFFFFFF, s8;
	s8 =	simm.s32 $0x2;
	s11 =	smov.u32 @p0 s10  }
0xc7: {  	p0 =	sgt.s32 @!p1 s6, $0x3;
	s10 =	sshll.u32 @!p2 s11, $0x9;
	s11 =	sadd.s32 @!p1 $0x0, s7  }
0xc8: {  	p0 =	por !p0, p1;
	s10 =	sshra.s32 @!p2 s10, $0x2;
	s11 =	sadd.s32 @!p1 $0x1B, s11  }
0xc9: {  	s9 =	sadd.s32 $0xFFFFFFFF, s9;
	s10 =	sadd.s32 @!p2 $0x1800, s10;
	s13 =	smov.u32 @p0 s11  }
0xca: {  	[spmem:s3] =	stream.indirect.scatter.add.f32 @!p2 [tilespmem:s15], [sflag:$0x2], $0x80, s10, s12, $0xb8;
	[tilespmem:$0x1F100] =	vst v63  }
0xcb: {  	p3 =	sne.s32 s9, $0x0;
	s11 =	simm.s32 @!p1 $0x7000;
	s10 =	sshll.u32 @!p1 s13, $0x7  }
0xcc: {  	s12 =	simm.s32 @!p1 $0x80;
	p2 =	sle.s32 s5, $0x4;
	_ =	swait.ge @!p1 [sflag:s14], $0x4000  }
0xcd: {  	s15 =	simm.s32 @!p1 $0x1;
	p0 =	sgt.s32 @!p2 s6, $0x4;
	[sflag:s14] =	ssyncset.done @!p1 $0x0  }
.Ltmp4:
0xce: {  	s13 =	sadd.s32 @!p2 $0x0, s7;
	[sflag:s14] =	ssyncadd.s32 @!p1 $0xFFFFC000;
	(pc) =	sbr.rel @!p3 .LBB2_6-.Ltmp4, $4  }
0xcf: {  	[tilespmem:s11], [sflag:$0x1] =	stream.indirect.gather @!p1 [spmem:s2], $0x80, s10, s12, $0xb8;
	[tilespmem:$0x1F100] =	vst v63  }
0xd0: {  	p0 =	por !p0, p2;
	s14 =	sadd.s32 @!p2 $0x1C, s13;
	_ =	swait.ge @!p1 [sflag:s15], $0x4000  }
0xd1: {  	s13 =	sadd.s32 @!p1 $0x1800, s10;
	s16 =	smov.u32 @p0 s14;
	[sflag:s15] =	ssyncset.done @!p1 $0x0  }
0xd2: {  	s14 =	simm.s32 @!p2 $0x2;
	[sflag:s15] =	ssyncadd.s32 @!p1 $0xFFFFC000;
	s15 =	sshll.u32 @!p2 s16, $0x9  }
.LBB2_5:
0xd3: {  	[spmem:s3] =	stream.indirect.scatter.add.f32 @!p1 [tilespmem:s11], [sflag:$0x2], $0x80, s13, s12, $0xb8;
	[tilespmem:$0x1F100] =	vst v63  }
0xd4: {  	s10 =	smov.u32 s8;
	s11 =	simm.s32 @!p2 $0x80  }
0xd5: {  	s12 =	simm.s32 @!p2 $0x3000;
	s8 =	sadd.s32 $0x2, s8;
	_ =	swait.ge @!p2 [sflag:s14], $0x4000  }
0xd6: {  	s13 =	sshra.s32 @!p2 s15, $0x2;
	s9 =	sadd.s32 $0xFFFFFFFF, s9;
	[sflag:s14] =	ssyncset.done @!p2 $0x0  }
0xd7: {  	p4 =	sge.s32 s8, s5;
	p3 =	sne.s32 s9, $0x0;
	[sflag:s14] =	ssyncadd.s32 @!p2 $0xFFFFC000  }
0xd8: {  	[tilespmem:s12], [sflag:$0x1] =	stream.indirect.gather @!p2 [spmem:s2], $0x80, s13, s11, $0xb8;
	[tilespmem:$0x1F100] =	vst v63  }
0xd9: {  	p0 =	slt.s32 @!p4 s8, s6;
	s11 =	sadd.s32 @!p4 s10, s7;
	s12 =	simm.s32 @!p4 $0x1  }
0xda: {  	p0 =	por !p0, p4;
	s13 =	smov.u32 s8;
	s11 =	sadd.s32 @!p4 $0x1A, s11  }
0xdb: {  	s13 =	smov.u32 @p0 s11  }
0xdc: {  	s11 =	sshll.u32 @!p4 s13, $0x9;
	s13 =	sadd.s32 $0x3, s10;
	_ =	swait.ge @!p4 [sflag:s12], $0x4000  }
0xdd: {  	s11 =	sshra.s32 @!p4 s11, $0x2;
	p1 =	sge.s32 s13, s5;
	[sflag:s12] =	ssyncset.done @!p4 $0x0  }
0xde: {  	[sflag:s12] =	ssyncadd.s32 @!p4 $0xFFFFC000;
	s12 =	sadd.s32 @!p4 $0x1800, s11;
	s11 =	sadd.s32 @!p1 s10, s7  }
0xdf: {  	s14 =	simm.s32 @!p1 $0x2;
	p0 =	slt.s32 @!p1 s13, s6;
	s11 =	sadd.s32 @!p1 $0x1B, s11  }
0xe0: {  	s15 =	simm.s32 @!p4 $0x80;
	s16 =	simm.s32 @!p4 $0x3000;
	p0 =	por !p0, p1  }
0xe1: {  	s17 =	sadd.s32 $0x4, s10;
	s13 =	smov.u32 @p0 s11;
	s11 =	simm.s32 @!p1 $0x7000  }
0xe2: {  	[spmem:s3] =	stream.indirect.scatter.add.f32 @!p4 [tilespmem:s16], [sflag:$0x2], $0x80, s12, s15, $0xb8;
	[tilespmem:$0x1F100] =	vst v63  }
0xe3: {  	s15 =	sshll.u32 @!p1 s13, $0x7;
	s12 =	simm.s32 @!p1 $0x80;
	_ =	swait.ge @!p1 [sflag:s14], $0x4000  }
0xe4: {  	s16 =	simm.s32 @!p1 $0x1;
	s13 =	sadd.s32 @!p1 $0x1800, s15;
	[sflag:s14] =	ssyncset.done @!p1 $0x0  }
0xe5: {  	p2 =	sge.s32 s17, s5;
	[sflag:s14] =	ssyncadd.s32 @!p1 $0xFFFFC000  }
.Ltmp5:
0xe6: {  	s10 =	sadd.s32 @!p2 s10, s7;
	p0 =	slt.s32 @!p2 s17, s6;
	(pc) =	sbr.rel @p3 .LBB2_5-.Ltmp5, $4  }
0xe7: {  	[tilespmem:s11], [sflag:$0x1] =	stream.indirect.gather @!p1 [spmem:s2], $0x80, s15, s12, $0xb8;
	[tilespmem:$0x1F100] =	vst v63  }
0xe8: {  	s10 =	sadd.s32 @!p2 $0x1C, s10;
	p0 =	por !p0, p2;
	_ =	swait.ge @!p1 [sflag:s16], $0x4000  }
0xe9: {  	s17 =	smov.u32 @p0 s10;
	[sflag:s16] =	ssyncset.done @!p1 $0x0  }
0xea: {  	s14 =	simm.s32 @!p2 $0x2;
	s15 =	sshll.u32 @!p2 s17, $0x9;
	[sflag:s16] =	ssyncadd.s32 @!p1 $0xFFFFC000  }
.LBB2_6:
0xeb: {  	[spmem:s3] =	stream.indirect.scatter.add.f32 @!p1 [tilespmem:s11], [sflag:$0x2], $0x80, s13, s12, $0xb8;
	[tilespmem:$0x1F100] =	vst v63  }
0xec: {  	s6 =	simm.s32 @!p2 $0x80;
	s7 =	simm.s32 @!p2 $0x3000;
	s8 =	sshra.s32 @!p2 s15, $0x2  }
0xed: {  	s17 =	smov.u32 s30;
	s30 =	smov.u32 s21;
	s21 =	smov.u32 s22  }
0xee: {  	s22 =	smov.u32 s23;
	s23 =	smov.u32 s24;
	_ =	swait.ge @!p2 [sflag:s14], $0x4000  }
0xef: {  	s24 =	smov.u32 s31;
	s31 =	smov.u32 s1;
	[sflag:s14] =	ssyncset.done @!p2 $0x0  }
0xf0: {  	s15 =	simm.s32 $0x1800;
	s16 =	simm.s32 $0xC00;
	[sflag:s14] =	ssyncadd.s32 @!p2 $0xFFFFC000  }
0xf1: {  	[tilespmem:s7], [sflag:$0x1] =	stream.indirect.gather @!p2 [spmem:s2], $0x80, s8, s6, $0xb8;
	[tilespmem:$0x1F100] =	vst v63  }
.LBB2_7:
0xf2: {  	s1 =	sld [smem:$0x7FA];
	_ =	sdelay $0x2  }
0xf3: {  	p1 =	seq.s32 s1, $0x1  }
0xf4: {  	s6 =	simm.s32 @!p1 $0x2  }
0xf5: {  	p0 =	seq.s32 @!p1 s5, $0x1;
	_ =	swait.ge @!p1 [sflag:s6], $0x4000  }
0xf6: {  	p0 =	por p0, p1;
	[sflag:s6] =	ssyncset.done @!p1 $0x0  }
0xf7: {  	s5 =	simm.s32 @!p0 $0x2;
	[sflag:s6] =	ssyncadd.s32 @!p1 $0xFFFFC000  }
0xf8: {  	_ =	swait.ge @!p0 [sflag:s5], $0x4000  }
0xf9: {  	[sflag:s5] =	ssyncset.done @!p0 $0x0  }
0xfa: {  	[sflag:s5] =	ssyncadd.s32 @!p0 $0xFFFFC000  }
0xfb: {  	[bflag:$0x0] =	sbarrier.arrive $0xFFFF  }
0xfc: {  	s11 =	rddreg [dreg:$0xc]  }
0xfd: {  	[spmem:s0], [sflag:s29] =	dma.local [hbm:s11], $0x1400  }
0xfe: {  	_ =	swait.ge [sflag:s26], $0x1400  }
0xff: {  	[sflag:s26] =	ssyncset.done $0x0  }
0x100: {  	[sflag:s26] =	ssyncadd.s32 $0xFFFFEC00  }
0x101: {  	[bflag:$0x0] =	sbarrier.arrive $0xFFFF  }
0x102: {  	[tilespmem:s4], [sflag:$0x3] =	stream.linear.gather [hbm4b:s22+s4], $0xC00, $0x38;
	[tilespmem:$0x1F100] =	vst v63  }
0x103: {  	_ =	swait.ge [sflag:s26], $0xC00  }
0x104: {  	[sflag:s26] =	ssyncset.done $0x0  }
0x105: {  	[sflag:s26] =	ssyncadd.s32 $0xFFFFF400  }
0x106: {  	[tilespmem:s15], [sflag:$0x3] =	stream.linear.gather [hbm4b:s23+s4], $0xC00, $0x38;
	[tilespmem:$0x1F100] =	vst v63  }
0x107: {  	_ =	swait.ge [sflag:s26], $0xC00  }
0x108: {  	[sflag:s26] =	ssyncset.done $0x0  }
0x109: {  	[sflag:s26] =	ssyncadd.s32 $0xFFFFF400  }
0x10a: {  	[tilespmem:s16], [sflag:$0x3] =	stream.linear.gather [hbm4b:s24+s4], $0xC00, $0x38;
	[tilespmem:$0x1F100] =	vst v63  }
0x10b: {  	_ =	swait.ge [sflag:s26], $0xC00  }
0x10c: {  	[sflag:s26] =	ssyncset.done $0x0  }
0x10d: {  	s12 =	simm.s32 $0x2400;
	[sflag:s26] =	ssyncadd.s32 $0xFFFFF400  }
0x10e: {  	[tilespmem:s12], [sflag:$0x3] =	stream.linear.gather [hbm4b:s31+s4], $0xC00, $0x38;
	[tilespmem:$0x1F100] =	vst v63  }
0x10f: {  	_ =	swait.ge [sflag:s26], $0xC00  }
0x110: {  	[sflag:s26] =	ssyncset.done $0x0  }
0x111: {  	[sflag:s26] =	ssyncadd.s32 $0xFFFFF400  }
0x112: {  	v1 =	vld [tilespmem:$0xB000];
	_ =	sdelay $0x1  }
0x113: {  	v2 =	vld [tilespmem:$0xB080];
	_ =	sdelay $0x2  }
0x114: {  	v1 =	vnsel vm1, $0x0, v1  }
0x115: {  	(xrf0) =	vadd.scan.msk.s32 $0xffff, v1  }
0x116: {  	v1 =	vnsel vm1, $0x0, v2  }
0x117: {  	(xrf0) =	vadd.scan.msk.s32 $0xffff, v1;
	_ =	sdelay $0x3  }
0x118: {  	v1, _, _ =	vpop (xrf0)  }
0x119: {  	(v2sf) =	vpush v1, $0xF  }
0x11a: {  	v1, _, _ =	vpop (xrf0)  }
0x11b: {  	(v2sf) =	vpush v1, $0xF;
	_ =	sdelay $0xc  }
0x11c: {  	s13 =	spop (v2sf)  }
0x11d: {  	s0 =	sadd.s32 $0x7F, s13  }
0x11e: {  	s14 =	spop (v2sf);
	s1 =	sshra.s32 s0, $0x1F;
	s7 =	sand.u32 $0x7F, s0  }
0x11f: {  	p1 =	slt.s32 s0, $0x1;
	s5 =	sadd.s32 $0x7F, s14;
	s6 =	sshrl.u32 s1, $0x19  }
0x120: {  	p2 =	sne.s32 s7, $0x0;
	s8 =	sand.u32 $0x7F, s5;
	s9 =	sshra.s32 s5, $0x1F  }
0x121: {  	p3 =	slt.s32 s5, $0x1;
	s0 =	sadd.s32 s6, s0;
	p0 =	por !p1, !p2  }
0x122: {  	p4 =	sne.s32 s8, $0x0;
	s7 =	sshrl.u32 s9, $0x19;
	s6 =	sshra.s32 s0, $0x7  }
0x123: {  	p2 =	por !p0, !p0;
	s0 =	simm.s32 $0x1;
	p0 =	por !p3, !p4  }
0x124: {  	s5 =	sadd.s32 s7, s5;
	s7 =	simm.s32 $0x1;
	p0 =	por !p0, !p0  }
0x125: {  	s0 =	simm.s32 @!p2 $0x0;
	s8 =	sshra.s32 s5, $0x7;
	s7 =	simm.s32 @!p0 $0x0  }
0x126: {  	s1 =	simm.s32 @!p2 $0x0;
	s5 =	ssub.s32 s6, s0;
	s10 =	ssub.s32 s8, s7  }
0x127: {  	s1 =	simm.s32 @p2 $0x1;
	s0 =	sadd.s32 s5, s10  }
0x128: {  	[smem:$0x7F4] =	sst s1;
	p0 =	slt.s32 s0, $0x1  }
0x129: {  	s11 =	sadd.s32 $0x1, s0;
	p5 =	slt.s32 s0, $0x0;
	p1 =	sgt.s32 @!p0 s5, $0x0  }
0x12a: {  	s7 =	sshll.u32 @!p0 s5, $0x7;
	s8 =	simm.s32 @!p0 $0x80;
	s9 =	simm.s32 @!p0 $0x3000  }
0x12b: {  	s1 =	simm.s32 @!p0 $0x0;
	s12 =	sand.u32 $0x1, s11;
	s13 =	sshrl.u32 s11, $0x1F  }
0x12c: {  	s7 =	ssub.s32 @!p0 $0xC00, s7;
	p1 =	por !p1, p0;
	p6 =	seq.s32 s12, $0x1  }
0x12d: {  	s1 =	simm.s32 @p0 $0x1;
	s7 =	simm.s32 @!p1 $0x0;
	p1 =	por !p5, !p6  }
0x12e: {  	[tilespmem:s9], [sflag:$0x1] =	stream.indirect.gather @!p0 [spmem:s2], $0x80, s7, s8, $0xb8;
	[tilespmem:$0x1F100] =	vst v63  }
0x12f: {  	s7 =	sadd.s32 s13, s11;
	p0 =	por !p1, !p1;
	s8 =	simm.s32 $0x1  }
0x130: {  	s7 =	sshra.s32 s7, $0x1;
	s8 =	simm.s32 @!p0 $0x0  }
0x131: {  	s8 =	ssub.s32 s7, s8  }
0x132: {  	p3 =	slt.s32 s8, $0x1  }
0x133: {  	[smem:$0x7F5] =	sst s1;
	s1 =	simm.s32 @!p0 $0x0;
	p4 =	slt.s32 @!p3 s0, $0x1  }
0x134: {  	s1 =	simm.s32 @p0 $0x1;
	p5 =	por p4, p3  }
0x135: {  	[smem:$0x7F6] =	sst s1;
	p1 =	sgt.s32 @!p5 s5, $0x0  }
0x136: {  	s9 =	simm.s32 @!p5 $0x1;
	s10 =	sshll.u32 @!p5 s5, $0x9;
	s12 =	simm.s32 @!p5 $0x3000  }
0x137: {  	p6 =	seq.s32 @!p5 s0, $0x1;
	p1 =	por @!p3 !p1, p4;
	_ =	swait.ge @!p5 [sflag:s9], $0x4000  }
0x138: {  	s11 =	ssub.s32 @!p5 $0x3000, s10;
	s1 =	simm.s32 @!p6 $0x0;
	p1 =	por !p1, p3  }
0x139: {  	[sflag:s9] =	ssyncset.done @!p5 $0x0;
	s1 =	simm.s32 @p6 $0x1;
	s11 =	simm.s32 @p1 $0x0  }
0x13a: {  	[sflag:s9] =	ssyncadd.s32 @!p5 $0xFFFFC000;
	p1 =	por @!p3 p6, p4;
	[smem:$0x7F8] =	sst s1  }
0x13b: {  	s9 =	sshra.s32 @!p5 s11, $0x2;
	s11 =	simm.s32 @!p5 $0x80;
	p1 =	por p1, p3  }
0x13c: {  	s9 =	sadd.s32 @!p5 $0x1800, s9;
	p2 =	sgt.s32 @!p1 s5, $0x1;
	p0 =	slt.u32 @!p1 s0, $0x3  }
0x13d: {  	[spmem:s3] =	stream.indirect.scatter.add.f32 @!p5 [tilespmem:s12], [sflag:$0x2], $0x80, s9, s11, $0xb8;
	[tilespmem:$0x1F100] =	vst v63  }
0x13e: {  	s13 =	simm.s32 @!p1 $0x1;
	p2 =	por @!p5 !p2, p6;
	s9 =	sshll.u32 @!p1 s5, $0x7  }
0x13f: {  	s11 =	simm.s32 @!p1 $0x80;
	s1 =	simm.s32 @!p0 $0x0;
	p2 =	por @!p3 !p2, p4  }
0x140: {  	s9 =	ssub.s32 @!p1 $0xC80, s9;
	s1 =	simm.s32 @p0 $0x1;
	p2 =	por !p2, p3  }
0x141: {  	s12 =	simm.s32 @!p1 $0x7000;
	[smem:$0x7F7] =	sst s1;
	s9 =	simm.s32 @!p2 $0x80  }
0x142: {  	[tilespmem:s12], [sflag:$0x1] =	stream.indirect.gather @!p1 [spmem:s2], $0x80, s9, s11, $0xb8;
	[tilespmem:$0x1F100] =	vst v63  }
0x143: {  	_ =	swait.ge @!p1 [sflag:s13], $0x4000  }
0x144: {  	p2 =	por @!p5 p0, p6;
	s14 =	sld [smem:$0x7F7]  }
0x145: {  	p2 =	por @!p3 p2, p4  }
0x146: {  	p2 =	por p2, p3  }
0x147: {  	[sflag:s13] =	ssyncset.done @!p1 $0x0;
	p6 =	seq.s32 s14, $0x1;
	s14 =	sld [smem:$0x7F8]  }
0x148: {  	s9 =	sadd.s32 @!p1 $0x1800, s9;
	p0 =	sgt.s32 @!p2 s5, $0x2;
	[sflag:s13] =	ssyncadd.s32 @!p1 $0xFFFFC000  }
0x149: {  	[spmem:s3] =	stream.indirect.scatter.add.f32 @!p1 [tilespmem:s12], [sflag:$0x2], $0x80, s9, s11, $0xb8;
	[tilespmem:$0x1F100] =	vst v63  }
0x14a: {  	p0 =	por @!p1 !p0, p6;
	p1 =	seq.s32 s14, $0x1  }
0x14b: {  	p0 =	por @!p5 !p0, p1  }
0x14c: {  	p0 =	por @!p3 !p0, p4  }
0x14d: {  	s10 =	ssub.s32 @!p2 $0x3400, s10;
	p0 =	por !p0, p3  }
0x14e: {  	s10 =	simm.s32 @p0 $0x400;
	p0 =	seq.s32 @!p3 s8, $0x1  }
0x14f: {  	p0 =	por p3, p0  }
.Ltmp6:
0x150: {  	s9 =	simm.s32 @!p2 $0x2;
	(pc) =	sbr.rel @p0 .LBB2_11-.Ltmp6, $4  }
0x151: {  	_ =	swait.ge @!p2 [sflag:s9], $0x4000  }
0x152: {  	s11 =	simm.s32 @!p2 $0x3000;
	[sflag:s9] =	ssyncset.done @!p2 $0x0  }
0x153: {  	[sflag:s9] =	ssyncadd.s32 @!p2 $0xFFFFC000;
	s9 =	sshra.s32 @!p2 s10, $0x2;
	s10 =	simm.s32 @!p2 $0x80  }
0x154: {  	[tilespmem:s11], [sflag:$0x1] =	stream.indirect.gather @!p2 [spmem:s2], $0x80, s9, s10, $0xb8;
	[tilespmem:$0x1F100] =	vst v63  }
0x155: {  	s1 =	sld [smem:$0x7F6]  }
0x156: {  	s8 =	simm.s32 $0xFFFFFFFF;
	s16 =	sld [smem:$0x7F4]  }
0x157: {  	s9 =	simm.s32 $0xFFFFFFFF;
	p2 =	sle.s32 s0, $0x2;
	s10 =	simm.s32 $0x2  }
0x158: {  	s12 =	simm.s32 $0x3;
	p1 =	sle.s32 s0, $0x3;
	p0 =	seq.s32 s1, $0x1  }
0x159: {  	s11 =	simm.s32 @!p2 $0x1;
	s8 =	simm.s32 @!p0 $0x0;
	p0 =	seq.s32 s16, $0x1  }
0x15a: {  	s15 =	simm.s32 $0x4;
	_ =	swait.ge @!p2 [sflag:s11], $0x4000;
	s9 =	simm.s32 @!p0 $0x0  }
0x15b: {  	s13 =	simm.s32 @!p1 $0x2;
	[sflag:s11] =	ssyncset.done @!p2 $0x0;
	s6 =	sadd.s32 s9, s6  }
0x15c: {  	s14 =	simm.s32 @!p2 $0x3000;
	[sflag:s11] =	ssyncadd.s32 @!p2 $0xFFFFC000;
	s6 =	ssub.s32 $0x0, s6  }
0x15d: {  	s11 =	simm.s32 @!p2 $0x80;
	p0 =	sgt.s32 @!p2 s5, $0x2;
	s9 =	sadd.s32 @!p2 $0x0, s6  }
0x15e: {  	s7 =	sadd.s32 s8, s7;
	p0 =	por !p0, p2;
	s9 =	sadd.s32 @!p2 $0x1A, s9  }
0x15f: {  	s8 =	sadd.s32 $0xFFFFFFFF, s7;
	s7 =	simm.s32 $0x2;
	s10 =	smov.u32 @p0 s9  }
0x160: {  	p0 =	sgt.s32 @!p1 s5, $0x3;
	s9 =	sshll.u32 @!p2 s10, $0x9;
	s10 =	sadd.s32 @!p1 $0x0, s6  }
0x161: {  	p0 =	por !p0, p1;
	s9 =	sshra.s32 @!p2 s9, $0x2;
	s10 =	sadd.s32 @!p1 $0x1B, s10  }
0x162: {  	s8 =	sadd.s32 $0xFFFFFFFF, s8;
	s9 =	sadd.s32 @!p2 $0x1800, s9;
	s12 =	smov.u32 @p0 s10  }
0x163: {  	[spmem:s3] =	stream.indirect.scatter.add.f32 @!p2 [tilespmem:s14], [sflag:$0x2], $0x80, s9, s11, $0xb8;
	[tilespmem:$0x1F100] =	vst v63  }
0x164: {  	p3 =	sne.s32 s8, $0x0;
	s10 =	simm.s32 @!p1 $0x7000;
	s9 =	sshll.u32 @!p1 s12, $0x7  }
0x165: {  	s11 =	simm.s32 @!p1 $0x80;
	p2 =	sle.s32 s0, $0x4;
	_ =	swait.ge @!p1 [sflag:s13], $0x4000  }
0x166: {  	s14 =	simm.s32 @!p1 $0x1;
	p0 =	sgt.s32 @!p2 s5, $0x4;
	[sflag:s13] =	ssyncset.done @!p1 $0x0  }
.Ltmp7:
0x167: {  	s12 =	sadd.s32 @!p2 $0x0, s6;
	[sflag:s13] =	ssyncadd.s32 @!p1 $0xFFFFC000;
	(pc) =	sbr.rel @!p3 .LBB2_10-.Ltmp7, $4  }
0x168: {  	[tilespmem:s10], [sflag:$0x1] =	stream.indirect.gather @!p1 [spmem:s2], $0x80, s9, s11, $0xb8;
	[tilespmem:$0x1F100] =	vst v63  }
0x169: {  	p0 =	por !p0, p2;
	s13 =	sadd.s32 @!p2 $0x1C, s12;
	_ =	swait.ge @!p1 [sflag:s14], $0x4000  }
0x16a: {  	s12 =	sadd.s32 @!p1 $0x1800, s9;
	s15 =	smov.u32 @p0 s13;
	[sflag:s14] =	ssyncset.done @!p1 $0x0  }
0x16b: {  	s13 =	simm.s32 @!p2 $0x2;
	[sflag:s14] =	ssyncadd.s32 @!p1 $0xFFFFC000;
	s14 =	sshll.u32 @!p2 s15, $0x9  }
.LBB2_9:
0x16c: {  	[spmem:s3] =	stream.indirect.scatter.add.f32 @!p1 [tilespmem:s10], [sflag:$0x2], $0x80, s12, s11, $0xb8;
	[tilespmem:$0x1F100] =	vst v63  }
0x16d: {  	s9 =	smov.u32 s7;
	s10 =	simm.s32 @!p2 $0x80  }
0x16e: {  	s11 =	simm.s32 @!p2 $0x3000;
	s7 =	sadd.s32 $0x2, s7;
	_ =	swait.ge @!p2 [sflag:s13], $0x4000  }
0x16f: {  	s12 =	sshra.s32 @!p2 s14, $0x2;
	s8 =	sadd.s32 $0xFFFFFFFF, s8;
	[sflag:s13] =	ssyncset.done @!p2 $0x0  }
0x170: {  	p4 =	sge.s32 s7, s0;
	p3 =	sne.s32 s8, $0x0;
	[sflag:s13] =	ssyncadd.s32 @!p2 $0xFFFFC000  }
0x171: {  	[tilespmem:s11], [sflag:$0x1] =	stream.indirect.gather @!p2 [spmem:s2], $0x80, s12, s10, $0xb8;
	[tilespmem:$0x1F100] =	vst v63  }
0x172: {  	p0 =	slt.s32 @!p4 s7, s5;
	s10 =	sadd.s32 @!p4 s9, s6;
	s11 =	simm.s32 @!p4 $0x1  }
0x173: {  	p0 =	por !p0, p4;
	s12 =	smov.u32 s7;
	s10 =	sadd.s32 @!p4 $0x1A, s10  }
0x174: {  	s12 =	smov.u32 @p0 s10  }
0x175: {  	s10 =	sshll.u32 @!p4 s12, $0x9;
	s12 =	sadd.s32 $0x3, s9;
	_ =	swait.ge @!p4 [sflag:s11], $0x4000  }
0x176: {  	s10 =	sshra.s32 @!p4 s10, $0x2;
	p1 =	sge.s32 s12, s0;
	[sflag:s11] =	ssyncset.done @!p4 $0x0  }
0x177: {  	[sflag:s11] =	ssyncadd.s32 @!p4 $0xFFFFC000;
	s11 =	sadd.s32 @!p4 $0x1800, s10;
	s10 =	sadd.s32 @!p1 s9, s6  }
0x178: {  	s13 =	simm.s32 @!p1 $0x2;
	p0 =	slt.s32 @!p1 s12, s5;
	s10 =	sadd.s32 @!p1 $0x1B, s10  }
0x179: {  	s14 =	simm.s32 @!p4 $0x80;
	s15 =	simm.s32 @!p4 $0x3000;
	p0 =	por !p0, p1  }
0x17a: {  	s16 =	sadd.s32 $0x4, s9;
	s12 =	smov.u32 @p0 s10;
	s10 =	simm.s32 @!p1 $0x7000  }
0x17b: {  	[spmem:s3] =	stream.indirect.scatter.add.f32 @!p4 [tilespmem:s15], [sflag:$0x2], $0x80, s11, s14, $0xb8;
	[tilespmem:$0x1F100] =	vst v63  }
0x17c: {  	s14 =	sshll.u32 @!p1 s12, $0x7;
	s11 =	simm.s32 @!p1 $0x80;
	_ =	swait.ge @!p1 [sflag:s13], $0x4000  }
0x17d: {  	s15 =	simm.s32 @!p1 $0x1;
	s12 =	sadd.s32 @!p1 $0x1800, s14;
	[sflag:s13] =	ssyncset.done @!p1 $0x0  }
0x17e: {  	p2 =	sge.s32 s16, s0;
	[sflag:s13] =	ssyncadd.s32 @!p1 $0xFFFFC000  }
.Ltmp8:
0x17f: {  	s9 =	sadd.s32 @!p2 s9, s6;
	p0 =	slt.s32 @!p2 s16, s5;
	(pc) =	sbr.rel @p3 .LBB2_9-.Ltmp8, $4  }
0x180: {  	[tilespmem:s10], [sflag:$0x1] =	stream.indirect.gather @!p1 [spmem:s2], $0x80, s14, s11, $0xb8;
	[tilespmem:$0x1F100] =	vst v63  }
0x181: {  	s9 =	sadd.s32 @!p2 $0x1C, s9;
	p0 =	por !p0, p2;
	_ =	swait.ge @!p1 [sflag:s15], $0x4000  }
0x182: {  	s16 =	smov.u32 @p0 s9;
	[sflag:s15] =	ssyncset.done @!p1 $0x0  }
0x183: {  	s13 =	simm.s32 @!p2 $0x2;
	s14 =	sshll.u32 @!p2 s16, $0x9;
	[sflag:s15] =	ssyncadd.s32 @!p1 $0xFFFFC000  }
.Ltmp9:
0x184: {  	_ = 	snop;
	(pc) =	sbr.rel .LBB2_10-.Ltmp9, $1  }
0x185: {  	_ =	sdelay $0x3  }
.LBB2_12:
0x186: {  	_ =	sfence.sel $0x180000  }
0x187: {  	[bflag:$0x0] =	sbarrier.arrive $0xFFFF  }
0x188: {  	_ =	strace $0x9000004D  }
0x189: {  	s0 =	stileid.u32;
	[bflag:$0x2] =	sbarrier.arrive $0xFFFF  }
0x18a: {  	p0 =	sne.s32 s0, $0x0;
	s0 =	rddreg [dreg:$0x3]  }
0x18b: {  	s0 =	sadd.s32 @!p0 $0x100000, s0  }
0x18c: {  	[sflag:s0] =	ssyncadd.tile.s32 @!p0 $0x1;
	_ =	shalt  }
.Lfunc_end2:
_tile_overlayer_lowered:
.L_overlay_start_2:
0x18d: {  	(tag) =	ssettag $0x2  }
0x18e: {  	s0 =	rddreg [dreg:$0x0];
	s2 =	stileid.u32  }
0x18f: {  	s1 =	rddreg [dreg:$0x1];
	p0 =	sne.s32 s2, $0x0  }
0x190: {  	s3 =	rddreg [dreg:$0x2];
	[bflag:$0x3] =	sbarrier.arrive $0xFFFF;
	s2 =	simm.s32 @!p0 $0x1C03  }
0x191: {  	[timem:s3], [sflag:s2] =	dma.local @!p0 [hbm:s0], s1  }
0x192: {  	s0 =	simm.s32 @!p0 $0x3  }
0x193: {  	_ =	swait.ge @!p0 [sflag:s0], s1  }
0x194: {  	s1 =	ssub.s32 @!p0 $0x0, s1;
	[sflag:s0] =	ssyncset.done @!p0 $0x0  }
0x195: {  	[sflag:s0] =	ssyncadd.s32 @!p0 s1  }
0x196: {  	[bflag:$0x3] =	sbarrier.arrive $0xFFFF  }
0x197: {  	_ =	shalt  }

// kernel: kernel.8.cloned.1.call-start
scs
__scs_entry_jumppad:
0x0: {  	(pc) =	sbr.rel $0x88, $3  }
0x1: {  	(tag) =	ssettag $0x0;
	lr =	simm.s32 $0x1  }
0x2: {  	[smem:$0x3F9B] =	sst lr;
	_ =	strace $0xD0000000  }
0x3: {  	_ = 	snop  }
0x4: {  	_ = 	snop  }
0x5: {  	_ = 	snop  }
0x6: {  	_ = 	snop  }
0x7: {  	_ = 	snop  }
__scs_overlays_trampoline_lowered:
0x8: {  	[smem:$0x3FAA] =	sst s0  }
0x9: {  	[smem:$0x3FAB] =	sst s1  }
0xa: {  	[smem:$0x3FAC] =	sst s2  }
0xb: {  	[smem:$0x3FAD] =	sst s3  }
0xc: {  	[smem:$0x3FAE] =	sst s4  }
0xd: {  	[smem:$0x3FAF] =	sst s5  }
0xe: {  	[smem:$0x3FB0] =	sst s6  }
0xf: {  	[smem:$0x3FB1] =	sst s7  }
0x10: {  	[smem:$0x3FB2] =	sst s8  }
0x11: {  	[smem:$0x3FB3] =	sst s9;
	s0 =	simm.s32 @!p0 $0x0  }
0x12: {  	s1 =	sld [smem:$0x3F99];
	s0 =	simm.s32 @p0 $0x1  }
0x13: {  	[smem:$0x3FB4] =	sst s0;
	s0 =	simm.s32 @!p1 $0x0  }
0x14: {  	s2 =	sld [smem:$0x3F98];
	s0 =	simm.s32 @p1 $0x1  }
0x15: {  	[smem:$0x3FB5] =	sst s0;
	s0 =	simm.s32 @!p2 $0x0  }
0x16: {  	s3 =	sld [smem:$0x3FDB];
	s0 =	simm.s32 @p2 $0x1  }
0x17: {  	s4 =	simm.s32 $0x1BF5;
	[smem:$0x3FB7] =	sst s0  }
0x18: {  	s0 =	sld [smem:$0x3F9A];
	_ =	swait.ge [sflag:s4], $0x0  }
0x19: {  	s7 =	sld [smem:$0x3F9B]  }
0x1a: {  	s8 =	sadd.s32 $0xFFFFE003, lr  }
0x1b: {  	s9 =	sadd.s32 $0xFFFFFEF7, lr;
	s5 =	simm.s32 $0xFFFFFFFF;
	p2 =	slt.u32 s8, $0xFFFFF086  }
0x1c: {  	p1 =	slt.u32 s9, $0xF7A;
	s5 =	simm.s32 @!p2 $0x0  }
0x1d: {  	s5 =	simm.s32 @p1 $0x1;
	p0 =	seq.s32 s7, s2  }
0x1e: {  	s7 =	smul.u32 @!p0 $0xF7A, s2;
	p2 =	seq.s32 @!p0 s5, $0x0  }
0x1f: {  	s9 =	smul.u32 $0xF7A, s1;
	s8 =	simm.s32 @!p0 $0x1BF5;
	p2 =	por !p2, p0  }
0x20: {  	[sflag:s8] =	ssyncset.s32 @!p0 $0xFFFFF086;
	s6 =	sadd.s32 @!p0 s3, s7;
	s7 =	simm.s32 @!p0 $0x108  }
0x21: {  	s3 =	sadd.s32 s3, s9;
	s6 =	sadd.s32 @!p0 $0x88, s6;
	s7 =	simm.s32 @p2 $0x1082  }
0x22: {  	[simem:s7], [sflag:s8] =	dma.local @!p0 [hbm:s6], $0xF7A  }
0x23: {  	s9 =	sor.u32 $0xD0000000, s2;
	s6 =	simm.s32 $0x108;
	_ =	swait.ge @!p0 [sflag:s8], $0x0  }
0x24: {  	s3 =	sadd.s32 $0x88, s3;
	s6 =	simm.s32 @!p1 $0x1082;
	[sflag:s4] =	ssyncset.s32 $0xFFFFF086  }
0x25: {  	[simem:s6], [sflag:s4] =	dma.local [hbm:s3], $0xF7A  }
0x26: {  	[smem:$0x3F9B] =	sst s1;
	(tag) =	ssettag s2;
	_ =	strace s9  }
0x27: {  	s1 =	sld [smem:$0x3FAB]  }
0x28: {  	s2 =	sld [smem:$0x3FAC]  }
0x29: {  	s4 =	sld [smem:$0x3FAE]  }
0x2a: {  	p0 =	seq.s32 s5, $0x0;
	s5 =	sld [smem:$0x3FAF]  }
0x2b: {  	s6 =	sld [smem:$0x3FB0]  }
0x2c: {  	s7 =	sld [smem:$0x3FB1]  }
0x2d: {  	s3 =	simm.s32 $0x108;
	s8 =	sld [smem:$0x3FB2]  }
0x2e: {  	s3 =	simm.s32 @!p0 $0x1082;
	s9 =	sld [smem:$0x3FB3]  }
0x2f: {  	lr =	sadd.s32 s0, s3;
	s0 =	sld [smem:$0x3FAA]  }
0x30: {  	s3 =	sld [smem:$0x3FAD]  }
0x31: {  	[smem:$0x3FB6] =	sst s10  }
0x32: {  	s10 =	sld [smem:$0x3FB4];
	_ =	sdelay $0x3  }
0x33: {  	p0 =	seq.s32 s10, $0x1;
	s10 =	sld [smem:$0x3FB6];
	_ =	sdelay $0x3  }
0x34: {  	[smem:$0x3FB6] =	sst s10  }
0x35: {  	s10 =	sld [smem:$0x3FB5];
	_ =	sdelay $0x3  }
0x36: {  	p1 =	seq.s32 s10, $0x1;
	s10 =	sld [smem:$0x3FB6];
	_ =	sdelay $0x3  }
0x37: {  	[smem:$0x3FB6] =	sst s10  }
0x38: {  	s10 =	sld [smem:$0x3FB7]  }
0x39: {  	_ = 	snop;
	(pc) =	sbr.ind lr, $3  }
0x3a: {  	_ = 	snop  }
0x3b: {  	_ = 	snop  }
0x3c: {  	p2 =	seq.s32 s10, $0x1;
	s10 =	sld [smem:$0x3FB6]  }
0x3d: {  	_ =	shalt  }
0x3e: {  	_ =	shalt  }
0x3f: {  	_ =	shalt  }
0x40: {  	_ =	shalt  }
0x41: {  	_ =	shalt  }
0x42: {  	_ =	shalt  }
0x43: {  	_ =	shalt  }
0x44: {  	_ =	shalt  }
0x45: {  	_ =	shalt  }
0x46: {  	_ =	shalt  }
0x47: {  	_ =	shalt  }
0x48: {  	_ =	shalt  }
0x49: {  	_ =	shalt  }
0x4a: {  	_ =	shalt  }
0x4b: {  	_ =	shalt  }
0x4c: {  	_ =	shalt  }
0x4d: {  	_ =	shalt  }
0x4e: {  	_ =	shalt  }
0x4f: {  	_ =	shalt  }
0x50: {  	_ =	shalt  }
0x51: {  	_ =	shalt  }
0x52: {  	_ =	shalt  }
0x53: {  	_ =	shalt  }
0x54: {  	_ =	shalt  }
0x55: {  	_ =	shalt  }
0x56: {  	_ =	shalt  }
0x57: {  	_ =	shalt  }
0x58: {  	_ =	shalt  }
0x59: {  	_ =	shalt  }
0x5a: {  	_ =	shalt  }
0x5b: {  	_ =	shalt  }
0x5c: {  	_ =	shalt  }
0x5d: {  	_ =	shalt  }
0x5e: {  	_ =	shalt  }
0x5f: {  	_ =	shalt  }
0x60: {  	_ =	shalt  }
0x61: {  	_ =	shalt  }
0x62: {  	_ =	shalt  }
0x63: {  	_ =	shalt  }
0x64: {  	_ =	shalt  }
0x65: {  	_ =	shalt  }
0x66: {  	_ =	shalt  }
0x67: {  	_ =	shalt  }
0x68: {  	_ =	shalt  }
0x69: {  	_ =	shalt  }
0x6a: {  	_ =	shalt  }
0x6b: {  	_ =	shalt  }
0x6c: {  	_ =	shalt  }
0x6d: {  	_ =	shalt  }
0x6e: {  	_ =	shalt  }
0x6f: {  	_ =	shalt  }
0x70: {  	_ =	shalt  }
0x71: {  	_ =	shalt  }
0x72: {  	_ =	shalt  }
0x73: {  	_ =	shalt  }
0x74: {  	_ =	shalt  }
0x75: {  	_ =	shalt  }
0x76: {  	_ =	shalt  }
0x77: {  	_ =	shalt  }
0x78: {  	_ =	shalt  }
0x79: {  	_ =	shalt  }
0x7a: {  	_ =	shalt  }
0x7b: {  	_ =	shalt  }
0x7c: {  	_ =	shalt  }
0x7d: {  	_ =	shalt  }
0x7e: {  	_ =	shalt  }
0x7f: {  	_ =	shalt  }
0x80: {  	_ =	shalt  }
0x81: {  	_ =	shalt  }
0x82: {  	_ =	shalt  }
0x83: {  	_ =	shalt  }
0x84: {  	_ =	shalt  }
0x85: {  	_ =	shalt  }
0x86: {  	_ =	shalt  }
0x87: {  	_ =	shalt  }
.Lfunc_end0:
.L_simem_size_0:
called_computation_lowered:
.L_overlay_start_0:
0x88: {  	s2 =	sld [smem:$0x3FD9]  }
0x89: {  	s3 =	sld [smem:$0x3FFE];
	_ =	sdelay $0x1  }
0x8a: {  	s1 =	srdreg.scid  }
0x8b: {  	s0 =	sand.u32 $0x1, s1  }
0x8c: {  	s17 =	sshll.u32 s0, $0xA;
	s2 =	sadd.s32 s3, s2  }
0x8d: {  	s2 =	sadd.s32 s2, s17  }
0x8e: {  	[smem:$0x3FC2] =	sst s2  }
0x8f: {  	_ = 	snop  }
0x90: {  	s2 =	sld [smem:$0x3FD0];
	(tm) =	ssettm $0x1  }
0x91: {  	s18 =	sld [smem:$0x3FFB];
	_ =	sdelay $0x3  }
0x92: {  	_ =	strace s18  }
0x93: {  	s3 =	sld [smem:$0x3FFC];
	_ =	sdelay $0x3  }
0x94: {  	_ =	strace s3  }
0x95: {  	s3 =	sld [smem:$0x3FFD];
	_ =	sdelay $0x3  }
0x96: {  	_ =	strace s3  }
0x97: {  	_ =	strace $0x8FFFFFFF  }
0x98: {  	s19 =	sld [smem:$0x3FDB];
	_ =	sdelay $0x1  }
0x99: {  	s4 =	simm.s32 $_scs_section_size  }
0x9a: {  	s5 =	simm.s32 $_size__tile_overlayer_lowered;
	s6 =	simm.s32 $_tile_overlayer_lowered  }
0x9b: {  	s22 =	simm.s32 $0x1BFF;
	s21 =	sshll.u32 s6, $0x1;
	s3 =	sadd.s32 s4, s19  }
0x9c: {  	s7 =	simm.s32 $0x0;
	s20 =	sshll.u32 s5, $0x1;
	s5 =	sadd.s32 s21, s3  }
0x9d: {  	[timem:s7], [sflag:s22] =	dma.local [hbm:s5], s20  }
0x9e: {  	_ =	swait.ge [sflag:s22], s20  }
0x9f: {  	s4 =	ssub.s32 $0x0, s20;
	[sflag:s22] =	ssyncset.done $0x0  }
0xa0: {  	[sflag:s22] =	ssyncadd.s32 s4;
	_ =	sdelay $0x1  }
0xa1: {  	s23 =	simm.s32 $0x1B8B  }
0xa2: {  	_ =	swait.ge [sflag:s23], $0x1  }
0xa3: {  	[sflag:s23] =	ssyncset.done $0x0  }
0xa4: {  	s25 =	simm.s32 $0x1B8E;
	s24 =	sld [smem:$0x3FFE];
	[sflag:s23] =	ssyncadd.s32 $0xFFFFFFFF  }
0xa5: {  	s26 =	simm.s32 $execute0_lowered;
	[smem:$0x3FD2] =	sst s25  }
0xa6: {  	s5 =	sshll.u32 s26, $0x1;
	_ =	strace $0x80000046;
	[dreg:$0x1] =	wrdreg $0xFFFFFFFF  }
0xa7: {  	s28 =	simm.s32 $_size_execute0_lowered;
	s3 =	sadd.s32 s3, s5;
	[dreg:$0x0] =	wrdreg $0x0  }
0xa8: {  	s5 =	sshll.u32 s28, $0x1;
	[dreg:$0x2] =	wrdreg s3  }
0xa9: {  	[dreg:$0x3] =	wrdreg s5  }
0xaa: {  	[dreg:$0x4] =	wrdreg $0xC0  }
0xab: {  	_ =	task [dreg:s7], $0x5FFFF  }
0xac: {  	[dreg:$0x1] =	wrdreg $0xFFFFFFFF  }
0xad: {  	[dreg:$0x0] =	wrdreg $0x60  }
0xae: {  	[dreg:$0x2] =	wrdreg s24  }
0xaf: {  	[dreg:$0x3] =	wrdreg s2  }
0xb0: {  	[dreg:$0x4] =	wrdreg $0x9  }
0xb1: {  	_ =	task.clear_ibuf [dreg:s7], $0x5FFFF;
	_ =	strace $0x90000046  }
0xb2: {  	s29 =	simm.s32 $0x9;
	_ =	strace $0x80000048  }
0xb3: {  	_ =	swait.ge [sflag:s29], $0x1  }
0xb4: {  	[sflag:s29] =	ssyncadd.s32 $0xFFFFFFFF  }
0xb5: {  	_ =	strace $0x90000048  }
0xb6: {  	_ =	sfence  }
0xb7: {  	s30 =	sld [smem:$0x0];
	_ =	sdelay $0x2  }
0xb8: {  	s31 =	sshll.u32 s1, $0xD;
	s1 =	sshrl.u32 s1, $0x2  }
0xb9: {  	s3 =	sand.u32 $0x4000, s31;
	s1 =	sadd.s32 s1, s30  }
0xba: {  	s0 =	sor.u32 s3, s0;
	s1 =	sshll.u32 s1, $0x11  }
0xbb: {  	s0 =	sor.u32 s1, s0  }
0xbc: {  	s0 =	sadd.s32 $0x8F2B, s0  }
0xbd: {  	[sflag:s0] =	ssyncadd.remote.s32 $0x1  }
0xbe: {  	_ =	sfence.sel $0xFFFF  }
0xbf: {  	[dreg:$0x0] =	wrdreg $0xFFFFFFFF;
	(pc) =	sbr.abs _section_cstart, $3  }
0xc0: {  	[dreg:$0x1] =	wrdreg $0xFFFFFFFF  }
0xc1: {  	_ =	task.clear_ibuf [dreg:s7], $0x2FFFF;
	_ =	strace $0x9FFFFFFF  }
0xc2: {  	(tm) =	ssettm $0x7FFFFFFF  }
0xc3: {  	_ =	shalt  }
tec
execute0_lowered:
.L_overlay_start_1:
0x0: {  	(tag) =	ssettag $0x1  }
0x1: {  	s0 =	rddreg [dreg:$0x0]  }
0x2: {  	s1 =	rddreg [dreg:$0x1]  }
0x3: {  	s3 =	srdreg.scid;
	s6 =	stileid.u32;
	s2 =	simm.s32 $0x0  }
0x4: {  	s16 =	simm.s32 $0x1;
	s18 =	simm.s32 $0x4F00;
	s19 =	simm.s32 $0x80  }
0x5: {  	s28 =	simm.s32 $0xB700;
	s29 =	simm.s32 $0xE700;
	s30 =	simm.s32 $0xC300  }
0x6: {  	s31 =	simm.s32 $0xF300;
	s3 =	sand.u32 $0x1, s3;
	s4 =	sshll.u32 s6, $0x1  }
0x7: {  	[smem:$0x7FF] =	sst s2;
	s6 =	sshrl.u32 s6, $0x2;
	s13 =	sadd.s32 $0x15C00, s0  }
0x8: {  	s14 =	sadd.s32 $0x21C00, s0;
	s4 =	sor.u32 s3, s4;
	_ =	strace $0x80000047  }
0x9: {  	s8 =	sshll.u32 s6, $0xA;
	s3 =	ssub.s32 $0x2, s3;
	s6 =	smul.u32 $0x28000, s6  }
0xa: {  	s5 =	smul.u32 $0x4E2, s4;
	s7 =	sshll.u32 s4, $0x7;
	s22 =	sshrl.u32 s3, $0x1  }
0xb: {  	s11 =	smul.u32 $0x600, s4;
	s7 =	sand.u32 $0x380, s7;
	s15 =	ssub.s32 s3, s22  }
0xc: {  	s22 =	simm.s32 $0x200;
	s5 =	sadd.s32 s5, s0;
	s8 =	sor.u32 s8, s7  }
0xd: {  	s6 =	sor.u32 s6, s7;
	s24 =	sor.u32 $0x10, s11;
	s7 =	sadd.s32 s13, s11  }
0xe: {  	s25 =	sor.u32 $0x20, s11;
	s26 =	sor.u32 $0x30, s11;
	s15 =	smax.u32 s15, $0x1  }
0xf: {  	s8 =	sshrl.u32 s8, $0x3;
	s3 =	sadd.s32 $0xBE00, s5;
	s4 =	sadd.s32 $0x2000, s5  }
0x10: {  	s23 =	sshrl.u32 s6, $0x3;
	s9 =	sadd.s32 s13, s24;
	s10 =	sadd.s32 s14, s24  }
0x11: {  	v0 =	vimm.f32 $0.0e+00;
	v1 =	vimm.s32 $0x0;
	s12 =	sadd.s32 s14, s25;
	s0 =	sadd.s32 s8, s0;
	s5 =	sadd.s32 s1, s23  }
0x12: {  	v2 =	vimm.s32 $0x13FF;
	v3 =	vimm.f32 $1.000000000e+00;
	vm0 =	vcmask $0x300;
	s8 =	sadd.s32 s14, s11;
	s11 =	sadd.s32 s13, s25;
	s13 =	sadd.s32 s13, s26  }
0x13: {  	vm1 =	vcmask $0x704;
	vm2 =	vcmask $0xB08;
	vm3 =	vcmask $0xF0C;
	s14 =	sadd.s32 s14, s26;
	s6 =	sadd.s32 $0x2DC00, s0;
	s0 =	simm.s32 $0x0  }
.LBB2_1:
0x14: {  	[tilespmem:s2], [sflag:$0x1] =	stream.linear.gather [hbm4b:s3+s2], $0x2710, $0x38;
	[tilespmem:$0xFF80] =	vst v63  }
0x15: {  	_ =	swait.ge [sflag:s16], $0x2710  }
0x16: {  	[sflag:s16] =	ssyncset.done $0x0  }
0x17: {  	s1 =	simm.s32 $0x2780;
	[sflag:s16] =	ssyncadd.s32 $0xFFFFD8F0  }
0x18: {  	[tilespmem:s1], [sflag:$0x1] =	stream.linear.gather [hbm4b:s4+s2], $0x2710, $0x38;
	[tilespmem:$0xFF80] =	vst v63  }
0x19: {  	_ =	swait.ge [sflag:s16], $0x2710  }
0x1a: {  	[sflag:s16] =	ssyncset.done $0x0  }
0x1b: {  	s17 =	simm.s32 $0x0;
	s1 =	simm.s32 $0x40;
	[sflag:s16] =	ssyncadd.s32 $0xFFFFD8F0  }
.LBB2_2:
0x1c: {  	p0 =	sne.s32 s1, $0x13FC0;
	[tilespmem:s17+$0x4F00] =	vst v0;
	s17 =	smov.u32 s1;
	s1 =	sadd.s32 $0x40, s1  }
.Ltmp0:
0x1d: {  	(pc) =	sbr.rel @p0 .LBB2_2-.Ltmp0, $2  }
0x1e: {  	_ =	sdelay $0x2  }
0x1f: {  	s17 =	sshra.s32 s17, $0x2  }
0x20: {  	[tilespmem:s17+$0x4F00] =	vst v0;
	s26 =	simm.s32 $0x0;
	s17 =	simm.s32 $0x0;
	s20 =	simm.s32 $0x40  }
.LBB2_4:
0x21: {  	p0 =	sne.s32 s20, $0x2FC0;
	[tilespmem:s17+$0xF300] =	vst v2  }
0x22: {  	[tilespmem:s17+$0x9F00] =	vst v1  }
0x23: {  	[tilespmem:s17+$0xCF00] =	vst v2  }
.Ltmp1:
0x24: {  	[tilespmem:s17+$0xAB00] =	vst v1;
	(pc) =	sbr.rel @p0 .LBB2_4-.Ltmp1, $4  }
0x25: {  	[tilespmem:s17+$0xDB00] =	vst v2  }
0x26: {  	[tilespmem:s17+$0xB700] =	vst v1  }
0x27: {  	[tilespmem:s17+$0xE700] =	vst v2  }
0x28: {  	[tilespmem:s17+$0xC300] =	vst v1;
	s17 =	sshra.s32 s20, $0x2;
	s20 =	sadd.s32 $0x40, s20  }
0x29: {  	[tilespmem:s17+$0xF300] =	vst v2  }
0x2a: {  	[tilespmem:s17+$0x9F00] =	vst v1  }
0x2b: {  	[tilespmem:s17+$0xCF00] =	vst v2  }
0x2c: {  	[tilespmem:s17+$0xAB00] =	vst v1  }
0x2d: {  	[tilespmem:s17+$0xDB00] =	vst v2  }
0x2e: {  	[tilespmem:s17+$0xB700] =	vst v1  }
0x2f: {  	[tilespmem:s17+$0xE700] =	vst v2  }
0x30: {  	[tilespmem:s17+$0xC300] =	vst v1;
	s24 =	simm.s32 $0x0  }
0x31: {  	v4 =	vld [tilespmem:s24+$0x2780]  }
0x32: {  	v5 =	vld [tilespmem:s24+$0x0];
	_ =	sdelay $0x3  }
0x33: {  	v6 =	vadd.s32 $0x2800, v4;
	_ =	sdelay $0x2  }
0x34: {  	vm4 =	vle.s32 v5, $0x1387;
	vm5 =	vgt.s32 v5, $0x1387  }
0x35: {  	p0 =	por $0x1, $0x1;
	s17 =	simm.s32 $0x0;
	vm6 =	vle.s32 v4, $0x1387;
	vm7 =	vgt.s32 v4, $0x1387;
	v7 =	vsel vm5, $0xFFFFEC78, v1;
	[tilespmem:v5+s18+$0x0] =	vst.idx.add.f32.msk $0xffff, v3  }
0x36: {  	s17 =	simm.s32 @!p0 $0xBF0;
	vm8 =	vmand vm4, vm6;
	v8 =	vsel vm7, $0xFFFFEC78, v1;
	v5 =	vadd.s32 v5, v7;
	[tilespmem:v6+s18+$0x0] =	vst.idx.add.f32.msk $0xffff, v3  }
0x37: {  	v4 =	vadd.s32 v4, v8;
	v6 =	vsel vm8, $0x1, v1;
	[tilespmem:s17+$0x9F00] =	vst.msk vm8, v5  }
0x38: {  	vm4 =	vmand vm7, vm4;
	(xrf0) =	vadd.scan.msk.s32 $0xffff, v6;
	[tilespmem:s17+$0xCF00] =	vst.msk vm8, v4  }
0x39: {  	vm6 =	vmand vm5, vm6;
	v7 =	vsel vm4, $0x1, v1;
	[tilespmem:s17+$0xAB00] =	vst.msk vm4, v5  }
0x3a: {  	v6 =	vsel vm6, $0x1, v1;
	(xrf0) =	vadd.scan.msk.s32 $0xffff, v7;
	[tilespmem:s17+$0xDB00] =	vst.msk vm4, v4;
	vm4 =	vmand vm5, vm7  }
0x3b: {  	(xrf0) =	vadd.scan.msk.s32 $0xffff, v6;
	v7 =	vsel vm4, $0x1, v1  }
0x3c: {  	(xrf0) =	vadd.scan.msk.s32 $0xffff, v7;
	_ =	sdelay $0x1  }
0x3d: {  	v6, _, _ =	vpop (xrf0)  }
0x3e: {  	(v2sf) =	vpush v6, $0xF  }
0x3f: {  	v6, _, _ =	vpop (xrf0)  }
0x40: {  	[tilespmem:s17+$0xB700] =	vst.msk vm6, v5;
	(v2sf) =	vpush v6, $0xF;
	v6, _, _ =	vpop (xrf0)  }
0x41: {  	[tilespmem:s17+$0xE700] =	vst.msk vm6, v4;
	(v2sf) =	vpush v6, $0xF;
	v6, _, _ =	vpop (xrf0)  }
0x42: {  	[tilespmem:s17+$0xC300] =	vst.msk vm4, v5;
	(v2sf) =	vpush v6, $0xF  }
0x43: {  	s25 =	simm.s32 $0x10;
	[tilespmem:s17+$0xF300] =	vst.msk vm4, v4  }
0x44: {  	v5 =	vld [tilespmem:s25+$0x0]  }
0x45: {  	v4 =	vld [tilespmem:s25+$0x2780];
	_ =	sdelay $0x3  }
0x46: {  	vm4 =	vle.s32 v5, $0x1387;
	vm9 =	vgt.s32 v5, $0x1387  }
0x47: {  	v6 =	vadd.s32 $0x2800, v4;
	vm5 =	vle.s32 v4, $0x1387;
	vm8 =	vgt.s32 v4, $0x1387  }
0x48: {  	s23 =	simm.s32 $0x80;
	vm7 =	vmand vm4, vm5;
	vm6 =	vmand vm8, vm4;
	vm5 =	vmand vm9, vm5  }
0x49: {  	s21 =	simm.s32 $0x0;
	s20 =	simm.s32 $0x0;
	s17 =	simm.s32 $0x0;
	vm4 =	vmand vm9, vm8;
	v8 =	vsel vm7, $0x1, v1;
	v7 =	vsel vm6, $0x1, v1  }
.LBB2_6:
0x4a: {  	p0 =	sne.s32 s23, $0x9C00;
	s24 =	spop (v2sf)  }
0x4b: {  	v9 =	vsel vm9, $0xFFFFEC78, v1;
	v10 =	vsel vm5, $0x1, v1;
	v11 =	vsel vm4, $0x1, v1;
	(xrf0) =	vadd.scan.msk.s32 $0xffff, v8;
	s25 =	smov.u32 s23;
	s23 =	sadd.s32 $0x40, s23;
	s26 =	sadd.s32 s26, s24  }
0x4c: {  	v8 =	vsel vm8, $0xFFFFEC78, v1;
	(xrf0) =	vadd.scan.msk.s32 $0xffff, v7;
	s24 =	spop (v2sf);
	p1 =	slt.s32 s26, $0xBF0  }
0x4d: {  	[tilespmem:v5+s18+$0x0] =	vst.idx.add.f32.msk $0xffff, v3;
	(xrf0) =	vadd.scan.msk.s32 $0xffff, v10;
	s21 =	sadd.s32 s21, s24;
	s24 =	spop (v2sf);
	s1 =	smov.u32 s26  }
0x4e: {  	v5 =	vadd.s32 v5, v9;
	[tilespmem:v6+s18+$0x0] =	vst.idx.add.f32.msk $0xffff, v3;
	s1 =	simm.s32 @!p1 $0xBF0;
	(xrf0) =	vadd.scan.msk.s32 $0xffff, v11;
	s20 =	sadd.s32 s20, s24;
	s24 =	spop (v2sf)  }
0x4f: {  	v4 =	vadd.s32 v4, v8;
	p1 =	slt.s32 s21, $0xBF0;
	[tilespmem:s1+$0x9F00] =	vst.msk vm7, v5;
	p2 =	slt.s32 s20, $0xBF0;
	s17 =	sadd.s32 s17, s24  }
0x50: {  	[tilespmem:s1+$0xCF00] =	vst.msk vm7, v4;
	s1 =	smov.u32 s21  }
0x51: {  	s1 =	simm.s32 @!p1 $0xBF0;
	p1 =	slt.s32 s17, $0xBF0  }
0x52: {  	[tilespmem:s1+$0xAB00] =	vst.msk vm6, v5;
	v6, _, _ =	vpop (xrf0)  }
0x53: {  	[tilespmem:s1+$0xDB00] =	vst.msk vm6, v4;
	s1 =	smov.u32 s20  }
0x54: {  	(v2sf) =	vpush v6, $0xF;
	v6, _, _ =	vpop (xrf0);
	s1 =	simm.s32 @!p2 $0xBF0  }
0x55: {  	[tilespmem:s1+$0xB700] =	vst.msk vm5, v5;
	(v2sf) =	vpush v6, $0xF;
	v6, _, _ =	vpop (xrf0)  }
0x56: {  	[tilespmem:s1+$0xE700] =	vst.msk vm5, v4;
	s1 =	smov.u32 s17  }
0x57: {  	(v2sf) =	vpush v6, $0xF;
	v6, _, _ =	vpop (xrf0);
	s1 =	simm.s32 @!p1 $0xBF0  }
0x58: {  	[tilespmem:s1+$0xC300] =	vst.msk vm4, v5;
	(v2sf) =	vpush v6, $0xF  }
0x59: {  	[tilespmem:s1+$0xF300] =	vst.msk vm4, v4  }
0x5a: {  	s1 =	sshra.s32 s25, $0x2  }
0x5b: {  	v5 =	vld [tilespmem:s1+$0x0]  }
0x5c: {  	v4 =	vld [tilespmem:s1+$0x2780];
	_ =	sdelay $0x2  }
.Ltmp2:
0x5d: {  	(pc) =	sbr.rel @p0 .LBB2_6-.Ltmp2, $4  }
0x5e: {  	vm4 =	vle.s32 v5, $0x1387;
	vm9 =	vgt.s32 v5, $0x1387  }
0x5f: {  	v6 =	vadd.s32 $0x2800, v4;
	vm5 =	vle.s32 v4, $0x1387;
	vm8 =	vgt.s32 v4, $0x1387  }
0x60: {  	vm7 =	vmand vm4, vm5;
	vm6 =	vmand vm8, vm4;
	vm5 =	vmand vm9, vm5  }
0x61: {  	vm4 =	vmand vm9, vm8;
	v8 =	vsel vm7, $0x1, v1;
	v7 =	vsel vm6, $0x1, v1  }
0x62: {  	(xrf0) =	vadd.scan.msk.s32 $0xffff, v8;
	_ =	sdelay $0x1  }
0x63: {  	v56 =	vsel vm5, $0x1, v1;
	(xrf0) =	vadd.scan.msk.s32 $0xffff, v7  }
0x64: {  	v57 =	vsel vm4, $0x1, v1;
	(xrf0) =	vadd.scan.msk.s32 $0xffff, v56  }
0x65: {  	(xrf0) =	vadd.scan.msk.s32 $0xffff, v57;
	_ =	sdelay $0x1  }
0x66: {  	v58, _, _ =	vpop (xrf0)  }
0x67: {  	(v2sf) =	vpush v58, $0xF  }
0x68: {  	v59, _, _ =	vpop (xrf0)  }
0x69: {  	s1 =	spop (v2sf);
	(v2sf) =	vpush v59, $0xF;
	v60, _, _ =	vpop (xrf0)  }
0x6a: {  	s1 =	sadd.s32 s26, s1;
	(v2sf) =	vpush v60, $0xF;
	v61, _, _ =	vpop (xrf0)  }
0x6b: {  	v62 =	vsel vm9, $0xFFFFEC78, v1;
	[tilespmem:v5+s18+$0x0] =	vst.idx.add.f32.msk $0xffff, v3;
	s23 =	spop (v2sf);
	p0 =	slt.s32 s1, $0xBF0;
	s24 =	smov.u32 s1;
	(v2sf) =	vpush v61, $0xF  }
0x6c: {  	v63 =	vsel vm8, $0xFFFFEC78, v1;
	[tilespmem:v6+s18+$0x0] =	vst.idx.add.f32.msk $0xffff, v3;
	v5 =	vadd.s32 v5, v62;
	s21 =	sadd.s32 s21, s23;
	s24 =	simm.s32 @!p0 $0xBF0  }
0x6d: {  	v4 =	vadd.s32 v4, v63;
	s26 =	spop (v2sf);
	p0 =	slt.s32 s21, $0xBF0;
	s25 =	smov.u32 s21;
	[tilespmem:s24+$0x9F00] =	vst.msk vm7, v5  }
0x6e: {  	s20 =	sadd.s32 s20, s26;
	s25 =	simm.s32 @!p0 $0xBF0;
	[tilespmem:s24+$0xCF00] =	vst.msk vm7, v4  }
0x6f: {  	s26 =	spop (v2sf);
	p0 =	slt.s32 s20, $0xBF0;
	s24 =	smov.u32 s20;
	[tilespmem:s25+$0xAB00] =	vst.msk vm6, v5  }
0x70: {  	s17 =	sadd.s32 s17, s26;
	s24 =	simm.s32 @!p0 $0xBF0;
	[tilespmem:s25+$0xDB00] =	vst.msk vm6, v4  }
0x71: {  	s23 =	smov.u32 s17;
	p0 =	slt.s32 s17, $0xBF0;
	[tilespmem:s24+$0xB700] =	vst.msk vm5, v5  }
0x72: {  	s23 =	simm.s32 @!p0 $0xBF0;
	[tilespmem:s24+$0xE700] =	vst.msk vm5, v4  }
0x73: {  	[tilespmem:s23+$0xC300] =	vst.msk vm4, v5  }
0x74: {  	s26 =	simm.s32 $0x400;
	[tilespmem:s23+$0xF300] =	vst.msk vm4, v4  }
0x75: {  	[hbm4b:s5+s19] =	stream.strided.scatter [tilespmem:s18], [sflag:$0x1], $0x5000, s26, s19, $0x38;
	[tilespmem:$0xFF80] =	vst v63  }
0x76: {  	s25 =	spop (v2sf)  }
0x77: {  	s1 =	sadd.s32 s1, s25  }
0x78: {  	s24 =	spop (v2sf);
	p0 =	slt.s32 s1, $0xC00  }
0x79: {  	s21 =	sadd.s32 s21, s24;
	s25 =	spop (v2sf);
	s1 =	simm.s32 @!p0 $0xC00  }
0x7a: {  	s20 =	sadd.s32 s20, s25;
	s26 =	spop (v2sf);
	p0 =	slt.s32 s21, $0xC00;
	v4 =	vmov s1  }
0x7b: {  	s1 =	sadd.s32 s17, s26;
	s21 =	simm.s32 @!p0 $0xC00;
	p0 =	slt.s32 s20, $0xC00;
	v4 =	vnsel vm0, $0x0, v4  }
0x7c: {  	_ =	swait.ge [sflag:s16], $0x5000;
	s20 =	simm.s32 @!p0 $0xC00;
	p0 =	slt.s32 s1, $0xC00;
	v4 =	vsel vm1, s21, v4  }
0x7d: {  	[sflag:s16] =	ssyncset.done $0x0;
	s1 =	simm.s32 @!p0 $0xC00;
	v4 =	vsel vm2, s20, v4  }
0x7e: {  	[sflag:s16] =	ssyncadd.s32 $0xFFFFB000;
	v4 =	vsel vm3, s1, v4  }
0x7f: {  	s21 =	simm.s32 $0xFF00;
	[tilespmem:$0xFF00] =	vst v4  }
0x80: {  	[hbm4b:s6+s2] =	stream.linear.scatter [tilespmem:s21], [sflag:$0x1], $0x80, $0x38;
	[tilespmem:$0xFF80] =	vst v63  }
0x81: {  	_ =	swait.ge [sflag:s16], $0x80  }
0x82: {  	[sflag:s16] =	ssyncset.done $0x0  }
0x83: {  	s23 =	simm.s32 $0x9F00;
	[sflag:s16] =	ssyncadd.s32 $0xFFFFFF80  }
0x84: {  	[hbm4b:s7+s19] =	stream.strided.scatter [tilespmem:s23], [sflag:$0x1], $0xC00, s22, s19, $0x38;
	[tilespmem:$0xFF80] =	vst v63  }
0x85: {  	_ =	swait.ge [sflag:s16], $0xC00  }
0x86: {  	[sflag:s16] =	ssyncset.done $0x0  }
0x87: {  	s24 =	simm.s32 $0xCF00;
	[sflag:s16] =	ssyncadd.s32 $0xFFFFF400  }
0x88: {  	[hbm4b:s8+s19] =	stream.strided.scatter [tilespmem:s24], [sflag:$0x1], $0xC00, s22, s19, $0x38;
	[tilespmem:$0xFF80] =	vst v63  }
0x89: {  	_ =	swait.ge [sflag:s16], $0xC00  }
0x8a: {  	[sflag:s16] =	ssyncset.done $0x0  }
0x8b: {  	s25 =	simm.s32 $0xAB00;
	[sflag:s16] =	ssyncadd.s32 $0xFFFFF400  }
0x8c: {  	[hbm4b:s9+s19] =	stream.strided.scatter [tilespmem:s25], [sflag:$0x1], $0xC00, s22, s19, $0x38;
	[tilespmem:$0xFF80] =	vst v63  }
0x8d: {  	_ =	swait.ge [sflag:s16], $0xC00  }
0x8e: {  	[sflag:s16] =	ssyncset.done $0x0  }
0x8f: {  	s26 =	simm.s32 $0xDB00;
	[sflag:s16] =	ssyncadd.s32 $0xFFFFF400  }
0x90: {  	[hbm4b:s10+s19] =	stream.strided.scatter [tilespmem:s26], [sflag:$0x1], $0xC00, s22, s19, $0x38;
	[tilespmem:$0xFF80] =	vst v63  }
0x91: {  	_ =	swait.ge [sflag:s16], $0xC00  }
0x92: {  	[sflag:s16] =	ssyncset.done $0x0  }
0x93: {  	[sflag:s16] =	ssyncadd.s32 $0xFFFFF400  }
0x94: {  	[hbm4b:s11+s19] =	stream.strided.scatter [tilespmem:s28], [sflag:$0x1], $0xC00, s22, s19, $0x38;
	[tilespmem:$0xFF80] =	vst v63  }
0x95: {  	_ =	swait.ge [sflag:s16], $0xC00  }
0x96: {  	[sflag:s16] =	ssyncset.done $0x0  }
0x97: {  	[sflag:s16] =	ssyncadd.s32 $0xFFFFF400  }
0x98: {  	[hbm4b:s12+s19] =	stream.strided.scatter [tilespmem:s29], [sflag:$0x1], $0xC00, s22, s19, $0x38;
	[tilespmem:$0xFF80] =	vst v63  }
0x99: {  	_ =	swait.ge [sflag:s16], $0xC00  }
0x9a: {  	[sflag:s16] =	ssyncset.done $0x0  }
0x9b: {  	[sflag:s16] =	ssyncadd.s32 $0xFFFFF400  }
0x9c: {  	[hbm4b:s13+s19] =	stream.strided.scatter [tilespmem:s30], [sflag:$0x1], $0xC00, s22, s19, $0x38;
	[tilespmem:$0xFF80] =	vst v63  }
0x9d: {  	s0 =	sadd.s32 $0x1, s0;
	_ =	swait.ge [sflag:s16], $0xC00  }
0x9e: {  	p0 =	sne.s32 s0, s15;
	[sflag:s16] =	ssyncset.done $0x0  }
.Ltmp3:
0x9f: {  	[sflag:s16] =	ssyncadd.s32 $0xFFFFF400;
	(pc) =	sbr.rel @p0 .LBB2_1-.Ltmp3, $4  }
0xa0: {  	[hbm4b:s14+s19] =	stream.strided.scatter [tilespmem:s31], [sflag:$0x1], $0xC00, s22, s19, $0x38;
	[tilespmem:$0xFF80] =	vst v63  }
0xa1: {  	_ =	swait.ge [sflag:s16], $0xC00  }
0xa2: {  	[sflag:s16] =	ssyncset.done $0x0  }
0xa3: {  	[sflag:s16] =	ssyncadd.s32 $0xFFFFF400  }
0xa4: {  	_ =	sfence.sel $0x180000  }
0xa5: {  	[bflag:$0x0] =	sbarrier.arrive $0xFFFF  }
0xa6: {  	_ =	strace $0x90000047  }
0xa7: {  	s0 =	stileid.u32;
	[bflag:$0x2] =	sbarrier.arrive $0xFFFF  }
0xa8: {  	p0 =	sne.s32 s0, $0x0;
	s0 =	rddreg [dreg:$0x2]  }
0xa9: {  	s0 =	sadd.s32 @!p0 $0x100000, s0  }
0xaa: {  	[sflag:s0] =	ssyncadd.tile.s32 @!p0 $0x1;
	_ =	shalt  }
.Lfunc_end2:
_tile_overlayer_lowered:
.L_overlay_start_2:
0xab: {  	(tag) =	ssettag $0x2  }
0xac: {  	s0 =	rddreg [dreg:$0x0];
	s2 =	stileid.u32  }
0xad: {  	s1 =	rddreg [dreg:$0x1];
	p0 =	sne.s32 s2, $0x0  }
0xae: {  	s3 =	rddreg [dreg:$0x2];
	[bflag:$0x3] =	sbarrier.arrive $0xFFFF;
	s2 =	simm.s32 @!p0 $0x1C01  }
0xaf: {  	[timem:s3], [sflag:s2] =	dma.local @!p0 [hbm:s0], s1  }
0xb0: {  	s0 =	simm.s32 @!p0 $0x1  }
0xb1: {  	_ =	swait.ge @!p0 [sflag:s0], s1  }
0xb2: {  	s1 =	ssub.s32 @!p0 $0x0, s1;
	[sflag:s0] =	ssyncset.done @!p0 $0x0  }
0xb3: {  	[sflag:s0] =	ssyncadd.s32 @!p0 s1  }
0xb4: {  	[bflag:$0x3] =	sbarrier.arrive $0xFFFF  }
0xb5: {  	_ =	shalt  }

</sc_bundles>
